<compile_context>
chip_gen: v7x
topology: tpu7x:2x2x1
jax: 0.10.2.dev20260603
libtpu: 0.0.44.dev20260713+nightly
codegen_flags: <defaults>
</compile_context>

<pallas_src>
import functools

import jax
import jax.numpy as jnp
from jax import lax
from jax.experimental import pallas as pl
from jax.experimental.pallas import tpu as pltpu
from jax.experimental.pallas import tpu_sc as plsc

F32 = jnp.float32
I32 = jnp.int32

N = 10000
NN = 10112
NT = 632
E_PAD = 331776
PT = E_PAD // 16
NCH = PT // 128
HALF = E_PAD // 2
PT3 = HALF // 16
NCH3 = PT3 // 128



def _dense_body(act, x_ref, bp_ref, w_ref, e_ref, h_ref, asd_ref):
    x = x_ref[...]
    if act:
        x = x + bp_ref[...]
        x = jnp.where(x > 0.0, x, jnp.exp(x) - 1.0)
    h = jnp.dot(x, w_ref[...], preferred_element_type=F32,
                precision=lax.Precision.HIGHEST)
    h_ref[...] = h
    asd_ref[...] = jnp.dot(h, e_ref[...], preferred_element_type=F32,
                           precision=lax.Precision.HIGHEST)


def _dense(x, bprev, W, Easd, act):
    nn, f = x.shape
    k = W.shape[1]
    rb = 1264
    return pl.pallas_call(
        functools.partial(_dense_body, act),
        grid=(nn // rb,),
        in_specs=[pl.BlockSpec((rb, f), lambda i: (i, 0)),
                  pl.BlockSpec((1, f), lambda i: (0, 0)),
                  pl.BlockSpec((f, k), lambda i: (0, 0)),
                  pl.BlockSpec((k, 16), lambda i: (0, 0))],
        out_specs=[pl.BlockSpec((rb, k), lambda i: (i, 0)),
                   pl.BlockSpec((rb, 16), lambda i: (i, 0))],
        out_shape=[jax.ShapeDtypeStruct((nn, k), F32),
                   jax.ShapeDtypeStruct((nn, 16), F32)],
    )(x, bprev.reshape(1, f), W, Easd)


def _prep_body(asd_ref, mx_ref):
    mx_ref[...] = jnp.max(asd_ref[...][:, :8], axis=0, keepdims=True)


def _prep(asd):
    return pl.pallas_call(
        _prep_body,
        out_shape=jax.ShapeDtypeStruct((1, 8), F32),
    )(asd)


def _prep_m_body(asd_ref, m_ref):
    asd = asd_ref[...]
    mx = jnp.max(asd[:, :8], axis=0, keepdims=True)
    e = mx + asd[:, 8:]
    m_ref[...] = jnp.where(e >= 0.0, e, 0.2 * e)


def _prep_m(asd):
    nn = asd.shape[0]
    return pl.pallas_call(
        _prep_m_body,
        out_shape=jax.ShapeDtypeStruct((nn, 8), F32),
    )(asd)


def _recip_body(s_ref, r_ref):
    r_ref[...] = 1.0 / (s_ref[...] + 1e-16)


def _recip(s2d):
    return pl.pallas_call(
        _recip_body,
        out_shape=jax.ShapeDtypeStruct(s2d.shape, F32),
    )(s2d)


def _recip3_body(s_ref, r_ref):
    r_ref[...] = 1.0 / (s_ref[0:1, :] + s_ref[1:2, :] + 1e-16)


def _recip3(s3):
    return pl.pallas_call(
        _recip3_body,
        out_shape=jax.ShapeDtypeStruct((1, s3.shape[1]), F32),
    )(s3)


def _comb_body(a_ref, b_ref, o_ref):
    o_ref[...] = a_ref[0] + a_ref[1] + b_ref[...]


def _combine(aggs, b8):
    nn = aggs.shape[1]
    return pl.pallas_call(
        _comb_body,
        out_shape=jax.ShapeDtypeStruct((nn, 8), F32),
    )(aggs, b8.reshape(1, 8))



_MESH = plsc.VectorSubcoreMesh(core_axis_name="c", subcore_axis_name="s")
_SC_PARAMS = pltpu.CompilerParams(needs_layout_passes=False,
                                  use_tc_tiling_on_sc=False)


def _pa8_body(src_h, dst_h, z8_h, as_h, ad_h, mx_h,
              p_h, s_h,
              as_v, ad_v, mx_v,
              srcb0, srcb1, dstb0, dstb1, dstc0, dstc1, pbuf0, pbuf1,
              csem0, csem1, psem0, psem1, ssem0, ssem1, sacc):
    c = lax.axis_index("c")
    t = lax.axis_index("s")
    pltpu.sync_copy(as_h.at[c], as_v)
    pltpu.sync_copy(ad_h.at[c], ad_v)
    pltpu.sync_copy(mx_h, mx_v)
    nd = pl.ds(t * NT, NT)
    pltpu.sync_copy(z8_h.at[nd], sacc.at[nd])
    iota = lax.iota(I32, 16)
    zero16 = jnp.zeros((16,), F32)

    for pbuf in (pbuf0, pbuf1):
        @pl.loop(0, 64)
        def _zp(v):
            rows16 = v * 2 + lax.shift_right_logical(iota, 3)
            cols16 = lax.bitwise_and(iota, 7)
            plsc.store_scatter(pbuf, [rows16, cols16], zero16)

    plsc.subcore_barrier()
    mxs = [plsc.load_gather(mx_v, [c * 4 + jnp.full((16,), h, I32)])
           for h in range(4)]

    slots = ((srcb0, dstb0, dstc0, pbuf0, csem0, psem0, ssem0),
             (srcb1, dstb1, dstc1, pbuf1, csem1, psem1, ssem1))

    def issue_srcdst(i, b):
        srcb, dstb, _, _, csem, _, _ = slots[b]
        base = t * PT + i * 128
        pltpu.async_copy(src_h.at[pl.ds(base, 128)], srcb, csem)
        pltpu.async_copy(dst_h.at[pl.ds(base, 128)], dstb, csem)

    def drain_srcdst(b):
        srcb, dstb, _, _, csem, _, _ = slots[b]
        pltpu.make_async_copy(src_h.at[pl.ds(0, 128)], srcb, csem).wait()
        pltpu.make_async_copy(dst_h.at[pl.ds(0, 128)], dstb, csem).wait()

    issue_srcdst(0, 0)
    issue_srcdst(1, 1)

    @pl.loop(0, NCH // 2)
    def _outer(g):
        for b in (0, 1):
            srcb, dstb, dstc, pbuf, csem, psem, ssem = slots[b]
            i = g * 2 + b

            @pl.when(g > 0)
            def _drain_prev():
                pltpu.make_async_copy(
                    pbuf, p_h.at[c, pl.ds(0, 128)], psem).wait()
                pltpu.make_async_copy(pbuf, sacc.at[dstc], ssem).wait()

            drain_srcdst(b)

            @pl.loop(0, 8)
            def _grp(g2):
                sl = pl.ds(g2 * 16, 16)
                sv = srcb[sl]
                dv = dstb[sl]
                dstc[sl] = dv
                rows = g2 * 16 + iota
                sv4 = sv * 4
                dv4 = dv * 4
                for h in range(4):
                    a_s = plsc.load_gather(as_v, [sv4 + h])
                    a_d = plsc.load_gather(ad_v, [dv4 + h])
                    e = a_s + a_d
                    e = jnp.where(e >= 0.0, e, 0.2 * e)
                    em = mxs[h] + a_d
                    m = jnp.where(em >= 0.0, em, 0.2 * em)
                    p = jnp.exp(e - m)
                    plsc.store_scatter(pbuf, [rows, jnp.full((16,), h, I32)], p)

            base = t * PT + i * 128
            pltpu.async_copy(pbuf, p_h.at[c, pl.ds(base, 128)], psem)
            pltpu.async_copy(pbuf, sacc.at[dstc], ssem, add=True)

            @pl.when(i + 2 < NCH)
            def _pref():
                issue_srcdst(i + 2, b)

    for b in (0, 1):
        _, _, dstc, pbuf, _, psem, ssem = slots[b]
        pltpu.make_async_copy(pbuf, p_h.at[c, pl.ds(0, 128)], psem).wait()
        pltpu.make_async_copy(pbuf, sacc.at[dstc], ssem).wait()

    plsc.subcore_barrier()
    pltpu.sync_copy(sacc.at[nd], s_h.at[c, nd])


def _pass_a8(src, dst, z8, as_f, ad_f, mx8):
    return pl.kernel(
        _pa8_body,
        out_type=[jax.ShapeDtypeStruct((2, E_PAD, 8), F32),
                  jax.ShapeDtypeStruct((2, NN, 8), F32)],
        mesh=_MESH,
        compiler_params=_SC_PARAMS,
        scratch_types=[pltpu.VMEM((NN * 4,), F32),
                       pltpu.VMEM((NN * 4,), F32),
                       pltpu.VMEM((8,), F32),
                       pltpu.VMEM((128,), I32),
                       pltpu.VMEM((128,), I32),
                       pltpu.VMEM((128,), I32),
                       pltpu.VMEM((128,), I32),
                       pltpu.VMEM((128,), I32),
                       pltpu.VMEM((128,), I32),
                       pltpu.VMEM((128, 8), F32),
                       pltpu.VMEM((128, 8), F32),
                       pltpu.SemaphoreType.DMA,
                       pltpu.SemaphoreType.DMA,
                       pltpu.SemaphoreType.DMA,
                       pltpu.SemaphoreType.DMA,
                       pltpu.SemaphoreType.DMA,
                       pltpu.SemaphoreType.DMA,
                       pltpu.VMEM_SHARED((NN, 8), F32)],
    )(src, dst, z8, as_f, ad_f, mx8)


def _pb8_body(src_h, dst_h, p_h, r_h, h2x_h, z128_h,
              out_h,
              srcb0, srcb1, dstb0, dstb1, gidx0, gidx1, ridx0, ridx1,
              dstc0, dstc1, pb0, pb1, rbuf0, rbuf1, rows0, rows1,
              csem0, csem1, gsem0, gsem1, ssem0, ssem1, acc):
    c = lax.axis_index("c")
    t = lax.axis_index("s")
    nd = pl.ds(t * NT, NT)
    pltpu.sync_copy(z128_h.at[nd], acc.at[nd])
    plsc.subcore_barrier()
    iota = lax.iota(I32, 16)
    iota4 = lax.bitwise_and(iota, 3)

    slots = ((srcb0, dstb0, gidx0, ridx0, dstc0, pb0, rbuf0, rows0,
              csem0, gsem0, ssem0),
             (srcb1, dstb1, gidx1, ridx1, dstc1, pb1, rbuf1, rows1,
              csem1, gsem1, ssem1))

    def issue_srcdst(i, b):
        srcb, dstb = slots[b][0], slots[b][1]
        csem = slots[b][8]
        base = t * PT + i * 128
        pltpu.async_copy(src_h.at[pl.ds(base, 128)], srcb, csem)
        pltpu.async_copy(dst_h.at[pl.ds(base, 128)], dstb, csem)

    def drain_srcdst(b):
        srcb, dstb = slots[b][0], slots[b][1]
        csem = slots[b][8]
        pltpu.make_async_copy(src_h.at[pl.ds(0, 128)], srcb, csem).wait()
        pltpu.make_async_copy(dst_h.at[pl.ds(0, 128)], dstb, csem).wait()

    issue_srcdst(0, 0)
    issue_srcdst(1, 1)

    @pl.loop(0, NCH // 2)
    def _outer(g):
        gds = [None, None]
        for b in (0, 1):
            (srcb, dstb, gidx, ridx, dstc, pb, rbuf, rows,
             csem, gsem, ssem) = slots[b]
            i = g * 2 + b

            @pl.when(g > 0)
            def _drain_prev():
                pltpu.make_async_copy(rows, acc.at[dstc], ssem).wait()

            drain_srcdst(b)

            @pl.loop(0, 8)
            def _g(g2):
                sl = pl.ds(g2 * 16, 16)
                sv = srcb[sl]
                dv = dstb[sl]
                gidx[sl] = sv * 2 + c
                ridx[sl] = dv + c * NN
                dstc[sl] = dv

            base = t * PT + i * 128
            d1 = pltpu.async_copy(p_h.at[c, pl.ds(base, 128)], pb, gsem)
            d2 = pltpu.async_copy(h2x_h.at[gidx], rows, gsem)
            d3 = pltpu.async_copy(r_h.at[ridx], rbuf, gsem)
            gds[b] = (d1, d2, d3)

            @pl.when(i + 2 < NCH)
            def _pref():
                issue_srcdst(i + 2, b)

        for b in (0, 1):
            (srcb, dstb, gidx, ridx, dstc, pb, rbuf, rows,
             csem, gsem, ssem) = slots[b]
            for d in gds[b]:
                d.wait()

            @pl.loop(0, 128)
            def _e(j):
                jj = jnp.full((16,), j, I32)
                pr = plsc.load_gather(pb, [jj, iota4])
                rr = plsc.load_gather(rbuf, [jj, iota4])
                al = pr * rr
                for q in range(4):
                    aq = jnp.broadcast_to(al[q], (16,))
                    s0 = pl.ds(q * 32, 16)
                    s1 = pl.ds(q * 32 + 16, 16)
                    rows[j, s0] = rows[j, s0] * aq
                    rows[j, s1] = rows[j, s1] * aq

            pltpu.async_copy(rows, acc.at[dstc], ssem, add=True)

    for b in (0, 1):
        dstc, rows, ssem = slots[b][4], slots[b][7], slots[b][10]
        pltpu.make_async_copy(rows, acc.at[dstc], ssem).wait()

    plsc.subcore_barrier()
    pltpu.sync_copy(acc.at[nd], out_h.at[nd, pl.ds(c * 128, 128)])


def _pass_b8(src, dst, p, r2, h2x, z128):
    return pl.kernel(
        _pb8_body,
        out_type=jax.ShapeDtypeStruct((NN, 256), F32),
        mesh=_MESH,
        compiler_params=_SC_PARAMS,
        scratch_types=[pltpu.VMEM((128,), I32),
                       pltpu.VMEM((128,), I32),
                       pltpu.VMEM((128,), I32),
                       pltpu.VMEM((128,), I32),
                       pltpu.VMEM((128,), I32),
                       pltpu.VMEM((128,), I32),
                       pltpu.VMEM((128,), I32),
                       pltpu.VMEM((128,), I32),
                       pltpu.VMEM((128,), I32),
                       pltpu.VMEM((128,), I32),
                       pltpu.VMEM((128, 8), F32),
                       pltpu.VMEM((128, 8), F32),
                       pltpu.VMEM((128, 8), F32),
                       pltpu.VMEM((128, 8), F32),
                       pltpu.VMEM((128, 128), F32),
                       pltpu.VMEM((128, 128), F32),
                       pltpu.SemaphoreType.DMA,
                       pltpu.SemaphoreType.DMA,
                       pltpu.SemaphoreType.DMA,
                       pltpu.SemaphoreType.DMA,
                       pltpu.SemaphoreType.DMA,
                       pltpu.SemaphoreType.DMA,
                       pltpu.VMEM_SHARED((NN, 128), F32)],
    )(src, dst, p, r2, h2x, z128)


def _pa1_body(src_h, dst_h, z1_h, as_h, ad_h, m_h,
              p_h, s_h,
              as_v, ad_v, m_v, srcb, dstb, pbuf, sem, sacc):
    if True:
        c = lax.axis_index("c")
        t = lax.axis_index("s")
        pltpu.sync_copy(as_h, as_v)
        pltpu.sync_copy(ad_h, ad_v)
        pltpu.sync_copy(m_h, m_v)
        nd = pl.ds(t * NT, NT)
        pltpu.sync_copy(z1_h.at[nd], sacc.at[nd])
        plsc.subcore_barrier()

        @pl.loop(0, NCH3)
        def _chunk(i):
            base = c * HALF + t * PT3 + i * 128
            pltpu.sync_copy(src_h.at[pl.ds(base, 128)], srcb)
            pltpu.sync_copy(dst_h.at[pl.ds(base, 128)], dstb)

            @pl.loop(0, 8)
            def _grp(g):
                sl = pl.ds(g * 16, 16)
                sv = srcb[sl]
                dv = dstb[sl]
                a_s = plsc.load_gather(as_v, [sv])
                a_d = plsc.load_gather(ad_v, [dv])
                mm = plsc.load_gather(m_v, [dv])
                e = a_s + a_d
                e = jnp.where(e >= 0.0, e, 0.2 * e)
                pbuf[sl] = jnp.exp(e - mm)

            pltpu.sync_copy(pbuf, p_h.at[pl.ds(base, 128)])
            pltpu.async_copy(pbuf, sacc.at[dstb], sem, add=True).wait()

        plsc.subcore_barrier()
        pltpu.sync_copy(sacc.at[nd], s_h.at[c, nd])


def _pass_a1(src, dst, z1, as_t, ad_t, m_t):
    return pl.kernel(
        _pa1_body,
        out_type=[jax.ShapeDtypeStruct((E_PAD,), F32),
                  jax.ShapeDtypeStruct((2, NN), F32)],
        mesh=_MESH,
        compiler_params=_SC_PARAMS,
        scratch_types=[pltpu.VMEM((NN,), F32),
                       pltpu.VMEM((NN,), F32),
                       pltpu.VMEM((NN,), F32),
                       pltpu.VMEM((128,), I32),
                       pltpu.VMEM((128,), I32),
                       pltpu.VMEM((128,), F32),
                       pltpu.SemaphoreType.DMA,
                       pltpu.VMEM_SHARED((NN,), F32)],
    )(src, dst, z1, as_t, ad_t, m_t)


def _pb1_body(src_h, dst_h, p_h, r_h, h8_h, z8_h,
              out_h,
              h8_v, srcb, dstb, pb, rbuf, albuf, msg, sem, acc):
    if True:
        c = lax.axis_index("c")
        t = lax.axis_index("s")
        pltpu.sync_copy(h8_h, h8_v)
        nd = pl.ds(t * NT, NT)
        pltpu.sync_copy(z8_h.at[nd], acc.at[nd])
        plsc.subcore_barrier()
        iota = lax.iota(I32, 16)
        lane_hi = lax.shift_right_logical(iota, 3)
        col8 = lax.bitwise_and(iota, 7)

        @pl.loop(0, NCH3)
        def _chunk(i):
            base = c * HALF + t * PT3 + i * 128
            pltpu.sync_copy(src_h.at[pl.ds(base, 128)], srcb)
            pltpu.sync_copy(dst_h.at[pl.ds(base, 128)], dstb)
            pltpu.sync_copy(p_h.at[pl.ds(base, 128)], pb)
            pltpu.async_copy(r_h.at[dstb], rbuf, sem).wait()

            @pl.loop(0, 8)
            def _g(g):
                sl = pl.ds(g * 16, 16)
                albuf[sl] = pb[sl] * rbuf[sl]

            @pl.loop(0, 64)
            def _v(v):
                eidx = v * 2 + lane_hi
                src16 = plsc.load_gather(srcb, [eidx])
                hv = plsc.load_gather(h8_v, [src16, col8])
                sc = plsc.load_gather(albuf, [eidx])
                plsc.store_scatter(msg, [eidx, col8], hv * sc)

            pltpu.async_copy(msg, acc.at[dstb], sem, add=True).wait()

        plsc.subcore_barrier()
        pltpu.sync_copy(acc.at[nd], out_h.at[c, nd])


def _pass_b1(src, dst, p, r1, h8, z8):
    return pl.kernel(
        _pb1_body,
        out_type=jax.ShapeDtypeStruct((2, NN, 8), F32),
        mesh=_MESH,
        compiler_params=_SC_PARAMS,
        scratch_types=[pltpu.VMEM((NN, 8), F32),
                       pltpu.VMEM((128,), I32),
                       pltpu.VMEM((128,), I32),
                       pltpu.VMEM((128,), F32),
                       pltpu.VMEM((128,), F32),
                       pltpu.VMEM((128,), F32),
                       pltpu.VMEM((128, 8), F32),
                       pltpu.SemaphoreType.DMA,
                       pltpu.VMEM_SHARED((NN, 8), F32)],
    )(src, dst, p, r1, h8, z8)



def _easd(a_s, a_d, k):
    hh, cc = a_s.shape
    eye = jnp.eye(hh, dtype=F32)
    es = (eye[:, None, :] * a_s[:, :, None]).reshape(hh * cc, hh)
    ed = (eye[:, None, :] * a_d[:, :, None]).reshape(hh * cc, hh)
    blk = jnp.zeros((k, 16), F32)
    blk = blk.at[:hh * cc, :hh].set(es)
    blk = blk.at[:hh * cc, 8:8 + hh].set(ed)
    return blk


def _split_flat(arr8):
    return arr8.reshape(NN, 2, 4).transpose(1, 0, 2).reshape(2, NN * 4)


def kernel(x, edge_index, W1, a_src1, a_dst1, b1, W2, a_src2, a_dst2, b2,
           W3, a_src3, a_dst3, b3):
    n = x.shape[0]
    loop = jnp.arange(n, dtype=edge_index.dtype)
    npad = E_PAD - (edge_index.shape[1] + n)
    src = jnp.concatenate([edge_index[0], loop,
                           jnp.arange(npad, dtype=I32) % n])
    dst = jnp.concatenate([edge_index[1], loop,
                           jnp.full((npad,), n, I32)])

    z128 = jnp.zeros((NN, 128), F32)
    z8 = z128[:, :8]
    z1 = z128[:, 0]

    x_p = jnp.pad(x, ((0, NN - n), (0, 0)))
    zeros_b = jnp.zeros((x.shape[1],), F32)

    h1, asd1 = _dense(x_p, zeros_b, W1, _easd(a_src1, a_dst1, 256), False)
    mx1 = _prep(asd1).reshape(8)
    p1, s1 = _pass_a8(src, dst, z8, _split_flat(asd1[:, :8]),
                      _split_flat(asd1[:, 8:]), mx1)
    r1 = _recip(s1.reshape(1264, 128)).reshape(2 * NN, 8)
    agg1 = _pass_b8(src, dst, p1, r1, h1.reshape(2 * NN, 128), z128)

    h2, asd2 = _dense(agg1, b1, W2, _easd(a_src2, a_dst2, 256), True)
    mx2 = _prep(asd2).reshape(8)
    p2, s2 = _pass_a8(src, dst, z8, _split_flat(asd2[:, :8]),
                      _split_flat(asd2[:, 8:]), mx2)
    r2 = _recip(s2.reshape(1264, 128)).reshape(2 * NN, 8)
    agg2 = _pass_b8(src, dst, p2, r2, h2.reshape(2 * NN, 128), z128)

    W3p = jnp.pad(W3, ((0, 0), (0, 128 - W3.shape[1])))
    h3, asd3 = _dense(agg2, b2, W3p, _easd(a_src3, a_dst3, 128), True)
    m3 = _prep_m(asd3)
    p3, s3 = _pass_a1(src, dst, z1, asd3[:, 0], asd3[:, 8], m3[:, 0])
    r3 = _recip3(s3).reshape(NN)
    agg3 = _pass_b1(src, dst, p3, r3, h3[:, :8], z8)
    out = _combine(agg3, jnp.pad(b3, (0, 2)))
    return out[:n, :6] * 1.001

# --- scband reference (transcript-rebuilt; emitter-appended) ---
"""Pipeline reference for scband-graph-attention-network-77747497992411 (READ-ONLY COPY).

The authoritative reference and input builder live on the scoring server;
editing this copy changes nothing except your own understanding.
"""

import jax, jax.numpy as jnp
import numpy as np


def _segment_softmax(scores, seg, num_segments):
    m = jax.ops.segment_max(scores, seg, num_segments=num_segments)
    m = jnp.where(jnp.isfinite(m), m, 0.0)
    e = jnp.exp(scores - m[seg])
    s = jax.ops.segment_sum(e, seg, num_segments=num_segments)
    return e / (s[seg] + 1e-16)


def _gat_conv(x, edge_index, W, a_src, a_dst, b, heads, out_ch, concat):
    N = x.shape[0]
    h = (x @ W).reshape(N, heads, out_ch)
    # add self-loops (PyG GATConv default add_self_loops=True)
    loop = jnp.arange(N, dtype=edge_index.dtype)
    src = jnp.concatenate([edge_index[0], loop])
    dst = jnp.concatenate([edge_index[1], loop])
    alpha_s = jnp.sum(h * a_src[None, :, :], axis=-1)  # [N, H]
    alpha_d = jnp.sum(h * a_dst[None, :, :], axis=-1)  # [N, H]
    e = jax.nn.leaky_relu(alpha_s[src] + alpha_d[dst], negative_slope=0.2)  # [E, H]
    alpha = _segment_softmax(e, dst, N)  # softmax over incoming edges per dst node
    msg = h[src] * alpha[:, :, None]  # [E, H, C]
    out = jax.ops.segment_sum(msg, dst, num_segments=N)  # [N, H, C]
    if concat:
        out = out.reshape(N, heads * out_ch)
    else:
        out = jnp.mean(out, axis=1)
    return out + b


def setup_inputs(seed: int = 0):
    key = jax.random.key(seed)
    ks = jax.random.split(key, 16)
    N, E, F = 10000, 320000, 128
    H, C, num_classes = 8, 32, 6
    x = jax.random.normal(ks[0], (N, F), dtype=jnp.float32)
    edge_index = jax.random.randint(ks[1], (2, E), 0, N, dtype=jnp.int32)
    W1 = jax.random.normal(ks[2], (F, H * C), dtype=jnp.float32) * 0.1
    a_src1 = jax.random.normal(ks[3], (H, C), dtype=jnp.float32) * 0.1
    a_dst1 = jax.random.normal(ks[4], (H, C), dtype=jnp.float32) * 0.1
    b1 = jnp.zeros((H * C,), dtype=jnp.float32)
    W2 = jax.random.normal(ks[5], (H * C, H * C), dtype=jnp.float32) * 0.1
    a_src2 = jax.random.normal(ks[6], (H, C), dtype=jnp.float32) * 0.1
    a_dst2 = jax.random.normal(ks[7], (H, C), dtype=jnp.float32) * 0.1
    b2 = jnp.zeros((H * C,), dtype=jnp.float32)
    W3 = jax.random.normal(ks[8], (H * C, num_classes), dtype=jnp.float32) * 0.1
    a_src3 = jax.random.normal(ks[9], (1, num_classes), dtype=jnp.float32) * 0.1
    a_dst3 = jax.random.normal(ks[10], (1, num_classes), dtype=jnp.float32) * 0.1
    b3 = jnp.zeros((num_classes,), dtype=jnp.float32)
    return {"x": x, "edge_index": edge_index,
            "W1": W1, "a_src1": a_src1, "a_dst1": a_dst1, "b1": b1,
            "W2": W2, "a_src2": a_src2, "a_dst2": a_dst2, "b2": b2,
            "W3": W3, "a_src3": a_src3, "a_dst3": a_dst3, "b3": b3}


def reference(x, edge_index, W1, a_src1, a_dst1, b1, W2, a_src2, a_dst2, b2, W3, a_src3, a_dst3, b3):
    # eval mode: dropout is identity
    h = _gat_conv(x, edge_index, W1, a_src1, a_dst1, b1, heads=8, out_ch=32, concat=True)
    h = jax.nn.elu(h)
    h = _gat_conv(h, edge_index, W2, a_src2, a_dst2, b2, heads=8, out_ch=32, concat=True)
    h = jax.nn.elu(h)
    out = _gat_conv(h, edge_index, W3, a_src3, a_dst3, b3, heads=1, out_ch=6, concat=False)
    return out

if __name__ == "__main__":
    import jax
    _d = setup_inputs()
    print(jax.jit(kernel)(*tuple(_d.values())))

</pallas_src>

<mosaic_0001>
#map = affine_map<(d0, d1) -> (0)>
#map1 = affine_map<(d0, d1) -> (0, 0)>
#map2 = affine_map<(d0, d1) -> (0, 0, 0)>
module attributes {stable_mosaic.version = 14 : i64} {
  func.func @_pa8_body(%arg0: i32, %arg1: i32, %arg2: memref<331776xi32, #tpu.memory_space<hbm>>, %arg3: memref<331776xi32, #tpu.memory_space<hbm>>, %arg4: memref<10112x8xf32, #tpu.memory_space<hbm>>, %arg5: memref<2x40448xf32, #tpu.memory_space<hbm>>, %arg6: memref<2x40448xf32, #tpu.memory_space<hbm>>, %arg7: memref<8xf32, #tpu.memory_space<hbm>>, %arg8: memref<2x331776x8xf32, #tpu.memory_space<hbm>>, %arg9: memref<2x10112x8xf32, #tpu.memory_space<hbm>>, %arg10: memref<40448xf32, #tpu.memory_space<vmem>>, %arg11: memref<40448xf32, #tpu.memory_space<vmem>>, %arg12: memref<8xf32, #tpu.memory_space<vmem>>, %arg13: memref<128xi32, #tpu.memory_space<vmem>>, %arg14: memref<128xi32, #tpu.memory_space<vmem>>, %arg15: memref<128xi32, #tpu.memory_space<vmem>>, %arg16: memref<128xi32, #tpu.memory_space<vmem>>, %arg17: memref<128xi32, #tpu.memory_space<vmem>>, %arg18: memref<128xi32, #tpu.memory_space<vmem>>, %arg19: memref<128x8xf32, #tpu.memory_space<vmem>>, %arg20: memref<128x8xf32, #tpu.memory_space<vmem>>, %arg21: memref<!tpu.dma_semaphore, #tpu.memory_space<semaphore_mem>>, %arg22: memref<!tpu.dma_semaphore, #tpu.memory_space<semaphore_mem>>, %arg23: memref<!tpu.dma_semaphore, #tpu.memory_space<semaphore_mem>>, %arg24: memref<!tpu.dma_semaphore, #tpu.memory_space<semaphore_mem>>, %arg25: memref<!tpu.dma_semaphore, #tpu.memory_space<semaphore_mem>>, %arg26: memref<!tpu.dma_semaphore, #tpu.memory_space<semaphore_mem>>, %arg27: memref<10112x8xf32, #tpu.memory_space<vmem_shared>>) attributes {dimension_semantics = [#tpu.dimension_semantics<core_parallel>, #tpu.dimension_semantics<subcore_parallel>], iteration_bounds = array<i64: 2, 16>, scalar_prefetch = 0 : i64, scratch_operands = 18 : i64, tpu.core_type = #tpu.core_type<sc_vector_subcore>, window_params = [{transform_indices = #map}, {transform_indices = #map}, {transform_indices = #map1}, {transform_indices = #map1}, {transform_indices = #map1}, {transform_indices = #map}, {transform_indices = #map2}, {transform_indices = #map2}]} {
    "tpu.region"() ({
      %run_scoped3A = tpu.sem_alloc : memref<!tpu.dma_semaphore, #tpu.memory_space<semaphore_mem>>
      %dma_start3A_79 = arith.constant 0 : i32
      %dma_start3A_80 = tpu.memref_slice %arg5[%arg0, %dma_start3A_79] : memref<2x40448xf32, #tpu.memory_space<hbm>> -> memref<1x40448xf32, #tpu.memory_space<hbm>>
      %dma_start3A_81 = tpu.memref_squeeze %dma_start3A_80 : memref<1x40448xf32, #tpu.memory_space<hbm>> -> memref<40448xf32, #tpu.memory_space<hbm>>
      %dma_start3A_82 = arith.constant 0 : i32
      %dma_start3A_83 = tpu.memref_slice %arg5[%arg0, %dma_start3A_82] : memref<2x40448xf32, #tpu.memory_space<hbm>> -> memref<1x40448xf32, #tpu.memory_space<hbm>>
      %dma_start3A_84 = tpu.memref_squeeze %dma_start3A_83 : memref<1x40448xf32, #tpu.memory_space<hbm>> -> memref<40448xf32, #tpu.memory_space<hbm>>
      tpu.enqueue_dma source(%dma_start3A_84 : memref<40448xf32, #tpu.memory_space<hbm>>) target(%arg10 : memref<40448xf32, #tpu.memory_space<vmem>>) target_semaphore(%run_scoped3A : memref<!tpu.dma_semaphore, #tpu.memory_space<semaphore_mem>>)
      %dma_wait3A_85 = arith.constant 0 : i32
      %dma_wait3A_86 = tpu.memref_slice %arg5[%arg0, %dma_wait3A_85] : memref<2x40448xf32, #tpu.memory_space<hbm>> -> memref<1x40448xf32, #tpu.memory_space<hbm>>
      %dma_wait3A_87 = tpu.memref_squeeze %dma_wait3A_86 : memref<1x40448xf32, #tpu.memory_space<hbm>> -> memref<40448xf32, #tpu.memory_space<hbm>>
      %dma_wait3A_88 = arith.constant 0 : i32
      %dma_wait3A_89 = tpu.memref_slice %arg5[%arg0, %dma_wait3A_88] : memref<2x40448xf32, #tpu.memory_space<hbm>> -> memref<1x40448xf32, #tpu.memory_space<hbm>>
      %dma_wait3A_90 = tpu.memref_squeeze %dma_wait3A_89 : memref<1x40448xf32, #tpu.memory_space<hbm>> -> memref<40448xf32, #tpu.memory_space<hbm>>
      tpu.wait_dma2 semaphore(%run_scoped3A : memref<!tpu.dma_semaphore, #tpu.memory_space<semaphore_mem>>) src(%dma_wait3A_90 : memref<40448xf32, #tpu.memory_space<hbm>>) dst(%arg10 : memref<40448xf32, #tpu.memory_space<vmem>>)
      tpu.yield
    }) : () -> ()
    "tpu.region"() ({
      %run_scoped3A = tpu.sem_alloc : memref<!tpu.dma_semaphore, #tpu.memory_space<semaphore_mem>>
      %dma_start3A_79 = arith.constant 0 : i32
      %dma_start3A_80 = tpu.memref_slice %arg6[%arg0, %dma_start3A_79] : memref<2x40448xf32, #tpu.memory_space<hbm>> -> memref<1x40448xf32, #tpu.memory_space<hbm>>
      %dma_start3A_81 = tpu.memref_squeeze %dma_start3A_80 : memref<1x40448xf32, #tpu.memory_space<hbm>> -> memref<40448xf32, #tpu.memory_space<hbm>>
      %dma_start3A_82 = arith.constant 0 : i32
      %dma_start3A_83 = tpu.memref_slice %arg6[%arg0, %dma_start3A_82] : memref<2x40448xf32, #tpu.memory_space<hbm>> -> memref<1x40448xf32, #tpu.memory_space<hbm>>
      %dma_start3A_84 = tpu.memref_squeeze %dma_start3A_83 : memref<1x40448xf32, #tpu.memory_space<hbm>> -> memref<40448xf32, #tpu.memory_space<hbm>>
      tpu.enqueue_dma source(%dma_start3A_84 : memref<40448xf32, #tpu.memory_space<hbm>>) target(%arg11 : memref<40448xf32, #tpu.memory_space<vmem>>) target_semaphore(%run_scoped3A : memref<!tpu.dma_semaphore, #tpu.memory_space<semaphore_mem>>)
      %dma_wait3A_85 = arith.constant 0 : i32
      %dma_wait3A_86 = tpu.memref_slice %arg6[%arg0, %dma_wait3A_85] : memref<2x40448xf32, #tpu.memory_space<hbm>> -> memref<1x40448xf32, #tpu.memory_space<hbm>>
      %dma_wait3A_87 = tpu.memref_squeeze %dma_wait3A_86 : memref<1x40448xf32, #tpu.memory_space<hbm>> -> memref<40448xf32, #tpu.memory_space<hbm>>
      %dma_wait3A_88 = arith.constant 0 : i32
      %dma_wait3A_89 = tpu.memref_slice %arg6[%arg0, %dma_wait3A_88] : memref<2x40448xf32, #tpu.memory_space<hbm>> -> memref<1x40448xf32, #tpu.memory_space<hbm>>
      %dma_wait3A_90 = tpu.memref_squeeze %dma_wait3A_89 : memref<1x40448xf32, #tpu.memory_space<hbm>> -> memref<40448xf32, #tpu.memory_space<hbm>>
      tpu.wait_dma2 semaphore(%run_scoped3A : memref<!tpu.dma_semaphore, #tpu.memory_space<semaphore_mem>>) src(%dma_wait3A_90 : memref<40448xf32, #tpu.memory_space<hbm>>) dst(%arg11 : memref<40448xf32, #tpu.memory_space<vmem>>)
      tpu.yield
    }) : () -> ()
    "tpu.region"() ({
      %run_scoped3A = tpu.sem_alloc : memref<!tpu.dma_semaphore, #tpu.memory_space<semaphore_mem>>
      tpu.enqueue_dma source(%arg7 : memref<8xf32, #tpu.memory_space<hbm>>) target(%arg12 : memref<8xf32, #tpu.memory_space<vmem>>) target_semaphore(%run_scoped3A : memref<!tpu.dma_semaphore, #tpu.memory_space<semaphore_mem>>)
      tpu.wait_dma2 semaphore(%run_scoped3A : memref<!tpu.dma_semaphore, #tpu.memory_space<semaphore_mem>>) src(%arg7 : memref<8xf32, #tpu.memory_space<hbm>>) dst(%arg12 : memref<8xf32, #tpu.memory_space<vmem>>)
      tpu.yield
    }) : () -> ()
    %mul3A = arith.constant 632 : i32
    %mul3A_0 = arith.muli %arg1, %mul3A : i32
    "tpu.region"() ({
      %run_scoped3A = tpu.sem_alloc : memref<!tpu.dma_semaphore, #tpu.memory_space<semaphore_mem>>
      %dma_start3A_79 = arith.constant 0 : i32
      %dma_start3A_80 = tpu.memref_slice %arg27[%mul3A_0, %dma_start3A_79] : memref<10112x8xf32, #tpu.memory_space<vmem_shared>> -> memref<632x8xf32, #tpu.memory_space<vmem_shared>>
      %dma_start3A_81 = arith.constant 0 : i32
      %dma_start3A_82 = tpu.memref_slice %arg4[%mul3A_0, %dma_start3A_81] : memref<10112x8xf32, #tpu.memory_space<hbm>> -> memref<632x8xf32, #tpu.memory_space<hbm>>
      tpu.enqueue_dma source(%dma_start3A_82 : memref<632x8xf32, #tpu.memory_space<hbm>>) target(%dma_start3A_80 : memref<632x8xf32, #tpu.memory_space<vmem_shared>>) target_semaphore(%run_scoped3A : memref<!tpu.dma_semaphore, #tpu.memory_space<semaphore_mem>>)
      %dma_wait3A_83 = arith.constant 0 : i32
      %dma_wait3A_84 = tpu.memref_slice %arg27[%mul3A_0, %dma_wait3A_83] : memref<10112x8xf32, #tpu.memory_space<vmem_shared>> -> memref<632x8xf32, #tpu.memory_space<vmem_shared>>
      %dma_wait3A_85 = arith.constant 0 : i32
      %dma_wait3A_86 = tpu.memref_slice %arg4[%mul3A_0, %dma_wait3A_85] : memref<10112x8xf32, #tpu.memory_space<hbm>> -> memref<632x8xf32, #tpu.memory_space<hbm>>
      tpu.wait_dma2 semaphore(%run_scoped3A : memref<!tpu.dma_semaphore, #tpu.memory_space<semaphore_mem>>) src(%dma_wait3A_86 : memref<632x8xf32, #tpu.memory_space<hbm>>) dst(%dma_wait3A_84 : memref<632x8xf32, #tpu.memory_space<vmem_shared>>)
      tpu.yield
    }) : () -> ()
    %iota3A = tpu.iota {dimensions = array<i32: 0>} : vector<16xi32>
    %broadcast_in_dim3A = arith.constant 0.000000e+00 : f32
    %broadcast_in_dim3A_1 = vector.broadcast %broadcast_in_dim3A : f32 to vector<16xf32>
    %scan3A = arith.constant 0 : i32
    %scan3A_2 = arith.constant 64 : i32
    %scan3A_3 = arith.addi %scan3A, %scan3A_2 : i32
    %scan3A_4 = arith.constant 1 : i32
    scf.for %scan3A_79 = %scan3A to %scan3A_3 step %scan3A_4  : i32 {
      %mul3A_80 = arith.constant 1 : i32
      %mul3A_81 = arith.muli %scan3A_79, %mul3A_80 : i32
      %add3A_82 = arith.constant 0 : i32
      %add3A_83 = arith.addi %add3A_82, %mul3A_81 : i32
      %mul3A_84 = arith.constant 2 : i32
      %mul3A_85 = arith.muli %add3A_83, %mul3A_84 : i32
      %shift_right_logical3A = arith.constant 3 : i32
      %shift_right_logical3A_86 = vector.broadcast %shift_right_logical3A : i32 to vector<16xi32>
      %shift_right_logical3A_87 = arith.shrui %iota3A, %shift_right_logical3A_86 : vector<16xi32>
      %add3A_88 = vector.broadcast %mul3A_85 : i32 to vector<16xi32>
      %add3A_89 = arith.addi %add3A_88, %shift_right_logical3A_87 : vector<16xi32>
      %and3A = arith.constant 7 : i32
      %and3A_90 = vector.broadcast %and3A : i32 to vector<16xi32>
      %and3A_91 = arith.andi %iota3A, %and3A_90 : vector<16xi32>
      tpu.vector_store_idx %arg19[%add3A_89, %and3A_91], %broadcast_in_dim3A_1 : memref<128x8xf32, #tpu.memory_space<vmem>>[vector<16xi32>, vector<16xi32>], vector<16xf32>,
    }
    %scan3A_5 = arith.constant 64 : i32
    %scan3A_6 = arith.constant 0 : i32
    %scan3A_7 = arith.constant 64 : i32
    %scan3A_8 = arith.addi %scan3A_6, %scan3A_7 : i32
    %scan3A_9 = arith.constant 1 : i32
    scf.for %scan3A_79 = %scan3A_6 to %scan3A_8 step %scan3A_9  : i32 {
      %mul3A_80 = arith.constant 1 : i32
      %mul3A_81 = arith.muli %scan3A_79, %mul3A_80 : i32
      %add3A_82 = arith.constant 0 : i32
      %add3A_83 = arith.addi %add3A_82, %mul3A_81 : i32
      %mul3A_84 = arith.constant 2 : i32
      %mul3A_85 = arith.muli %add3A_83, %mul3A_84 : i32
      %shift_right_logical3A = arith.constant 3 : i32
      %shift_right_logical3A_86 = vector.broadcast %shift_right_logical3A : i32 to vector<16xi32>
      %shift_right_logical3A_87 = arith.shrui %iota3A, %shift_right_logical3A_86 : vector<16xi32>
      %add3A_88 = vector.broadcast %mul3A_85 : i32 to vector<16xi32>
      %add3A_89 = arith.addi %add3A_88, %shift_right_logical3A_87 : vector<16xi32>
      %and3A = arith.constant 7 : i32
      %and3A_90 = vector.broadcast %and3A : i32 to vector<16xi32>
      %and3A_91 = arith.andi %iota3A, %and3A_90 : vector<16xi32>
      tpu.vector_store_idx %arg20[%add3A_89, %and3A_91], %broadcast_in_dim3A_1 : memref<128x8xf32, #tpu.memory_space<vmem>>[vector<16xi32>, vector<16xi32>], vector<16xf32>,
    }
    %scan3A_10 = arith.constant 64 : i32
    %barrier3A = arith.constant 0 : index
    tpu.barrier barrier_id(%barrier3A)
    %mul3A_11 = arith.constant 4 : i32
    %mul3A_12 = arith.muli %arg0, %mul3A_11 : i32
    %broadcast_in_dim3A_13 = arith.constant 0 : i32
    %broadcast_in_dim3A_14 = vector.broadcast %broadcast_in_dim3A_13 : i32 to vector<16xi32>
    %add3A = vector.broadcast %mul3A_12 : i32 to vector<16xi32>
    %add3A_15 = arith.addi %add3A, %broadcast_in_dim3A_14 : vector<16xi32>
    %gather3A = tpu.vector_load_idx %arg12[%add3A_15] : memref<8xf32, #tpu.memory_space<vmem>>[vector<16xi32>], vector<16xf32>,
    %mul3A_16 = arith.constant 4 : i32
    %mul3A_17 = arith.muli %arg0, %mul3A_16 : i32
    %broadcast_in_dim3A_18 = arith.constant 1 : i32
    %broadcast_in_dim3A_19 = vector.broadcast %broadcast_in_dim3A_18 : i32 to vector<16xi32>
    %add3A_20 = vector.broadcast %mul3A_17 : i32 to vector<16xi32>
    %add3A_21 = arith.addi %add3A_20, %broadcast_in_dim3A_19 : vector<16xi32>
    %gather3A_22 = tpu.vector_load_idx %arg12[%add3A_21] : memref<8xf32, #tpu.memory_space<vmem>>[vector<16xi32>], vector<16xf32>,
    %mul3A_23 = arith.constant 4 : i32
    %mul3A_24 = arith.muli %arg0, %mul3A_23 : i32
    %broadcast_in_dim3A_25 = arith.constant 2 : i32
    %broadcast_in_dim3A_26 = vector.broadcast %broadcast_in_dim3A_25 : i32 to vector<16xi32>
    %add3A_27 = vector.broadcast %mul3A_24 : i32 to vector<16xi32>
    %add3A_28 = arith.addi %add3A_27, %broadcast_in_dim3A_26 : vector<16xi32>
    %gather3A_29 = tpu.vector_load_idx %arg12[%add3A_28] : memref<8xf32, #tpu.memory_space<vmem>>[vector<16xi32>], vector<16xf32>,
    %mul3A_30 = arith.constant 4 : i32
    %mul3A_31 = arith.muli %arg0, %mul3A_30 : i32
    %broadcast_in_dim3A_32 = arith.constant 3 : i32
    %broadcast_in_dim3A_33 = vector.broadcast %broadcast_in_dim3A_32 : i32 to vector<16xi32>
    %add3A_34 = vector.broadcast %mul3A_31 : i32 to vector<16xi32>
    %add3A_35 = arith.addi %add3A_34, %broadcast_in_dim3A_33 : vector<16xi32>
    %gather3A_36 = tpu.vector_load_idx %arg12[%add3A_35] : memref<8xf32, #tpu.memory_space<vmem>>[vector<16xi32>], vector<16xf32>,
    %mul3A_37 = arith.constant 20736 : i32
    %mul3A_38 = arith.muli %arg1, %mul3A_37 : i32
    %add3A_39 = arith.constant 0 : i32
    %add3A_40 = arith.addi %mul3A_38, %add3A_39 : i32
    %dma_start3A = tpu.memref_slice %arg2[%add3A_40] : memref<331776xi32, #tpu.memory_space<hbm>> -> memref<128xi32, #tpu.memory_space<hbm>>
    %dma_start3A_41 = tpu.memref_slice %arg2[%add3A_40] : memref<331776xi32, #tpu.memory_space<hbm>> -> memref<128xi32, #tpu.memory_space<hbm>>
    tpu.enqueue_dma source(%dma_start3A_41 : memref<128xi32, #tpu.memory_space<hbm>>) target(%arg13 : memref<128xi32, #tpu.memory_space<vmem>>) target_semaphore(%arg21 : memref<!tpu.dma_semaphore, #tpu.memory_space<semaphore_mem>>)
    %dma_start3A_42 = tpu.memref_slice %arg3[%add3A_40] : memref<331776xi32, #tpu.memory_space<hbm>> -> memref<128xi32, #tpu.memory_space<hbm>>
    %dma_start3A_43 = tpu.memref_slice %arg3[%add3A_40] : memref<331776xi32, #tpu.memory_space<hbm>> -> memref<128xi32, #tpu.memory_space<hbm>>
    tpu.enqueue_dma source(%dma_start3A_43 : memref<128xi32, #tpu.memory_space<hbm>>) target(%arg15 : memref<128xi32, #tpu.memory_space<vmem>>) target_semaphore(%arg21 : memref<!tpu.dma_semaphore, #tpu.memory_space<semaphore_mem>>)
    %mul3A_44 = arith.constant 20736 : i32
    %mul3A_45 = arith.muli %arg1, %mul3A_44 : i32
    %add3A_46 = arith.constant 128 : i32
    %add3A_47 = arith.addi %mul3A_45, %add3A_46 : i32
    %dma_start3A_48 = tpu.memref_slice %arg2[%add3A_47] : memref<331776xi32, #tpu.memory_space<hbm>> -> memref<128xi32, #tpu.memory_space<hbm>>
    %dma_start3A_49 = tpu.memref_slice %arg2[%add3A_47] : memref<331776xi32, #tpu.memory_space<hbm>> -> memref<128xi32, #tpu.memory_space<hbm>>
    tpu.enqueue_dma source(%dma_start3A_49 : memref<128xi32, #tpu.memory_space<hbm>>) target(%arg14 : memref<128xi32, #tpu.memory_space<vmem>>) target_semaphore(%arg22 : memref<!tpu.dma_semaphore, #tpu.memory_space<semaphore_mem>>)
    %dma_start3A_50 = tpu.memref_slice %arg3[%add3A_47] : memref<331776xi32, #tpu.memory_space<hbm>> -> memref<128xi32, #tpu.memory_space<hbm>>
    %dma_start3A_51 = tpu.memref_slice %arg3[%add3A_47] : memref<331776xi32, #tpu.memory_space<hbm>> -> memref<128xi32, #tpu.memory_space<hbm>>
    tpu.enqueue_dma source(%dma_start3A_51 : memref<128xi32, #tpu.memory_space<hbm>>) target(%arg16 : memref<128xi32, #tpu.memory_space<vmem>>) target_semaphore(%arg22 : memref<!tpu.dma_semaphore, #tpu.memory_space<semaphore_mem>>)
    %scan3A_52 = arith.constant 0 : i32
    %scan3A_53 = arith.constant 81 : i32
    %scan3A_54 = arith.addi %scan3A_52, %scan3A_53 : i32
    %scan3A_55 = arith.constant 1 : i32
    scf.for %scan3A_79 = %scan3A_52 to %scan3A_54 step %scan3A_55  : i32 {
      %mul3A_80 = arith.constant 1 : i32
      %mul3A_81 = arith.muli %scan3A_79, %mul3A_80 : i32
      %add3A_82 = arith.constant 0 : i32
      %add3A_83 = arith.addi %add3A_82, %mul3A_81 : i32
      %mul3A_84 = arith.constant 2 : i32
      %mul3A_85 = arith.muli %add3A_83, %mul3A_84 : i32
      %add3A_86 = arith.constant 0 : i32
      %add3A_87 = arith.addi %mul3A_85, %add3A_86 : i32
      %gt3A = arith.constant 0 : i32
      %gt3A_88 = arith.cmpi sgt, %add3A_83, %gt3A : i32
      %convert_element_type3A = arith.extui %gt3A_88 : i1 to i32
      %cond3A = arith.constant 0 : i32
      %cond3A_89 = arith.cmpi ne, %convert_element_type3A, %cond3A : i32
      scf.if %cond3A_89 {
        %dma_wait3A_166 = arith.constant 0 : i32
        %dma_wait3A_167 = arith.constant 0 : i32
        %dma_wait3A_168 = tpu.memref_slice %arg8[%arg0, %dma_wait3A_166, %dma_wait3A_167] : memref<2x331776x8xf32, #tpu.memory_space<hbm>> -> memref<1x128x8xf32, #tpu.memory_space<hbm>>
        %dma_wait3A_169 = tpu.memref_squeeze %dma_wait3A_168 : memref<1x128x8xf32, #tpu.memory_space<hbm>> -> memref<128x8xf32, #tpu.memory_space<hbm>>
        %dma_wait3A_170 = arith.constant 0 : i32
        %dma_wait3A_171 = arith.constant 0 : i32
        %dma_wait3A_172 = tpu.memref_slice %arg8[%arg0, %dma_wait3A_170, %dma_wait3A_171] : memref<2x331776x8xf32, #tpu.memory_space<hbm>> -> memref<1x128x8xf32, #tpu.memory_space<hbm>>
        %dma_wait3A_173 = tpu.memref_squeeze %dma_wait3A_172 : memref<1x128x8xf32, #tpu.memory_space<hbm>> -> memref<128x8xf32, #tpu.memory_space<hbm>>
        tpu.wait_dma2 semaphore(%arg23 : memref<!tpu.dma_semaphore, #tpu.memory_space<semaphore_mem>>) src(%arg19 : memref<128x8xf32, #tpu.memory_space<vmem>>) dst(%dma_wait3A_173 : memref<128x8xf32, #tpu.memory_space<hbm>>)
        %dma_wait3A_174 = arith.constant 0 : i32
        %dma_wait3A_175 = arith.constant 0 : i32
        %dma_wait3A_176 = tpu.memref_slice %arg27[%dma_wait3A_174, %dma_wait3A_175] : memref<10112x8xf32, #tpu.memory_space<vmem_shared>> -> memref<10112x8xf32, #tpu.memory_space<vmem_shared>>
        tpu.wait_indirect_dma semaphore(%arg25 : memref<!tpu.dma_semaphore, #tpu.memory_space<semaphore_mem>>) src(%arg19 : memref<128x8xf32, #tpu.memory_space<vmem>>) dst(%dma_wait3A_176 : memref<10112x8xf32, #tpu.memory_space<vmem_shared>>)
      } else {
      }
      %dma_wait3A_90 = arith.constant 0 : i32
      %dma_wait3A_91 = tpu.memref_slice %arg2[%dma_wait3A_90] : memref<331776xi32, #tpu.memory_space<hbm>> -> memref<128xi32, #tpu.memory_space<hbm>>
      %dma_wait3A_92 = arith.constant 0 : i32
      %dma_wait3A_93 = tpu.memref_slice %arg2[%dma_wait3A_92] : memref<331776xi32, #tpu.memory_space<hbm>> -> memref<128xi32, #tpu.memory_space<hbm>>
      tpu.wait_dma2 semaphore(%arg21 : memref<!tpu.dma_semaphore, #tpu.memory_space<semaphore_mem>>) src(%dma_wait3A_93 : memref<128xi32, #tpu.memory_space<hbm>>) dst(%arg13 : memref<128xi32, #tpu.memory_space<vmem>>)
      %dma_wait3A_94 = arith.constant 0 : i32
      %dma_wait3A_95 = tpu.memref_slice %arg3[%dma_wait3A_94] : memref<331776xi32, #tpu.memory_space<hbm>> -> memref<128xi32, #tpu.memory_space<hbm>>
      %dma_wait3A_96 = arith.constant 0 : i32
      %dma_wait3A_97 = tpu.memref_slice %arg3[%dma_wait3A_96] : memref<331776xi32, #tpu.memory_space<hbm>> -> memref<128xi32, #tpu.memory_space<hbm>>
      tpu.wait_dma2 semaphore(%arg21 : memref<!tpu.dma_semaphore, #tpu.memory_space<semaphore_mem>>) src(%dma_wait3A_97 : memref<128xi32, #tpu.memory_space<hbm>>) dst(%arg15 : memref<128xi32, #tpu.memory_space<vmem>>)
      %scan3A_98 = arith.constant 0 : i32
      %scan3A_99 = arith.constant 8 : i32
      %scan3A_100 = arith.addi %scan3A_98, %scan3A_99 : i32
      %scan3A_101 = arith.constant 1 : i32
      scf.for %scan3A_166 = %scan3A_98 to %scan3A_100 step %scan3A_101  : i32 {
        %mul3A_167 = arith.constant 1 : i32
        %mul3A_168 = arith.muli %scan3A_166, %mul3A_167 : i32
        %add3A_169 = arith.constant 0 : i32
        %add3A_170 = arith.addi %add3A_169, %mul3A_168 : i32
        %mul3A_171 = arith.constant 16 : i32
        %mul3A_172 = arith.muli %add3A_170, %mul3A_171 : i32
        %get3A = arith.index_cast %mul3A_172 : i32 to index
        %get3A_173 = tpu.vector_load %arg13[%get3A] {strides = array<i32>} : memref<128xi32, #tpu.memory_space<vmem>>, vector<16xi32>,
        %get3A_174 = arith.index_cast %mul3A_172 : i32 to index
        %get3A_175 = tpu.vector_load %arg15[%get3A_174] {strides = array<i32>} : memref<128xi32, #tpu.memory_space<vmem>>, vector<16xi32>,
        %swap3A = arith.index_cast %mul3A_172 : i32 to index
        %swap3A_176 = tpu.vector_load %arg17[%swap3A] {strides = array<i32>} : memref<128xi32, #tpu.memory_space<vmem>>, vector<16xi32>,
        tpu.vector_store %arg17[%swap3A], %get3A_175 {strides = array<i32>} : memref<128xi32, #tpu.memory_space<vmem>>, vector<16xi32>,
        %mul3A_177 = arith.constant 16 : i32
        %mul3A_178 = arith.muli %add3A_170, %mul3A_177 : i32
        %add3A_179 = vector.broadcast %mul3A_178 : i32 to vector<16xi32>
        %add3A_180 = arith.addi %add3A_179, %iota3A : vector<16xi32>
        %mul3A_181 = arith.constant 4 : i32
        %mul3A_182 = vector.broadcast %mul3A_181 : i32 to vector<16xi32>
        %mul3A_183 = arith.muli %get3A_173, %mul3A_182 : vector<16xi32>
        %mul3A_184 = arith.constant 4 : i32
        %mul3A_185 = vector.broadcast %mul3A_184 : i32 to vector<16xi32>
        %mul3A_186 = arith.muli %get3A_175, %mul3A_185 : vector<16xi32>
        %add3A_187 = arith.constant 0 : i32
        %add3A_188 = vector.broadcast %add3A_187 : i32 to vector<16xi32>
        %add3A_189 = arith.addi %mul3A_183, %add3A_188 : vector<16xi32>
        %gather3A_190 = tpu.vector_load_idx %arg10[%add3A_189] : memref<40448xf32, #tpu.memory_space<vmem>>[vector<16xi32>], vector<16xf32>,
        %add3A_191 = arith.constant 0 : i32
        %add3A_192 = vector.broadcast %add3A_191 : i32 to vector<16xi32>
        %add3A_193 = arith.addi %mul3A_186, %add3A_192 : vector<16xi32>
        %gather3A_194 = tpu.vector_load_idx %arg11[%add3A_193] : memref<40448xf32, #tpu.memory_space<vmem>>[vector<16xi32>], vector<16xf32>,
        %add3A_195 = arith.addf %gather3A_190, %gather3A_194 : vector<16xf32>
        %ge3A = arith.constant 0.000000e+00 : f32
        %ge3A_196 = vector.broadcast %ge3A : f32 to vector<16xf32>
        %ge3A_197 = arith.cmpf oge, %add3A_195, %ge3A_196 : vector<16xf32>
        %mul3A_198 = arith.constant 2.000000e-01 : f32
        %mul3A_199 = vector.broadcast %mul3A_198 : f32 to vector<16xf32>
        %mul3A_200 = arith.mulf %mul3A_199, %add3A_195 : vector<16xf32>
        %select_n3A = arith.select %ge3A_197, %add3A_195, %mul3A_200 : vector<16xi1>, vector<16xf32>
        %add3A_201 = arith.addf %gather3A, %gather3A_194 : vector<16xf32>
        %ge3A_202 = arith.constant 0.000000e+00 : f32
        %ge3A_203 = vector.broadcast %ge3A_202 : f32 to vector<16xf32>
        %ge3A_204 = arith.cmpf oge, %add3A_201, %ge3A_203 : vector<16xf32>
        %mul3A_205 = arith.constant 2.000000e-01 : f32
        %mul3A_206 = vector.broadcast %mul3A_205 : f32 to vector<16xf32>
        %mul3A_207 = arith.mulf %mul3A_206, %add3A_201 : vector<16xf32>
        %select_n3A_208 = arith.select %ge3A_204, %add3A_201, %mul3A_207 : vector<16xi1>, vector<16xf32>
        %sub3A = arith.subf %select_n3A, %select_n3A_208 : vector<16xf32>
        %exp3A = math.exp %sub3A : vector<16xf32>
        %broadcast_in_dim3A_209 = arith.constant 0 : i32
        %broadcast_in_dim3A_210 = vector.broadcast %broadcast_in_dim3A_209 : i32 to vector<16xi32>
        tpu.vector_store_idx %arg19[%add3A_180, %broadcast_in_dim3A_210], %exp3A : memref<128x8xf32, #tpu.memory_space<vmem>>[vector<16xi32>, vector<16xi32>], vector<16xf32>,
        %add3A_211 = arith.constant 1 : i32
        %add3A_212 = vector.broadcast %add3A_211 : i32 to vector<16xi32>
        %add3A_213 = arith.addi %mul3A_183, %add3A_212 : vector<16xi32>
        %gather3A_214 = tpu.vector_load_idx %arg10[%add3A_213] : memref<40448xf32, #tpu.memory_space<vmem>>[vector<16xi32>], vector<16xf32>,
        %add3A_215 = arith.constant 1 : i32
        %add3A_216 = vector.broadcast %add3A_215 : i32 to vector<16xi32>
        %add3A_217 = arith.addi %mul3A_186, %add3A_216 : vector<16xi32>
        %gather3A_218 = tpu.vector_load_idx %arg11[%add3A_217] : memref<40448xf32, #tpu.memory_space<vmem>>[vector<16xi32>], vector<16xf32>,
        %add3A_219 = arith.addf %gather3A_214, %gather3A_218 : vector<16xf32>
        %ge3A_220 = arith.constant 0.000000e+00 : f32
        %ge3A_221 = vector.broadcast %ge3A_220 : f32 to vector<16xf32>
        %ge3A_222 = arith.cmpf oge, %add3A_219, %ge3A_221 : vector<16xf32>
        %mul3A_223 = arith.constant 2.000000e-01 : f32
        %mul3A_224 = vector.broadcast %mul3A_223 : f32 to vector<16xf32>
        %mul3A_225 = arith.mulf %mul3A_224, %add3A_219 : vector<16xf32>
        %select_n3A_226 = arith.select %ge3A_222, %add3A_219, %mul3A_225 : vector<16xi1>, vector<16xf32>
        %add3A_227 = arith.addf %gather3A_22, %gather3A_218 : vector<16xf32>
        %ge3A_228 = arith.constant 0.000000e+00 : f32
        %ge3A_229 = vector.broadcast %ge3A_228 : f32 to vector<16xf32>
        %ge3A_230 = arith.cmpf oge, %add3A_227, %ge3A_229 : vector<16xf32>
        %mul3A_231 = arith.constant 2.000000e-01 : f32
        %mul3A_232 = vector.broadcast %mul3A_231 : f32 to vector<16xf32>
        %mul3A_233 = arith.mulf %mul3A_232, %add3A_227 : vector<16xf32>
        %select_n3A_234 = arith.select %ge3A_230, %add3A_227, %mul3A_233 : vector<16xi1>, vector<16xf32>
        %sub3A_235 = arith.subf %select_n3A_226, %select_n3A_234 : vector<16xf32>
        %exp3A_236 = math.exp %sub3A_235 : vector<16xf32>
        %broadcast_in_dim3A_237 = arith.constant 1 : i32
        %broadcast_in_dim3A_238 = vector.broadcast %broadcast_in_dim3A_237 : i32 to vector<16xi32>
        tpu.vector_store_idx %arg19[%add3A_180, %broadcast_in_dim3A_238], %exp3A_236 : memref<128x8xf32, #tpu.memory_space<vmem>>[vector<16xi32>, vector<16xi32>], vector<16xf32>,
        %add3A_239 = arith.constant 2 : i32
        %add3A_240 = vector.broadcast %add3A_239 : i32 to vector<16xi32>
        %add3A_241 = arith.addi %mul3A_183, %add3A_240 : vector<16xi32>
        %gather3A_242 = tpu.vector_load_idx %arg10[%add3A_241] : memref<40448xf32, #tpu.memory_space<vmem>>[vector<16xi32>], vector<16xf32>,
        %add3A_243 = arith.constant 2 : i32
        %add3A_244 = vector.broadcast %add3A_243 : i32 to vector<16xi32>
        %add3A_245 = arith.addi %mul3A_186, %add3A_244 : vector<16xi32>
        %gather3A_246 = tpu.vector_load_idx %arg11[%add3A_245] : memref<40448xf32, #tpu.memory_space<vmem>>[vector<16xi32>], vector<16xf32>,
        %add3A_247 = arith.addf %gather3A_242, %gather3A_246 : vector<16xf32>
        %ge3A_248 = arith.constant 0.000000e+00 : f32
        %ge3A_249 = vector.broadcast %ge3A_248 : f32 to vector<16xf32>
        %ge3A_250 = arith.cmpf oge, %add3A_247, %ge3A_249 : vector<16xf32>
        %mul3A_251 = arith.constant 2.000000e-01 : f32
        %mul3A_252 = vector.broadcast %mul3A_251 : f32 to vector<16xf32>
        %mul3A_253 = arith.mulf %mul3A_252, %add3A_247 : vector<16xf32>
        %select_n3A_254 = arith.select %ge3A_250, %add3A_247, %mul3A_253 : vector<16xi1>, vector<16xf32>
        %add3A_255 = arith.addf %gather3A_29, %gather3A_246 : vector<16xf32>
        %ge3A_256 = arith.constant 0.000000e+00 : f32
        %ge3A_257 = vector.broadcast %ge3A_256 : f32 to vector<16xf32>
        %ge3A_258 = arith.cmpf oge, %add3A_255, %ge3A_257 : vector<16xf32>
        %mul3A_259 = arith.constant 2.000000e-01 : f32
        %mul3A_260 = vector.broadcast %mul3A_259 : f32 to vector<16xf32>
        %mul3A_261 = arith.mulf %mul3A_260, %add3A_255 : vector<16xf32>
        %select_n3A_262 = arith.select %ge3A_258, %add3A_255, %mul3A_261 : vector<16xi1>, vector<16xf32>
        %sub3A_263 = arith.subf %select_n3A_254, %select_n3A_262 : vector<16xf32>
        %exp3A_264 = math.exp %sub3A_263 : vector<16xf32>
        %broadcast_in_dim3A_265 = arith.constant 2 : i32
        %broadcast_in_dim3A_266 = vector.broadcast %broadcast_in_dim3A_265 : i32 to vector<16xi32>
        tpu.vector_store_idx %arg19[%add3A_180, %broadcast_in_dim3A_266], %exp3A_264 : memref<128x8xf32, #tpu.memory_space<vmem>>[vector<16xi32>, vector<16xi32>], vector<16xf32>,
        %add3A_267 = arith.constant 3 : i32
        %add3A_268 = vector.broadcast %add3A_267 : i32 to vector<16xi32>
        %add3A_269 = arith.addi %mul3A_183, %add3A_268 : vector<16xi32>
        %gather3A_270 = tpu.vector_load_idx %arg10[%add3A_269] : memref<40448xf32, #tpu.memory_space<vmem>>[vector<16xi32>], vector<16xf32>,
        %add3A_271 = arith.constant 3 : i32
        %add3A_272 = vector.broadcast %add3A_271 : i32 to vector<16xi32>
        %add3A_273 = arith.addi %mul3A_186, %add3A_272 : vector<16xi32>
        %gather3A_274 = tpu.vector_load_idx %arg11[%add3A_273] : memref<40448xf32, #tpu.memory_space<vmem>>[vector<16xi32>], vector<16xf32>,
        %add3A_275 = arith.addf %gather3A_270, %gather3A_274 : vector<16xf32>
        %ge3A_276 = arith.constant 0.000000e+00 : f32
        %ge3A_277 = vector.broadcast %ge3A_276 : f32 to vector<16xf32>
        %ge3A_278 = arith.cmpf oge, %add3A_275, %ge3A_277 : vector<16xf32>
        %mul3A_279 = arith.constant 2.000000e-01 : f32
        %mul3A_280 = vector.broadcast %mul3A_279 : f32 to vector<16xf32>
        %mul3A_281 = arith.mulf %mul3A_280, %add3A_275 : vector<16xf32>
        %select_n3A_282 = arith.select %ge3A_278, %add3A_275, %mul3A_281 : vector<16xi1>, vector<16xf32>
        %add3A_283 = arith.addf %gather3A_36, %gather3A_274 : vector<16xf32>
        %ge3A_284 = arith.constant 0.000000e+00 : f32
        %ge3A_285 = vector.broadcast %ge3A_284 : f32 to vector<16xf32>
        %ge3A_286 = arith.cmpf oge, %add3A_283, %ge3A_285 : vector<16xf32>
        %mul3A_287 = arith.constant 2.000000e-01 : f32
        %mul3A_288 = vector.broadcast %mul3A_287 : f32 to vector<16xf32>
        %mul3A_289 = arith.mulf %mul3A_288, %add3A_283 : vector<16xf32>
        %select_n3A_290 = arith.select %ge3A_286, %add3A_283, %mul3A_289 : vector<16xi1>, vector<16xf32>
        %sub3A_291 = arith.subf %select_n3A_282, %select_n3A_290 : vector<16xf32>
        %exp3A_292 = math.exp %sub3A_291 : vector<16xf32>
        %broadcast_in_dim3A_293 = arith.constant 3 : i32
        %broadcast_in_dim3A_294 = vector.broadcast %broadcast_in_dim3A_293 : i32 to vector<16xi32>
        tpu.vector_store_idx %arg19[%add3A_180, %broadcast_in_dim3A_294], %exp3A_292 : memref<128x8xf32, #tpu.memory_space<vmem>>[vector<16xi32>, vector<16xi32>], vector<16xf32>,
      }
      %scan3A_102 = arith.constant 8 : i32
      %mul3A_103 = arith.constant 20736 : i32
      %mul3A_104 = arith.muli %arg1, %mul3A_103 : i32
      %mul3A_105 = arith.constant 128 : i32
      %mul3A_106 = arith.muli %add3A_87, %mul3A_105 : i32
      %add3A_107 = arith.addi %mul3A_104, %mul3A_106 : i32
      %dma_start3A_108 = arith.constant 0 : i32
      %dma_start3A_109 = tpu.memref_slice %arg8[%arg0, %add3A_107, %dma_start3A_108] : memref<2x331776x8xf32, #tpu.memory_space<hbm>> -> memref<1x128x8xf32, #tpu.memory_space<hbm>>
      %dma_start3A_110 = tpu.memref_squeeze %dma_start3A_109 : memref<1x128x8xf32, #tpu.memory_space<hbm>> -> memref<128x8xf32, #tpu.memory_space<hbm>>
      %dma_start3A_111 = arith.constant 0 : i32
      %dma_start3A_112 = tpu.memref_slice %arg8[%arg0, %add3A_107, %dma_start3A_111] : memref<2x331776x8xf32, #tpu.memory_space<hbm>> -> memref<1x128x8xf32, #tpu.memory_space<hbm>>
      %dma_start3A_113 = tpu.memref_squeeze %dma_start3A_112 : memref<1x128x8xf32, #tpu.memory_space<hbm>> -> memref<128x8xf32, #tpu.memory_space<hbm>>
      tpu.enqueue_dma source(%arg19 : memref<128x8xf32, #tpu.memory_space<vmem>>) target(%dma_start3A_113 : memref<128x8xf32, #tpu.memory_space<hbm>>) target_semaphore(%arg23 : memref<!tpu.dma_semaphore, #tpu.memory_space<semaphore_mem>>)
      %dma_start3A_114 = arith.constant 0 : i32
      %dma_start3A_115 = arith.constant 0 : i32
      %dma_start3A_116 = tpu.memref_slice %arg27[%dma_start3A_114, %dma_start3A_115] : memref<10112x8xf32, #tpu.memory_space<vmem_shared>> -> memref<10112x8xf32, #tpu.memory_space<vmem_shared>>
      tpu.enqueue_indirect_dma source(%arg19 : memref<128x8xf32, #tpu.memory_space<vmem>>) target(%dma_start3A_116 : memref<10112x8xf32, #tpu.memory_space<vmem_shared>>) offsets(%arg17 : memref<128xi32, #tpu.memory_space<vmem>>) semaphore(%arg25 : memref<!tpu.dma_semaphore, #tpu.memory_space<semaphore_mem>>) {add = true}
      %add3A_117 = arith.constant 2 : i32
      %add3A_118 = arith.addi %add3A_87, %add3A_117 : i32
      %lt3A = arith.constant 162 : i32
      %lt3A_119 = arith.cmpi slt, %add3A_118, %lt3A : i32
      %convert_element_type3A_120 = arith.extui %lt3A_119 : i1 to i32
      %cond3A_121 = arith.constant 0 : i32
      %cond3A_122 = arith.cmpi ne, %convert_element_type3A_120, %cond3A_121 : i32
      scf.if %cond3A_122 {
        %add3A_166 = arith.constant 2 : i32
        %add3A_167 = arith.addi %add3A_87, %add3A_166 : i32
        %mul3A_168 = arith.constant 20736 : i32
        %mul3A_169 = arith.muli %arg1, %mul3A_168 : i32
        %mul3A_170 = arith.constant 128 : i32
        %mul3A_171 = arith.muli %add3A_167, %mul3A_170 : i32
        %add3A_172 = arith.addi %mul3A_169, %mul3A_171 : i32
        %dma_start3A_173 = tpu.memref_slice %arg2[%add3A_172] : memref<331776xi32, #tpu.memory_space<hbm>> -> memref<128xi32, #tpu.memory_space<hbm>>
        %dma_start3A_174 = tpu.memref_slice %arg2[%add3A_172] : memref<331776xi32, #tpu.memory_space<hbm>> -> memref<128xi32, #tpu.memory_space<hbm>>
        tpu.enqueue_dma source(%dma_start3A_174 : memref<128xi32, #tpu.memory_space<hbm>>) target(%arg13 : memref<128xi32, #tpu.memory_space<vmem>>) target_semaphore(%arg21 : memref<!tpu.dma_semaphore, #tpu.memory_space<semaphore_mem>>)
        %dma_start3A_175 = tpu.memref_slice %arg3[%add3A_172] : memref<331776xi32, #tpu.memory_space<hbm>> -> memref<128xi32, #tpu.memory_space<hbm>>
        %dma_start3A_176 = tpu.memref_slice %arg3[%add3A_172] : memref<331776xi32, #tpu.memory_space<hbm>> -> memref<128xi32, #tpu.memory_space<hbm>>
        tpu.enqueue_dma source(%dma_start3A_176 : memref<128xi32, #tpu.memory_space<hbm>>) target(%arg15 : memref<128xi32, #tpu.memory_space<vmem>>) target_semaphore(%arg21 : memref<!tpu.dma_semaphore, #tpu.memory_space<semaphore_mem>>)
      } else {
      }
      %mul3A_123 = arith.constant 2 : i32
      %mul3A_124 = arith.muli %add3A_83, %mul3A_123 : i32
      %add3A_125 = arith.constant 1 : i32
      %add3A_126 = arith.addi %mul3A_124, %add3A_125 : i32
      %gt3A_127 = arith.constant 0 : i32
      %gt3A_128 = arith.cmpi sgt, %add3A_83, %gt3A_127 : i32
      %convert_element_type3A_129 = arith.extui %gt3A_128 : i1 to i32
      %cond3A_130 = arith.constant 0 : i32
      %cond3A_131 = arith.cmpi ne, %convert_element_type3A_129, %cond3A_130 : i32
      scf.if %cond3A_131 {
        %dma_wait3A_166 = arith.constant 0 : i32
        %dma_wait3A_167 = arith.constant 0 : i32
        %dma_wait3A_168 = tpu.memref_slice %arg8[%arg0, %dma_wait3A_166, %dma_wait3A_167] : memref<2x331776x8xf32, #tpu.memory_space<hbm>> -> memref<1x128x8xf32, #tpu.memory_space<hbm>>
        %dma_wait3A_169 = tpu.memref_squeeze %dma_wait3A_168 : memref<1x128x8xf32, #tpu.memory_space<hbm>> -> memref<128x8xf32, #tpu.memory_space<hbm>>
        %dma_wait3A_170 = arith.constant 0 : i32
        %dma_wait3A_171 = arith.constant 0 : i32
        %dma_wait3A_172 = tpu.memref_slice %arg8[%arg0, %dma_wait3A_170, %dma_wait3A_171] : memref<2x331776x8xf32, #tpu.memory_space<hbm>> -> memref<1x128x8xf32, #tpu.memory_space<hbm>>
        %dma_wait3A_173 = tpu.memref_squeeze %dma_wait3A_172 : memref<1x128x8xf32, #tpu.memory_space<hbm>> -> memref<128x8xf32, #tpu.memory_space<hbm>>
        tpu.wait_dma2 semaphore(%arg24 : memref<!tpu.dma_semaphore, #tpu.memory_space<semaphore_mem>>) src(%arg20 : memref<128x8xf32, #tpu.memory_space<vmem>>) dst(%dma_wait3A_173 : memref<128x8xf32, #tpu.memory_space<hbm>>)
        %dma_wait3A_174 = arith.constant 0 : i32
        %dma_wait3A_175 = arith.constant 0 : i32
        %dma_wait3A_176 = tpu.memref_slice %arg27[%dma_wait3A_174, %dma_wait3A_175] : memref<10112x8xf32, #tpu.memory_space<vmem_shared>> -> memref<10112x8xf32, #tpu.memory_space<vmem_shared>>
        tpu.wait_indirect_dma semaphore(%arg26 : memref<!tpu.dma_semaphore, #tpu.memory_space<semaphore_mem>>) src(%arg20 : memref<128x8xf32, #tpu.memory_space<vmem>>) dst(%dma_wait3A_176 : memref<10112x8xf32, #tpu.memory_space<vmem_shared>>)
      } else {
      }
      %dma_wait3A_132 = arith.constant 0 : i32
      %dma_wait3A_133 = tpu.memref_slice %arg2[%dma_wait3A_132] : memref<331776xi32, #tpu.memory_space<hbm>> -> memref<128xi32, #tpu.memory_space<hbm>>
      %dma_wait3A_134 = arith.constant 0 : i32
      %dma_wait3A_135 = tpu.memref_slice %arg2[%dma_wait3A_134] : memref<331776xi32, #tpu.memory_space<hbm>> -> memref<128xi32, #tpu.memory_space<hbm>>
      tpu.wait_dma2 semaphore(%arg22 : memref<!tpu.dma_semaphore, #tpu.memory_space<semaphore_mem>>) src(%dma_wait3A_135 : memref<128xi32, #tpu.memory_space<hbm>>) dst(%arg14 : memref<128xi32, #tpu.memory_space<vmem>>)
      %dma_wait3A_136 = arith.constant 0 : i32
      %dma_wait3A_137 = tpu.memref_slice %arg3[%dma_wait3A_136] : memref<331776xi32, #tpu.memory_space<hbm>> -> memref<128xi32, #tpu.memory_space<hbm>>
      %dma_wait3A_138 = arith.constant 0 : i32
      %dma_wait3A_139 = tpu.memref_slice %arg3[%dma_wait3A_138] : memref<331776xi32, #tpu.memory_space<hbm>> -> memref<128xi32, #tpu.memory_space<hbm>>
      tpu.wait_dma2 semaphore(%arg22 : memref<!tpu.dma_semaphore, #tpu.memory_space<semaphore_mem>>) src(%dma_wait3A_139 : memref<128xi32, #tpu.memory_space<hbm>>) dst(%arg16 : memref<128xi32, #tpu.memory_space<vmem>>)
      %scan3A_140 = arith.constant 0 : i32
      %scan3A_141 = arith.constant 8 : i32
      %scan3A_142 = arith.addi %scan3A_140, %scan3A_141 : i32
      %scan3A_143 = arith.constant 1 : i32
      scf.for %scan3A_166 = %scan3A_140 to %scan3A_142 step %scan3A_143  : i32 {
        %mul3A_167 = arith.constant 1 : i32
        %mul3A_168 = arith.muli %scan3A_166, %mul3A_167 : i32
        %add3A_169 = arith.constant 0 : i32
        %add3A_170 = arith.addi %add3A_169, %mul3A_168 : i32
        %mul3A_171 = arith.constant 16 : i32
        %mul3A_172 = arith.muli %add3A_170, %mul3A_171 : i32
        %get3A = arith.index_cast %mul3A_172 : i32 to index
        %get3A_173 = tpu.vector_load %arg14[%get3A] {strides = array<i32>} : memref<128xi32, #tpu.memory_space<vmem>>, vector<16xi32>,
        %get3A_174 = arith.index_cast %mul3A_172 : i32 to index
        %get3A_175 = tpu.vector_load %arg16[%get3A_174] {strides = array<i32>} : memref<128xi32, #tpu.memory_space<vmem>>, vector<16xi32>,
        %swap3A = arith.index_cast %mul3A_172 : i32 to index
        %swap3A_176 = tpu.vector_load %arg18[%swap3A] {strides = array<i32>} : memref<128xi32, #tpu.memory_space<vmem>>, vector<16xi32>,
        tpu.vector_store %arg18[%swap3A], %get3A_175 {strides = array<i32>} : memref<128xi32, #tpu.memory_space<vmem>>, vector<16xi32>,
        %mul3A_177 = arith.constant 16 : i32
        %mul3A_178 = arith.muli %add3A_170, %mul3A_177 : i32
        %add3A_179 = vector.broadcast %mul3A_178 : i32 to vector<16xi32>
        %add3A_180 = arith.addi %add3A_179, %iota3A : vector<16xi32>
        %mul3A_181 = arith.constant 4 : i32
        %mul3A_182 = vector.broadcast %mul3A_181 : i32 to vector<16xi32>
        %mul3A_183 = arith.muli %get3A_173, %mul3A_182 : vector<16xi32>
        %mul3A_184 = arith.constant 4 : i32
        %mul3A_185 = vector.broadcast %mul3A_184 : i32 to vector<16xi32>
        %mul3A_186 = arith.muli %get3A_175, %mul3A_185 : vector<16xi32>
        %add3A_187 = arith.constant 0 : i32
        %add3A_188 = vector.broadcast %add3A_187 : i32 to vector<16xi32>
        %add3A_189 = arith.addi %mul3A_183, %add3A_188 : vector<16xi32>
        %gather3A_190 = tpu.vector_load_idx %arg10[%add3A_189] : memref<40448xf32, #tpu.memory_space<vmem>>[vector<16xi32>], vector<16xf32>,
        %add3A_191 = arith.constant 0 : i32
        %add3A_192 = vector.broadcast %add3A_191 : i32 to vector<16xi32>
        %add3A_193 = arith.addi %mul3A_186, %add3A_192 : vector<16xi32>
        %gather3A_194 = tpu.vector_load_idx %arg11[%add3A_193] : memref<40448xf32, #tpu.memory_space<vmem>>[vector<16xi32>], vector<16xf32>,
        %add3A_195 = arith.addf %gather3A_190, %gather3A_194 : vector<16xf32>
        %ge3A = arith.constant 0.000000e+00 : f32
        %ge3A_196 = vector.broadcast %ge3A : f32 to vector<16xf32>
        %ge3A_197 = arith.cmpf oge, %add3A_195, %ge3A_196 : vector<16xf32>
        %mul3A_198 = arith.constant 2.000000e-01 : f32
        %mul3A_199 = vector.broadcast %mul3A_198 : f32 to vector<16xf32>
        %mul3A_200 = arith.mulf %mul3A_199, %add3A_195 : vector<16xf32>
        %select_n3A = arith.select %ge3A_197, %add3A_195, %mul3A_200 : vector<16xi1>, vector<16xf32>
        %add3A_201 = arith.addf %gather3A, %gather3A_194 : vector<16xf32>
        %ge3A_202 = arith.constant 0.000000e+00 : f32
        %ge3A_203 = vector.broadcast %ge3A_202 : f32 to vector<16xf32>
        %ge3A_204 = arith.cmpf oge, %add3A_201, %ge3A_203 : vector<16xf32>
        %mul3A_205 = arith.constant 2.000000e-01 : f32
        %mul3A_206 = vector.broadcast %mul3A_205 : f32 to vector<16xf32>
        %mul3A_207 = arith.mulf %mul3A_206, %add3A_201 : vector<16xf32>
        %select_n3A_208 = arith.select %ge3A_204, %add3A_201, %mul3A_207 : vector<16xi1>, vector<16xf32>
        %sub3A = arith.subf %select_n3A, %select_n3A_208 : vector<16xf32>
        %exp3A = math.exp %sub3A : vector<16xf32>
        %broadcast_in_dim3A_209 = arith.constant 0 : i32
        %broadcast_in_dim3A_210 = vector.broadcast %broadcast_in_dim3A_209 : i32 to vector<16xi32>
        tpu.vector_store_idx %arg20[%add3A_180, %broadcast_in_dim3A_210], %exp3A : memref<128x8xf32, #tpu.memory_space<vmem>>[vector<16xi32>, vector<16xi32>], vector<16xf32>,
        %add3A_211 = arith.constant 1 : i32
        %add3A_212 = vector.broadcast %add3A_211 : i32 to vector<16xi32>
        %add3A_213 = arith.addi %mul3A_183, %add3A_212 : vector<16xi32>
        %gather3A_214 = tpu.vector_load_idx %arg10[%add3A_213] : memref<40448xf32, #tpu.memory_space<vmem>>[vector<16xi32>], vector<16xf32>,
        %add3A_215 = arith.constant 1 : i32
        %add3A_216 = vector.broadcast %add3A_215 : i32 to vector<16xi32>
        %add3A_217 = arith.addi %mul3A_186, %add3A_216 : vector<16xi32>
        %gather3A_218 = tpu.vector_load_idx %arg11[%add3A_217] : memref<40448xf32, #tpu.memory_space<vmem>>[vector<16xi32>], vector<16xf32>,
        %add3A_219 = arith.addf %gather3A_214, %gather3A_218 : vector<16xf32>
        %ge3A_220 = arith.constant 0.000000e+00 : f32
        %ge3A_221 = vector.broadcast %ge3A_220 : f32 to vector<16xf32>
        %ge3A_222 = arith.cmpf oge, %add3A_219, %ge3A_221 : vector<16xf32>
        %mul3A_223 = arith.constant 2.000000e-01 : f32
        %mul3A_224 = vector.broadcast %mul3A_223 : f32 to vector<16xf32>
        %mul3A_225 = arith.mulf %mul3A_224, %add3A_219 : vector<16xf32>
        %select_n3A_226 = arith.select %ge3A_222, %add3A_219, %mul3A_225 : vector<16xi1>, vector<16xf32>
        %add3A_227 = arith.addf %gather3A_22, %gather3A_218 : vector<16xf32>
        %ge3A_228 = arith.constant 0.000000e+00 : f32
        %ge3A_229 = vector.broadcast %ge3A_228 : f32 to vector<16xf32>
        %ge3A_230 = arith.cmpf oge, %add3A_227, %ge3A_229 : vector<16xf32>
        %mul3A_231 = arith.constant 2.000000e-01 : f32
        %mul3A_232 = vector.broadcast %mul3A_231 : f32 to vector<16xf32>
        %mul3A_233 = arith.mulf %mul3A_232, %add3A_227 : vector<16xf32>
        %select_n3A_234 = arith.select %ge3A_230, %add3A_227, %mul3A_233 : vector<16xi1>, vector<16xf32>
        %sub3A_235 = arith.subf %select_n3A_226, %select_n3A_234 : vector<16xf32>
        %exp3A_236 = math.exp %sub3A_235 : vector<16xf32>
        %broadcast_in_dim3A_237 = arith.constant 1 : i32
        %broadcast_in_dim3A_238 = vector.broadcast %broadcast_in_dim3A_237 : i32 to vector<16xi32>
        tpu.vector_store_idx %arg20[%add3A_180, %broadcast_in_dim3A_238], %exp3A_236 : memref<128x8xf32, #tpu.memory_space<vmem>>[vector<16xi32>, vector<16xi32>], vector<16xf32>,
        %add3A_239 = arith.constant 2 : i32
        %add3A_240 = vector.broadcast %add3A_239 : i32 to vector<16xi32>
        %add3A_241 = arith.addi %mul3A_183, %add3A_240 : vector<16xi32>
        %gather3A_242 = tpu.vector_load_idx %arg10[%add3A_241] : memref<40448xf32, #tpu.memory_space<vmem>>[vector<16xi32>], vector<16xf32>,
        %add3A_243 = arith.constant 2 : i32
        %add3A_244 = vector.broadcast %add3A_243 : i32 to vector<16xi32>
        %add3A_245 = arith.addi %mul3A_186, %add3A_244 : vector<16xi32>
        %gather3A_246 = tpu.vector_load_idx %arg11[%add3A_245] : memref<40448xf32, #tpu.memory_space<vmem>>[vector<16xi32>], vector<16xf32>,
        %add3A_247 = arith.addf %gather3A_242, %gather3A_246 : vector<16xf32>
        %ge3A_248 = arith.constant 0.000000e+00 : f32
        %ge3A_249 = vector.broadcast %ge3A_248 : f32 to vector<16xf32>
        %ge3A_250 = arith.cmpf oge, %add3A_247, %ge3A_249 : vector<16xf32>
        %mul3A_251 = arith.constant 2.000000e-01 : f32
        %mul3A_252 = vector.broadcast %mul3A_251 : f32 to vector<16xf32>
        %mul3A_253 = arith.mulf %mul3A_252, %add3A_247 : vector<16xf32>
        %select_n3A_254 = arith.select %ge3A_250, %add3A_247, %mul3A_253 : vector<16xi1>, vector<16xf32>
        %add3A_255 = arith.addf %gather3A_29, %gather3A_246 : vector<16xf32>
        %ge3A_256 = arith.constant 0.000000e+00 : f32
        %ge3A_257 = vector.broadcast %ge3A_256 : f32 to vector<16xf32>
        %ge3A_258 = arith.cmpf oge, %add3A_255, %ge3A_257 : vector<16xf32>
        %mul3A_259 = arith.constant 2.000000e-01 : f32
        %mul3A_260 = vector.broadcast %mul3A_259 : f32 to vector<16xf32>
        %mul3A_261 = arith.mulf %mul3A_260, %add3A_255 : vector<16xf32>
        %select_n3A_262 = arith.select %ge3A_258, %add3A_255, %mul3A_261 : vector<16xi1>, vector<16xf32>
        %sub3A_263 = arith.subf %select_n3A_254, %select_n3A_262 : vector<16xf32>
        %exp3A_264 = math.exp %sub3A_263 : vector<16xf32>
        %broadcast_in_dim3A_265 = arith.constant 2 : i32
        %broadcast_in_dim3A_266 = vector.broadcast %broadcast_in_dim3A_265 : i32 to vector<16xi32>
        tpu.vector_store_idx %arg20[%add3A_180, %broadcast_in_dim3A_266], %exp3A_264 : memref<128x8xf32, #tpu.memory_space<vmem>>[vector<16xi32>, vector<16xi32>], vector<16xf32>,
        %add3A_267 = arith.constant 3 : i32
        %add3A_268 = vector.broadcast %add3A_267 : i32 to vector<16xi32>
        %add3A_269 = arith.addi %mul3A_183, %add3A_268 : vector<16xi32>
        %gather3A_270 = tpu.vector_load_idx %arg10[%add3A_269] : memref<40448xf32, #tpu.memory_space<vmem>>[vector<16xi32>], vector<16xf32>,
        %add3A_271 = arith.constant 3 : i32
        %add3A_272 = vector.broadcast %add3A_271 : i32 to vector<16xi32>
        %add3A_273 = arith.addi %mul3A_186, %add3A_272 : vector<16xi32>
        %gather3A_274 = tpu.vector_load_idx %arg11[%add3A_273] : memref<40448xf32, #tpu.memory_space<vmem>>[vector<16xi32>], vector<16xf32>,
        %add3A_275 = arith.addf %gather3A_270, %gather3A_274 : vector<16xf32>
        %ge3A_276 = arith.constant 0.000000e+00 : f32
        %ge3A_277 = vector.broadcast %ge3A_276 : f32 to vector<16xf32>
        %ge3A_278 = arith.cmpf oge, %add3A_275, %ge3A_277 : vector<16xf32>
        %mul3A_279 = arith.constant 2.000000e-01 : f32
        %mul3A_280 = vector.broadcast %mul3A_279 : f32 to vector<16xf32>
        %mul3A_281 = arith.mulf %mul3A_280, %add3A_275 : vector<16xf32>
        %select_n3A_282 = arith.select %ge3A_278, %add3A_275, %mul3A_281 : vector<16xi1>, vector<16xf32>
        %add3A_283 = arith.addf %gather3A_36, %gather3A_274 : vector<16xf32>
        %ge3A_284 = arith.constant 0.000000e+00 : f32
        %ge3A_285 = vector.broadcast %ge3A_284 : f32 to vector<16xf32>
        %ge3A_286 = arith.cmpf oge, %add3A_283, %ge3A_285 : vector<16xf32>
        %mul3A_287 = arith.constant 2.000000e-01 : f32
        %mul3A_288 = vector.broadcast %mul3A_287 : f32 to vector<16xf32>
        %mul3A_289 = arith.mulf %mul3A_288, %add3A_283 : vector<16xf32>
        %select_n3A_290 = arith.select %ge3A_286, %add3A_283, %mul3A_289 : vector<16xi1>, vector<16xf32>
        %sub3A_291 = arith.subf %select_n3A_282, %select_n3A_290 : vector<16xf32>
        %exp3A_292 = math.exp %sub3A_291 : vector<16xf32>
        %broadcast_in_dim3A_293 = arith.constant 3 : i32
        %broadcast_in_dim3A_294 = vector.broadcast %broadcast_in_dim3A_293 : i32 to vector<16xi32>
        tpu.vector_store_idx %arg20[%add3A_180, %broadcast_in_dim3A_294], %exp3A_292 : memref<128x8xf32, #tpu.memory_space<vmem>>[vector<16xi32>, vector<16xi32>], vector<16xf32>,
      }
      %scan3A_144 = arith.constant 8 : i32
      %mul3A_145 = arith.constant 20736 : i32
      %mul3A_146 = arith.muli %arg1, %mul3A_145 : i32
      %mul3A_147 = arith.constant 128 : i32
      %mul3A_148 = arith.muli %add3A_126, %mul3A_147 : i32
      %add3A_149 = arith.addi %mul3A_146, %mul3A_148 : i32
      %dma_start3A_150 = arith.constant 0 : i32
      %dma_start3A_151 = tpu.memref_slice %arg8[%arg0, %add3A_149, %dma_start3A_150] : memref<2x331776x8xf32, #tpu.memory_space<hbm>> -> memref<1x128x8xf32, #tpu.memory_space<hbm>>
      %dma_start3A_152 = tpu.memref_squeeze %dma_start3A_151 : memref<1x128x8xf32, #tpu.memory_space<hbm>> -> memref<128x8xf32, #tpu.memory_space<hbm>>
      %dma_start3A_153 = arith.constant 0 : i32
      %dma_start3A_154 = tpu.memref_slice %arg8[%arg0, %add3A_149, %dma_start3A_153] : memref<2x331776x8xf32, #tpu.memory_space<hbm>> -> memref<1x128x8xf32, #tpu.memory_space<hbm>>
      %dma_start3A_155 = tpu.memref_squeeze %dma_start3A_154 : memref<1x128x8xf32, #tpu.memory_space<hbm>> -> memref<128x8xf32, #tpu.memory_space<hbm>>
      tpu.enqueue_dma source(%arg20 : memref<128x8xf32, #tpu.memory_space<vmem>>) target(%dma_start3A_155 : memref<128x8xf32, #tpu.memory_space<hbm>>) target_semaphore(%arg24 : memref<!tpu.dma_semaphore, #tpu.memory_space<semaphore_mem>>)
      %dma_start3A_156 = arith.constant 0 : i32
      %dma_start3A_157 = arith.constant 0 : i32
      %dma_start3A_158 = tpu.memref_slice %arg27[%dma_start3A_156, %dma_start3A_157] : memref<10112x8xf32, #tpu.memory_space<vmem_shared>> -> memref<10112x8xf32, #tpu.memory_space<vmem_shared>>
      tpu.enqueue_indirect_dma source(%arg20 : memref<128x8xf32, #tpu.memory_space<vmem>>) target(%dma_start3A_158 : memref<10112x8xf32, #tpu.memory_space<vmem_shared>>) offsets(%arg18 : memref<128xi32, #tpu.memory_space<vmem>>) semaphore(%arg26 : memref<!tpu.dma_semaphore, #tpu.memory_space<semaphore_mem>>) {add = true}
      %add3A_159 = arith.constant 2 : i32
      %add3A_160 = arith.addi %add3A_126, %add3A_159 : i32
      %lt3A_161 = arith.constant 162 : i32
      %lt3A_162 = arith.cmpi slt, %add3A_160, %lt3A_161 : i32
      %convert_element_type3A_163 = arith.extui %lt3A_162 : i1 to i32
      %cond3A_164 = arith.constant 0 : i32
      %cond3A_165 = arith.cmpi ne, %convert_element_type3A_163, %cond3A_164 : i32
      scf.if %cond3A_165 {
        %add3A_166 = arith.constant 2 : i32
        %add3A_167 = arith.addi %add3A_126, %add3A_166 : i32
        %mul3A_168 = arith.constant 20736 : i32
        %mul3A_169 = arith.muli %arg1, %mul3A_168 : i32
        %mul3A_170 = arith.constant 128 : i32
        %mul3A_171 = arith.muli %add3A_167, %mul3A_170 : i32
        %add3A_172 = arith.addi %mul3A_169, %mul3A_171 : i32
        %dma_start3A_173 = tpu.memref_slice %arg2[%add3A_172] : memref<331776xi32, #tpu.memory_space<hbm>> -> memref<128xi32, #tpu.memory_space<hbm>>
        %dma_start3A_174 = tpu.memref_slice %arg2[%add3A_172] : memref<331776xi32, #tpu.memory_space<hbm>> -> memref<128xi32, #tpu.memory_space<hbm>>
        tpu.enqueue_dma source(%dma_start3A_174 : memref<128xi32, #tpu.memory_space<hbm>>) target(%arg14 : memref<128xi32, #tpu.memory_space<vmem>>) target_semaphore(%arg22 : memref<!tpu.dma_semaphore, #tpu.memory_space<semaphore_mem>>)
        %dma_start3A_175 = tpu.memref_slice %arg3[%add3A_172] : memref<331776xi32, #tpu.memory_space<hbm>> -> memref<128xi32, #tpu.memory_space<hbm>>
        %dma_start3A_176 = tpu.memref_slice %arg3[%add3A_172] : memref<331776xi32, #tpu.memory_space<hbm>> -> memref<128xi32, #tpu.memory_space<hbm>>
        tpu.enqueue_dma source(%dma_start3A_176 : memref<128xi32, #tpu.memory_space<hbm>>) target(%arg16 : memref<128xi32, #tpu.memory_space<vmem>>) target_semaphore(%arg22 : memref<!tpu.dma_semaphore, #tpu.memory_space<semaphore_mem>>)
      } else {
      }
    }
    %scan3A_56 = arith.constant 81 : i32
    %dma_wait3A = arith.constant 0 : i32
    %dma_wait3A_57 = arith.constant 0 : i32
    %dma_wait3A_58 = tpu.memref_slice %arg8[%arg0, %dma_wait3A, %dma_wait3A_57] : memref<2x331776x8xf32, #tpu.memory_space<hbm>> -> memref<1x128x8xf32, #tpu.memory_space<hbm>>
    %dma_wait3A_59 = tpu.memref_squeeze %dma_wait3A_58 : memref<1x128x8xf32, #tpu.memory_space<hbm>> -> memref<128x8xf32, #tpu.memory_space<hbm>>
    %dma_wait3A_60 = arith.constant 0 : i32
    %dma_wait3A_61 = arith.constant 0 : i32
    %dma_wait3A_62 = tpu.memref_slice %arg8[%arg0, %dma_wait3A_60, %dma_wait3A_61] : memref<2x331776x8xf32, #tpu.memory_space<hbm>> -> memref<1x128x8xf32, #tpu.memory_space<hbm>>
    %dma_wait3A_63 = tpu.memref_squeeze %dma_wait3A_62 : memref<1x128x8xf32, #tpu.memory_space<hbm>> -> memref<128x8xf32, #tpu.memory_space<hbm>>
    tpu.wait_dma2 semaphore(%arg23 : memref<!tpu.dma_semaphore, #tpu.memory_space<semaphore_mem>>) src(%arg19 : memref<128x8xf32, #tpu.memory_space<vmem>>) dst(%dma_wait3A_63 : memref<128x8xf32, #tpu.memory_space<hbm>>)
    %dma_wait3A_64 = arith.constant 0 : i32
    %dma_wait3A_65 = arith.constant 0 : i32
    %dma_wait3A_66 = tpu.memref_slice %arg27[%dma_wait3A_64, %dma_wait3A_65] : memref<10112x8xf32, #tpu.memory_space<vmem_shared>> -> memref<10112x8xf32, #tpu.memory_space<vmem_shared>>
    tpu.wait_indirect_dma semaphore(%arg25 : memref<!tpu.dma_semaphore, #tpu.memory_space<semaphore_mem>>) src(%arg19 : memref<128x8xf32, #tpu.memory_space<vmem>>) dst(%dma_wait3A_66 : memref<10112x8xf32, #tpu.memory_space<vmem_shared>>)
    %dma_wait3A_67 = arith.constant 0 : i32
    %dma_wait3A_68 = arith.constant 0 : i32
    %dma_wait3A_69 = tpu.memref_slice %arg8[%arg0, %dma_wait3A_67, %dma_wait3A_68] : memref<2x331776x8xf32, #tpu.memory_space<hbm>> -> memref<1x128x8xf32, #tpu.memory_space<hbm>>
    %dma_wait3A_70 = tpu.memref_squeeze %dma_wait3A_69 : memref<1x128x8xf32, #tpu.memory_space<hbm>> -> memref<128x8xf32, #tpu.memory_space<hbm>>
    %dma_wait3A_71 = arith.constant 0 : i32
    %dma_wait3A_72 = arith.constant 0 : i32
    %dma_wait3A_73 = tpu.memref_slice %arg8[%arg0, %dma_wait3A_71, %dma_wait3A_72] : memref<2x331776x8xf32, #tpu.memory_space<hbm>> -> memref<1x128x8xf32, #tpu.memory_space<hbm>>
    %dma_wait3A_74 = tpu.memref_squeeze %dma_wait3A_73 : memref<1x128x8xf32, #tpu.memory_space<hbm>> -> memref<128x8xf32, #tpu.memory_space<hbm>>
    tpu.wait_dma2 semaphore(%arg24 : memref<!tpu.dma_semaphore, #tpu.memory_space<semaphore_mem>>) src(%arg20 : memref<128x8xf32, #tpu.memory_space<vmem>>) dst(%dma_wait3A_74 : memref<128x8xf32, #tpu.memory_space<hbm>>)
    %dma_wait3A_75 = arith.constant 0 : i32
    %dma_wait3A_76 = arith.constant 0 : i32
    %dma_wait3A_77 = tpu.memref_slice %arg27[%dma_wait3A_75, %dma_wait3A_76] : memref<10112x8xf32, #tpu.memory_space<vmem_shared>> -> memref<10112x8xf32, #tpu.memory_space<vmem_shared>>
    tpu.wait_indirect_dma semaphore(%arg26 : memref<!tpu.dma_semaphore, #tpu.memory_space<semaphore_mem>>) src(%arg20 : memref<128x8xf32, #tpu.memory_space<vmem>>) dst(%dma_wait3A_77 : memref<10112x8xf32, #tpu.memory_space<vmem_shared>>)
    %barrier3A_78 = arith.constant 0 : index
    tpu.barrier barrier_id(%barrier3A_78)
    "tpu.region"() ({
      %run_scoped3A = tpu.sem_alloc : memref<!tpu.dma_semaphore, #tpu.memory_space<semaphore_mem>>
      %dma_start3A_79 = arith.constant 0 : i32
      %dma_start3A_80 = tpu.memref_slice %arg9[%arg0, %mul3A_0, %dma_start3A_79] : memref<2x10112x8xf32, #tpu.memory_space<hbm>> -> memref<1x632x8xf32, #tpu.memory_space<hbm>>
      %dma_start3A_81 = tpu.memref_squeeze %dma_start3A_80 : memref<1x632x8xf32, #tpu.memory_space<hbm>> -> memref<632x8xf32, #tpu.memory_space<hbm>>
      %dma_start3A_82 = arith.constant 0 : i32
      %dma_start3A_83 = tpu.memref_slice %arg27[%mul3A_0, %dma_start3A_82] : memref<10112x8xf32, #tpu.memory_space<vmem_shared>> -> memref<632x8xf32, #tpu.memory_space<vmem_shared>>
      tpu.enqueue_dma source(%dma_start3A_83 : memref<632x8xf32, #tpu.memory_space<vmem_shared>>) target(%dma_start3A_81 : memref<632x8xf32, #tpu.memory_space<hbm>>) target_semaphore(%run_scoped3A : memref<!tpu.dma_semaphore, #tpu.memory_space<semaphore_mem>>)
      %dma_wait3A_84 = arith.constant 0 : i32
      %dma_wait3A_85 = tpu.memref_slice %arg9[%arg0, %mul3A_0, %dma_wait3A_84] : memref<2x10112x8xf32, #tpu.memory_space<hbm>> -> memref<1x632x8xf32, #tpu.memory_space<hbm>>
      %dma_wait3A_86 = tpu.memref_squeeze %dma_wait3A_85 : memref<1x632x8xf32, #tpu.memory_space<hbm>> -> memref<632x8xf32, #tpu.memory_space<hbm>>
      %dma_wait3A_87 = arith.constant 0 : i32
      %dma_wait3A_88 = tpu.memref_slice %arg27[%mul3A_0, %dma_wait3A_87] : memref<10112x8xf32, #tpu.memory_space<vmem_shared>> -> memref<632x8xf32, #tpu.memory_space<vmem_shared>>
      tpu.wait_dma2 semaphore(%run_scoped3A : memref<!tpu.dma_semaphore, #tpu.memory_space<semaphore_mem>>) src(%dma_wait3A_88 : memref<632x8xf32, #tpu.memory_space<vmem_shared>>) dst(%dma_wait3A_86 : memref<632x8xf32, #tpu.memory_space<hbm>>)
      tpu.yield
    }) : () -> ()
    return
  }
}

#map = affine_map<(d0, d1) -> (0)>
#map1 = affine_map<(d0, d1) -> (0, 0, 0)>
#map2 = affine_map<(d0, d1) -> (0, 0)>
module attributes {stable_mosaic.version = 14 : i64} {
  func.func @_pb8_body(%arg0: i32, %arg1: i32, %arg2: memref<331776xi32, #tpu.memory_space<hbm>>, %arg3: memref<331776xi32, #tpu.memory_space<hbm>>, %arg4: memref<2x331776x8xf32, #tpu.memory_space<hbm>>, %arg5: memref<20224x8xf32, #tpu.memory_space<hbm>>, %arg6: memref<20224x128xf32, #tpu.memory_space<hbm>>, %arg7: memref<10112x128xf32, #tpu.memory_space<hbm>>, %arg8: memref<10112x256xf32, #tpu.memory_space<hbm>>, %arg9: memref<128xi32, #tpu.memory_space<vmem>>, %arg10: memref<128xi32, #tpu.memory_space<vmem>>, %arg11: memref<128xi32, #tpu.memory_space<vmem>>, %arg12: memref<128xi32, #tpu.memory_space<vmem>>, %arg13: memref<128xi32, #tpu.memory_space<vmem>>, %arg14: memref<128xi32, #tpu.memory_space<vmem>>, %arg15: memref<128xi32, #tpu.memory_space<vmem>>, %arg16: memref<128xi32, #tpu.memory_space<vmem>>, %arg17: memref<128xi32, #tpu.memory_space<vmem>>, %arg18: memref<128xi32, #tpu.memory_space<vmem>>, %arg19: memref<128x8xf32, #tpu.memory_space<vmem>>, %arg20: memref<128x8xf32, #tpu.memory_space<vmem>>, %arg21: memref<128x8xf32, #tpu.memory_space<vmem>>, %arg22: memref<128x8xf32, #tpu.memory_space<vmem>>, %arg23: memref<128x128xf32, #tpu.memory_space<vmem>>, %arg24: memref<128x128xf32, #tpu.memory_space<vmem>>, %arg25: memref<!tpu.dma_semaphore, #tpu.memory_space<semaphore_mem>>, %arg26: memref<!tpu.dma_semaphore, #tpu.memory_space<semaphore_mem>>, %arg27: memref<!tpu.dma_semaphore, #tpu.memory_space<semaphore_mem>>, %arg28: memref<!tpu.dma_semaphore, #tpu.memory_space<semaphore_mem>>, %arg29: memref<!tpu.dma_semaphore, #tpu.memory_space<semaphore_mem>>, %arg30: memref<!tpu.dma_semaphore, #tpu.memory_space<semaphore_mem>>, %arg31: memref<10112x128xf32, #tpu.memory_space<vmem_shared>>) attributes {dimension_semantics = [#tpu.dimension_semantics<core_parallel>, #tpu.dimension_semantics<subcore_parallel>], iteration_bounds = array<i64: 2, 16>, scalar_prefetch = 0 : i64, scratch_operands = 23 : i64, tpu.core_type = #tpu.core_type<sc_vector_subcore>, window_params = [{transform_indices = #map}, {transform_indices = #map}, {transform_indices = #map1}, {transform_indices = #map2}, {transform_indices = #map2}, {transform_indices = #map2}, {transform_indices = #map2}]} {
    %mul3A = arith.constant 632 : i32
    %mul3A_0 = arith.muli %arg1, %mul3A : i32
    "tpu.region"() ({
      %run_scoped3A = tpu.sem_alloc : memref<!tpu.dma_semaphore, #tpu.memory_space<semaphore_mem>>
      %dma_start3A_29 = arith.constant 0 : i32
      %dma_start3A_30 = tpu.memref_slice %arg31[%mul3A_0, %dma_start3A_29] : memref<10112x128xf32, #tpu.memory_space<vmem_shared>> -> memref<632x128xf32, #tpu.memory_space<vmem_shared>>
      %dma_start3A_31 = arith.constant 0 : i32
      %dma_start3A_32 = tpu.memref_slice %arg7[%mul3A_0, %dma_start3A_31] : memref<10112x128xf32, #tpu.memory_space<hbm>> -> memref<632x128xf32, #tpu.memory_space<hbm>>
      tpu.enqueue_dma source(%dma_start3A_32 : memref<632x128xf32, #tpu.memory_space<hbm>>) target(%dma_start3A_30 : memref<632x128xf32, #tpu.memory_space<vmem_shared>>) target_semaphore(%run_scoped3A : memref<!tpu.dma_semaphore, #tpu.memory_space<semaphore_mem>>)
      %dma_wait3A_33 = arith.constant 0 : i32
      %dma_wait3A_34 = tpu.memref_slice %arg31[%mul3A_0, %dma_wait3A_33] : memref<10112x128xf32, #tpu.memory_space<vmem_shared>> -> memref<632x128xf32, #tpu.memory_space<vmem_shared>>
      %dma_wait3A_35 = arith.constant 0 : i32
      %dma_wait3A_36 = tpu.memref_slice %arg7[%mul3A_0, %dma_wait3A_35] : memref<10112x128xf32, #tpu.memory_space<hbm>> -> memref<632x128xf32, #tpu.memory_space<hbm>>
      tpu.wait_dma2 semaphore(%run_scoped3A : memref<!tpu.dma_semaphore, #tpu.memory_space<semaphore_mem>>) src(%dma_wait3A_36 : memref<632x128xf32, #tpu.memory_space<hbm>>) dst(%dma_wait3A_34 : memref<632x128xf32, #tpu.memory_space<vmem_shared>>)
      tpu.yield
    }) : () -> ()
    %barrier3A = arith.constant 0 : index
    tpu.barrier barrier_id(%barrier3A)
    %iota3A = tpu.iota {dimensions = array<i32: 0>} : vector<16xi32>
    %and3A = arith.constant 3 : i32
    %and3A_1 = vector.broadcast %and3A : i32 to vector<16xi32>
    %and3A_2 = arith.andi %iota3A, %and3A_1 : vector<16xi32>
    %mul3A_3 = arith.constant 20736 : i32
    %mul3A_4 = arith.muli %arg1, %mul3A_3 : i32
    %add3A = arith.constant 0 : i32
    %add3A_5 = arith.addi %mul3A_4, %add3A : i32
    %dma_start3A = tpu.memref_slice %arg2[%add3A_5] : memref<331776xi32, #tpu.memory_space<hbm>> -> memref<128xi32, #tpu.memory_space<hbm>>
    %dma_start3A_6 = tpu.memref_slice %arg2[%add3A_5] : memref<331776xi32, #tpu.memory_space<hbm>> -> memref<128xi32, #tpu.memory_space<hbm>>
    tpu.enqueue_dma source(%dma_start3A_6 : memref<128xi32, #tpu.memory_space<hbm>>) target(%arg9 : memref<128xi32, #tpu.memory_space<vmem>>) target_semaphore(%arg25 : memref<!tpu.dma_semaphore, #tpu.memory_space<semaphore_mem>>)
    %dma_start3A_7 = tpu.memref_slice %arg3[%add3A_5] : memref<331776xi32, #tpu.memory_space<hbm>> -> memref<128xi32, #tpu.memory_space<hbm>>
    %dma_start3A_8 = tpu.memref_slice %arg3[%add3A_5] : memref<331776xi32, #tpu.memory_space<hbm>> -> memref<128xi32, #tpu.memory_space<hbm>>
    tpu.enqueue_dma source(%dma_start3A_8 : memref<128xi32, #tpu.memory_space<hbm>>) target(%arg11 : memref<128xi32, #tpu.memory_space<vmem>>) target_semaphore(%arg25 : memref<!tpu.dma_semaphore, #tpu.memory_space<semaphore_mem>>)
    %mul3A_9 = arith.constant 20736 : i32
    %mul3A_10 = arith.muli %arg1, %mul3A_9 : i32
    %add3A_11 = arith.constant 128 : i32
    %add3A_12 = arith.addi %mul3A_10, %add3A_11 : i32
    %dma_start3A_13 = tpu.memref_slice %arg2[%add3A_12] : memref<331776xi32, #tpu.memory_space<hbm>> -> memref<128xi32, #tpu.memory_space<hbm>>
    %dma_start3A_14 = tpu.memref_slice %arg2[%add3A_12] : memref<331776xi32, #tpu.memory_space<hbm>> -> memref<128xi32, #tpu.memory_space<hbm>>
    tpu.enqueue_dma source(%dma_start3A_14 : memref<128xi32, #tpu.memory_space<hbm>>) target(%arg10 : memref<128xi32, #tpu.memory_space<vmem>>) target_semaphore(%arg26 : memref<!tpu.dma_semaphore, #tpu.memory_space<semaphore_mem>>)
    %dma_start3A_15 = tpu.memref_slice %arg3[%add3A_12] : memref<331776xi32, #tpu.memory_space<hbm>> -> memref<128xi32, #tpu.memory_space<hbm>>
    %dma_start3A_16 = tpu.memref_slice %arg3[%add3A_12] : memref<331776xi32, #tpu.memory_space<hbm>> -> memref<128xi32, #tpu.memory_space<hbm>>
    tpu.enqueue_dma source(%dma_start3A_16 : memref<128xi32, #tpu.memory_space<hbm>>) target(%arg12 : memref<128xi32, #tpu.memory_space<vmem>>) target_semaphore(%arg26 : memref<!tpu.dma_semaphore, #tpu.memory_space<semaphore_mem>>)
    %scan3A = arith.constant 0 : i32
    %scan3A_17 = arith.constant 81 : i32
    %scan3A_18 = arith.addi %scan3A, %scan3A_17 : i32
    %scan3A_19 = arith.constant 1 : i32
    scf.for %scan3A_29 = %scan3A to %scan3A_18 step %scan3A_19  : i32 {
      %mul3A_30 = arith.constant 1 : i32
      %mul3A_31 = arith.muli %scan3A_29, %mul3A_30 : i32
      %add3A_32 = arith.constant 0 : i32
      %add3A_33 = arith.addi %add3A_32, %mul3A_31 : i32
      %mul3A_34 = arith.constant 2 : i32
      %mul3A_35 = arith.muli %add3A_33, %mul3A_34 : i32
      %add3A_36 = arith.constant 0 : i32
      %add3A_37 = arith.addi %mul3A_35, %add3A_36 : i32
      %gt3A = arith.constant 0 : i32
      %gt3A_38 = arith.cmpi sgt, %add3A_33, %gt3A : i32
      %convert_element_type3A = arith.extui %gt3A_38 : i1 to i32
      %cond3A = arith.constant 0 : i32
      %cond3A_39 = arith.cmpi ne, %convert_element_type3A, %cond3A : i32
      scf.if %cond3A_39 {
        %dma_wait3A_162 = arith.constant 0 : i32
        %dma_wait3A_163 = arith.constant 0 : i32
        %dma_wait3A_164 = tpu.memref_slice %arg31[%dma_wait3A_162, %dma_wait3A_163] : memref<10112x128xf32, #tpu.memory_space<vmem_shared>> -> memref<10112x128xf32, #tpu.memory_space<vmem_shared>>
        tpu.wait_indirect_dma semaphore(%arg29 : memref<!tpu.dma_semaphore, #tpu.memory_space<semaphore_mem>>) src(%arg23 : memref<128x128xf32, #tpu.memory_space<vmem>>) dst(%dma_wait3A_164 : memref<10112x128xf32, #tpu.memory_space<vmem_shared>>)
      } else {
      }
      %dma_wait3A_40 = arith.constant 0 : i32
      %dma_wait3A_41 = tpu.memref_slice %arg2[%dma_wait3A_40] : memref<331776xi32, #tpu.memory_space<hbm>> -> memref<128xi32, #tpu.memory_space<hbm>>
      %dma_wait3A_42 = arith.constant 0 : i32
      %dma_wait3A_43 = tpu.memref_slice %arg2[%dma_wait3A_42] : memref<331776xi32, #tpu.memory_space<hbm>> -> memref<128xi32, #tpu.memory_space<hbm>>
      tpu.wait_dma2 semaphore(%arg25 : memref<!tpu.dma_semaphore, #tpu.memory_space<semaphore_mem>>) src(%dma_wait3A_43 : memref<128xi32, #tpu.memory_space<hbm>>) dst(%arg9 : memref<128xi32, #tpu.memory_space<vmem>>)
      %dma_wait3A_44 = arith.constant 0 : i32
      %dma_wait3A_45 = tpu.memref_slice %arg3[%dma_wait3A_44] : memref<331776xi32, #tpu.memory_space<hbm>> -> memref<128xi32, #tpu.memory_space<hbm>>
      %dma_wait3A_46 = arith.constant 0 : i32
      %dma_wait3A_47 = tpu.memref_slice %arg3[%dma_wait3A_46] : memref<331776xi32, #tpu.memory_space<hbm>> -> memref<128xi32, #tpu.memory_space<hbm>>
      tpu.wait_dma2 semaphore(%arg25 : memref<!tpu.dma_semaphore, #tpu.memory_space<semaphore_mem>>) src(%dma_wait3A_47 : memref<128xi32, #tpu.memory_space<hbm>>) dst(%arg11 : memref<128xi32, #tpu.memory_space<vmem>>)
      %scan3A_48 = arith.constant 0 : i32
      %scan3A_49 = arith.constant 8 : i32
      %scan3A_50 = arith.addi %scan3A_48, %scan3A_49 : i32
      %scan3A_51 = arith.constant 1 : i32
      scf.for %scan3A_162 = %scan3A_48 to %scan3A_50 step %scan3A_51  : i32 {
        %mul3A_163 = arith.constant 1 : i32
        %mul3A_164 = arith.muli %scan3A_162, %mul3A_163 : i32
        %add3A_165 = arith.constant 0 : i32
        %add3A_166 = arith.addi %add3A_165, %mul3A_164 : i32
        %mul3A_167 = arith.constant 16 : i32
        %mul3A_168 = arith.muli %add3A_166, %mul3A_167 : i32
        %get3A = arith.index_cast %mul3A_168 : i32 to index
        %get3A_169 = tpu.vector_load %arg9[%get3A] {strides = array<i32>} : memref<128xi32, #tpu.memory_space<vmem>>, vector<16xi32>,
        %get3A_170 = arith.index_cast %mul3A_168 : i32 to index
        %get3A_171 = tpu.vector_load %arg11[%get3A_170] {strides = array<i32>} : memref<128xi32, #tpu.memory_space<vmem>>, vector<16xi32>,
        %mul3A_172 = arith.constant 2 : i32
        %mul3A_173 = vector.broadcast %mul3A_172 : i32 to vector<16xi32>
        %mul3A_174 = arith.muli %get3A_169, %mul3A_173 : vector<16xi32>
        %add3A_175 = vector.broadcast %arg0 : i32 to vector<16xi32>
        %add3A_176 = arith.addi %mul3A_174, %add3A_175 : vector<16xi32>
        %swap3A = arith.index_cast %mul3A_168 : i32 to index
        %swap3A_177 = tpu.vector_load %arg13[%swap3A] {strides = array<i32>} : memref<128xi32, #tpu.memory_space<vmem>>, vector<16xi32>,
        tpu.vector_store %arg13[%swap3A], %add3A_176 {strides = array<i32>} : memref<128xi32, #tpu.memory_space<vmem>>, vector<16xi32>,
        %mul3A_178 = arith.constant 10112 : i32
        %mul3A_179 = arith.muli %arg0, %mul3A_178 : i32
        %add3A_180 = vector.broadcast %mul3A_179 : i32 to vector<16xi32>
        %add3A_181 = arith.addi %get3A_171, %add3A_180 : vector<16xi32>
        %swap3A_182 = arith.index_cast %mul3A_168 : i32 to index
        %swap3A_183 = tpu.vector_load %arg15[%swap3A_182] {strides = array<i32>} : memref<128xi32, #tpu.memory_space<vmem>>, vector<16xi32>,
        tpu.vector_store %arg15[%swap3A_182], %add3A_181 {strides = array<i32>} : memref<128xi32, #tpu.memory_space<vmem>>, vector<16xi32>,
        %swap3A_184 = arith.index_cast %mul3A_168 : i32 to index
        %swap3A_185 = tpu.vector_load %arg17[%swap3A_184] {strides = array<i32>} : memref<128xi32, #tpu.memory_space<vmem>>, vector<16xi32>,
        tpu.vector_store %arg17[%swap3A_184], %get3A_171 {strides = array<i32>} : memref<128xi32, #tpu.memory_space<vmem>>, vector<16xi32>,
      }
      %scan3A_52 = arith.constant 8 : i32
      %mul3A_53 = arith.constant 20736 : i32
      %mul3A_54 = arith.muli %arg1, %mul3A_53 : i32
      %mul3A_55 = arith.constant 128 : i32
      %mul3A_56 = arith.muli %add3A_37, %mul3A_55 : i32
      %add3A_57 = arith.addi %mul3A_54, %mul3A_56 : i32
      %dma_start3A_58 = arith.constant 0 : i32
      %dma_start3A_59 = tpu.memref_slice %arg4[%arg0, %add3A_57, %dma_start3A_58] : memref<2x331776x8xf32, #tpu.memory_space<hbm>> -> memref<1x128x8xf32, #tpu.memory_space<hbm>>
      %dma_start3A_60 = tpu.memref_squeeze %dma_start3A_59 : memref<1x128x8xf32, #tpu.memory_space<hbm>> -> memref<128x8xf32, #tpu.memory_space<hbm>>
      %dma_start3A_61 = arith.constant 0 : i32
      %dma_start3A_62 = tpu.memref_slice %arg4[%arg0, %add3A_57, %dma_start3A_61] : memref<2x331776x8xf32, #tpu.memory_space<hbm>> -> memref<1x128x8xf32, #tpu.memory_space<hbm>>
      %dma_start3A_63 = tpu.memref_squeeze %dma_start3A_62 : memref<1x128x8xf32, #tpu.memory_space<hbm>> -> memref<128x8xf32, #tpu.memory_space<hbm>>
      tpu.enqueue_dma source(%dma_start3A_63 : memref<128x8xf32, #tpu.memory_space<hbm>>) target(%arg19 : memref<128x8xf32, #tpu.memory_space<vmem>>) target_semaphore(%arg27 : memref<!tpu.dma_semaphore, #tpu.memory_space<semaphore_mem>>)
      %dma_start3A_64 = arith.constant 0 : i32
      %dma_start3A_65 = arith.constant 0 : i32
      %dma_start3A_66 = tpu.memref_slice %arg6[%dma_start3A_64, %dma_start3A_65] : memref<20224x128xf32, #tpu.memory_space<hbm>> -> memref<20224x128xf32, #tpu.memory_space<hbm>>
      tpu.enqueue_indirect_dma source(%dma_start3A_66 : memref<20224x128xf32, #tpu.memory_space<hbm>>) target(%arg23 : memref<128x128xf32, #tpu.memory_space<vmem>>) offsets(%arg13 : memref<128xi32, #tpu.memory_space<vmem>>) semaphore(%arg27 : memref<!tpu.dma_semaphore, #tpu.memory_space<semaphore_mem>>)
      %dma_start3A_67 = arith.constant 0 : i32
      %dma_start3A_68 = arith.constant 0 : i32
      %dma_start3A_69 = tpu.memref_slice %arg5[%dma_start3A_67, %dma_start3A_68] : memref<20224x8xf32, #tpu.memory_space<hbm>> -> memref<20224x8xf32, #tpu.memory_space<hbm>>
      tpu.enqueue_indirect_dma source(%dma_start3A_69 : memref<20224x8xf32, #tpu.memory_space<hbm>>) target(%arg21 : memref<128x8xf32, #tpu.memory_space<vmem>>) offsets(%arg15 : memref<128xi32, #tpu.memory_space<vmem>>) semaphore(%arg27 : memref<!tpu.dma_semaphore, #tpu.memory_space<semaphore_mem>>)
      %add3A_70 = arith.constant 2 : i32
      %add3A_71 = arith.addi %add3A_37, %add3A_70 : i32
      %lt3A = arith.constant 162 : i32
      %lt3A_72 = arith.cmpi slt, %add3A_71, %lt3A : i32
      %convert_element_type3A_73 = arith.extui %lt3A_72 : i1 to i32
      %cond3A_74 = arith.constant 0 : i32
      %cond3A_75 = arith.cmpi ne, %convert_element_type3A_73, %cond3A_74 : i32
      scf.if %cond3A_75 {
        %add3A_162 = arith.constant 2 : i32
        %add3A_163 = arith.addi %add3A_37, %add3A_162 : i32
        %mul3A_164 = arith.constant 20736 : i32
        %mul3A_165 = arith.muli %arg1, %mul3A_164 : i32
        %mul3A_166 = arith.constant 128 : i32
        %mul3A_167 = arith.muli %add3A_163, %mul3A_166 : i32
        %add3A_168 = arith.addi %mul3A_165, %mul3A_167 : i32
        %dma_start3A_169 = tpu.memref_slice %arg2[%add3A_168] : memref<331776xi32, #tpu.memory_space<hbm>> -> memref<128xi32, #tpu.memory_space<hbm>>
        %dma_start3A_170 = tpu.memref_slice %arg2[%add3A_168] : memref<331776xi32, #tpu.memory_space<hbm>> -> memref<128xi32, #tpu.memory_space<hbm>>
        tpu.enqueue_dma source(%dma_start3A_170 : memref<128xi32, #tpu.memory_space<hbm>>) target(%arg9 : memref<128xi32, #tpu.memory_space<vmem>>) target_semaphore(%arg25 : memref<!tpu.dma_semaphore, #tpu.memory_space<semaphore_mem>>)
        %dma_start3A_171 = tpu.memref_slice %arg3[%add3A_168] : memref<331776xi32, #tpu.memory_space<hbm>> -> memref<128xi32, #tpu.memory_space<hbm>>
        %dma_start3A_172 = tpu.memref_slice %arg3[%add3A_168] : memref<331776xi32, #tpu.memory_space<hbm>> -> memref<128xi32, #tpu.memory_space<hbm>>
        tpu.enqueue_dma source(%dma_start3A_172 : memref<128xi32, #tpu.memory_space<hbm>>) target(%arg11 : memref<128xi32, #tpu.memory_space<vmem>>) target_semaphore(%arg25 : memref<!tpu.dma_semaphore, #tpu.memory_space<semaphore_mem>>)
      } else {
      }
      %mul3A_76 = arith.constant 2 : i32
      %mul3A_77 = arith.muli %add3A_33, %mul3A_76 : i32
      %add3A_78 = arith.constant 1 : i32
      %add3A_79 = arith.addi %mul3A_77, %add3A_78 : i32
      %gt3A_80 = arith.constant 0 : i32
      %gt3A_81 = arith.cmpi sgt, %add3A_33, %gt3A_80 : i32
      %convert_element_type3A_82 = arith.extui %gt3A_81 : i1 to i32
      %cond3A_83 = arith.constant 0 : i32
      %cond3A_84 = arith.cmpi ne, %convert_element_type3A_82, %cond3A_83 : i32
      scf.if %cond3A_84 {
        %dma_wait3A_162 = arith.constant 0 : i32
        %dma_wait3A_163 = arith.constant 0 : i32
        %dma_wait3A_164 = tpu.memref_slice %arg31[%dma_wait3A_162, %dma_wait3A_163] : memref<10112x128xf32, #tpu.memory_space<vmem_shared>> -> memref<10112x128xf32, #tpu.memory_space<vmem_shared>>
        tpu.wait_indirect_dma semaphore(%arg30 : memref<!tpu.dma_semaphore, #tpu.memory_space<semaphore_mem>>) src(%arg24 : memref<128x128xf32, #tpu.memory_space<vmem>>) dst(%dma_wait3A_164 : memref<10112x128xf32, #tpu.memory_space<vmem_shared>>)
      } else {
      }
      %dma_wait3A_85 = arith.constant 0 : i32
      %dma_wait3A_86 = tpu.memref_slice %arg2[%dma_wait3A_85] : memref<331776xi32, #tpu.memory_space<hbm>> -> memref<128xi32, #tpu.memory_space<hbm>>
      %dma_wait3A_87 = arith.constant 0 : i32
      %dma_wait3A_88 = tpu.memref_slice %arg2[%dma_wait3A_87] : memref<331776xi32, #tpu.memory_space<hbm>> -> memref<128xi32, #tpu.memory_space<hbm>>
      tpu.wait_dma2 semaphore(%arg26 : memref<!tpu.dma_semaphore, #tpu.memory_space<semaphore_mem>>) src(%dma_wait3A_88 : memref<128xi32, #tpu.memory_space<hbm>>) dst(%arg10 : memref<128xi32, #tpu.memory_space<vmem>>)
      %dma_wait3A_89 = arith.constant 0 : i32
      %dma_wait3A_90 = tpu.memref_slice %arg3[%dma_wait3A_89] : memref<331776xi32, #tpu.memory_space<hbm>> -> memref<128xi32, #tpu.memory_space<hbm>>
      %dma_wait3A_91 = arith.constant 0 : i32
      %dma_wait3A_92 = tpu.memref_slice %arg3[%dma_wait3A_91] : memref<331776xi32, #tpu.memory_space<hbm>> -> memref<128xi32, #tpu.memory_space<hbm>>
      tpu.wait_dma2 semaphore(%arg26 : memref<!tpu.dma_semaphore, #tpu.memory_space<semaphore_mem>>) src(%dma_wait3A_92 : memref<128xi32, #tpu.memory_space<hbm>>) dst(%arg12 : memref<128xi32, #tpu.memory_space<vmem>>)
      %scan3A_93 = arith.constant 0 : i32
      %scan3A_94 = arith.constant 8 : i32
      %scan3A_95 = arith.addi %scan3A_93, %scan3A_94 : i32
      %scan3A_96 = arith.constant 1 : i32
      scf.for %scan3A_162 = %scan3A_93 to %scan3A_95 step %scan3A_96  : i32 {
        %mul3A_163 = arith.constant 1 : i32
        %mul3A_164 = arith.muli %scan3A_162, %mul3A_163 : i32
        %add3A_165 = arith.constant 0 : i32
        %add3A_166 = arith.addi %add3A_165, %mul3A_164 : i32
        %mul3A_167 = arith.constant 16 : i32
        %mul3A_168 = arith.muli %add3A_166, %mul3A_167 : i32
        %get3A = arith.index_cast %mul3A_168 : i32 to index
        %get3A_169 = tpu.vector_load %arg10[%get3A] {strides = array<i32>} : memref<128xi32, #tpu.memory_space<vmem>>, vector<16xi32>,
        %get3A_170 = arith.index_cast %mul3A_168 : i32 to index
        %get3A_171 = tpu.vector_load %arg12[%get3A_170] {strides = array<i32>} : memref<128xi32, #tpu.memory_space<vmem>>, vector<16xi32>,
        %mul3A_172 = arith.constant 2 : i32
        %mul3A_173 = vector.broadcast %mul3A_172 : i32 to vector<16xi32>
        %mul3A_174 = arith.muli %get3A_169, %mul3A_173 : vector<16xi32>
        %add3A_175 = vector.broadcast %arg0 : i32 to vector<16xi32>
        %add3A_176 = arith.addi %mul3A_174, %add3A_175 : vector<16xi32>
        %swap3A = arith.index_cast %mul3A_168 : i32 to index
        %swap3A_177 = tpu.vector_load %arg14[%swap3A] {strides = array<i32>} : memref<128xi32, #tpu.memory_space<vmem>>, vector<16xi32>,
        tpu.vector_store %arg14[%swap3A], %add3A_176 {strides = array<i32>} : memref<128xi32, #tpu.memory_space<vmem>>, vector<16xi32>,
        %mul3A_178 = arith.constant 10112 : i32
        %mul3A_179 = arith.muli %arg0, %mul3A_178 : i32
        %add3A_180 = vector.broadcast %mul3A_179 : i32 to vector<16xi32>
        %add3A_181 = arith.addi %get3A_171, %add3A_180 : vector<16xi32>
        %swap3A_182 = arith.index_cast %mul3A_168 : i32 to index
        %swap3A_183 = tpu.vector_load %arg16[%swap3A_182] {strides = array<i32>} : memref<128xi32, #tpu.memory_space<vmem>>, vector<16xi32>,
        tpu.vector_store %arg16[%swap3A_182], %add3A_181 {strides = array<i32>} : memref<128xi32, #tpu.memory_space<vmem>>, vector<16xi32>,
        %swap3A_184 = arith.index_cast %mul3A_168 : i32 to index
        %swap3A_185 = tpu.vector_load %arg18[%swap3A_184] {strides = array<i32>} : memref<128xi32, #tpu.memory_space<vmem>>, vector<16xi32>,
        tpu.vector_store %arg18[%swap3A_184], %get3A_171 {strides = array<i32>} : memref<128xi32, #tpu.memory_space<vmem>>, vector<16xi32>,
      }
      %scan3A_97 = arith.constant 8 : i32
      %mul3A_98 = arith.constant 20736 : i32
      %mul3A_99 = arith.muli %arg1, %mul3A_98 : i32
      %mul3A_100 = arith.constant 128 : i32
      %mul3A_101 = arith.muli %add3A_79, %mul3A_100 : i32
      %add3A_102 = arith.addi %mul3A_99, %mul3A_101 : i32
      %dma_start3A_103 = arith.constant 0 : i32
      %dma_start3A_104 = tpu.memref_slice %arg4[%arg0, %add3A_102, %dma_start3A_103] : memref<2x331776x8xf32, #tpu.memory_space<hbm>> -> memref<1x128x8xf32, #tpu.memory_space<hbm>>
      %dma_start3A_105 = tpu.memref_squeeze %dma_start3A_104 : memref<1x128x8xf32, #tpu.memory_space<hbm>> -> memref<128x8xf32, #tpu.memory_space<hbm>>
      %dma_start3A_106 = arith.constant 0 : i32
      %dma_start3A_107 = tpu.memref_slice %arg4[%arg0, %add3A_102, %dma_start3A_106] : memref<2x331776x8xf32, #tpu.memory_space<hbm>> -> memref<1x128x8xf32, #tpu.memory_space<hbm>>
      %dma_start3A_108 = tpu.memref_squeeze %dma_start3A_107 : memref<1x128x8xf32, #tpu.memory_space<hbm>> -> memref<128x8xf32, #tpu.memory_space<hbm>>
      tpu.enqueue_dma source(%dma_start3A_108 : memref<128x8xf32, #tpu.memory_space<hbm>>) target(%arg20 : memref<128x8xf32, #tpu.memory_space<vmem>>) target_semaphore(%arg28 : memref<!tpu.dma_semaphore, #tpu.memory_space<semaphore_mem>>)
      %dma_start3A_109 = arith.constant 0 : i32
      %dma_start3A_110 = arith.constant 0 : i32
      %dma_start3A_111 = tpu.memref_slice %arg6[%dma_start3A_109, %dma_start3A_110] : memref<20224x128xf32, #tpu.memory_space<hbm>> -> memref<20224x128xf32, #tpu.memory_space<hbm>>
      tpu.enqueue_indirect_dma source(%dma_start3A_111 : memref<20224x128xf32, #tpu.memory_space<hbm>>) target(%arg24 : memref<128x128xf32, #tpu.memory_space<vmem>>) offsets(%arg14 : memref<128xi32, #tpu.memory_space<vmem>>) semaphore(%arg28 : memref<!tpu.dma_semaphore, #tpu.memory_space<semaphore_mem>>)
      %dma_start3A_112 = arith.constant 0 : i32
      %dma_start3A_113 = arith.constant 0 : i32
      %dma_start3A_114 = tpu.memref_slice %arg5[%dma_start3A_112, %dma_start3A_113] : memref<20224x8xf32, #tpu.memory_space<hbm>> -> memref<20224x8xf32, #tpu.memory_space<hbm>>
      tpu.enqueue_indirect_dma source(%dma_start3A_114 : memref<20224x8xf32, #tpu.memory_space<hbm>>) target(%arg22 : memref<128x8xf32, #tpu.memory_space<vmem>>) offsets(%arg16 : memref<128xi32, #tpu.memory_space<vmem>>) semaphore(%arg28 : memref<!tpu.dma_semaphore, #tpu.memory_space<semaphore_mem>>)
      %add3A_115 = arith.constant 2 : i32
      %add3A_116 = arith.addi %add3A_79, %add3A_115 : i32
      %lt3A_117 = arith.constant 162 : i32
      %lt3A_118 = arith.cmpi slt, %add3A_116, %lt3A_117 : i32
      %convert_element_type3A_119 = arith.extui %lt3A_118 : i1 to i32
      %cond3A_120 = arith.constant 0 : i32
      %cond3A_121 = arith.cmpi ne, %convert_element_type3A_119, %cond3A_120 : i32
      scf.if %cond3A_121 {
        %add3A_162 = arith.constant 2 : i32
        %add3A_163 = arith.addi %add3A_79, %add3A_162 : i32
        %mul3A_164 = arith.constant 20736 : i32
        %mul3A_165 = arith.muli %arg1, %mul3A_164 : i32
        %mul3A_166 = arith.constant 128 : i32
        %mul3A_167 = arith.muli %add3A_163, %mul3A_166 : i32
        %add3A_168 = arith.addi %mul3A_165, %mul3A_167 : i32
        %dma_start3A_169 = tpu.memref_slice %arg2[%add3A_168] : memref<331776xi32, #tpu.memory_space<hbm>> -> memref<128xi32, #tpu.memory_space<hbm>>
        %dma_start3A_170 = tpu.memref_slice %arg2[%add3A_168] : memref<331776xi32, #tpu.memory_space<hbm>> -> memref<128xi32, #tpu.memory_space<hbm>>
        tpu.enqueue_dma source(%dma_start3A_170 : memref<128xi32, #tpu.memory_space<hbm>>) target(%arg10 : memref<128xi32, #tpu.memory_space<vmem>>) target_semaphore(%arg26 : memref<!tpu.dma_semaphore, #tpu.memory_space<semaphore_mem>>)
        %dma_start3A_171 = tpu.memref_slice %arg3[%add3A_168] : memref<331776xi32, #tpu.memory_space<hbm>> -> memref<128xi32, #tpu.memory_space<hbm>>
        %dma_start3A_172 = tpu.memref_slice %arg3[%add3A_168] : memref<331776xi32, #tpu.memory_space<hbm>> -> memref<128xi32, #tpu.memory_space<hbm>>
        tpu.enqueue_dma source(%dma_start3A_172 : memref<128xi32, #tpu.memory_space<hbm>>) target(%arg12 : memref<128xi32, #tpu.memory_space<vmem>>) target_semaphore(%arg26 : memref<!tpu.dma_semaphore, #tpu.memory_space<semaphore_mem>>)
      } else {
      }
      %dma_wait3A_122 = arith.constant 0 : i32
      %dma_wait3A_123 = tpu.memref_slice %arg4[%arg0, %add3A_57, %dma_wait3A_122] : memref<2x331776x8xf32, #tpu.memory_space<hbm>> -> memref<1x128x8xf32, #tpu.memory_space<hbm>>
      %dma_wait3A_124 = tpu.memref_squeeze %dma_wait3A_123 : memref<1x128x8xf32, #tpu.memory_space<hbm>> -> memref<128x8xf32, #tpu.memory_space<hbm>>
      %dma_wait3A_125 = arith.constant 0 : i32
      %dma_wait3A_126 = tpu.memref_slice %arg4[%arg0, %add3A_57, %dma_wait3A_125] : memref<2x331776x8xf32, #tpu.memory_space<hbm>> -> memref<1x128x8xf32, #tpu.memory_space<hbm>>
      %dma_wait3A_127 = tpu.memref_squeeze %dma_wait3A_126 : memref<1x128x8xf32, #tpu.memory_space<hbm>> -> memref<128x8xf32, #tpu.memory_space<hbm>>
      tpu.wait_dma2 semaphore(%arg27 : memref<!tpu.dma_semaphore, #tpu.memory_space<semaphore_mem>>) src(%dma_wait3A_127 : memref<128x8xf32, #tpu.memory_space<hbm>>) dst(%arg19 : memref<128x8xf32, #tpu.memory_space<vmem>>)
      %dma_wait3A_128 = arith.constant 0 : i32
      %dma_wait3A_129 = arith.constant 0 : i32
      %dma_wait3A_130 = tpu.memref_slice %arg6[%dma_wait3A_128, %dma_wait3A_129] : memref<20224x128xf32, #tpu.memory_space<hbm>> -> memref<20224x128xf32, #tpu.memory_space<hbm>>
      tpu.wait_indirect_dma semaphore(%arg27 : memref<!tpu.dma_semaphore, #tpu.memory_space<semaphore_mem>>) src(%dma_wait3A_130 : memref<20224x128xf32, #tpu.memory_space<hbm>>) dst(%arg23 : memref<128x128xf32, #tpu.memory_space<vmem>>)
      %dma_wait3A_131 = arith.constant 0 : i32
      %dma_wait3A_132 = arith.constant 0 : i32
      %dma_wait3A_133 = tpu.memref_slice %arg5[%dma_wait3A_131, %dma_wait3A_132] : memref<20224x8xf32, #tpu.memory_space<hbm>> -> memref<20224x8xf32, #tpu.memory_space<hbm>>
      tpu.wait_indirect_dma semaphore(%arg27 : memref<!tpu.dma_semaphore, #tpu.memory_space<semaphore_mem>>) src(%dma_wait3A_133 : memref<20224x8xf32, #tpu.memory_space<hbm>>) dst(%arg21 : memref<128x8xf32, #tpu.memory_space<vmem>>)
      %scan3A_134 = arith.constant 0 : i32
      %scan3A_135 = arith.constant 128 : i32
      %scan3A_136 = arith.addi %scan3A_134, %scan3A_135 : i32
      %scan3A_137 = arith.constant 1 : i32
      scf.for %scan3A_162 = %scan3A_134 to %scan3A_136 step %scan3A_137  : i32 {
        %mul3A_163 = arith.constant 1 : i32
        %mul3A_164 = arith.muli %scan3A_162, %mul3A_163 : i32
        %add3A_165 = arith.constant 0 : i32
        %add3A_166 = arith.addi %add3A_165, %mul3A_164 : i32
        %broadcast_in_dim3A = vector.broadcast %add3A_166 : i32 to vector<16xi32>
        %gather3A = tpu.vector_load_idx %arg19[%broadcast_in_dim3A, %and3A_2] : memref<128x8xf32, #tpu.memory_space<vmem>>[vector<16xi32>, vector<16xi32>], vector<16xf32>,
        %gather3A_167 = tpu.vector_load_idx %arg21[%broadcast_in_dim3A, %and3A_2] : memref<128x8xf32, #tpu.memory_space<vmem>>[vector<16xi32>, vector<16xi32>], vector<16xf32>,
        %mul3A_168 = arith.mulf %gather3A, %gather3A_167 : vector<16xf32>
        %slice3A = vector.extract_strided_slice %mul3A_168 {offsets = [0], sizes = [1], strides = [1]} : vector<16xf32> to vector<1xf32>
        %squeeze3A = vector.extract %slice3A[0] : f32 from vector<1xf32>
        %broadcast_in_dim3A_169 = vector.broadcast %squeeze3A : f32 to vector<16xf32>
        %get3A = arith.index_cast %add3A_166 : i32 to index
        %get3A_170 = arith.constant 0 : index
        %get3A_171 = tpu.vector_load %arg23[%get3A, %get3A_170] {strides = array<i32>} : memref<128x128xf32, #tpu.memory_space<vmem>>, vector<16xf32>,
        %mul3A_172 = arith.mulf %get3A_171, %broadcast_in_dim3A_169 : vector<16xf32>
        %swap3A = arith.index_cast %add3A_166 : i32 to index
        %swap3A_173 = arith.constant 0 : index
        %swap3A_174 = tpu.vector_load %arg23[%swap3A, %swap3A_173] {strides = array<i32>} : memref<128x128xf32, #tpu.memory_space<vmem>>, vector<16xf32>,
        tpu.vector_store %arg23[%swap3A, %swap3A_173], %mul3A_172 {strides = array<i32>} : memref<128x128xf32, #tpu.memory_space<vmem>>, vector<16xf32>,
        %get3A_175 = arith.index_cast %add3A_166 : i32 to index
        %get3A_176 = arith.constant 16 : index
        %get3A_177 = tpu.vector_load %arg23[%get3A_175, %get3A_176] {strides = array<i32>} : memref<128x128xf32, #tpu.memory_space<vmem>>, vector<16xf32>,
        %mul3A_178 = arith.mulf %get3A_177, %broadcast_in_dim3A_169 : vector<16xf32>
        %swap3A_179 = arith.index_cast %add3A_166 : i32 to index
        %swap3A_180 = arith.constant 16 : index
        %swap3A_181 = tpu.vector_load %arg23[%swap3A_179, %swap3A_180] {strides = array<i32>} : memref<128x128xf32, #tpu.memory_space<vmem>>, vector<16xf32>,
        tpu.vector_store %arg23[%swap3A_179, %swap3A_180], %mul3A_178 {strides = array<i32>} : memref<128x128xf32, #tpu.memory_space<vmem>>, vector<16xf32>,
        %slice3A_182 = vector.extract_strided_slice %mul3A_168 {offsets = [1], sizes = [1], strides = [1]} : vector<16xf32> to vector<1xf32>
        %squeeze3A_183 = vector.extract %slice3A_182[0] : f32 from vector<1xf32>
        %broadcast_in_dim3A_184 = vector.broadcast %squeeze3A_183 : f32 to vector<16xf32>
        %get3A_185 = arith.index_cast %add3A_166 : i32 to index
        %get3A_186 = arith.constant 32 : index
        %get3A_187 = tpu.vector_load %arg23[%get3A_185, %get3A_186] {strides = array<i32>} : memref<128x128xf32, #tpu.memory_space<vmem>>, vector<16xf32>,
        %mul3A_188 = arith.mulf %get3A_187, %broadcast_in_dim3A_184 : vector<16xf32>
        %swap3A_189 = arith.index_cast %add3A_166 : i32 to index
        %swap3A_190 = arith.constant 32 : index
        %swap3A_191 = tpu.vector_load %arg23[%swap3A_189, %swap3A_190] {strides = array<i32>} : memref<128x128xf32, #tpu.memory_space<vmem>>, vector<16xf32>,
        tpu.vector_store %arg23[%swap3A_189, %swap3A_190], %mul3A_188 {strides = array<i32>} : memref<128x128xf32, #tpu.memory_space<vmem>>, vector<16xf32>,
        %get3A_192 = arith.index_cast %add3A_166 : i32 to index
        %get3A_193 = arith.constant 48 : index
        %get3A_194 = tpu.vector_load %arg23[%get3A_192, %get3A_193] {strides = array<i32>} : memref<128x128xf32, #tpu.memory_space<vmem>>, vector<16xf32>,
        %mul3A_195 = arith.mulf %get3A_194, %broadcast_in_dim3A_184 : vector<16xf32>
        %swap3A_196 = arith.index_cast %add3A_166 : i32 to index
        %swap3A_197 = arith.constant 48 : index
        %swap3A_198 = tpu.vector_load %arg23[%swap3A_196, %swap3A_197] {strides = array<i32>} : memref<128x128xf32, #tpu.memory_space<vmem>>, vector<16xf32>,
        tpu.vector_store %arg23[%swap3A_196, %swap3A_197], %mul3A_195 {strides = array<i32>} : memref<128x128xf32, #tpu.memory_space<vmem>>, vector<16xf32>,
        %slice3A_199 = vector.extract_strided_slice %mul3A_168 {offsets = [2], sizes = [1], strides = [1]} : vector<16xf32> to vector<1xf32>
        %squeeze3A_200 = vector.extract %slice3A_199[0] : f32 from vector<1xf32>
        %broadcast_in_dim3A_201 = vector.broadcast %squeeze3A_200 : f32 to vector<16xf32>
        %get3A_202 = arith.index_cast %add3A_166 : i32 to index
        %get3A_203 = arith.constant 64 : index
        %get3A_204 = tpu.vector_load %arg23[%get3A_202, %get3A_203] {strides = array<i32>} : memref<128x128xf32, #tpu.memory_space<vmem>>, vector<16xf32>,
        %mul3A_205 = arith.mulf %get3A_204, %broadcast_in_dim3A_201 : vector<16xf32>
        %swap3A_206 = arith.index_cast %add3A_166 : i32 to index
        %swap3A_207 = arith.constant 64 : index
        %swap3A_208 = tpu.vector_load %arg23[%swap3A_206, %swap3A_207] {strides = array<i32>} : memref<128x128xf32, #tpu.memory_space<vmem>>, vector<16xf32>,
        tpu.vector_store %arg23[%swap3A_206, %swap3A_207], %mul3A_205 {strides = array<i32>} : memref<128x128xf32, #tpu.memory_space<vmem>>, vector<16xf32>,
        %get3A_209 = arith.index_cast %add3A_166 : i32 to index
        %get3A_210 = arith.constant 80 : index
        %get3A_211 = tpu.vector_load %arg23[%get3A_209, %get3A_210] {strides = array<i32>} : memref<128x128xf32, #tpu.memory_space<vmem>>, vector<16xf32>,
        %mul3A_212 = arith.mulf %get3A_211, %broadcast_in_dim3A_201 : vector<16xf32>
        %swap3A_213 = arith.index_cast %add3A_166 : i32 to index
        %swap3A_214 = arith.constant 80 : index
        %swap3A_215 = tpu.vector_load %arg23[%swap3A_213, %swap3A_214] {strides = array<i32>} : memref<128x128xf32, #tpu.memory_space<vmem>>, vector<16xf32>,
        tpu.vector_store %arg23[%swap3A_213, %swap3A_214], %mul3A_212 {strides = array<i32>} : memref<128x128xf32, #tpu.memory_space<vmem>>, vector<16xf32>,
        %slice3A_216 = vector.extract_strided_slice %mul3A_168 {offsets = [3], sizes = [1], strides = [1]} : vector<16xf32> to vector<1xf32>
        %squeeze3A_217 = vector.extract %slice3A_216[0] : f32 from vector<1xf32>
        %broadcast_in_dim3A_218 = vector.broadcast %squeeze3A_217 : f32 to vector<16xf32>
        %get3A_219 = arith.index_cast %add3A_166 : i32 to index
        %get3A_220 = arith.constant 96 : index
        %get3A_221 = tpu.vector_load %arg23[%get3A_219, %get3A_220] {strides = array<i32>} : memref<128x128xf32, #tpu.memory_space<vmem>>, vector<16xf32>,
        %mul3A_222 = arith.mulf %get3A_221, %broadcast_in_dim3A_218 : vector<16xf32>
        %swap3A_223 = arith.index_cast %add3A_166 : i32 to index
        %swap3A_224 = arith.constant 96 : index
        %swap3A_225 = tpu.vector_load %arg23[%swap3A_223, %swap3A_224] {strides = array<i32>} : memref<128x128xf32, #tpu.memory_space<vmem>>, vector<16xf32>,
        tpu.vector_store %arg23[%swap3A_223, %swap3A_224], %mul3A_222 {strides = array<i32>} : memref<128x128xf32, #tpu.memory_space<vmem>>, vector<16xf32>,
        %get3A_226 = arith.index_cast %add3A_166 : i32 to index
        %get3A_227 = arith.constant 112 : index
        %get3A_228 = tpu.vector_load %arg23[%get3A_226, %get3A_227] {strides = array<i32>} : memref<128x128xf32, #tpu.memory_space<vmem>>, vector<16xf32>,
        %mul3A_229 = arith.mulf %get3A_228, %broadcast_in_dim3A_218 : vector<16xf32>
        %swap3A_230 = arith.index_cast %add3A_166 : i32 to index
        %swap3A_231 = arith.constant 112 : index
        %swap3A_232 = tpu.vector_load %arg23[%swap3A_230, %swap3A_231] {strides = array<i32>} : memref<128x128xf32, #tpu.memory_space<vmem>>, vector<16xf32>,
        tpu.vector_store %arg23[%swap3A_230, %swap3A_231], %mul3A_229 {strides = array<i32>} : memref<128x128xf32, #tpu.memory_space<vmem>>, vector<16xf32>,
      }
      %scan3A_138 = arith.constant 128 : i32
      %dma_start3A_139 = arith.constant 0 : i32
      %dma_start3A_140 = arith.constant 0 : i32
      %dma_start3A_141 = tpu.memref_slice %arg31[%dma_start3A_139, %dma_start3A_140] : memref<10112x128xf32, #tpu.memory_space<vmem_shared>> -> memref<10112x128xf32, #tpu.memory_space<vmem_shared>>
      tpu.enqueue_indirect_dma source(%arg23 : memref<128x128xf32, #tpu.memory_space<vmem>>) target(%dma_start3A_141 : memref<10112x128xf32, #tpu.memory_space<vmem_shared>>) offsets(%arg17 : memref<128xi32, #tpu.memory_space<vmem>>) semaphore(%arg29 : memref<!tpu.dma_semaphore, #tpu.memory_space<semaphore_mem>>) {add = true}
      %dma_wait3A_142 = arith.constant 0 : i32
      %dma_wait3A_143 = tpu.memref_slice %arg4[%arg0, %add3A_102, %dma_wait3A_142] : memref<2x331776x8xf32, #tpu.memory_space<hbm>> -> memref<1x128x8xf32, #tpu.memory_space<hbm>>
      %dma_wait3A_144 = tpu.memref_squeeze %dma_wait3A_143 : memref<1x128x8xf32, #tpu.memory_space<hbm>> -> memref<128x8xf32, #tpu.memory_space<hbm>>
      %dma_wait3A_145 = arith.constant 0 : i32
      %dma_wait3A_146 = tpu.memref_slice %arg4[%arg0, %add3A_102, %dma_wait3A_145] : memref<2x331776x8xf32, #tpu.memory_space<hbm>> -> memref<1x128x8xf32, #tpu.memory_space<hbm>>
      %dma_wait3A_147 = tpu.memref_squeeze %dma_wait3A_146 : memref<1x128x8xf32, #tpu.memory_space<hbm>> -> memref<128x8xf32, #tpu.memory_space<hbm>>
      tpu.wait_dma2 semaphore(%arg28 : memref<!tpu.dma_semaphore, #tpu.memory_space<semaphore_mem>>) src(%dma_wait3A_147 : memref<128x8xf32, #tpu.memory_space<hbm>>) dst(%arg20 : memref<128x8xf32, #tpu.memory_space<vmem>>)
      %dma_wait3A_148 = arith.constant 0 : i32
      %dma_wait3A_149 = arith.constant 0 : i32
      %dma_wait3A_150 = tpu.memref_slice %arg6[%dma_wait3A_148, %dma_wait3A_149] : memref<20224x128xf32, #tpu.memory_space<hbm>> -> memref<20224x128xf32, #tpu.memory_space<hbm>>
      tpu.wait_indirect_dma semaphore(%arg28 : memref<!tpu.dma_semaphore, #tpu.memory_space<semaphore_mem>>) src(%dma_wait3A_150 : memref<20224x128xf32, #tpu.memory_space<hbm>>) dst(%arg24 : memref<128x128xf32, #tpu.memory_space<vmem>>)
      %dma_wait3A_151 = arith.constant 0 : i32
      %dma_wait3A_152 = arith.constant 0 : i32
      %dma_wait3A_153 = tpu.memref_slice %arg5[%dma_wait3A_151, %dma_wait3A_152] : memref<20224x8xf32, #tpu.memory_space<hbm>> -> memref<20224x8xf32, #tpu.memory_space<hbm>>
      tpu.wait_indirect_dma semaphore(%arg28 : memref<!tpu.dma_semaphore, #tpu.memory_space<semaphore_mem>>) src(%dma_wait3A_153 : memref<20224x8xf32, #tpu.memory_space<hbm>>) dst(%arg22 : memref<128x8xf32, #tpu.memory_space<vmem>>)
      %scan3A_154 = arith.constant 0 : i32
      %scan3A_155 = arith.constant 128 : i32
      %scan3A_156 = arith.addi %scan3A_154, %scan3A_155 : i32
      %scan3A_157 = arith.constant 1 : i32
      scf.for %scan3A_162 = %scan3A_154 to %scan3A_156 step %scan3A_157  : i32 {
        %mul3A_163 = arith.constant 1 : i32
        %mul3A_164 = arith.muli %scan3A_162, %mul3A_163 : i32
        %add3A_165 = arith.constant 0 : i32
        %add3A_166 = arith.addi %add3A_165, %mul3A_164 : i32
        %broadcast_in_dim3A = vector.broadcast %add3A_166 : i32 to vector<16xi32>
        %gather3A = tpu.vector_load_idx %arg20[%broadcast_in_dim3A, %and3A_2] : memref<128x8xf32, #tpu.memory_space<vmem>>[vector<16xi32>, vector<16xi32>], vector<16xf32>,
        %gather3A_167 = tpu.vector_load_idx %arg22[%broadcast_in_dim3A, %and3A_2] : memref<128x8xf32, #tpu.memory_space<vmem>>[vector<16xi32>, vector<16xi32>], vector<16xf32>,
        %mul3A_168 = arith.mulf %gather3A, %gather3A_167 : vector<16xf32>
        %slice3A = vector.extract_strided_slice %mul3A_168 {offsets = [0], sizes = [1], strides = [1]} : vector<16xf32> to vector<1xf32>
        %squeeze3A = vector.extract %slice3A[0] : f32 from vector<1xf32>
        %broadcast_in_dim3A_169 = vector.broadcast %squeeze3A : f32 to vector<16xf32>
        %get3A = arith.index_cast %add3A_166 : i32 to index
        %get3A_170 = arith.constant 0 : index
        %get3A_171 = tpu.vector_load %arg24[%get3A, %get3A_170] {strides = array<i32>} : memref<128x128xf32, #tpu.memory_space<vmem>>, vector<16xf32>,
        %mul3A_172 = arith.mulf %get3A_171, %broadcast_in_dim3A_169 : vector<16xf32>
        %swap3A = arith.index_cast %add3A_166 : i32 to index
        %swap3A_173 = arith.constant 0 : index
        %swap3A_174 = tpu.vector_load %arg24[%swap3A, %swap3A_173] {strides = array<i32>} : memref<128x128xf32, #tpu.memory_space<vmem>>, vector<16xf32>,
        tpu.vector_store %arg24[%swap3A, %swap3A_173], %mul3A_172 {strides = array<i32>} : memref<128x128xf32, #tpu.memory_space<vmem>>, vector<16xf32>,
        %get3A_175 = arith.index_cast %add3A_166 : i32 to index
        %get3A_176 = arith.constant 16 : index
        %get3A_177 = tpu.vector_load %arg24[%get3A_175, %get3A_176] {strides = array<i32>} : memref<128x128xf32, #tpu.memory_space<vmem>>, vector<16xf32>,
        %mul3A_178 = arith.mulf %get3A_177, %broadcast_in_dim3A_169 : vector<16xf32>
        %swap3A_179 = arith.index_cast %add3A_166 : i32 to index
        %swap3A_180 = arith.constant 16 : index
        %swap3A_181 = tpu.vector_load %arg24[%swap3A_179, %swap3A_180] {strides = array<i32>} : memref<128x128xf32, #tpu.memory_space<vmem>>, vector<16xf32>,
        tpu.vector_store %arg24[%swap3A_179, %swap3A_180], %mul3A_178 {strides = array<i32>} : memref<128x128xf32, #tpu.memory_space<vmem>>, vector<16xf32>,
        %slice3A_182 = vector.extract_strided_slice %mul3A_168 {offsets = [1], sizes = [1], strides = [1]} : vector<16xf32> to vector<1xf32>
        %squeeze3A_183 = vector.extract %slice3A_182[0] : f32 from vector<1xf32>
        %broadcast_in_dim3A_184 = vector.broadcast %squeeze3A_183 : f32 to vector<16xf32>
        %get3A_185 = arith.index_cast %add3A_166 : i32 to index
        %get3A_186 = arith.constant 32 : index
        %get3A_187 = tpu.vector_load %arg24[%get3A_185, %get3A_186] {strides = array<i32>} : memref<128x128xf32, #tpu.memory_space<vmem>>, vector<16xf32>,
        %mul3A_188 = arith.mulf %get3A_187, %broadcast_in_dim3A_184 : vector<16xf32>
        %swap3A_189 = arith.index_cast %add3A_166 : i32 to index
        %swap3A_190 = arith.constant 32 : index
        %swap3A_191 = tpu.vector_load %arg24[%swap3A_189, %swap3A_190] {strides = array<i32>} : memref<128x128xf32, #tpu.memory_space<vmem>>, vector<16xf32>,
        tpu.vector_store %arg24[%swap3A_189, %swap3A_190], %mul3A_188 {strides = array<i32>} : memref<128x128xf32, #tpu.memory_space<vmem>>, vector<16xf32>,
        %get3A_192 = arith.index_cast %add3A_166 : i32 to index
        %get3A_193 = arith.constant 48 : index
        %get3A_194 = tpu.vector_load %arg24[%get3A_192, %get3A_193] {strides = array<i32>} : memref<128x128xf32, #tpu.memory_space<vmem>>, vector<16xf32>,
        %mul3A_195 = arith.mulf %get3A_194, %broadcast_in_dim3A_184 : vector<16xf32>
        %swap3A_196 = arith.index_cast %add3A_166 : i32 to index
        %swap3A_197 = arith.constant 48 : index
        %swap3A_198 = tpu.vector_load %arg24[%swap3A_196, %swap3A_197] {strides = array<i32>} : memref<128x128xf32, #tpu.memory_space<vmem>>, vector<16xf32>,
        tpu.vector_store %arg24[%swap3A_196, %swap3A_197], %mul3A_195 {strides = array<i32>} : memref<128x128xf32, #tpu.memory_space<vmem>>, vector<16xf32>,
        %slice3A_199 = vector.extract_strided_slice %mul3A_168 {offsets = [2], sizes = [1], strides = [1]} : vector<16xf32> to vector<1xf32>
        %squeeze3A_200 = vector.extract %slice3A_199[0] : f32 from vector<1xf32>
        %broadcast_in_dim3A_201 = vector.broadcast %squeeze3A_200 : f32 to vector<16xf32>
        %get3A_202 = arith.index_cast %add3A_166 : i32 to index
        %get3A_203 = arith.constant 64 : index
        %get3A_204 = tpu.vector_load %arg24[%get3A_202, %get3A_203] {strides = array<i32>} : memref<128x128xf32, #tpu.memory_space<vmem>>, vector<16xf32>,
        %mul3A_205 = arith.mulf %get3A_204, %broadcast_in_dim3A_201 : vector<16xf32>
        %swap3A_206 = arith.index_cast %add3A_166 : i32 to index
        %swap3A_207 = arith.constant 64 : index
        %swap3A_208 = tpu.vector_load %arg24[%swap3A_206, %swap3A_207] {strides = array<i32>} : memref<128x128xf32, #tpu.memory_space<vmem>>, vector<16xf32>,
        tpu.vector_store %arg24[%swap3A_206, %swap3A_207], %mul3A_205 {strides = array<i32>} : memref<128x128xf32, #tpu.memory_space<vmem>>, vector<16xf32>,
        %get3A_209 = arith.index_cast %add3A_166 : i32 to index
        %get3A_210 = arith.constant 80 : index
        %get3A_211 = tpu.vector_load %arg24[%get3A_209, %get3A_210] {strides = array<i32>} : memref<128x128xf32, #tpu.memory_space<vmem>>, vector<16xf32>,
        %mul3A_212 = arith.mulf %get3A_211, %broadcast_in_dim3A_201 : vector<16xf32>
        %swap3A_213 = arith.index_cast %add3A_166 : i32 to index
        %swap3A_214 = arith.constant 80 : index
        %swap3A_215 = tpu.vector_load %arg24[%swap3A_213, %swap3A_214] {strides = array<i32>} : memref<128x128xf32, #tpu.memory_space<vmem>>, vector<16xf32>,
        tpu.vector_store %arg24[%swap3A_213, %swap3A_214], %mul3A_212 {strides = array<i32>} : memref<128x128xf32, #tpu.memory_space<vmem>>, vector<16xf32>,
        %slice3A_216 = vector.extract_strided_slice %mul3A_168 {offsets = [3], sizes = [1], strides = [1]} : vector<16xf32> to vector<1xf32>
        %squeeze3A_217 = vector.extract %slice3A_216[0] : f32 from vector<1xf32>
        %broadcast_in_dim3A_218 = vector.broadcast %squeeze3A_217 : f32 to vector<16xf32>
        %get3A_219 = arith.index_cast %add3A_166 : i32 to index
        %get3A_220 = arith.constant 96 : index
        %get3A_221 = tpu.vector_load %arg24[%get3A_219, %get3A_220] {strides = array<i32>} : memref<128x128xf32, #tpu.memory_space<vmem>>, vector<16xf32>,
        %mul3A_222 = arith.mulf %get3A_221, %broadcast_in_dim3A_218 : vector<16xf32>
        %swap3A_223 = arith.index_cast %add3A_166 : i32 to index
        %swap3A_224 = arith.constant 96 : index
        %swap3A_225 = tpu.vector_load %arg24[%swap3A_223, %swap3A_224] {strides = array<i32>} : memref<128x128xf32, #tpu.memory_space<vmem>>, vector<16xf32>,
        tpu.vector_store %arg24[%swap3A_223, %swap3A_224], %mul3A_222 {strides = array<i32>} : memref<128x128xf32, #tpu.memory_space<vmem>>, vector<16xf32>,
        %get3A_226 = arith.index_cast %add3A_166 : i32 to index
        %get3A_227 = arith.constant 112 : index
        %get3A_228 = tpu.vector_load %arg24[%get3A_226, %get3A_227] {strides = array<i32>} : memref<128x128xf32, #tpu.memory_space<vmem>>, vector<16xf32>,
        %mul3A_229 = arith.mulf %get3A_228, %broadcast_in_dim3A_218 : vector<16xf32>
        %swap3A_230 = arith.index_cast %add3A_166 : i32 to index
        %swap3A_231 = arith.constant 112 : index
        %swap3A_232 = tpu.vector_load %arg24[%swap3A_230, %swap3A_231] {strides = array<i32>} : memref<128x128xf32, #tpu.memory_space<vmem>>, vector<16xf32>,
        tpu.vector_store %arg24[%swap3A_230, %swap3A_231], %mul3A_229 {strides = array<i32>} : memref<128x128xf32, #tpu.memory_space<vmem>>, vector<16xf32>,
      }
      %scan3A_158 = arith.constant 128 : i32
      %dma_start3A_159 = arith.constant 0 : i32
      %dma_start3A_160 = arith.constant 0 : i32
      %dma_start3A_161 = tpu.memref_slice %arg31[%dma_start3A_159, %dma_start3A_160] : memref<10112x128xf32, #tpu.memory_space<vmem_shared>> -> memref<10112x128xf32, #tpu.memory_space<vmem_shared>>
      tpu.enqueue_indirect_dma source(%arg24 : memref<128x128xf32, #tpu.memory_space<vmem>>) target(%dma_start3A_161 : memref<10112x128xf32, #tpu.memory_space<vmem_shared>>) offsets(%arg18 : memref<128xi32, #tpu.memory_space<vmem>>) semaphore(%arg30 : memref<!tpu.dma_semaphore, #tpu.memory_space<semaphore_mem>>) {add = true}
    }
    %scan3A_20 = arith.constant 81 : i32
    %dma_wait3A = arith.constant 0 : i32
    %dma_wait3A_21 = arith.constant 0 : i32
    %dma_wait3A_22 = tpu.memref_slice %arg31[%dma_wait3A, %dma_wait3A_21] : memref<10112x128xf32, #tpu.memory_space<vmem_shared>> -> memref<10112x128xf32, #tpu.memory_space<vmem_shared>>
    tpu.wait_indirect_dma semaphore(%arg29 : memref<!tpu.dma_semaphore, #tpu.memory_space<semaphore_mem>>) src(%arg23 : memref<128x128xf32, #tpu.memory_space<vmem>>) dst(%dma_wait3A_22 : memref<10112x128xf32, #tpu.memory_space<vmem_shared>>)
    %dma_wait3A_23 = arith.constant 0 : i32
    %dma_wait3A_24 = arith.constant 0 : i32
    %dma_wait3A_25 = tpu.memref_slice %arg31[%dma_wait3A_23, %dma_wait3A_24] : memref<10112x128xf32, #tpu.memory_space<vmem_shared>> -> memref<10112x128xf32, #tpu.memory_space<vmem_shared>>
    tpu.wait_indirect_dma semaphore(%arg30 : memref<!tpu.dma_semaphore, #tpu.memory_space<semaphore_mem>>) src(%arg24 : memref<128x128xf32, #tpu.memory_space<vmem>>) dst(%dma_wait3A_25 : memref<10112x128xf32, #tpu.memory_space<vmem_shared>>)
    %barrier3A_26 = arith.constant 0 : index
    tpu.barrier barrier_id(%barrier3A_26)
    %mul3A_27 = arith.constant 128 : i32
    %mul3A_28 = arith.muli %arg0, %mul3A_27 : i32
    "tpu.region"() ({
      %run_scoped3A = tpu.sem_alloc : memref<!tpu.dma_semaphore, #tpu.memory_space<semaphore_mem>>
      %dma_start3A_29 = tpu.memref_slice %arg8[%mul3A_0, %mul3A_28] : memref<10112x256xf32, #tpu.memory_space<hbm>> -> memref<632x128xf32, #tpu.memory_space<hbm>>
      %dma_start3A_30 = arith.constant 0 : i32
      %dma_start3A_31 = tpu.memref_slice %arg31[%mul3A_0, %dma_start3A_30] : memref<10112x128xf32, #tpu.memory_space<vmem_shared>> -> memref<632x128xf32, #tpu.memory_space<vmem_shared>>
      tpu.enqueue_dma source(%dma_start3A_31 : memref<632x128xf32, #tpu.memory_space<vmem_shared>>) target(%dma_start3A_29 : memref<632x128xf32, #tpu.memory_space<hbm>>) target_semaphore(%run_scoped3A : memref<!tpu.dma_semaphore, #tpu.memory_space<semaphore_mem>>)
      %dma_wait3A_32 = tpu.memref_slice %arg8[%mul3A_0, %mul3A_28] : memref<10112x256xf32, #tpu.memory_space<hbm>> -> memref<632x128xf32, #tpu.memory_space<hbm>>
      %dma_wait3A_33 = arith.constant 0 : i32
      %dma_wait3A_34 = tpu.memref_slice %arg31[%mul3A_0, %dma_wait3A_33] : memref<10112x128xf32, #tpu.memory_space<vmem_shared>> -> memref<632x128xf32, #tpu.memory_space<vmem_shared>>
      tpu.wait_dma2 semaphore(%run_scoped3A : memref<!tpu.dma_semaphore, #tpu.memory_space<semaphore_mem>>) src(%dma_wait3A_34 : memref<632x128xf32, #tpu.memory_space<vmem_shared>>) dst(%dma_wait3A_32 : memref<632x128xf32, #tpu.memory_space<hbm>>)
      tpu.yield
    }) : () -> ()
    return
  }
}

#map = affine_map<(d0, d1) -> (0)>
#map1 = affine_map<(d0, d1) -> (0, 0, 0)>
#map2 = affine_map<(d0, d1) -> (0, 0)>
module attributes {stable_mosaic.version = 14 : i64} {
  func.func @_pb8_body(%arg0: i32, %arg1: i32, %arg2: memref<331776xi32, #tpu.memory_space<hbm>>, %arg3: memref<331776xi32, #tpu.memory_space<hbm>>, %arg4: memref<2x331776x8xf32, #tpu.memory_space<hbm>>, %arg5: memref<20224x8xf32, #tpu.memory_space<hbm>>, %arg6: memref<20224x128xf32, #tpu.memory_space<hbm>>, %arg7: memref<10112x128xf32, #tpu.memory_space<hbm>>, %arg8: memref<10112x256xf32, #tpu.memory_space<hbm>>, %arg9: memref<128xi32, #tpu.memory_space<vmem>>, %arg10: memref<128xi32, #tpu.memory_space<vmem>>, %arg11: memref<128xi32, #tpu.memory_space<vmem>>, %arg12: memref<128xi32, #tpu.memory_space<vmem>>, %arg13: memref<128xi32, #tpu.memory_space<vmem>>, %arg14: memref<128xi32, #tpu.memory_space<vmem>>, %arg15: memref<128xi32, #tpu.memory_space<vmem>>, %arg16: memref<128xi32, #tpu.memory_space<vmem>>, %arg17: memref<128xi32, #tpu.memory_space<vmem>>, %arg18: memref<128xi32, #tpu.memory_space<vmem>>, %arg19: memref<128x8xf32, #tpu.memory_space<vmem>>, %arg20: memref<128x8xf32, #tpu.memory_space<vmem>>, %arg21: memref<128x8xf32, #tpu.memory_space<vmem>>, %arg22: memref<128x8xf32, #tpu.memory_space<vmem>>, %arg23: memref<128x128xf32, #tpu.memory_space<vmem>>, %arg24: memref<128x128xf32, #tpu.memory_space<vmem>>, %arg25: memref<!tpu.dma_semaphore, #tpu.memory_space<semaphore_mem>>, %arg26: memref<!tpu.dma_semaphore, #tpu.memory_space<semaphore_mem>>, %arg27: memref<!tpu.dma_semaphore, #tpu.memory_space<semaphore_mem>>, %arg28: memref<!tpu.dma_semaphore, #tpu.memory_space<semaphore_mem>>, %arg29: memref<!tpu.dma_semaphore, #tpu.memory_space<semaphore_mem>>, %arg30: memref<!tpu.dma_semaphore, #tpu.memory_space<semaphore_mem>>, %arg31: memref<10112x128xf32, #tpu.memory_space<vmem_shared>>) attributes {dimension_semantics = [#tpu.dimension_semantics<core_parallel>, #tpu.dimension_semantics<subcore_parallel>], iteration_bounds = array<i64: 2, 16>, scalar_prefetch = 0 : i64, scratch_operands = 23 : i64, tpu.core_type = #tpu.core_type<sc_vector_subcore>, window_params = [{transform_indices = #map}, {transform_indices = #map}, {transform_indices = #map1}, {transform_indices = #map2}, {transform_indices = #map2}, {transform_indices = #map2}, {transform_indices = #map2}]} {
    %mul3A = arith.constant 632 : i32
    %mul3A_0 = arith.muli %arg1, %mul3A : i32
    "tpu.region"() ({
      %run_scoped3A = tpu.sem_alloc : memref<!tpu.dma_semaphore, #tpu.memory_space<semaphore_mem>>
      %dma_start3A_29 = arith.constant 0 : i32
      %dma_start3A_30 = tpu.memref_slice %arg31[%mul3A_0, %dma_start3A_29] : memref<10112x128xf32, #tpu.memory_space<vmem_shared>> -> memref<632x128xf32, #tpu.memory_space<vmem_shared>>
      %dma_start3A_31 = arith.constant 0 : i32
      %dma_start3A_32 = tpu.memref_slice %arg7[%mul3A_0, %dma_start3A_31] : memref<10112x128xf32, #tpu.memory_space<hbm>> -> memref<632x128xf32, #tpu.memory_space<hbm>>
      tpu.enqueue_dma source(%dma_start3A_32 : memref<632x128xf32, #tpu.memory_space<hbm>>) target(%dma_start3A_30 : memref<632x128xf32, #tpu.memory_space<vmem_shared>>) target_semaphore(%run_scoped3A : memref<!tpu.dma_semaphore, #tpu.memory_space<semaphore_mem>>)
      %dma_wait3A_33 = arith.constant 0 : i32
      %dma_wait3A_34 = tpu.memref_slice %arg31[%mul3A_0, %dma_wait3A_33] : memref<10112x128xf32, #tpu.memory_space<vmem_shared>> -> memref<632x128xf32, #tpu.memory_space<vmem_shared>>
      %dma_wait3A_35 = arith.constant 0 : i32
      %dma_wait3A_36 = tpu.memref_slice %arg7[%mul3A_0, %dma_wait3A_35] : memref<10112x128xf32, #tpu.memory_space<hbm>> -> memref<632x128xf32, #tpu.memory_space<hbm>>
      tpu.wait_dma2 semaphore(%run_scoped3A : memref<!tpu.dma_semaphore, #tpu.memory_space<semaphore_mem>>) src(%dma_wait3A_36 : memref<632x128xf32, #tpu.memory_space<hbm>>) dst(%dma_wait3A_34 : memref<632x128xf32, #tpu.memory_space<vmem_shared>>)
      tpu.yield
    }) : () -> ()
    %barrier3A = arith.constant 0 : index
    tpu.barrier barrier_id(%barrier3A)
    %iota3A = tpu.iota {dimensions = array<i32: 0>} : vector<16xi32>
    %and3A = arith.constant 3 : i32
    %and3A_1 = vector.broadcast %and3A : i32 to vector<16xi32>
    %and3A_2 = arith.andi %iota3A, %and3A_1 : vector<16xi32>
    %mul3A_3 = arith.constant 20736 : i32
    %mul3A_4 = arith.muli %arg1, %mul3A_3 : i32
    %add3A = arith.constant 0 : i32
    %add3A_5 = arith.addi %mul3A_4, %add3A : i32
    %dma_start3A = tpu.memref_slice %arg2[%add3A_5] : memref<331776xi32, #tpu.memory_space<hbm>> -> memref<128xi32, #tpu.memory_space<hbm>>
    %dma_start3A_6 = tpu.memref_slice %arg2[%add3A_5] : memref<331776xi32, #tpu.memory_space<hbm>> -> memref<128xi32, #tpu.memory_space<hbm>>
    tpu.enqueue_dma source(%dma_start3A_6 : memref<128xi32, #tpu.memory_space<hbm>>) target(%arg9 : memref<128xi32, #tpu.memory_space<vmem>>) target_semaphore(%arg25 : memref<!tpu.dma_semaphore, #tpu.memory_space<semaphore_mem>>)
    %dma_start3A_7 = tpu.memref_slice %arg3[%add3A_5] : memref<331776xi32, #tpu.memory_space<hbm>> -> memref<128xi32, #tpu.memory_space<hbm>>
    %dma_start3A_8 = tpu.memref_slice %arg3[%add3A_5] : memref<331776xi32, #tpu.memory_space<hbm>> -> memref<128xi32, #tpu.memory_space<hbm>>
    tpu.enqueue_dma source(%dma_start3A_8 : memref<128xi32, #tpu.memory_space<hbm>>) target(%arg11 : memref<128xi32, #tpu.memory_space<vmem>>) target_semaphore(%arg25 : memref<!tpu.dma_semaphore, #tpu.memory_space<semaphore_mem>>)
    %mul3A_9 = arith.constant 20736 : i32
    %mul3A_10 = arith.muli %arg1, %mul3A_9 : i32
    %add3A_11 = arith.constant 128 : i32
    %add3A_12 = arith.addi %mul3A_10, %add3A_11 : i32
    %dma_start3A_13 = tpu.memref_slice %arg2[%add3A_12] : memref<331776xi32, #tpu.memory_space<hbm>> -> memref<128xi32, #tpu.memory_space<hbm>>
    %dma_start3A_14 = tpu.memref_slice %arg2[%add3A_12] : memref<331776xi32, #tpu.memory_space<hbm>> -> memref<128xi32, #tpu.memory_space<hbm>>
    tpu.enqueue_dma source(%dma_start3A_14 : memref<128xi32, #tpu.memory_space<hbm>>) target(%arg10 : memref<128xi32, #tpu.memory_space<vmem>>) target_semaphore(%arg26 : memref<!tpu.dma_semaphore, #tpu.memory_space<semaphore_mem>>)
    %dma_start3A_15 = tpu.memref_slice %arg3[%add3A_12] : memref<331776xi32, #tpu.memory_space<hbm>> -> memref<128xi32, #tpu.memory_space<hbm>>
    %dma_start3A_16 = tpu.memref_slice %arg3[%add3A_12] : memref<331776xi32, #tpu.memory_space<hbm>> -> memref<128xi32, #tpu.memory_space<hbm>>
    tpu.enqueue_dma source(%dma_start3A_16 : memref<128xi32, #tpu.memory_space<hbm>>) target(%arg12 : memref<128xi32, #tpu.memory_space<vmem>>) target_semaphore(%arg26 : memref<!tpu.dma_semaphore, #tpu.memory_space<semaphore_mem>>)
    %scan3A = arith.constant 0 : i32
    %scan3A_17 = arith.constant 81 : i32
    %scan3A_18 = arith.addi %scan3A, %scan3A_17 : i32
    %scan3A_19 = arith.constant 1 : i32
    scf.for %scan3A_29 = %scan3A to %scan3A_18 step %scan3A_19  : i32 {
      %mul3A_30 = arith.constant 1 : i32
      %mul3A_31 = arith.muli %scan3A_29, %mul3A_30 : i32
      %add3A_32 = arith.constant 0 : i32
      %add3A_33 = arith.addi %add3A_32, %mul3A_31 : i32
      %mul3A_34 = arith.constant 2 : i32
      %mul3A_35 = arith.muli %add3A_33, %mul3A_34 : i32
      %add3A_36 = arith.constant 0 : i32
      %add3A_37 = arith.addi %mul3A_35, %add3A_36 : i32
      %gt3A = arith.constant 0 : i32
      %gt3A_38 = arith.cmpi sgt, %add3A_33, %gt3A : i32
      %convert_element_type3A = arith.extui %gt3A_38 : i1 to i32
      %cond3A = arith.constant 0 : i32
      %cond3A_39 = arith.cmpi ne, %convert_element_type3A, %cond3A : i32
      scf.if %cond3A_39 {
        %dma_wait3A_162 = arith.constant 0 : i32
        %dma_wait3A_163 = arith.constant 0 : i32
        %dma_wait3A_164 = tpu.memref_slice %arg31[%dma_wait3A_162, %dma_wait3A_163] : memref<10112x128xf32, #tpu.memory_space<vmem_shared>> -> memref<10112x128xf32, #tpu.memory_space<vmem_shared>>
        tpu.wait_indirect_dma semaphore(%arg29 : memref<!tpu.dma_semaphore, #tpu.memory_space<semaphore_mem>>) src(%arg23 : memref<128x128xf32, #tpu.memory_space<vmem>>) dst(%dma_wait3A_164 : memref<10112x128xf32, #tpu.memory_space<vmem_shared>>)
      } else {
      }
      %dma_wait3A_40 = arith.constant 0 : i32
      %dma_wait3A_41 = tpu.memref_slice %arg2[%dma_wait3A_40] : memref<331776xi32, #tpu.memory_space<hbm>> -> memref<128xi32, #tpu.memory_space<hbm>>
      %dma_wait3A_42 = arith.constant 0 : i32
      %dma_wait3A_43 = tpu.memref_slice %arg2[%dma_wait3A_42] : memref<331776xi32, #tpu.memory_space<hbm>> -> memref<128xi32, #tpu.memory_space<hbm>>
      tpu.wait_dma2 semaphore(%arg25 : memref<!tpu.dma_semaphore, #tpu.memory_space<semaphore_mem>>) src(%dma_wait3A_43 : memref<128xi32, #tpu.memory_space<hbm>>) dst(%arg9 : memref<128xi32, #tpu.memory_space<vmem>>)
      %dma_wait3A_44 = arith.constant 0 : i32
      %dma_wait3A_45 = tpu.memref_slice %arg3[%dma_wait3A_44] : memref<331776xi32, #tpu.memory_space<hbm>> -> memref<128xi32, #tpu.memory_space<hbm>>
      %dma_wait3A_46 = arith.constant 0 : i32
      %dma_wait3A_47 = tpu.memref_slice %arg3[%dma_wait3A_46] : memref<331776xi32, #tpu.memory_space<hbm>> -> memref<128xi32, #tpu.memory_space<hbm>>
      tpu.wait_dma2 semaphore(%arg25 : memref<!tpu.dma_semaphore, #tpu.memory_space<semaphore_mem>>) src(%dma_wait3A_47 : memref<128xi32, #tpu.memory_space<hbm>>) dst(%arg11 : memref<128xi32, #tpu.memory_space<vmem>>)
      %scan3A_48 = arith.constant 0 : i32
      %scan3A_49 = arith.constant 8 : i32
      %scan3A_50 = arith.addi %scan3A_48, %scan3A_49 : i32
      %scan3A_51 = arith.constant 1 : i32
      scf.for %scan3A_162 = %scan3A_48 to %scan3A_50 step %scan3A_51  : i32 {
        %mul3A_163 = arith.constant 1 : i32
        %mul3A_164 = arith.muli %scan3A_162, %mul3A_163 : i32
        %add3A_165 = arith.constant 0 : i32
        %add3A_166 = arith.addi %add3A_165, %mul3A_164 : i32
        %mul3A_167 = arith.constant 16 : i32
        %mul3A_168 = arith.muli %add3A_166, %mul3A_167 : i32
        %get3A = arith.index_cast %mul3A_168 : i32 to index
        %get3A_169 = tpu.vector_load %arg9[%get3A] {strides = array<i32>} : memref<128xi32, #tpu.memory_space<vmem>>, vector<16xi32>,
        %get3A_170 = arith.index_cast %mul3A_168 : i32 to index
        %get3A_171 = tpu.vector_load %arg11[%get3A_170] {strides = array<i32>} : memref<128xi32, #tpu.memory_space<vmem>>, vector<16xi32>,
        %mul3A_172 = arith.constant 2 : i32
        %mul3A_173 = vector.broadcast %mul3A_172 : i32 to vector<16xi32>
        %mul3A_174 = arith.muli %get3A_169, %mul3A_173 : vector<16xi32>
        %add3A_175 = vector.broadcast %arg0 : i32 to vector<16xi32>
        %add3A_176 = arith.addi %mul3A_174, %add3A_175 : vector<16xi32>
        %swap3A = arith.index_cast %mul3A_168 : i32 to index
        %swap3A_177 = tpu.vector_load %arg13[%swap3A] {strides = array<i32>} : memref<128xi32, #tpu.memory_space<vmem>>, vector<16xi32>,
        tpu.vector_store %arg13[%swap3A], %add3A_176 {strides = array<i32>} : memref<128xi32, #tpu.memory_space<vmem>>, vector<16xi32>,
        %mul3A_178 = arith.constant 10112 : i32
        %mul3A_179 = arith.muli %arg0, %mul3A_178 : i32
        %add3A_180 = vector.broadcast %mul3A_179 : i32 to vector<16xi32>
        %add3A_181 = arith.addi %get3A_171, %add3A_180 : vector<16xi32>
        %swap3A_182 = arith.index_cast %mul3A_168 : i32 to index
        %swap3A_183 = tpu.vector_load %arg15[%swap3A_182] {strides = array<i32>} : memref<128xi32, #tpu.memory_space<vmem>>, vector<16xi32>,
        tpu.vector_store %arg15[%swap3A_182], %add3A_181 {strides = array<i32>} : memref<128xi32, #tpu.memory_space<vmem>>, vector<16xi32>,
        %swap3A_184 = arith.index_cast %mul3A_168 : i32 to index
        %swap3A_185 = tpu.vector_load %arg17[%swap3A_184] {strides = array<i32>} : memref<128xi32, #tpu.memory_space<vmem>>, vector<16xi32>,
        tpu.vector_store %arg17[%swap3A_184], %get3A_171 {strides = array<i32>} : memref<128xi32, #tpu.memory_space<vmem>>, vector<16xi32>,
      }
      %scan3A_52 = arith.constant 8 : i32
      %mul3A_53 = arith.constant 20736 : i32
      %mul3A_54 = arith.muli %arg1, %mul3A_53 : i32
      %mul3A_55 = arith.constant 128 : i32
      %mul3A_56 = arith.muli %add3A_37, %mul3A_55 : i32
      %add3A_57 = arith.addi %mul3A_54, %mul3A_56 : i32
      %dma_start3A_58 = arith.constant 0 : i32
      %dma_start3A_59 = tpu.memref_slice %arg4[%arg0, %add3A_57, %dma_start3A_58] : memref<2x331776x8xf32, #tpu.memory_space<hbm>> -> memref<1x128x8xf32, #tpu.memory_space<hbm>>
      %dma_start3A_60 = tpu.memref_squeeze %dma_start3A_59 : memref<1x128x8xf32, #tpu.memory_space<hbm>> -> memref<128x8xf32, #tpu.memory_space<hbm>>
      %dma_start3A_61 = arith.constant 0 : i32
      %dma_start3A_62 = tpu.memref_slice %arg4[%arg0, %add3A_57, %dma_start3A_61] : memref<2x331776x8xf32, #tpu.memory_space<hbm>> -> memref<1x128x8xf32, #tpu.memory_space<hbm>>
      %dma_start3A_63 = tpu.memref_squeeze %dma_start3A_62 : memref<1x128x8xf32, #tpu.memory_space<hbm>> -> memref<128x8xf32, #tpu.memory_space<hbm>>
      tpu.enqueue_dma source(%dma_start3A_63 : memref<128x8xf32, #tpu.memory_space<hbm>>) target(%arg19 : memref<128x8xf32, #tpu.memory_space<vmem>>) target_semaphore(%arg27 : memref<!tpu.dma_semaphore, #tpu.memory_space<semaphore_mem>>)
      %dma_start3A_64 = arith.constant 0 : i32
      %dma_start3A_65 = arith.constant 0 : i32
      %dma_start3A_66 = tpu.memref_slice %arg6[%dma_start3A_64, %dma_start3A_65] : memref<20224x128xf32, #tpu.memory_space<hbm>> -> memref<20224x128xf32, #tpu.memory_space<hbm>>
      tpu.enqueue_indirect_dma source(%dma_start3A_66 : memref<20224x128xf32, #tpu.memory_space<hbm>>) target(%arg23 : memref<128x128xf32, #tpu.memory_space<vmem>>) offsets(%arg13 : memref<128xi32, #tpu.memory_space<vmem>>) semaphore(%arg27 : memref<!tpu.dma_semaphore, #tpu.memory_space<semaphore_mem>>)
      %dma_start3A_67 = arith.constant 0 : i32
      %dma_start3A_68 = arith.constant 0 : i32
      %dma_start3A_69 = tpu.memref_slice %arg5[%dma_start3A_67, %dma_start3A_68] : memref<20224x8xf32, #tpu.memory_space<hbm>> -> memref<20224x8xf32, #tpu.memory_space<hbm>>
      tpu.enqueue_indirect_dma source(%dma_start3A_69 : memref<20224x8xf32, #tpu.memory_space<hbm>>) target(%arg21 : memref<128x8xf32, #tpu.memory_space<vmem>>) offsets(%arg15 : memref<128xi32, #tpu.memory_space<vmem>>) semaphore(%arg27 : memref<!tpu.dma_semaphore, #tpu.memory_space<semaphore_mem>>)
      %add3A_70 = arith.constant 2 : i32
      %add3A_71 = arith.addi %add3A_37, %add3A_70 : i32
      %lt3A = arith.constant 162 : i32
      %lt3A_72 = arith.cmpi slt, %add3A_71, %lt3A : i32
      %convert_element_type3A_73 = arith.extui %lt3A_72 : i1 to i32
      %cond3A_74 = arith.constant 0 : i32
      %cond3A_75 = arith.cmpi ne, %convert_element_type3A_73, %cond3A_74 : i32
      scf.if %cond3A_75 {
        %add3A_162 = arith.constant 2 : i32
        %add3A_163 = arith.addi %add3A_37, %add3A_162 : i32
        %mul3A_164 = arith.constant 20736 : i32
        %mul3A_165 = arith.muli %arg1, %mul3A_164 : i32
        %mul3A_166 = arith.constant 128 : i32
        %mul3A_167 = arith.muli %add3A_163, %mul3A_166 : i32
        %add3A_168 = arith.addi %mul3A_165, %mul3A_167 : i32
        %dma_start3A_169 = tpu.memref_slice %arg2[%add3A_168] : memref<331776xi32, #tpu.memory_space<hbm>> -> memref<128xi32, #tpu.memory_space<hbm>>
        %dma_start3A_170 = tpu.memref_slice %arg2[%add3A_168] : memref<331776xi32, #tpu.memory_space<hbm>> -> memref<128xi32, #tpu.memory_space<hbm>>
        tpu.enqueue_dma source(%dma_start3A_170 : memref<128xi32, #tpu.memory_space<hbm>>) target(%arg9 : memref<128xi32, #tpu.memory_space<vmem>>) target_semaphore(%arg25 : memref<!tpu.dma_semaphore, #tpu.memory_space<semaphore_mem>>)
        %dma_start3A_171 = tpu.memref_slice %arg3[%add3A_168] : memref<331776xi32, #tpu.memory_space<hbm>> -> memref<128xi32, #tpu.memory_space<hbm>>
        %dma_start3A_172 = tpu.memref_slice %arg3[%add3A_168] : memref<331776xi32, #tpu.memory_space<hbm>> -> memref<128xi32, #tpu.memory_space<hbm>>
        tpu.enqueue_dma source(%dma_start3A_172 : memref<128xi32, #tpu.memory_space<hbm>>) target(%arg11 : memref<128xi32, #tpu.memory_space<vmem>>) target_semaphore(%arg25 : memref<!tpu.dma_semaphore, #tpu.memory_space<semaphore_mem>>)
      } else {
      }
      %mul3A_76 = arith.constant 2 : i32
      %mul3A_77 = arith.muli %add3A_33, %mul3A_76 : i32
      %add3A_78 = arith.constant 1 : i32
      %add3A_79 = arith.addi %mul3A_77, %add3A_78 : i32
      %gt3A_80 = arith.constant 0 : i32
      %gt3A_81 = arith.cmpi sgt, %add3A_33, %gt3A_80 : i32
      %convert_element_type3A_82 = arith.extui %gt3A_81 : i1 to i32
      %cond3A_83 = arith.constant 0 : i32
      %cond3A_84 = arith.cmpi ne, %convert_element_type3A_82, %cond3A_83 : i32
      scf.if %cond3A_84 {
        %dma_wait3A_162 = arith.constant 0 : i32
        %dma_wait3A_163 = arith.constant 0 : i32
        %dma_wait3A_164 = tpu.memref_slice %arg31[%dma_wait3A_162, %dma_wait3A_163] : memref<10112x128xf32, #tpu.memory_space<vmem_shared>> -> memref<10112x128xf32, #tpu.memory_space<vmem_shared>>
        tpu.wait_indirect_dma semaphore(%arg30 : memref<!tpu.dma_semaphore, #tpu.memory_space<semaphore_mem>>) src(%arg24 : memref<128x128xf32, #tpu.memory_space<vmem>>) dst(%dma_wait3A_164 : memref<10112x128xf32, #tpu.memory_space<vmem_shared>>)
      } else {
      }
      %dma_wait3A_85 = arith.constant 0 : i32
      %dma_wait3A_86 = tpu.memref_slice %arg2[%dma_wait3A_85] : memref<331776xi32, #tpu.memory_space<hbm>> -> memref<128xi32, #tpu.memory_space<hbm>>
      %dma_wait3A_87 = arith.constant 0 : i32
      %dma_wait3A_88 = tpu.memref_slice %arg2[%dma_wait3A_87] : memref<331776xi32, #tpu.memory_space<hbm>> -> memref<128xi32, #tpu.memory_space<hbm>>
      tpu.wait_dma2 semaphore(%arg26 : memref<!tpu.dma_semaphore, #tpu.memory_space<semaphore_mem>>) src(%dma_wait3A_88 : memref<128xi32, #tpu.memory_space<hbm>>) dst(%arg10 : memref<128xi32, #tpu.memory_space<vmem>>)
      %dma_wait3A_89 = arith.constant 0 : i32
      %dma_wait3A_90 = tpu.memref_slice %arg3[%dma_wait3A_89] : memref<331776xi32, #tpu.memory_space<hbm>> -> memref<128xi32, #tpu.memory_space<hbm>>
      %dma_wait3A_91 = arith.constant 0 : i32
      %dma_wait3A_92 = tpu.memref_slice %arg3[%dma_wait3A_91] : memref<331776xi32, #tpu.memory_space<hbm>> -> memref<128xi32, #tpu.memory_space<hbm>>
      tpu.wait_dma2 semaphore(%arg26 : memref<!tpu.dma_semaphore, #tpu.memory_space<semaphore_mem>>) src(%dma_wait3A_92 : memref<128xi32, #tpu.memory_space<hbm>>) dst(%arg12 : memref<128xi32, #tpu.memory_space<vmem>>)
      %scan3A_93 = arith.constant 0 : i32
      %scan3A_94 = arith.constant 8 : i32
      %scan3A_95 = arith.addi %scan3A_93, %scan3A_94 : i32
      %scan3A_96 = arith.constant 1 : i32
      scf.for %scan3A_162 = %scan3A_93 to %scan3A_95 step %scan3A_96  : i32 {
        %mul3A_163 = arith.constant 1 : i32
        %mul3A_164 = arith.muli %scan3A_162, %mul3A_163 : i32
        %add3A_165 = arith.constant 0 : i32
        %add3A_166 = arith.addi %add3A_165, %mul3A_164 : i32
        %mul3A_167 = arith.constant 16 : i32
        %mul3A_168 = arith.muli %add3A_166, %mul3A_167 : i32
        %get3A = arith.index_cast %mul3A_168 : i32 to index
        %get3A_169 = tpu.vector_load %arg10[%get3A] {strides = array<i32>} : memref<128xi32, #tpu.memory_space<vmem>>, vector<16xi32>,
        %get3A_170 = arith.index_cast %mul3A_168 : i32 to index
        %get3A_171 = tpu.vector_load %arg12[%get3A_170] {strides = array<i32>} : memref<128xi32, #tpu.memory_space<vmem>>, vector<16xi32>,
        %mul3A_172 = arith.constant 2 : i32
        %mul3A_173 = vector.broadcast %mul3A_172 : i32 to vector<16xi32>
        %mul3A_174 = arith.muli %get3A_169, %mul3A_173 : vector<16xi32>
        %add3A_175 = vector.broadcast %arg0 : i32 to vector<16xi32>
        %add3A_176 = arith.addi %mul3A_174, %add3A_175 : vector<16xi32>
        %swap3A = arith.index_cast %mul3A_168 : i32 to index
        %swap3A_177 = tpu.vector_load %arg14[%swap3A] {strides = array<i32>} : memref<128xi32, #tpu.memory_space<vmem>>, vector<16xi32>,
        tpu.vector_store %arg14[%swap3A], %add3A_176 {strides = array<i32>} : memref<128xi32, #tpu.memory_space<vmem>>, vector<16xi32>,
        %mul3A_178 = arith.constant 10112 : i32
        %mul3A_179 = arith.muli %arg0, %mul3A_178 : i32
        %add3A_180 = vector.broadcast %mul3A_179 : i32 to vector<16xi32>
        %add3A_181 = arith.addi %get3A_171, %add3A_180 : vector<16xi32>
        %swap3A_182 = arith.index_cast %mul3A_168 : i32 to index
        %swap3A_183 = tpu.vector_load %arg16[%swap3A_182] {strides = array<i32>} : memref<128xi32, #tpu.memory_space<vmem>>, vector<16xi32>,
        tpu.vector_store %arg16[%swap3A_182], %add3A_181 {strides = array<i32>} : memref<128xi32, #tpu.memory_space<vmem>>, vector<16xi32>,
        %swap3A_184 = arith.index_cast %mul3A_168 : i32 to index
        %swap3A_185 = tpu.vector_load %arg18[%swap3A_184] {strides = array<i32>} : memref<128xi32, #tpu.memory_space<vmem>>, vector<16xi32>,
        tpu.vector_store %arg18[%swap3A_184], %get3A_171 {strides = array<i32>} : memref<128xi32, #tpu.memory_space<vmem>>, vector<16xi32>,
      }
      %scan3A_97 = arith.constant 8 : i32
      %mul3A_98 = arith.constant 20736 : i32
      %mul3A_99 = arith.muli %arg1, %mul3A_98 : i32
      %mul3A_100 = arith.constant 128 : i32
      %mul3A_101 = arith.muli %add3A_79, %mul3A_100 : i32
      %add3A_102 = arith.addi %mul3A_99, %mul3A_101 : i32
      %dma_start3A_103 = arith.constant 0 : i32
      %dma_start3A_104 = tpu.memref_slice %arg4[%arg0, %add3A_102, %dma_start3A_103] : memref<2x331776x8xf32, #tpu.memory_space<hbm>> -> memref<1x128x8xf32, #tpu.memory_space<hbm>>
      %dma_start3A_105 = tpu.memref_squeeze %dma_start3A_104 : memref<1x128x8xf32, #tpu.memory_space<hbm>> -> memref<128x8xf32, #tpu.memory_space<hbm>>
      %dma_start3A_106 = arith.constant 0 : i32
      %dma_start3A_107 = tpu.memref_slice %arg4[%arg0, %add3A_102, %dma_start3A_106] : memref<2x331776x8xf32, #tpu.memory_space<hbm>> -> memref<1x128x8xf32, #tpu.memory_space<hbm>>
      %dma_start3A_108 = tpu.memref_squeeze %dma_start3A_107 : memref<1x128x8xf32, #tpu.memory_space<hbm>> -> memref<128x8xf32, #tpu.memory_space<hbm>>
      tpu.enqueue_dma source(%dma_start3A_108 : memref<128x8xf32, #tpu.memory_space<hbm>>) target(%arg20 : memref<128x8xf32, #tpu.memory_space<vmem>>) target_semaphore(%arg28 : memref<!tpu.dma_semaphore, #tpu.memory_space<semaphore_mem>>)
      %dma_start3A_109 = arith.constant 0 : i32
      %dma_start3A_110 = arith.constant 0 : i32
      %dma_start3A_111 = tpu.memref_slice %arg6[%dma_start3A_109, %dma_start3A_110] : memref<20224x128xf32, #tpu.memory_space<hbm>> -> memref<20224x128xf32, #tpu.memory_space<hbm>>
      tpu.enqueue_indirect_dma source(%dma_start3A_111 : memref<20224x128xf32, #tpu.memory_space<hbm>>) target(%arg24 : memref<128x128xf32, #tpu.memory_space<vmem>>) offsets(%arg14 : memref<128xi32, #tpu.memory_space<vmem>>) semaphore(%arg28 : memref<!tpu.dma_semaphore, #tpu.memory_space<semaphore_mem>>)
      %dma_start3A_112 = arith.constant 0 : i32
      %dma_start3A_113 = arith.constant 0 : i32
      %dma_start3A_114 = tpu.memref_slice %arg5[%dma_start3A_112, %dma_start3A_113] : memref<20224x8xf32, #tpu.memory_space<hbm>> -> memref<20224x8xf32, #tpu.memory_space<hbm>>
      tpu.enqueue_indirect_dma source(%dma_start3A_114 : memref<20224x8xf32, #tpu.memory_space<hbm>>) target(%arg22 : memref<128x8xf32, #tpu.memory_space<vmem>>) offsets(%arg16 : memref<128xi32, #tpu.memory_space<vmem>>) semaphore(%arg28 : memref<!tpu.dma_semaphore, #tpu.memory_space<semaphore_mem>>)
      %add3A_115 = arith.constant 2 : i32
      %add3A_116 = arith.addi %add3A_79, %add3A_115 : i32
      %lt3A_117 = arith.constant 162 : i32
      %lt3A_118 = arith.cmpi slt, %add3A_116, %lt3A_117 : i32
      %convert_element_type3A_119 = arith.extui %lt3A_118 : i1 to i32
      %cond3A_120 = arith.constant 0 : i32
      %cond3A_121 = arith.cmpi ne, %convert_element_type3A_119, %cond3A_120 : i32
      scf.if %cond3A_121 {
        %add3A_162 = arith.constant 2 : i32
        %add3A_163 = arith.addi %add3A_79, %add3A_162 : i32
        %mul3A_164 = arith.constant 20736 : i32
        %mul3A_165 = arith.muli %arg1, %mul3A_164 : i32
        %mul3A_166 = arith.constant 128 : i32
        %mul3A_167 = arith.muli %add3A_163, %mul3A_166 : i32
        %add3A_168 = arith.addi %mul3A_165, %mul3A_167 : i32
        %dma_start3A_169 = tpu.memref_slice %arg2[%add3A_168] : memref<331776xi32, #tpu.memory_space<hbm>> -> memref<128xi32, #tpu.memory_space<hbm>>
        %dma_start3A_170 = tpu.memref_slice %arg2[%add3A_168] : memref<331776xi32, #tpu.memory_space<hbm>> -> memref<128xi32, #tpu.memory_space<hbm>>
        tpu.enqueue_dma source(%dma_start3A_170 : memref<128xi32, #tpu.memory_space<hbm>>) target(%arg10 : memref<128xi32, #tpu.memory_space<vmem>>) target_semaphore(%arg26 : memref<!tpu.dma_semaphore, #tpu.memory_space<semaphore_mem>>)
        %dma_start3A_171 = tpu.memref_slice %arg3[%add3A_168] : memref<331776xi32, #tpu.memory_space<hbm>> -> memref<128xi32, #tpu.memory_space<hbm>>
        %dma_start3A_172 = tpu.memref_slice %arg3[%add3A_168] : memref<331776xi32, #tpu.memory_space<hbm>> -> memref<128xi32, #tpu.memory_space<hbm>>
        tpu.enqueue_dma source(%dma_start3A_172 : memref<128xi32, #tpu.memory_space<hbm>>) target(%arg12 : memref<128xi32, #tpu.memory_space<vmem>>) target_semaphore(%arg26 : memref<!tpu.dma_semaphore, #tpu.memory_space<semaphore_mem>>)
      } else {
      }
      %dma_wait3A_122 = arith.constant 0 : i32
      %dma_wait3A_123 = tpu.memref_slice %arg4[%arg0, %add3A_57, %dma_wait3A_122] : memref<2x331776x8xf32, #tpu.memory_space<hbm>> -> memref<1x128x8xf32, #tpu.memory_space<hbm>>
      %dma_wait3A_124 = tpu.memref_squeeze %dma_wait3A_123 : memref<1x128x8xf32, #tpu.memory_space<hbm>> -> memref<128x8xf32, #tpu.memory_space<hbm>>
      %dma_wait3A_125 = arith.constant 0 : i32
      %dma_wait3A_126 = tpu.memref_slice %arg4[%arg0, %add3A_57, %dma_wait3A_125] : memref<2x331776x8xf32, #tpu.memory_space<hbm>> -> memref<1x128x8xf32, #tpu.memory_space<hbm>>
      %dma_wait3A_127 = tpu.memref_squeeze %dma_wait3A_126 : memref<1x128x8xf32, #tpu.memory_space<hbm>> -> memref<128x8xf32, #tpu.memory_space<hbm>>
      tpu.wait_dma2 semaphore(%arg27 : memref<!tpu.dma_semaphore, #tpu.memory_space<semaphore_mem>>) src(%dma_wait3A_127 : memref<128x8xf32, #tpu.memory_space<hbm>>) dst(%arg19 : memref<128x8xf32, #tpu.memory_space<vmem>>)
      %dma_wait3A_128 = arith.constant 0 : i32
      %dma_wait3A_129 = arith.constant 0 : i32
      %dma_wait3A_130 = tpu.memref_slice %arg6[%dma_wait3A_128, %dma_wait3A_129] : memref<20224x128xf32, #tpu.memory_space<hbm>> -> memref<20224x128xf32, #tpu.memory_space<hbm>>
      tpu.wait_indirect_dma semaphore(%arg27 : memref<!tpu.dma_semaphore, #tpu.memory_space<semaphore_mem>>) src(%dma_wait3A_130 : memref<20224x128xf32, #tpu.memory_space<hbm>>) dst(%arg23 : memref<128x128xf32, #tpu.memory_space<vmem>>)
      %dma_wait3A_131 = arith.constant 0 : i32
      %dma_wait3A_132 = arith.constant 0 : i32
      %dma_wait3A_133 = tpu.memref_slice %arg5[%dma_wait3A_131, %dma_wait3A_132] : memref<20224x8xf32, #tpu.memory_space<hbm>> -> memref<20224x8xf32, #tpu.memory_space<hbm>>
      tpu.wait_indirect_dma semaphore(%arg27 : memref<!tpu.dma_semaphore, #tpu.memory_space<semaphore_mem>>) src(%dma_wait3A_133 : memref<20224x8xf32, #tpu.memory_space<hbm>>) dst(%arg21 : memref<128x8xf32, #tpu.memory_space<vmem>>)
      %scan3A_134 = arith.constant 0 : i32
      %scan3A_135 = arith.constant 128 : i32
      %scan3A_136 = arith.addi %scan3A_134, %scan3A_135 : i32
      %scan3A_137 = arith.constant 1 : i32
      scf.for %scan3A_162 = %scan3A_134 to %scan3A_136 step %scan3A_137  : i32 {
        %mul3A_163 = arith.constant 1 : i32
        %mul3A_164 = arith.muli %scan3A_162, %mul3A_163 : i32
        %add3A_165 = arith.constant 0 : i32
        %add3A_166 = arith.addi %add3A_165, %mul3A_164 : i32
        %broadcast_in_dim3A = vector.broadcast %add3A_166 : i32 to vector<16xi32>
        %gather3A = tpu.vector_load_idx %arg19[%broadcast_in_dim3A, %and3A_2] : memref<128x8xf32, #tpu.memory_space<vmem>>[vector<16xi32>, vector<16xi32>], vector<16xf32>,
        %gather3A_167 = tpu.vector_load_idx %arg21[%broadcast_in_dim3A, %and3A_2] : memref<128x8xf32, #tpu.memory_space<vmem>>[vector<16xi32>, vector<16xi32>], vector<16xf32>,
        %mul3A_168 = arith.mulf %gather3A, %gather3A_167 : vector<16xf32>
        %slice3A = vector.extract_strided_slice %mul3A_168 {offsets = [0], sizes = [1], strides = [1]} : vector<16xf32> to vector<1xf32>
        %squeeze3A = vector.extract %slice3A[0] : f32 from vector<1xf32>
        %broadcast_in_dim3A_169 = vector.broadcast %squeeze3A : f32 to vector<16xf32>
        %get3A = arith.index_cast %add3A_166 : i32 to index
        %get3A_170 = arith.constant 0 : index
        %get3A_171 = tpu.vector_load %arg23[%get3A, %get3A_170] {strides = array<i32>} : memref<128x128xf32, #tpu.memory_space<vmem>>, vector<16xf32>,
        %mul3A_172 = arith.mulf %get3A_171, %broadcast_in_dim3A_169 : vector<16xf32>
        %swap3A = arith.index_cast %add3A_166 : i32 to index
        %swap3A_173 = arith.constant 0 : index
        %swap3A_174 = tpu.vector_load %arg23[%swap3A, %swap3A_173] {strides = array<i32>} : memref<128x128xf32, #tpu.memory_space<vmem>>, vector<16xf32>,
        tpu.vector_store %arg23[%swap3A, %swap3A_173], %mul3A_172 {strides = array<i32>} : memref<128x128xf32, #tpu.memory_space<vmem>>, vector<16xf32>,
        %get3A_175 = arith.index_cast %add3A_166 : i32 to index
        %get3A_176 = arith.constant 16 : index
        %get3A_177 = tpu.vector_load %arg23[%get3A_175, %get3A_176] {strides = array<i32>} : memref<128x128xf32, #tpu.memory_space<vmem>>, vector<16xf32>,
        %mul3A_178 = arith.mulf %get3A_177, %broadcast_in_dim3A_169 : vector<16xf32>
        %swap3A_179 = arith.index_cast %add3A_166 : i32 to index
        %swap3A_180 = arith.constant 16 : index
        %swap3A_181 = tpu.vector_load %arg23[%swap3A_179, %swap3A_180] {strides = array<i32>} : memref<128x128xf32, #tpu.memory_space<vmem>>, vector<16xf32>,
        tpu.vector_store %arg23[%swap3A_179, %swap3A_180], %mul3A_178 {strides = array<i32>} : memref<128x128xf32, #tpu.memory_space<vmem>>, vector<16xf32>,
        %slice3A_182 = vector.extract_strided_slice %mul3A_168 {offsets = [1], sizes = [1], strides = [1]} : vector<16xf32> to vector<1xf32>
        %squeeze3A_183 = vector.extract %slice3A_182[0] : f32 from vector<1xf32>
        %broadcast_in_dim3A_184 = vector.broadcast %squeeze3A_183 : f32 to vector<16xf32>
        %get3A_185 = arith.index_cast %add3A_166 : i32 to index
        %get3A_186 = arith.constant 32 : index
        %get3A_187 = tpu.vector_load %arg23[%get3A_185, %get3A_186] {strides = array<i32>} : memref<128x128xf32, #tpu.memory_space<vmem>>, vector<16xf32>,
        %mul3A_188 = arith.mulf %get3A_187, %broadcast_in_dim3A_184 : vector<16xf32>
        %swap3A_189 = arith.index_cast %add3A_166 : i32 to index
        %swap3A_190 = arith.constant 32 : index
        %swap3A_191 = tpu.vector_load %arg23[%swap3A_189, %swap3A_190] {strides = array<i32>} : memref<128x128xf32, #tpu.memory_space<vmem>>, vector<16xf32>,
        tpu.vector_store %arg23[%swap3A_189, %swap3A_190], %mul3A_188 {strides = array<i32>} : memref<128x128xf32, #tpu.memory_space<vmem>>, vector<16xf32>,
        %get3A_192 = arith.index_cast %add3A_166 : i32 to index
        %get3A_193 = arith.constant 48 : index
        %get3A_194 = tpu.vector_load %arg23[%get3A_192, %get3A_193] {strides = array<i32>} : memref<128x128xf32, #tpu.memory_space<vmem>>, vector<16xf32>,
        %mul3A_195 = arith.mulf %get3A_194, %broadcast_in_dim3A_184 : vector<16xf32>
        %swap3A_196 = arith.index_cast %add3A_166 : i32 to index
        %swap3A_197 = arith.constant 48 : index
        %swap3A_198 = tpu.vector_load %arg23[%swap3A_196, %swap3A_197] {strides = array<i32>} : memref<128x128xf32, #tpu.memory_space<vmem>>, vector<16xf32>,
        tpu.vector_store %arg23[%swap3A_196, %swap3A_197], %mul3A_195 {strides = array<i32>} : memref<128x128xf32, #tpu.memory_space<vmem>>, vector<16xf32>,
        %slice3A_199 = vector.extract_strided_slice %mul3A_168 {offsets = [2], sizes = [1], strides = [1]} : vector<16xf32> to vector<1xf32>
        %squeeze3A_200 = vector.extract %slice3A_199[0] : f32 from vector<1xf32>
        %broadcast_in_dim3A_201 = vector.broadcast %squeeze3A_200 : f32 to vector<16xf32>
        %get3A_202 = arith.index_cast %add3A_166 : i32 to index
        %get3A_203 = arith.constant 64 : index
        %get3A_204 = tpu.vector_load %arg23[%get3A_202, %get3A_203] {strides = array<i32>} : memref<128x128xf32, #tpu.memory_space<vmem>>, vector<16xf32>,
        %mul3A_205 = arith.mulf %get3A_204, %broadcast_in_dim3A_201 : vector<16xf32>
        %swap3A_206 = arith.index_cast %add3A_166 : i32 to index
        %swap3A_207 = arith.constant 64 : index
        %swap3A_208 = tpu.vector_load %arg23[%swap3A_206, %swap3A_207] {strides = array<i32>} : memref<128x128xf32, #tpu.memory_space<vmem>>, vector<16xf32>,
        tpu.vector_store %arg23[%swap3A_206, %swap3A_207], %mul3A_205 {strides = array<i32>} : memref<128x128xf32, #tpu.memory_space<vmem>>, vector<16xf32>,
        %get3A_209 = arith.index_cast %add3A_166 : i32 to index
        %get3A_210 = arith.constant 80 : index
        %get3A_211 = tpu.vector_load %arg23[%get3A_209, %get3A_210] {strides = array<i32>} : memref<128x128xf32, #tpu.memory_space<vmem>>, vector<16xf32>,
        %mul3A_212 = arith.mulf %get3A_211, %broadcast_in_dim3A_201 : vector<16xf32>
        %swap3A_213 = arith.index_cast %add3A_166 : i32 to index
        %swap3A_214 = arith.constant 80 : index
        %swap3A_215 = tpu.vector_load %arg23[%swap3A_213, %swap3A_214] {strides = array<i32>} : memref<128x128xf32, #tpu.memory_space<vmem>>, vector<16xf32>,
        tpu.vector_store %arg23[%swap3A_213, %swap3A_214], %mul3A_212 {strides = array<i32>} : memref<128x128xf32, #tpu.memory_space<vmem>>, vector<16xf32>,
        %slice3A_216 = vector.extract_strided_slice %mul3A_168 {offsets = [3], sizes = [1], strides = [1]} : vector<16xf32> to vector<1xf32>
        %squeeze3A_217 = vector.extract %slice3A_216[0] : f32 from vector<1xf32>
        %broadcast_in_dim3A_218 = vector.broadcast %squeeze3A_217 : f32 to vector<16xf32>
        %get3A_219 = arith.index_cast %add3A_166 : i32 to index
        %get3A_220 = arith.constant 96 : index
        %get3A_221 = tpu.vector_load %arg23[%get3A_219, %get3A_220] {strides = array<i32>} : memref<128x128xf32, #tpu.memory_space<vmem>>, vector<16xf32>,
        %mul3A_222 = arith.mulf %get3A_221, %broadcast_in_dim3A_218 : vector<16xf32>
        %swap3A_223 = arith.index_cast %add3A_166 : i32 to index
        %swap3A_224 = arith.constant 96 : index
        %swap3A_225 = tpu.vector_load %arg23[%swap3A_223, %swap3A_224] {strides = array<i32>} : memref<128x128xf32, #tpu.memory_space<vmem>>, vector<16xf32>,
        tpu.vector_store %arg23[%swap3A_223, %swap3A_224], %mul3A_222 {strides = array<i32>} : memref<128x128xf32, #tpu.memory_space<vmem>>, vector<16xf32>,
        %get3A_226 = arith.index_cast %add3A_166 : i32 to index
        %get3A_227 = arith.constant 112 : index
        %get3A_228 = tpu.vector_load %arg23[%get3A_226, %get3A_227] {strides = array<i32>} : memref<128x128xf32, #tpu.memory_space<vmem>>, vector<16xf32>,
        %mul3A_229 = arith.mulf %get3A_228, %broadcast_in_dim3A_218 : vector<16xf32>
        %swap3A_230 = arith.index_cast %add3A_166 : i32 to index
        %swap3A_231 = arith.constant 112 : index
        %swap3A_232 = tpu.vector_load %arg23[%swap3A_230, %swap3A_231] {strides = array<i32>} : memref<128x128xf32, #tpu.memory_space<vmem>>, vector<16xf32>,
        tpu.vector_store %arg23[%swap3A_230, %swap3A_231], %mul3A_229 {strides = array<i32>} : memref<128x128xf32, #tpu.memory_space<vmem>>, vector<16xf32>,
      }
      %scan3A_138 = arith.constant 128 : i32
      %dma_start3A_139 = arith.constant 0 : i32
      %dma_start3A_140 = arith.constant 0 : i32
      %dma_start3A_141 = tpu.memref_slice %arg31[%dma_start3A_139, %dma_start3A_140] : memref<10112x128xf32, #tpu.memory_space<vmem_shared>> -> memref<10112x128xf32, #tpu.memory_space<vmem_shared>>
      tpu.enqueue_indirect_dma source(%arg23 : memref<128x128xf32, #tpu.memory_space<vmem>>) target(%dma_start3A_141 : memref<10112x128xf32, #tpu.memory_space<vmem_shared>>) offsets(%arg17 : memref<128xi32, #tpu.memory_space<vmem>>) semaphore(%arg29 : memref<!tpu.dma_semaphore, #tpu.memory_space<semaphore_mem>>) {add = true}
      %dma_wait3A_142 = arith.constant 0 : i32
      %dma_wait3A_143 = tpu.memref_slice %arg4[%arg0, %add3A_102, %dma_wait3A_142] : memref<2x331776x8xf32, #tpu.memory_space<hbm>> -> memref<1x128x8xf32, #tpu.memory_space<hbm>>
      %dma_wait3A_144 = tpu.memref_squeeze %dma_wait3A_143 : memref<1x128x8xf32, #tpu.memory_space<hbm>> -> memref<128x8xf32, #tpu.memory_space<hbm>>
      %dma_wait3A_145 = arith.constant 0 : i32
      %dma_wait3A_146 = tpu.memref_slice %arg4[%arg0, %add3A_102, %dma_wait3A_145] : memref<2x331776x8xf32, #tpu.memory_space<hbm>> -> memref<1x128x8xf32, #tpu.memory_space<hbm>>
      %dma_wait3A_147 = tpu.memref_squeeze %dma_wait3A_146 : memref<1x128x8xf32, #tpu.memory_space<hbm>> -> memref<128x8xf32, #tpu.memory_space<hbm>>
      tpu.wait_dma2 semaphore(%arg28 : memref<!tpu.dma_semaphore, #tpu.memory_space<semaphore_mem>>) src(%dma_wait3A_147 : memref<128x8xf32, #tpu.memory_space<hbm>>) dst(%arg20 : memref<128x8xf32, #tpu.memory_space<vmem>>)
      %dma_wait3A_148 = arith.constant 0 : i32
      %dma_wait3A_149 = arith.constant 0 : i32
      %dma_wait3A_150 = tpu.memref_slice %arg6[%dma_wait3A_148, %dma_wait3A_149] : memref<20224x128xf32, #tpu.memory_space<hbm>> -> memref<20224x128xf32, #tpu.memory_space<hbm>>
      tpu.wait_indirect_dma semaphore(%arg28 : memref<!tpu.dma_semaphore, #tpu.memory_space<semaphore_mem>>) src(%dma_wait3A_150 : memref<20224x128xf32, #tpu.memory_space<hbm>>) dst(%arg24 : memref<128x128xf32, #tpu.memory_space<vmem>>)
      %dma_wait3A_151 = arith.constant 0 : i32
      %dma_wait3A_152 = arith.constant 0 : i32
      %dma_wait3A_153 = tpu.memref_slice %arg5[%dma_wait3A_151, %dma_wait3A_152] : memref<20224x8xf32, #tpu.memory_space<hbm>> -> memref<20224x8xf32, #tpu.memory_space<hbm>>
      tpu.wait_indirect_dma semaphore(%arg28 : memref<!tpu.dma_semaphore, #tpu.memory_space<semaphore_mem>>) src(%dma_wait3A_153 : memref<20224x8xf32, #tpu.memory_space<hbm>>) dst(%arg22 : memref<128x8xf32, #tpu.memory_space<vmem>>)
      %scan3A_154 = arith.constant 0 : i32
      %scan3A_155 = arith.constant 128 : i32
      %scan3A_156 = arith.addi %scan3A_154, %scan3A_155 : i32
      %scan3A_157 = arith.constant 1 : i32
      scf.for %scan3A_162 = %scan3A_154 to %scan3A_156 step %scan3A_157  : i32 {
        %mul3A_163 = arith.constant 1 : i32
        %mul3A_164 = arith.muli %scan3A_162, %mul3A_163 : i32
        %add3A_165 = arith.constant 0 : i32
        %add3A_166 = arith.addi %add3A_165, %mul3A_164 : i32
        %broadcast_in_dim3A = vector.broadcast %add3A_166 : i32 to vector<16xi32>
        %gather3A = tpu.vector_load_idx %arg20[%broadcast_in_dim3A, %and3A_2] : memref<128x8xf32, #tpu.memory_space<vmem>>[vector<16xi32>, vector<16xi32>], vector<16xf32>,
        %gather3A_167 = tpu.vector_load_idx %arg22[%broadcast_in_dim3A, %and3A_2] : memref<128x8xf32, #tpu.memory_space<vmem>>[vector<16xi32>, vector<16xi32>], vector<16xf32>,
        %mul3A_168 = arith.mulf %gather3A, %gather3A_167 : vector<16xf32>
        %slice3A = vector.extract_strided_slice %mul3A_168 {offsets = [0], sizes = [1], strides = [1]} : vector<16xf32> to vector<1xf32>
        %squeeze3A = vector.extract %slice3A[0] : f32 from vector<1xf32>
        %broadcast_in_dim3A_169 = vector.broadcast %squeeze3A : f32 to vector<16xf32>
        %get3A = arith.index_cast %add3A_166 : i32 to index
        %get3A_170 = arith.constant 0 : index
        %get3A_171 = tpu.vector_load %arg24[%get3A, %get3A_170] {strides = array<i32>} : memref<128x128xf32, #tpu.memory_space<vmem>>, vector<16xf32>,
        %mul3A_172 = arith.mulf %get3A_171, %broadcast_in_dim3A_169 : vector<16xf32>
        %swap3A = arith.index_cast %add3A_166 : i32 to index
        %swap3A_173 = arith.constant 0 : index
        %swap3A_174 = tpu.vector_load %arg24[%swap3A, %swap3A_173] {strides = array<i32>} : memref<128x128xf32, #tpu.memory_space<vmem>>, vector<16xf32>,
        tpu.vector_store %arg24[%swap3A, %swap3A_173], %mul3A_172 {strides = array<i32>} : memref<128x128xf32, #tpu.memory_space<vmem>>, vector<16xf32>,
        %get3A_175 = arith.index_cast %add3A_166 : i32 to index
        %get3A_176 = arith.constant 16 : index
        %get3A_177 = tpu.vector_load %arg24[%get3A_175, %get3A_176] {strides = array<i32>} : memref<128x128xf32, #tpu.memory_space<vmem>>, vector<16xf32>,
        %mul3A_178 = arith.mulf %get3A_177, %broadcast_in_dim3A_169 : vector<16xf32>
        %swap3A_179 = arith.index_cast %add3A_166 : i32 to index
        %swap3A_180 = arith.constant 16 : index
        %swap3A_181 = tpu.vector_load %arg24[%swap3A_179, %swap3A_180] {strides = array<i32>} : memref<128x128xf32, #tpu.memory_space<vmem>>, vector<16xf32>,
        tpu.vector_store %arg24[%swap3A_179, %swap3A_180], %mul3A_178 {strides = array<i32>} : memref<128x128xf32, #tpu.memory_space<vmem>>, vector<16xf32>,
        %slice3A_182 = vector.extract_strided_slice %mul3A_168 {offsets = [1], sizes = [1], strides = [1]} : vector<16xf32> to vector<1xf32>
        %squeeze3A_183 = vector.extract %slice3A_182[0] : f32 from vector<1xf32>
        %broadcast_in_dim3A_184 = vector.broadcast %squeeze3A_183 : f32 to vector<16xf32>
        %get3A_185 = arith.index_cast %add3A_166 : i32 to index
        %get3A_186 = arith.constant 32 : index
        %get3A_187 = tpu.vector_load %arg24[%get3A_185, %get3A_186] {strides = array<i32>} : memref<128x128xf32, #tpu.memory_space<vmem>>, vector<16xf32>,
        %mul3A_188 = arith.mulf %get3A_187, %broadcast_in_dim3A_184 : vector<16xf32>
        %swap3A_189 = arith.index_cast %add3A_166 : i32 to index
        %swap3A_190 = arith.constant 32 : index
        %swap3A_191 = tpu.vector_load %arg24[%swap3A_189, %swap3A_190] {strides = array<i32>} : memref<128x128xf32, #tpu.memory_space<vmem>>, vector<16xf32>,
        tpu.vector_store %arg24[%swap3A_189, %swap3A_190], %mul3A_188 {strides = array<i32>} : memref<128x128xf32, #tpu.memory_space<vmem>>, vector<16xf32>,
        %get3A_192 = arith.index_cast %add3A_166 : i32 to index
        %get3A_193 = arith.constant 48 : index
        %get3A_194 = tpu.vector_load %arg24[%get3A_192, %get3A_193] {strides = array<i32>} : memref<128x128xf32, #tpu.memory_space<vmem>>, vector<16xf32>,
        %mul3A_195 = arith.mulf %get3A_194, %broadcast_in_dim3A_184 : vector<16xf32>
        %swap3A_196 = arith.index_cast %add3A_166 : i32 to index
        %swap3A_197 = arith.constant 48 : index
        %swap3A_198 = tpu.vector_load %arg24[%swap3A_196, %swap3A_197] {strides = array<i32>} : memref<128x128xf32, #tpu.memory_space<vmem>>, vector<16xf32>,
        tpu.vector_store %arg24[%swap3A_196, %swap3A_197], %mul3A_195 {strides = array<i32>} : memref<128x128xf32, #tpu.memory_space<vmem>>, vector<16xf32>,
        %slice3A_199 = vector.extract_strided_slice %mul3A_168 {offsets = [2], sizes = [1], strides = [1]} : vector<16xf32> to vector<1xf32>
        %squeeze3A_200 = vector.extract %slice3A_199[0] : f32 from vector<1xf32>
        %broadcast_in_dim3A_201 = vector.broadcast %squeeze3A_200 : f32 to vector<16xf32>
        %get3A_202 = arith.index_cast %add3A_166 : i32 to index
        %get3A_203 = arith.constant 64 : index
        %get3A_204 = tpu.vector_load %arg24[%get3A_202, %get3A_203] {strides = array<i32>} : memref<128x128xf32, #tpu.memory_space<vmem>>, vector<16xf32>,
        %mul3A_205 = arith.mulf %get3A_204, %broadcast_in_dim3A_201 : vector<16xf32>
        %swap3A_206 = arith.index_cast %add3A_166 : i32 to index
        %swap3A_207 = arith.constant 64 : index
        %swap3A_208 = tpu.vector_load %arg24[%swap3A_206, %swap3A_207] {strides = array<i32>} : memref<128x128xf32, #tpu.memory_space<vmem>>, vector<16xf32>,
        tpu.vector_store %arg24[%swap3A_206, %swap3A_207], %mul3A_205 {strides = array<i32>} : memref<128x128xf32, #tpu.memory_space<vmem>>, vector<16xf32>,
        %get3A_209 = arith.index_cast %add3A_166 : i32 to index
        %get3A_210 = arith.constant 80 : index
        %get3A_211 = tpu.vector_load %arg24[%get3A_209, %get3A_210] {strides = array<i32>} : memref<128x128xf32, #tpu.memory_space<vmem>>, vector<16xf32>,
        %mul3A_212 = arith.mulf %get3A_211, %broadcast_in_dim3A_201 : vector<16xf32>
        %swap3A_213 = arith.index_cast %add3A_166 : i32 to index
        %swap3A_214 = arith.constant 80 : index
        %swap3A_215 = tpu.vector_load %arg24[%swap3A_213, %swap3A_214] {strides = array<i32>} : memref<128x128xf32, #tpu.memory_space<vmem>>, vector<16xf32>,
        tpu.vector_store %arg24[%swap3A_213, %swap3A_214], %mul3A_212 {strides = array<i32>} : memref<128x128xf32, #tpu.memory_space<vmem>>, vector<16xf32>,
        %slice3A_216 = vector.extract_strided_slice %mul3A_168 {offsets = [3], sizes = [1], strides = [1]} : vector<16xf32> to vector<1xf32>
        %squeeze3A_217 = vector.extract %slice3A_216[0] : f32 from vector<1xf32>
        %broadcast_in_dim3A_218 = vector.broadcast %squeeze3A_217 : f32 to vector<16xf32>
        %get3A_219 = arith.index_cast %add3A_166 : i32 to index
        %get3A_220 = arith.constant 96 : index
        %get3A_221 = tpu.vector_load %arg24[%get3A_219, %get3A_220] {strides = array<i32>} : memref<128x128xf32, #tpu.memory_space<vmem>>, vector<16xf32>,
        %mul3A_222 = arith.mulf %get3A_221, %broadcast_in_dim3A_218 : vector<16xf32>
        %swap3A_223 = arith.index_cast %add3A_166 : i32 to index
        %swap3A_224 = arith.constant 96 : index
        %swap3A_225 = tpu.vector_load %arg24[%swap3A_223, %swap3A_224] {strides = array<i32>} : memref<128x128xf32, #tpu.memory_space<vmem>>, vector<16xf32>,
        tpu.vector_store %arg24[%swap3A_223, %swap3A_224], %mul3A_222 {strides = array<i32>} : memref<128x128xf32, #tpu.memory_space<vmem>>, vector<16xf32>,
        %get3A_226 = arith.index_cast %add3A_166 : i32 to index
        %get3A_227 = arith.constant 112 : index
        %get3A_228 = tpu.vector_load %arg24[%get3A_226, %get3A_227] {strides = array<i32>} : memref<128x128xf32, #tpu.memory_space<vmem>>, vector<16xf32>,
        %mul3A_229 = arith.mulf %get3A_228, %broadcast_in_dim3A_218 : vector<16xf32>
        %swap3A_230 = arith.index_cast %add3A_166 : i32 to index
        %swap3A_231 = arith.constant 112 : index
        %swap3A_232 = tpu.vector_load %arg24[%swap3A_230, %swap3A_231] {strides = array<i32>} : memref<128x128xf32, #tpu.memory_space<vmem>>, vector<16xf32>,
        tpu.vector_store %arg24[%swap3A_230, %swap3A_231], %mul3A_229 {strides = array<i32>} : memref<128x128xf32, #tpu.memory_space<vmem>>, vector<16xf32>,
      }
      %scan3A_158 = arith.constant 128 : i32
      %dma_start3A_159 = arith.constant 0 : i32
      %dma_start3A_160 = arith.constant 0 : i32
      %dma_start3A_161 = tpu.memref_slice %arg31[%dma_start3A_159, %dma_start3A_160] : memref<10112x128xf32, #tpu.memory_space<vmem_shared>> -> memref<10112x128xf32, #tpu.memory_space<vmem_shared>>
      tpu.enqueue_indirect_dma source(%arg24 : memref<128x128xf32, #tpu.memory_space<vmem>>) target(%dma_start3A_161 : memref<10112x128xf32, #tpu.memory_space<vmem_shared>>) offsets(%arg18 : memref<128xi32, #tpu.memory_space<vmem>>) semaphore(%arg30 : memref<!tpu.dma_semaphore, #tpu.memory_space<semaphore_mem>>) {add = true}
    }
    %scan3A_20 = arith.constant 81 : i32
    %dma_wait3A = arith.constant 0 : i32
    %dma_wait3A_21 = arith.constant 0 : i32
    %dma_wait3A_22 = tpu.memref_slice %arg31[%dma_wait3A, %dma_wait3A_21] : memref<10112x128xf32, #tpu.memory_space<vmem_shared>> -> memref<10112x128xf32, #tpu.memory_space<vmem_shared>>
    tpu.wait_indirect_dma semaphore(%arg29 : memref<!tpu.dma_semaphore, #tpu.memory_space<semaphore_mem>>) src(%arg23 : memref<128x128xf32, #tpu.memory_space<vmem>>) dst(%dma_wait3A_22 : memref<10112x128xf32, #tpu.memory_space<vmem_shared>>)
    %dma_wait3A_23 = arith.constant 0 : i32
    %dma_wait3A_24 = arith.constant 0 : i32
    %dma_wait3A_25 = tpu.memref_slice %arg31[%dma_wait3A_23, %dma_wait3A_24] : memref<10112x128xf32, #tpu.memory_space<vmem_shared>> -> memref<10112x128xf32, #tpu.memory_space<vmem_shared>>
    tpu.wait_indirect_dma semaphore(%arg30 : memref<!tpu.dma_semaphore, #tpu.memory_space<semaphore_mem>>) src(%arg24 : memref<128x128xf32, #tpu.memory_space<vmem>>) dst(%dma_wait3A_25 : memref<10112x128xf32, #tpu.memory_space<vmem_shared>>)
    %barrier3A_26 = arith.constant 0 : index
    tpu.barrier barrier_id(%barrier3A_26)
    %mul3A_27 = arith.constant 128 : i32
    %mul3A_28 = arith.muli %arg0, %mul3A_27 : i32
    "tpu.region"() ({
      %run_scoped3A = tpu.sem_alloc : memref<!tpu.dma_semaphore, #tpu.memory_space<semaphore_mem>>
      %dma_start3A_29 = tpu.memref_slice %arg8[%mul3A_0, %mul3A_28] : memref<10112x256xf32, #tpu.memory_space<hbm>> -> memref<632x128xf32, #tpu.memory_space<hbm>>
      %dma_start3A_30 = arith.constant 0 : i32
      %dma_start3A_31 = tpu.memref_slice %arg31[%mul3A_0, %dma_start3A_30] : memref<10112x128xf32, #tpu.memory_space<vmem_shared>> -> memref<632x128xf32, #tpu.memory_space<vmem_shared>>
      tpu.enqueue_dma source(%dma_start3A_31 : memref<632x128xf32, #tpu.memory_space<vmem_shared>>) target(%dma_start3A_29 : memref<632x128xf32, #tpu.memory_space<hbm>>) target_semaphore(%run_scoped3A : memref<!tpu.dma_semaphore, #tpu.memory_space<semaphore_mem>>)
      %dma_wait3A_32 = tpu.memref_slice %arg8[%mul3A_0, %mul3A_28] : memref<10112x256xf32, #tpu.memory_space<hbm>> -> memref<632x128xf32, #tpu.memory_space<hbm>>
      %dma_wait3A_33 = arith.constant 0 : i32
      %dma_wait3A_34 = tpu.memref_slice %arg31[%mul3A_0, %dma_wait3A_33] : memref<10112x128xf32, #tpu.memory_space<vmem_shared>> -> memref<632x128xf32, #tpu.memory_space<vmem_shared>>
      tpu.wait_dma2 semaphore(%run_scoped3A : memref<!tpu.dma_semaphore, #tpu.memory_space<semaphore_mem>>) src(%dma_wait3A_34 : memref<632x128xf32, #tpu.memory_space<vmem_shared>>) dst(%dma_wait3A_32 : memref<632x128xf32, #tpu.memory_space<hbm>>)
      tpu.yield
    }) : () -> ()
    return
  }
}

#map = affine_map<(d0, d1) -> (0)>
#map1 = affine_map<(d0, d1) -> (0, 0)>
#map2 = affine_map<(d0, d1) -> (0, 0, 0)>
module attributes {stable_mosaic.version = 14 : i64} {
  func.func @_pa8_body(%arg0: i32, %arg1: i32, %arg2: memref<331776xi32, #tpu.memory_space<hbm>>, %arg3: memref<331776xi32, #tpu.memory_space<hbm>>, %arg4: memref<10112x8xf32, #tpu.memory_space<hbm>>, %arg5: memref<2x40448xf32, #tpu.memory_space<hbm>>, %arg6: memref<2x40448xf32, #tpu.memory_space<hbm>>, %arg7: memref<8xf32, #tpu.memory_space<hbm>>, %arg8: memref<2x331776x8xf32, #tpu.memory_space<hbm>>, %arg9: memref<2x10112x8xf32, #tpu.memory_space<hbm>>, %arg10: memref<40448xf32, #tpu.memory_space<vmem>>, %arg11: memref<40448xf32, #tpu.memory_space<vmem>>, %arg12: memref<8xf32, #tpu.memory_space<vmem>>, %arg13: memref<128xi32, #tpu.memory_space<vmem>>, %arg14: memref<128xi32, #tpu.memory_space<vmem>>, %arg15: memref<128xi32, #tpu.memory_space<vmem>>, %arg16: memref<128xi32, #tpu.memory_space<vmem>>, %arg17: memref<128xi32, #tpu.memory_space<vmem>>, %arg18: memref<128xi32, #tpu.memory_space<vmem>>, %arg19: memref<128x8xf32, #tpu.memory_space<vmem>>, %arg20: memref<128x8xf32, #tpu.memory_space<vmem>>, %arg21: memref<!tpu.dma_semaphore, #tpu.memory_space<semaphore_mem>>, %arg22: memref<!tpu.dma_semaphore, #tpu.memory_space<semaphore_mem>>, %arg23: memref<!tpu.dma_semaphore, #tpu.memory_space<semaphore_mem>>, %arg24: memref<!tpu.dma_semaphore, #tpu.memory_space<semaphore_mem>>, %arg25: memref<!tpu.dma_semaphore, #tpu.memory_space<semaphore_mem>>, %arg26: memref<!tpu.dma_semaphore, #tpu.memory_space<semaphore_mem>>, %arg27: memref<10112x8xf32, #tpu.memory_space<vmem_shared>>) attributes {dimension_semantics = [#tpu.dimension_semantics<core_parallel>, #tpu.dimension_semantics<subcore_parallel>], iteration_bounds = array<i64: 2, 16>, scalar_prefetch = 0 : i64, scratch_operands = 18 : i64, tpu.core_type = #tpu.core_type<sc_vector_subcore>, window_params = [{transform_indices = #map}, {transform_indices = #map}, {transform_indices = #map1}, {transform_indices = #map1}, {transform_indices = #map1}, {transform_indices = #map}, {transform_indices = #map2}, {transform_indices = #map2}]} {
    "tpu.region"() ({
      %run_scoped3A = tpu.sem_alloc : memref<!tpu.dma_semaphore, #tpu.memory_space<semaphore_mem>>
      %dma_start3A_79 = arith.constant 0 : i32
      %dma_start3A_80 = tpu.memref_slice %arg5[%arg0, %dma_start3A_79] : memref<2x40448xf32, #tpu.memory_space<hbm>> -> memref<1x40448xf32, #tpu.memory_space<hbm>>
      %dma_start3A_81 = tpu.memref_squeeze %dma_start3A_80 : memref<1x40448xf32, #tpu.memory_space<hbm>> -> memref<40448xf32, #tpu.memory_space<hbm>>
      %dma_start3A_82 = arith.constant 0 : i32
      %dma_start3A_83 = tpu.memref_slice %arg5[%arg0, %dma_start3A_82] : memref<2x40448xf32, #tpu.memory_space<hbm>> -> memref<1x40448xf32, #tpu.memory_space<hbm>>
      %dma_start3A_84 = tpu.memref_squeeze %dma_start3A_83 : memref<1x40448xf32, #tpu.memory_space<hbm>> -> memref<40448xf32, #tpu.memory_space<hbm>>
      tpu.enqueue_dma source(%dma_start3A_84 : memref<40448xf32, #tpu.memory_space<hbm>>) target(%arg10 : memref<40448xf32, #tpu.memory_space<vmem>>) target_semaphore(%run_scoped3A : memref<!tpu.dma_semaphore, #tpu.memory_space<semaphore_mem>>)
      %dma_wait3A_85 = arith.constant 0 : i32
      %dma_wait3A_86 = tpu.memref_slice %arg5[%arg0, %dma_wait3A_85] : memref<2x40448xf32, #tpu.memory_space<hbm>> -> memref<1x40448xf32, #tpu.memory_space<hbm>>
      %dma_wait3A_87 = tpu.memref_squeeze %dma_wait3A_86 : memref<1x40448xf32, #tpu.memory_space<hbm>> -> memref<40448xf32, #tpu.memory_space<hbm>>
      %dma_wait3A_88 = arith.constant 0 : i32
      %dma_wait3A_89 = tpu.memref_slice %arg5[%arg0, %dma_wait3A_88] : memref<2x40448xf32, #tpu.memory_space<hbm>> -> memref<1x40448xf32, #tpu.memory_space<hbm>>
      %dma_wait3A_90 = tpu.memref_squeeze %dma_wait3A_89 : memref<1x40448xf32, #tpu.memory_space<hbm>> -> memref<40448xf32, #tpu.memory_space<hbm>>
      tpu.wait_dma2 semaphore(%run_scoped3A : memref<!tpu.dma_semaphore, #tpu.memory_space<semaphore_mem>>) src(%dma_wait3A_90 : memref<40448xf32, #tpu.memory_space<hbm>>) dst(%arg10 : memref<40448xf32, #tpu.memory_space<vmem>>)
      tpu.yield
    }) : () -> ()
    "tpu.region"() ({
      %run_scoped3A = tpu.sem_alloc : memref<!tpu.dma_semaphore, #tpu.memory_space<semaphore_mem>>
      %dma_start3A_79 = arith.constant 0 : i32
      %dma_start3A_80 = tpu.memref_slice %arg6[%arg0, %dma_start3A_79] : memref<2x40448xf32, #tpu.memory_space<hbm>> -> memref<1x40448xf32, #tpu.memory_space<hbm>>
      %dma_start3A_81 = tpu.memref_squeeze %dma_start3A_80 : memref<1x40448xf32, #tpu.memory_space<hbm>> -> memref<40448xf32, #tpu.memory_space<hbm>>
      %dma_start3A_82 = arith.constant 0 : i32
      %dma_start3A_83 = tpu.memref_slice %arg6[%arg0, %dma_start3A_82] : memref<2x40448xf32, #tpu.memory_space<hbm>> -> memref<1x40448xf32, #tpu.memory_space<hbm>>
      %dma_start3A_84 = tpu.memref_squeeze %dma_start3A_83 : memref<1x40448xf32, #tpu.memory_space<hbm>> -> memref<40448xf32, #tpu.memory_space<hbm>>
      tpu.enqueue_dma source(%dma_start3A_84 : memref<40448xf32, #tpu.memory_space<hbm>>) target(%arg11 : memref<40448xf32, #tpu.memory_space<vmem>>) target_semaphore(%run_scoped3A : memref<!tpu.dma_semaphore, #tpu.memory_space<semaphore_mem>>)
      %dma_wait3A_85 = arith.constant 0 : i32
      %dma_wait3A_86 = tpu.memref_slice %arg6[%arg0, %dma_wait3A_85] : memref<2x40448xf32, #tpu.memory_space<hbm>> -> memref<1x40448xf32, #tpu.memory_space<hbm>>
      %dma_wait3A_87 = tpu.memref_squeeze %dma_wait3A_86 : memref<1x40448xf32, #tpu.memory_space<hbm>> -> memref<40448xf32, #tpu.memory_space<hbm>>
      %dma_wait3A_88 = arith.constant 0 : i32
      %dma_wait3A_89 = tpu.memref_slice %arg6[%arg0, %dma_wait3A_88] : memref<2x40448xf32, #tpu.memory_space<hbm>> -> memref<1x40448xf32, #tpu.memory_space<hbm>>
      %dma_wait3A_90 = tpu.memref_squeeze %dma_wait3A_89 : memref<1x40448xf32, #tpu.memory_space<hbm>> -> memref<40448xf32, #tpu.memory_space<hbm>>
      tpu.wait_dma2 semaphore(%run_scoped3A : memref<!tpu.dma_semaphore, #tpu.memory_space<semaphore_mem>>) src(%dma_wait3A_90 : memref<40448xf32, #tpu.memory_space<hbm>>) dst(%arg11 : memref<40448xf32, #tpu.memory_space<vmem>>)
      tpu.yield
    }) : () -> ()
    "tpu.region"() ({
      %run_scoped3A = tpu.sem_alloc : memref<!tpu.dma_semaphore, #tpu.memory_space<semaphore_mem>>
      tpu.enqueue_dma source(%arg7 : memref<8xf32, #tpu.memory_space<hbm>>) target(%arg12 : memref<8xf32, #tpu.memory_space<vmem>>) target_semaphore(%run_scoped3A : memref<!tpu.dma_semaphore, #tpu.memory_space<semaphore_mem>>)
      tpu.wait_dma2 semaphore(%run_scoped3A : memref<!tpu.dma_semaphore, #tpu.memory_space<semaphore_mem>>) src(%arg7 : memref<8xf32, #tpu.memory_space<hbm>>) dst(%arg12 : memref<8xf32, #tpu.memory_space<vmem>>)
      tpu.yield
    }) : () -> ()
    %mul3A = arith.constant 632 : i32
    %mul3A_0 = arith.muli %arg1, %mul3A : i32
    "tpu.region"() ({
      %run_scoped3A = tpu.sem_alloc : memref<!tpu.dma_semaphore, #tpu.memory_space<semaphore_mem>>
      %dma_start3A_79 = arith.constant 0 : i32
      %dma_start3A_80 = tpu.memref_slice %arg27[%mul3A_0, %dma_start3A_79] : memref<10112x8xf32, #tpu.memory_space<vmem_shared>> -> memref<632x8xf32, #tpu.memory_space<vmem_shared>>
      %dma_start3A_81 = arith.constant 0 : i32
      %dma_start3A_82 = tpu.memref_slice %arg4[%mul3A_0, %dma_start3A_81] : memref<10112x8xf32, #tpu.memory_space<hbm>> -> memref<632x8xf32, #tpu.memory_space<hbm>>
      tpu.enqueue_dma source(%dma_start3A_82 : memref<632x8xf32, #tpu.memory_space<hbm>>) target(%dma_start3A_80 : memref<632x8xf32, #tpu.memory_space<vmem_shared>>) target_semaphore(%run_scoped3A : memref<!tpu.dma_semaphore, #tpu.memory_space<semaphore_mem>>)
      %dma_wait3A_83 = arith.constant 0 : i32
      %dma_wait3A_84 = tpu.memref_slice %arg27[%mul3A_0, %dma_wait3A_83] : memref<10112x8xf32, #tpu.memory_space<vmem_shared>> -> memref<632x8xf32, #tpu.memory_space<vmem_shared>>
      %dma_wait3A_85 = arith.constant 0 : i32
      %dma_wait3A_86 = tpu.memref_slice %arg4[%mul3A_0, %dma_wait3A_85] : memref<10112x8xf32, #tpu.memory_space<hbm>> -> memref<632x8xf32, #tpu.memory_space<hbm>>
      tpu.wait_dma2 semaphore(%run_scoped3A : memref<!tpu.dma_semaphore, #tpu.memory_space<semaphore_mem>>) src(%dma_wait3A_86 : memref<632x8xf32, #tpu.memory_space<hbm>>) dst(%dma_wait3A_84 : memref<632x8xf32, #tpu.memory_space<vmem_shared>>)
      tpu.yield
    }) : () -> ()
    %iota3A = tpu.iota {dimensions = array<i32: 0>} : vector<16xi32>
    %broadcast_in_dim3A = arith.constant 0.000000e+00 : f32
    %broadcast_in_dim3A_1 = vector.broadcast %broadcast_in_dim3A : f32 to vector<16xf32>
    %scan3A = arith.constant 0 : i32
    %scan3A_2 = arith.constant 64 : i32
    %scan3A_3 = arith.addi %scan3A, %scan3A_2 : i32
    %scan3A_4 = arith.constant 1 : i32
    scf.for %scan3A_79 = %scan3A to %scan3A_3 step %scan3A_4  : i32 {
      %mul3A_80 = arith.constant 1 : i32
      %mul3A_81 = arith.muli %scan3A_79, %mul3A_80 : i32
      %add3A_82 = arith.constant 0 : i32
      %add3A_83 = arith.addi %add3A_82, %mul3A_81 : i32
      %mul3A_84 = arith.constant 2 : i32
      %mul3A_85 = arith.muli %add3A_83, %mul3A_84 : i32
      %shift_right_logical3A = arith.constant 3 : i32
      %shift_right_logical3A_86 = vector.broadcast %shift_right_logical3A : i32 to vector<16xi32>
      %shift_right_logical3A_87 = arith.shrui %iota3A, %shift_right_logical3A_86 : vector<16xi32>
      %add3A_88 = vector.broadcast %mul3A_85 : i32 to vector<16xi32>
      %add3A_89 = arith.addi %add3A_88, %shift_right_logical3A_87 : vector<16xi32>
      %and3A = arith.constant 7 : i32
      %and3A_90 = vector.broadcast %and3A : i32 to vector<16xi32>
      %and3A_91 = arith.andi %iota3A, %and3A_90 : vector<16xi32>
      tpu.vector_store_idx %arg19[%add3A_89, %and3A_91], %broadcast_in_dim3A_1 : memref<128x8xf32, #tpu.memory_space<vmem>>[vector<16xi32>, vector<16xi32>], vector<16xf32>,
    }
    %scan3A_5 = arith.constant 64 : i32
    %scan3A_6 = arith.constant 0 : i32
    %scan3A_7 = arith.constant 64 : i32
    %scan3A_8 = arith.addi %scan3A_6, %scan3A_7 : i32
    %scan3A_9 = arith.constant 1 : i32
    scf.for %scan3A_79 = %scan3A_6 to %scan3A_8 step %scan3A_9  : i32 {
      %mul3A_80 = arith.constant 1 : i32
      %mul3A_81 = arith.muli %scan3A_79, %mul3A_80 : i32
      %add3A_82 = arith.constant 0 : i32
      %add3A_83 = arith.addi %add3A_82, %mul3A_81 : i32
      %mul3A_84 = arith.constant 2 : i32
      %mul3A_85 = arith.muli %add3A_83, %mul3A_84 : i32
      %shift_right_logical3A = arith.constant 3 : i32
      %shift_right_logical3A_86 = vector.broadcast %shift_right_logical3A : i32 to vector<16xi32>
      %shift_right_logical3A_87 = arith.shrui %iota3A, %shift_right_logical3A_86 : vector<16xi32>
      %add3A_88 = vector.broadcast %mul3A_85 : i32 to vector<16xi32>
      %add3A_89 = arith.addi %add3A_88, %shift_right_logical3A_87 : vector<16xi32>
      %and3A = arith.constant 7 : i32
      %and3A_90 = vector.broadcast %and3A : i32 to vector<16xi32>
      %and3A_91 = arith.andi %iota3A, %and3A_90 : vector<16xi32>
      tpu.vector_store_idx %arg20[%add3A_89, %and3A_91], %broadcast_in_dim3A_1 : memref<128x8xf32, #tpu.memory_space<vmem>>[vector<16xi32>, vector<16xi32>], vector<16xf32>,
    }
    %scan3A_10 = arith.constant 64 : i32
    %barrier3A = arith.constant 0 : index
    tpu.barrier barrier_id(%barrier3A)
    %mul3A_11 = arith.constant 4 : i32
    %mul3A_12 = arith.muli %arg0, %mul3A_11 : i32
    %broadcast_in_dim3A_13 = arith.constant 0 : i32
    %broadcast_in_dim3A_14 = vector.broadcast %broadcast_in_dim3A_13 : i32 to vector<16xi32>
    %add3A = vector.broadcast %mul3A_12 : i32 to vector<16xi32>
    %add3A_15 = arith.addi %add3A, %broadcast_in_dim3A_14 : vector<16xi32>
    %gather3A = tpu.vector_load_idx %arg12[%add3A_15] : memref<8xf32, #tpu.memory_space<vmem>>[vector<16xi32>], vector<16xf32>,
    %mul3A_16 = arith.constant 4 : i32
    %mul3A_17 = arith.muli %arg0, %mul3A_16 : i32
    %broadcast_in_dim3A_18 = arith.constant 1 : i32
    %broadcast_in_dim3A_19 = vector.broadcast %broadcast_in_dim3A_18 : i32 to vector<16xi32>
    %add3A_20 = vector.broadcast %mul3A_17 : i32 to vector<16xi32>
    %add3A_21 = arith.addi %add3A_20, %broadcast_in_dim3A_19 : vector<16xi32>
    %gather3A_22 = tpu.vector_load_idx %arg12[%add3A_21] : memref<8xf32, #tpu.memory_space<vmem>>[vector<16xi32>], vector<16xf32>,
    %mul3A_23 = arith.constant 4 : i32
    %mul3A_24 = arith.muli %arg0, %mul3A_23 : i32
    %broadcast_in_dim3A_25 = arith.constant 2 : i32
    %broadcast_in_dim3A_26 = vector.broadcast %broadcast_in_dim3A_25 : i32 to vector<16xi32>
    %add3A_27 = vector.broadcast %mul3A_24 : i32 to vector<16xi32>
    %add3A_28 = arith.addi %add3A_27, %broadcast_in_dim3A_26 : vector<16xi32>
    %gather3A_29 = tpu.vector_load_idx %arg12[%add3A_28] : memref<8xf32, #tpu.memory_space<vmem>>[vector<16xi32>], vector<16xf32>,
    %mul3A_30 = arith.constant 4 : i32
    %mul3A_31 = arith.muli %arg0, %mul3A_30 : i32
    %broadcast_in_dim3A_32 = arith.constant 3 : i32
    %broadcast_in_dim3A_33 = vector.broadcast %broadcast_in_dim3A_32 : i32 to vector<16xi32>
    %add3A_34 = vector.broadcast %mul3A_31 : i32 to vector<16xi32>
    %add3A_35 = arith.addi %add3A_34, %broadcast_in_dim3A_33 : vector<16xi32>
    %gather3A_36 = tpu.vector_load_idx %arg12[%add3A_35] : memref<8xf32, #tpu.memory_space<vmem>>[vector<16xi32>], vector<16xf32>,
    %mul3A_37 = arith.constant 20736 : i32
    %mul3A_38 = arith.muli %arg1, %mul3A_37 : i32
    %add3A_39 = arith.constant 0 : i32
    %add3A_40 = arith.addi %mul3A_38, %add3A_39 : i32
    %dma_start3A = tpu.memref_slice %arg2[%add3A_40] : memref<331776xi32, #tpu.memory_space<hbm>> -> memref<128xi32, #tpu.memory_space<hbm>>
    %dma_start3A_41 = tpu.memref_slice %arg2[%add3A_40] : memref<331776xi32, #tpu.memory_space<hbm>> -> memref<128xi32, #tpu.memory_space<hbm>>
    tpu.enqueue_dma source(%dma_start3A_41 : memref<128xi32, #tpu.memory_space<hbm>>) target(%arg13 : memref<128xi32, #tpu.memory_space<vmem>>) target_semaphore(%arg21 : memref<!tpu.dma_semaphore, #tpu.memory_space<semaphore_mem>>)
    %dma_start3A_42 = tpu.memref_slice %arg3[%add3A_40] : memref<331776xi32, #tpu.memory_space<hbm>> -> memref<128xi32, #tpu.memory_space<hbm>>
    %dma_start3A_43 = tpu.memref_slice %arg3[%add3A_40] : memref<331776xi32, #tpu.memory_space<hbm>> -> memref<128xi32, #tpu.memory_space<hbm>>
    tpu.enqueue_dma source(%dma_start3A_43 : memref<128xi32, #tpu.memory_space<hbm>>) target(%arg15 : memref<128xi32, #tpu.memory_space<vmem>>) target_semaphore(%arg21 : memref<!tpu.dma_semaphore, #tpu.memory_space<semaphore_mem>>)
    %mul3A_44 = arith.constant 20736 : i32
    %mul3A_45 = arith.muli %arg1, %mul3A_44 : i32
    %add3A_46 = arith.constant 128 : i32
    %add3A_47 = arith.addi %mul3A_45, %add3A_46 : i32
    %dma_start3A_48 = tpu.memref_slice %arg2[%add3A_47] : memref<331776xi32, #tpu.memory_space<hbm>> -> memref<128xi32, #tpu.memory_space<hbm>>
    %dma_start3A_49 = tpu.memref_slice %arg2[%add3A_47] : memref<331776xi32, #tpu.memory_space<hbm>> -> memref<128xi32, #tpu.memory_space<hbm>>
    tpu.enqueue_dma source(%dma_start3A_49 : memref<128xi32, #tpu.memory_space<hbm>>) target(%arg14 : memref<128xi32, #tpu.memory_space<vmem>>) target_semaphore(%arg22 : memref<!tpu.dma_semaphore, #tpu.memory_space<semaphore_mem>>)
    %dma_start3A_50 = tpu.memref_slice %arg3[%add3A_47] : memref<331776xi32, #tpu.memory_space<hbm>> -> memref<128xi32, #tpu.memory_space<hbm>>
    %dma_start3A_51 = tpu.memref_slice %arg3[%add3A_47] : memref<331776xi32, #tpu.memory_space<hbm>> -> memref<128xi32, #tpu.memory_space<hbm>>
    tpu.enqueue_dma source(%dma_start3A_51 : memref<128xi32, #tpu.memory_space<hbm>>) target(%arg16 : memref<128xi32, #tpu.memory_space<vmem>>) target_semaphore(%arg22 : memref<!tpu.dma_semaphore, #tpu.memory_space<semaphore_mem>>)
    %scan3A_52 = arith.constant 0 : i32
    %scan3A_53 = arith.constant 81 : i32
    %scan3A_54 = arith.addi %scan3A_52, %scan3A_53 : i32
    %scan3A_55 = arith.constant 1 : i32
    scf.for %scan3A_79 = %scan3A_52 to %scan3A_54 step %scan3A_55  : i32 {
      %mul3A_80 = arith.constant 1 : i32
      %mul3A_81 = arith.muli %scan3A_79, %mul3A_80 : i32
      %add3A_82 = arith.constant 0 : i32
      %add3A_83 = arith.addi %add3A_82, %mul3A_81 : i32
      %mul3A_84 = arith.constant 2 : i32
      %mul3A_85 = arith.muli %add3A_83, %mul3A_84 : i32
      %add3A_86 = arith.constant 0 : i32
      %add3A_87 = arith.addi %mul3A_85, %add3A_86 : i32
      %gt3A = arith.constant 0 : i32
      %gt3A_88 = arith.cmpi sgt, %add3A_83, %gt3A : i32
      %convert_element_type3A = arith.extui %gt3A_88 : i1 to i32
      %cond3A = arith.constant 0 : i32
      %cond3A_89 = arith.cmpi ne, %convert_element_type3A, %cond3A : i32
      scf.if %cond3A_89 {
        %dma_wait3A_166 = arith.constant 0 : i32
        %dma_wait3A_167 = arith.constant 0 : i32
        %dma_wait3A_168 = tpu.memref_slice %arg8[%arg0, %dma_wait3A_166, %dma_wait3A_167] : memref<2x331776x8xf32, #tpu.memory_space<hbm>> -> memref<1x128x8xf32, #tpu.memory_space<hbm>>
        %dma_wait3A_169 = tpu.memref_squeeze %dma_wait3A_168 : memref<1x128x8xf32, #tpu.memory_space<hbm>> -> memref<128x8xf32, #tpu.memory_space<hbm>>
        %dma_wait3A_170 = arith.constant 0 : i32
        %dma_wait3A_171 = arith.constant 0 : i32
        %dma_wait3A_172 = tpu.memref_slice %arg8[%arg0, %dma_wait3A_170, %dma_wait3A_171] : memref<2x331776x8xf32, #tpu.memory_space<hbm>> -> memref<1x128x8xf32, #tpu.memory_space<hbm>>
        %dma_wait3A_173 = tpu.memref_squeeze %dma_wait3A_172 : memref<1x128x8xf32, #tpu.memory_space<hbm>> -> memref<128x8xf32, #tpu.memory_space<hbm>>
        tpu.wait_dma2 semaphore(%arg23 : memref<!tpu.dma_semaphore, #tpu.memory_space<semaphore_mem>>) src(%arg19 : memref<128x8xf32, #tpu.memory_space<vmem>>) dst(%dma_wait3A_173 : memref<128x8xf32, #tpu.memory_space<hbm>>)
        %dma_wait3A_174 = arith.constant 0 : i32
        %dma_wait3A_175 = arith.constant 0 : i32
        %dma_wait3A_176 = tpu.memref_slice %arg27[%dma_wait3A_174, %dma_wait3A_175] : memref<10112x8xf32, #tpu.memory_space<vmem_shared>> -> memref<10112x8xf32, #tpu.memory_space<vmem_shared>>
        tpu.wait_indirect_dma semaphore(%arg25 : memref<!tpu.dma_semaphore, #tpu.memory_space<semaphore_mem>>) src(%arg19 : memref<128x8xf32, #tpu.memory_space<vmem>>) dst(%dma_wait3A_176 : memref<10112x8xf32, #tpu.memory_space<vmem_shared>>)
      } else {
      }
      %dma_wait3A_90 = arith.constant 0 : i32
      %dma_wait3A_91 = tpu.memref_slice %arg2[%dma_wait3A_90] : memref<331776xi32, #tpu.memory_space<hbm>> -> memref<128xi32, #tpu.memory_space<hbm>>
      %dma_wait3A_92 = arith.constant 0 : i32
      %dma_wait3A_93 = tpu.memref_slice %arg2[%dma_wait3A_92] : memref<331776xi32, #tpu.memory_space<hbm>> -> memref<128xi32, #tpu.memory_space<hbm>>
      tpu.wait_dma2 semaphore(%arg21 : memref<!tpu.dma_semaphore, #tpu.memory_space<semaphore_mem>>) src(%dma_wait3A_93 : memref<128xi32, #tpu.memory_space<hbm>>) dst(%arg13 : memref<128xi32, #tpu.memory_space<vmem>>)
      %dma_wait3A_94 = arith.constant 0 : i32
      %dma_wait3A_95 = tpu.memref_slice %arg3[%dma_wait3A_94] : memref<331776xi32, #tpu.memory_space<hbm>> -> memref<128xi32, #tpu.memory_space<hbm>>
      %dma_wait3A_96 = arith.constant 0 : i32
      %dma_wait3A_97 = tpu.memref_slice %arg3[%dma_wait3A_96] : memref<331776xi32, #tpu.memory_space<hbm>> -> memref<128xi32, #tpu.memory_space<hbm>>
      tpu.wait_dma2 semaphore(%arg21 : memref<!tpu.dma_semaphore, #tpu.memory_space<semaphore_mem>>) src(%dma_wait3A_97 : memref<128xi32, #tpu.memory_space<hbm>>) dst(%arg15 : memref<128xi32, #tpu.memory_space<vmem>>)
      %scan3A_98 = arith.constant 0 : i32
      %scan3A_99 = arith.constant 8 : i32
      %scan3A_100 = arith.addi %scan3A_98, %scan3A_99 : i32
      %scan3A_101 = arith.constant 1 : i32
      scf.for %scan3A_166 = %scan3A_98 to %scan3A_100 step %scan3A_101  : i32 {
        %mul3A_167 = arith.constant 1 : i32
        %mul3A_168 = arith.muli %scan3A_166, %mul3A_167 : i32
        %add3A_169 = arith.constant 0 : i32
        %add3A_170 = arith.addi %add3A_169, %mul3A_168 : i32
        %mul3A_171 = arith.constant 16 : i32
        %mul3A_172 = arith.muli %add3A_170, %mul3A_171 : i32
        %get3A = arith.index_cast %mul3A_172 : i32 to index
        %get3A_173 = tpu.vector_load %arg13[%get3A] {strides = array<i32>} : memref<128xi32, #tpu.memory_space<vmem>>, vector<16xi32>,
        %get3A_174 = arith.index_cast %mul3A_172 : i32 to index
        %get3A_175 = tpu.vector_load %arg15[%get3A_174] {strides = array<i32>} : memref<128xi32, #tpu.memory_space<vmem>>, vector<16xi32>,
        %swap3A = arith.index_cast %mul3A_172 : i32 to index
        %swap3A_176 = tpu.vector_load %arg17[%swap3A] {strides = array<i32>} : memref<128xi32, #tpu.memory_space<vmem>>, vector<16xi32>,
        tpu.vector_store %arg17[%swap3A], %get3A_175 {strides = array<i32>} : memref<128xi32, #tpu.memory_space<vmem>>, vector<16xi32>,
        %mul3A_177 = arith.constant 16 : i32
        %mul3A_178 = arith.muli %add3A_170, %mul3A_177 : i32
        %add3A_179 = vector.broadcast %mul3A_178 : i32 to vector<16xi32>
        %add3A_180 = arith.addi %add3A_179, %iota3A : vector<16xi32>
        %mul3A_181 = arith.constant 4 : i32
        %mul3A_182 = vector.broadcast %mul3A_181 : i32 to vector<16xi32>
        %mul3A_183 = arith.muli %get3A_173, %mul3A_182 : vector<16xi32>
        %mul3A_184 = arith.constant 4 : i32
        %mul3A_185 = vector.broadcast %mul3A_184 : i32 to vector<16xi32>
        %mul3A_186 = arith.muli %get3A_175, %mul3A_185 : vector<16xi32>
        %add3A_187 = arith.constant 0 : i32
        %add3A_188 = vector.broadcast %add3A_187 : i32 to vector<16xi32>
        %add3A_189 = arith.addi %mul3A_183, %add3A_188 : vector<16xi32>
        %gather3A_190 = tpu.vector_load_idx %arg10[%add3A_189] : memref<40448xf32, #tpu.memory_space<vmem>>[vector<16xi32>], vector<16xf32>,
        %add3A_191 = arith.constant 0 : i32
        %add3A_192 = vector.broadcast %add3A_191 : i32 to vector<16xi32>
        %add3A_193 = arith.addi %mul3A_186, %add3A_192 : vector<16xi32>
        %gather3A_194 = tpu.vector_load_idx %arg11[%add3A_193] : memref<40448xf32, #tpu.memory_space<vmem>>[vector<16xi32>], vector<16xf32>,
        %add3A_195 = arith.addf %gather3A_190, %gather3A_194 : vector<16xf32>
        %ge3A = arith.constant 0.000000e+00 : f32
        %ge3A_196 = vector.broadcast %ge3A : f32 to vector<16xf32>
        %ge3A_197 = arith.cmpf oge, %add3A_195, %ge3A_196 : vector<16xf32>
        %mul3A_198 = arith.constant 2.000000e-01 : f32
        %mul3A_199 = vector.broadcast %mul3A_198 : f32 to vector<16xf32>
        %mul3A_200 = arith.mulf %mul3A_199, %add3A_195 : vector<16xf32>
        %select_n3A = arith.select %ge3A_197, %add3A_195, %mul3A_200 : vector<16xi1>, vector<16xf32>
        %add3A_201 = arith.addf %gather3A, %gather3A_194 : vector<16xf32>
        %ge3A_202 = arith.constant 0.000000e+00 : f32
        %ge3A_203 = vector.broadcast %ge3A_202 : f32 to vector<16xf32>
        %ge3A_204 = arith.cmpf oge, %add3A_201, %ge3A_203 : vector<16xf32>
        %mul3A_205 = arith.constant 2.000000e-01 : f32
        %mul3A_206 = vector.broadcast %mul3A_205 : f32 to vector<16xf32>
        %mul3A_207 = arith.mulf %mul3A_206, %add3A_201 : vector<16xf32>
        %select_n3A_208 = arith.select %ge3A_204, %add3A_201, %mul3A_207 : vector<16xi1>, vector<16xf32>
        %sub3A = arith.subf %select_n3A, %select_n3A_208 : vector<16xf32>
        %exp3A = math.exp %sub3A : vector<16xf32>
        %broadcast_in_dim3A_209 = arith.constant 0 : i32
        %broadcast_in_dim3A_210 = vector.broadcast %broadcast_in_dim3A_209 : i32 to vector<16xi32>
        tpu.vector_store_idx %arg19[%add3A_180, %broadcast_in_dim3A_210], %exp3A : memref<128x8xf32, #tpu.memory_space<vmem>>[vector<16xi32>, vector<16xi32>], vector<16xf32>,
        %add3A_211 = arith.constant 1 : i32
        %add3A_212 = vector.broadcast %add3A_211 : i32 to vector<16xi32>
        %add3A_213 = arith.addi %mul3A_183, %add3A_212 : vector<16xi32>
        %gather3A_214 = tpu.vector_load_idx %arg10[%add3A_213] : memref<40448xf32, #tpu.memory_space<vmem>>[vector<16xi32>], vector<16xf32>,
        %add3A_215 = arith.constant 1 : i32
        %add3A_216 = vector.broadcast %add3A_215 : i32 to vector<16xi32>
        %add3A_217 = arith.addi %mul3A_186, %add3A_216 : vector<16xi32>
        %gather3A_218 = tpu.vector_load_idx %arg11[%add3A_217] : memref<40448xf32, #tpu.memory_space<vmem>>[vector<16xi32>], vector<16xf32>,
        %add3A_219 = arith.addf %gather3A_214, %gather3A_218 : vector<16xf32>
        %ge3A_220 = arith.constant 0.000000e+00 : f32
        %ge3A_221 = vector.broadcast %ge3A_220 : f32 to vector<16xf32>
        %ge3A_222 = arith.cmpf oge, %add3A_219, %ge3A_221 : vector<16xf32>
        %mul3A_223 = arith.constant 2.000000e-01 : f32
        %mul3A_224 = vector.broadcast %mul3A_223 : f32 to vector<16xf32>
        %mul3A_225 = arith.mulf %mul3A_224, %add3A_219 : vector<16xf32>
        %select_n3A_226 = arith.select %ge3A_222, %add3A_219, %mul3A_225 : vector<16xi1>, vector<16xf32>
        %add3A_227 = arith.addf %gather3A_22, %gather3A_218 : vector<16xf32>
        %ge3A_228 = arith.constant 0.000000e+00 : f32
        %ge3A_229 = vector.broadcast %ge3A_228 : f32 to vector<16xf32>
        %ge3A_230 = arith.cmpf oge, %add3A_227, %ge3A_229 : vector<16xf32>
        %mul3A_231 = arith.constant 2.000000e-01 : f32
        %mul3A_232 = vector.broadcast %mul3A_231 : f32 to vector<16xf32>
        %mul3A_233 = arith.mulf %mul3A_232, %add3A_227 : vector<16xf32>
        %select_n3A_234 = arith.select %ge3A_230, %add3A_227, %mul3A_233 : vector<16xi1>, vector<16xf32>
        %sub3A_235 = arith.subf %select_n3A_226, %select_n3A_234 : vector<16xf32>
        %exp3A_236 = math.exp %sub3A_235 : vector<16xf32>
        %broadcast_in_dim3A_237 = arith.constant 1 : i32
        %broadcast_in_dim3A_238 = vector.broadcast %broadcast_in_dim3A_237 : i32 to vector<16xi32>
        tpu.vector_store_idx %arg19[%add3A_180, %broadcast_in_dim3A_238], %exp3A_236 : memref<128x8xf32, #tpu.memory_space<vmem>>[vector<16xi32>, vector<16xi32>], vector<16xf32>,
        %add3A_239 = arith.constant 2 : i32
        %add3A_240 = vector.broadcast %add3A_239 : i32 to vector<16xi32>
        %add3A_241 = arith.addi %mul3A_183, %add3A_240 : vector<16xi32>
        %gather3A_242 = tpu.vector_load_idx %arg10[%add3A_241] : memref<40448xf32, #tpu.memory_space<vmem>>[vector<16xi32>], vector<16xf32>,
        %add3A_243 = arith.constant 2 : i32
        %add3A_244 = vector.broadcast %add3A_243 : i32 to vector<16xi32>
        %add3A_245 = arith.addi %mul3A_186, %add3A_244 : vector<16xi32>
        %gather3A_246 = tpu.vector_load_idx %arg11[%add3A_245] : memref<40448xf32, #tpu.memory_space<vmem>>[vector<16xi32>], vector<16xf32>,
        %add3A_247 = arith.addf %gather3A_242, %gather3A_246 : vector<16xf32>
        %ge3A_248 = arith.constant 0.000000e+00 : f32
        %ge3A_249 = vector.broadcast %ge3A_248 : f32 to vector<16xf32>
        %ge3A_250 = arith.cmpf oge, %add3A_247, %ge3A_249 : vector<16xf32>
        %mul3A_251 = arith.constant 2.000000e-01 : f32
        %mul3A_252 = vector.broadcast %mul3A_251 : f32 to vector<16xf32>
        %mul3A_253 = arith.mulf %mul3A_252, %add3A_247 : vector<16xf32>
        %select_n3A_254 = arith.select %ge3A_250, %add3A_247, %mul3A_253 : vector<16xi1>, vector<16xf32>
        %add3A_255 = arith.addf %gather3A_29, %gather3A_246 : vector<16xf32>
        %ge3A_256 = arith.constant 0.000000e+00 : f32
        %ge3A_257 = vector.broadcast %ge3A_256 : f32 to vector<16xf32>
        %ge3A_258 = arith.cmpf oge, %add3A_255, %ge3A_257 : vector<16xf32>
        %mul3A_259 = arith.constant 2.000000e-01 : f32
        %mul3A_260 = vector.broadcast %mul3A_259 : f32 to vector<16xf32>
        %mul3A_261 = arith.mulf %mul3A_260, %add3A_255 : vector<16xf32>
        %select_n3A_262 = arith.select %ge3A_258, %add3A_255, %mul3A_261 : vector<16xi1>, vector<16xf32>
        %sub3A_263 = arith.subf %select_n3A_254, %select_n3A_262 : vector<16xf32>
        %exp3A_264 = math.exp %sub3A_263 : vector<16xf32>
        %broadcast_in_dim3A_265 = arith.constant 2 : i32
        %broadcast_in_dim3A_266 = vector.broadcast %broadcast_in_dim3A_265 : i32 to vector<16xi32>
        tpu.vector_store_idx %arg19[%add3A_180, %broadcast_in_dim3A_266], %exp3A_264 : memref<128x8xf32, #tpu.memory_space<vmem>>[vector<16xi32>, vector<16xi32>], vector<16xf32>,
        %add3A_267 = arith.constant 3 : i32
        %add3A_268 = vector.broadcast %add3A_267 : i32 to vector<16xi32>
        %add3A_269 = arith.addi %mul3A_183, %add3A_268 : vector<16xi32>
        %gather3A_270 = tpu.vector_load_idx %arg10[%add3A_269] : memref<40448xf32, #tpu.memory_space<vmem>>[vector<16xi32>], vector<16xf32>,
        %add3A_271 = arith.constant 3 : i32
        %add3A_272 = vector.broadcast %add3A_271 : i32 to vector<16xi32>
        %add3A_273 = arith.addi %mul3A_186, %add3A_272 : vector<16xi32>
        %gather3A_274 = tpu.vector_load_idx %arg11[%add3A_273] : memref<40448xf32, #tpu.memory_space<vmem>>[vector<16xi32>], vector<16xf32>,
        %add3A_275 = arith.addf %gather3A_270, %gather3A_274 : vector<16xf32>
        %ge3A_276 = arith.constant 0.000000e+00 : f32
        %ge3A_277 = vector.broadcast %ge3A_276 : f32 to vector<16xf32>
        %ge3A_278 = arith.cmpf oge, %add3A_275, %ge3A_277 : vector<16xf32>
        %mul3A_279 = arith.constant 2.000000e-01 : f32
        %mul3A_280 = vector.broadcast %mul3A_279 : f32 to vector<16xf32>
        %mul3A_281 = arith.mulf %mul3A_280, %add3A_275 : vector<16xf32>
        %select_n3A_282 = arith.select %ge3A_278, %add3A_275, %mul3A_281 : vector<16xi1>, vector<16xf32>
        %add3A_283 = arith.addf %gather3A_36, %gather3A_274 : vector<16xf32>
        %ge3A_284 = arith.constant 0.000000e+00 : f32
        %ge3A_285 = vector.broadcast %ge3A_284 : f32 to vector<16xf32>
        %ge3A_286 = arith.cmpf oge, %add3A_283, %ge3A_285 : vector<16xf32>
        %mul3A_287 = arith.constant 2.000000e-01 : f32
        %mul3A_288 = vector.broadcast %mul3A_287 : f32 to vector<16xf32>
        %mul3A_289 = arith.mulf %mul3A_288, %add3A_283 : vector<16xf32>
        %select_n3A_290 = arith.select %ge3A_286, %add3A_283, %mul3A_289 : vector<16xi1>, vector<16xf32>
        %sub3A_291 = arith.subf %select_n3A_282, %select_n3A_290 : vector<16xf32>
        %exp3A_292 = math.exp %sub3A_291 : vector<16xf32>
        %broadcast_in_dim3A_293 = arith.constant 3 : i32
        %broadcast_in_dim3A_294 = vector.broadcast %broadcast_in_dim3A_293 : i32 to vector<16xi32>
        tpu.vector_store_idx %arg19[%add3A_180, %broadcast_in_dim3A_294], %exp3A_292 : memref<128x8xf32, #tpu.memory_space<vmem>>[vector<16xi32>, vector<16xi32>], vector<16xf32>,
      }
      %scan3A_102 = arith.constant 8 : i32
      %mul3A_103 = arith.constant 20736 : i32
      %mul3A_104 = arith.muli %arg1, %mul3A_103 : i32
      %mul3A_105 = arith.constant 128 : i32
      %mul3A_106 = arith.muli %add3A_87, %mul3A_105 : i32
      %add3A_107 = arith.addi %mul3A_104, %mul3A_106 : i32
      %dma_start3A_108 = arith.constant 0 : i32
      %dma_start3A_109 = tpu.memref_slice %arg8[%arg0, %add3A_107, %dma_start3A_108] : memref<2x331776x8xf32, #tpu.memory_space<hbm>> -> memref<1x128x8xf32, #tpu.memory_space<hbm>>
      %dma_start3A_110 = tpu.memref_squeeze %dma_start3A_109 : memref<1x128x8xf32, #tpu.memory_space<hbm>> -> memref<128x8xf32, #tpu.memory_space<hbm>>
      %dma_start3A_111 = arith.constant 0 : i32
      %dma_start3A_112 = tpu.memref_slice %arg8[%arg0, %add3A_107, %dma_start3A_111] : memref<2x331776x8xf32, #tpu.memory_space<hbm>> -> memref<1x128x8xf32, #tpu.memory_space<hbm>>
      %dma_start3A_113 = tpu.memref_squeeze %dma_start3A_112 : memref<1x128x8xf32, #tpu.memory_space<hbm>> -> memref<128x8xf32, #tpu.memory_space<hbm>>
      tpu.enqueue_dma source(%arg19 : memref<128x8xf32, #tpu.memory_space<vmem>>) target(%dma_start3A_113 : memref<128x8xf32, #tpu.memory_space<hbm>>) target_semaphore(%arg23 : memref<!tpu.dma_semaphore, #tpu.memory_space<semaphore_mem>>)
      %dma_start3A_114 = arith.constant 0 : i32
      %dma_start3A_115 = arith.constant 0 : i32
      %dma_start3A_116 = tpu.memref_slice %arg27[%dma_start3A_114, %dma_start3A_115] : memref<10112x8xf32, #tpu.memory_space<vmem_shared>> -> memref<10112x8xf32, #tpu.memory_space<vmem_shared>>
      tpu.enqueue_indirect_dma source(%arg19 : memref<128x8xf32, #tpu.memory_space<vmem>>) target(%dma_start3A_116 : memref<10112x8xf32, #tpu.memory_space<vmem_shared>>) offsets(%arg17 : memref<128xi32, #tpu.memory_space<vmem>>) semaphore(%arg25 : memref<!tpu.dma_semaphore, #tpu.memory_space<semaphore_mem>>) {add = true}
      %add3A_117 = arith.constant 2 : i32
      %add3A_118 = arith.addi %add3A_87, %add3A_117 : i32
      %lt3A = arith.constant 162 : i32
      %lt3A_119 = arith.cmpi slt, %add3A_118, %lt3A : i32
      %convert_element_type3A_120 = arith.extui %lt3A_119 : i1 to i32
      %cond3A_121 = arith.constant 0 : i32
      %cond3A_122 = arith.cmpi ne, %convert_element_type3A_120, %cond3A_121 : i32
      scf.if %cond3A_122 {
        %add3A_166 = arith.constant 2 : i32
        %add3A_167 = arith.addi %add3A_87, %add3A_166 : i32
        %mul3A_168 = arith.constant 20736 : i32
        %mul3A_169 = arith.muli %arg1, %mul3A_168 : i32
        %mul3A_170 = arith.constant 128 : i32
        %mul3A_171 = arith.muli %add3A_167, %mul3A_170 : i32
        %add3A_172 = arith.addi %mul3A_169, %mul3A_171 : i32
        %dma_start3A_173 = tpu.memref_slice %arg2[%add3A_172] : memref<331776xi32, #tpu.memory_space<hbm>> -> memref<128xi32, #tpu.memory_space<hbm>>
        %dma_start3A_174 = tpu.memref_slice %arg2[%add3A_172] : memref<331776xi32, #tpu.memory_space<hbm>> -> memref<128xi32, #tpu.memory_space<hbm>>
        tpu.enqueue_dma source(%dma_start3A_174 : memref<128xi32, #tpu.memory_space<hbm>>) target(%arg13 : memref<128xi32, #tpu.memory_space<vmem>>) target_semaphore(%arg21 : memref<!tpu.dma_semaphore, #tpu.memory_space<semaphore_mem>>)
        %dma_start3A_175 = tpu.memref_slice %arg3[%add3A_172] : memref<331776xi32, #tpu.memory_space<hbm>> -> memref<128xi32, #tpu.memory_space<hbm>>
        %dma_start3A_176 = tpu.memref_slice %arg3[%add3A_172] : memref<331776xi32, #tpu.memory_space<hbm>> -> memref<128xi32, #tpu.memory_space<hbm>>
        tpu.enqueue_dma source(%dma_start3A_176 : memref<128xi32, #tpu.memory_space<hbm>>) target(%arg15 : memref<128xi32, #tpu.memory_space<vmem>>) target_semaphore(%arg21 : memref<!tpu.dma_semaphore, #tpu.memory_space<semaphore_mem>>)
      } else {
      }
      %mul3A_123 = arith.constant 2 : i32
      %mul3A_124 = arith.muli %add3A_83, %mul3A_123 : i32
      %add3A_125 = arith.constant 1 : i32
      %add3A_126 = arith.addi %mul3A_124, %add3A_125 : i32
      %gt3A_127 = arith.constant 0 : i32
      %gt3A_128 = arith.cmpi sgt, %add3A_83, %gt3A_127 : i32
      %convert_element_type3A_129 = arith.extui %gt3A_128 : i1 to i32
      %cond3A_130 = arith.constant 0 : i32
      %cond3A_131 = arith.cmpi ne, %convert_element_type3A_129, %cond3A_130 : i32
      scf.if %cond3A_131 {
        %dma_wait3A_166 = arith.constant 0 : i32
        %dma_wait3A_167 = arith.constant 0 : i32
        %dma_wait3A_168 = tpu.memref_slice %arg8[%arg0, %dma_wait3A_166, %dma_wait3A_167] : memref<2x331776x8xf32, #tpu.memory_space<hbm>> -> memref<1x128x8xf32, #tpu.memory_space<hbm>>
        %dma_wait3A_169 = tpu.memref_squeeze %dma_wait3A_168 : memref<1x128x8xf32, #tpu.memory_space<hbm>> -> memref<128x8xf32, #tpu.memory_space<hbm>>
        %dma_wait3A_170 = arith.constant 0 : i32
        %dma_wait3A_171 = arith.constant 0 : i32
        %dma_wait3A_172 = tpu.memref_slice %arg8[%arg0, %dma_wait3A_170, %dma_wait3A_171] : memref<2x331776x8xf32, #tpu.memory_space<hbm>> -> memref<1x128x8xf32, #tpu.memory_space<hbm>>
        %dma_wait3A_173 = tpu.memref_squeeze %dma_wait3A_172 : memref<1x128x8xf32, #tpu.memory_space<hbm>> -> memref<128x8xf32, #tpu.memory_space<hbm>>
        tpu.wait_dma2 semaphore(%arg24 : memref<!tpu.dma_semaphore, #tpu.memory_space<semaphore_mem>>) src(%arg20 : memref<128x8xf32, #tpu.memory_space<vmem>>) dst(%dma_wait3A_173 : memref<128x8xf32, #tpu.memory_space<hbm>>)
        %dma_wait3A_174 = arith.constant 0 : i32
        %dma_wait3A_175 = arith.constant 0 : i32
        %dma_wait3A_176 = tpu.memref_slice %arg27[%dma_wait3A_174, %dma_wait3A_175] : memref<10112x8xf32, #tpu.memory_space<vmem_shared>> -> memref<10112x8xf32, #tpu.memory_space<vmem_shared>>
        tpu.wait_indirect_dma semaphore(%arg26 : memref<!tpu.dma_semaphore, #tpu.memory_space<semaphore_mem>>) src(%arg20 : memref<128x8xf32, #tpu.memory_space<vmem>>) dst(%dma_wait3A_176 : memref<10112x8xf32, #tpu.memory_space<vmem_shared>>)
      } else {
      }
      %dma_wait3A_132 = arith.constant 0 : i32
      %dma_wait3A_133 = tpu.memref_slice %arg2[%dma_wait3A_132] : memref<331776xi32, #tpu.memory_space<hbm>> -> memref<128xi32, #tpu.memory_space<hbm>>
      %dma_wait3A_134 = arith.constant 0 : i32
      %dma_wait3A_135 = tpu.memref_slice %arg2[%dma_wait3A_134] : memref<331776xi32, #tpu.memory_space<hbm>> -> memref<128xi32, #tpu.memory_space<hbm>>
      tpu.wait_dma2 semaphore(%arg22 : memref<!tpu.dma_semaphore, #tpu.memory_space<semaphore_mem>>) src(%dma_wait3A_135 : memref<128xi32, #tpu.memory_space<hbm>>) dst(%arg14 : memref<128xi32, #tpu.memory_space<vmem>>)
      %dma_wait3A_136 = arith.constant 0 : i32
      %dma_wait3A_137 = tpu.memref_slice %arg3[%dma_wait3A_136] : memref<331776xi32, #tpu.memory_space<hbm>> -> memref<128xi32, #tpu.memory_space<hbm>>
      %dma_wait3A_138 = arith.constant 0 : i32
      %dma_wait3A_139 = tpu.memref_slice %arg3[%dma_wait3A_138] : memref<331776xi32, #tpu.memory_space<hbm>> -> memref<128xi32, #tpu.memory_space<hbm>>
      tpu.wait_dma2 semaphore(%arg22 : memref<!tpu.dma_semaphore, #tpu.memory_space<semaphore_mem>>) src(%dma_wait3A_139 : memref<128xi32, #tpu.memory_space<hbm>>) dst(%arg16 : memref<128xi32, #tpu.memory_space<vmem>>)
      %scan3A_140 = arith.constant 0 : i32
      %scan3A_141 = arith.constant 8 : i32
      %scan3A_142 = arith.addi %scan3A_140, %scan3A_141 : i32
      %scan3A_143 = arith.constant 1 : i32
      scf.for %scan3A_166 = %scan3A_140 to %scan3A_142 step %scan3A_143  : i32 {
        %mul3A_167 = arith.constant 1 : i32
        %mul3A_168 = arith.muli %scan3A_166, %mul3A_167 : i32
        %add3A_169 = arith.constant 0 : i32
        %add3A_170 = arith.addi %add3A_169, %mul3A_168 : i32
        %mul3A_171 = arith.constant 16 : i32
        %mul3A_172 = arith.muli %add3A_170, %mul3A_171 : i32
        %get3A = arith.index_cast %mul3A_172 : i32 to index
        %get3A_173 = tpu.vector_load %arg14[%get3A] {strides = array<i32>} : memref<128xi32, #tpu.memory_space<vmem>>, vector<16xi32>,
        %get3A_174 = arith.index_cast %mul3A_172 : i32 to index
        %get3A_175 = tpu.vector_load %arg16[%get3A_174] {strides = array<i32>} : memref<128xi32, #tpu.memory_space<vmem>>, vector<16xi32>,
        %swap3A = arith.index_cast %mul3A_172 : i32 to index
        %swap3A_176 = tpu.vector_load %arg18[%swap3A] {strides = array<i32>} : memref<128xi32, #tpu.memory_space<vmem>>, vector<16xi32>,
        tpu.vector_store %arg18[%swap3A], %get3A_175 {strides = array<i32>} : memref<128xi32, #tpu.memory_space<vmem>>, vector<16xi32>,
        %mul3A_177 = arith.constant 16 : i32
        %mul3A_178 = arith.muli %add3A_170, %mul3A_177 : i32
        %add3A_179 = vector.broadcast %mul3A_178 : i32 to vector<16xi32>
        %add3A_180 = arith.addi %add3A_179, %iota3A : vector<16xi32>
        %mul3A_181 = arith.constant 4 : i32
        %mul3A_182 = vector.broadcast %mul3A_181 : i32 to vector<16xi32>
        %mul3A_183 = arith.muli %get3A_173, %mul3A_182 : vector<16xi32>
        %mul3A_184 = arith.constant 4 : i32
        %mul3A_185 = vector.broadcast %mul3A_184 : i32 to vector<16xi32>
        %mul3A_186 = arith.muli %get3A_175, %mul3A_185 : vector<16xi32>
        %add3A_187 = arith.constant 0 : i32
        %add3A_188 = vector.broadcast %add3A_187 : i32 to vector<16xi32>
        %add3A_189 = arith.addi %mul3A_183, %add3A_188 : vector<16xi32>
        %gather3A_190 = tpu.vector_load_idx %arg10[%add3A_189] : memref<40448xf32, #tpu.memory_space<vmem>>[vector<16xi32>], vector<16xf32>,
        %add3A_191 = arith.constant 0 : i32
        %add3A_192 = vector.broadcast %add3A_191 : i32 to vector<16xi32>
        %add3A_193 = arith.addi %mul3A_186, %add3A_192 : vector<16xi32>
        %gather3A_194 = tpu.vector_load_idx %arg11[%add3A_193] : memref<40448xf32, #tpu.memory_space<vmem>>[vector<16xi32>], vector<16xf32>,
        %add3A_195 = arith.addf %gather3A_190, %gather3A_194 : vector<16xf32>
        %ge3A = arith.constant 0.000000e+00 : f32
        %ge3A_196 = vector.broadcast %ge3A : f32 to vector<16xf32>
        %ge3A_197 = arith.cmpf oge, %add3A_195, %ge3A_196 : vector<16xf32>
        %mul3A_198 = arith.constant 2.000000e-01 : f32
        %mul3A_199 = vector.broadcast %mul3A_198 : f32 to vector<16xf32>
        %mul3A_200 = arith.mulf %mul3A_199, %add3A_195 : vector<16xf32>
        %select_n3A = arith.select %ge3A_197, %add3A_195, %mul3A_200 : vector<16xi1>, vector<16xf32>
        %add3A_201 = arith.addf %gather3A, %gather3A_194 : vector<16xf32>
        %ge3A_202 = arith.constant 0.000000e+00 : f32
        %ge3A_203 = vector.broadcast %ge3A_202 : f32 to vector<16xf32>
        %ge3A_204 = arith.cmpf oge, %add3A_201, %ge3A_203 : vector<16xf32>
        %mul3A_205 = arith.constant 2.000000e-01 : f32
        %mul3A_206 = vector.broadcast %mul3A_205 : f32 to vector<16xf32>
        %mul3A_207 = arith.mulf %mul3A_206, %add3A_201 : vector<16xf32>
        %select_n3A_208 = arith.select %ge3A_204, %add3A_201, %mul3A_207 : vector<16xi1>, vector<16xf32>
        %sub3A = arith.subf %select_n3A, %select_n3A_208 : vector<16xf32>
        %exp3A = math.exp %sub3A : vector<16xf32>
        %broadcast_in_dim3A_209 = arith.constant 0 : i32
        %broadcast_in_dim3A_210 = vector.broadcast %broadcast_in_dim3A_209 : i32 to vector<16xi32>
        tpu.vector_store_idx %arg20[%add3A_180, %broadcast_in_dim3A_210], %exp3A : memref<128x8xf32, #tpu.memory_space<vmem>>[vector<16xi32>, vector<16xi32>], vector<16xf32>,
        %add3A_211 = arith.constant 1 : i32
        %add3A_212 = vector.broadcast %add3A_211 : i32 to vector<16xi32>
        %add3A_213 = arith.addi %mul3A_183, %add3A_212 : vector<16xi32>
        %gather3A_214 = tpu.vector_load_idx %arg10[%add3A_213] : memref<40448xf32, #tpu.memory_space<vmem>>[vector<16xi32>], vector<16xf32>,
        %add3A_215 = arith.constant 1 : i32
        %add3A_216 = vector.broadcast %add3A_215 : i32 to vector<16xi32>
        %add3A_217 = arith.addi %mul3A_186, %add3A_216 : vector<16xi32>
        %gather3A_218 = tpu.vector_load_idx %arg11[%add3A_217] : memref<40448xf32, #tpu.memory_space<vmem>>[vector<16xi32>], vector<16xf32>,
        %add3A_219 = arith.addf %gather3A_214, %gather3A_218 : vector<16xf32>
        %ge3A_220 = arith.constant 0.000000e+00 : f32
        %ge3A_221 = vector.broadcast %ge3A_220 : f32 to vector<16xf32>
        %ge3A_222 = arith.cmpf oge, %add3A_219, %ge3A_221 : vector<16xf32>
        %mul3A_223 = arith.constant 2.000000e-01 : f32
        %mul3A_224 = vector.broadcast %mul3A_223 : f32 to vector<16xf32>
        %mul3A_225 = arith.mulf %mul3A_224, %add3A_219 : vector<16xf32>
        %select_n3A_226 = arith.select %ge3A_222, %add3A_219, %mul3A_225 : vector<16xi1>, vector<16xf32>
        %add3A_227 = arith.addf %gather3A_22, %gather3A_218 : vector<16xf32>
        %ge3A_228 = arith.constant 0.000000e+00 : f32
        %ge3A_229 = vector.broadcast %ge3A_228 : f32 to vector<16xf32>
        %ge3A_230 = arith.cmpf oge, %add3A_227, %ge3A_229 : vector<16xf32>
        %mul3A_231 = arith.constant 2.000000e-01 : f32
        %mul3A_232 = vector.broadcast %mul3A_231 : f32 to vector<16xf32>
        %mul3A_233 = arith.mulf %mul3A_232, %add3A_227 : vector<16xf32>
        %select_n3A_234 = arith.select %ge3A_230, %add3A_227, %mul3A_233 : vector<16xi1>, vector<16xf32>
        %sub3A_235 = arith.subf %select_n3A_226, %select_n3A_234 : vector<16xf32>
        %exp3A_236 = math.exp %sub3A_235 : vector<16xf32>
        %broadcast_in_dim3A_237 = arith.constant 1 : i32
        %broadcast_in_dim3A_238 = vector.broadcast %broadcast_in_dim3A_237 : i32 to vector<16xi32>
        tpu.vector_store_idx %arg20[%add3A_180, %broadcast_in_dim3A_238], %exp3A_236 : memref<128x8xf32, #tpu.memory_space<vmem>>[vector<16xi32>, vector<16xi32>], vector<16xf32>,
        %add3A_239 = arith.constant 2 : i32
        %add3A_240 = vector.broadcast %add3A_239 : i32 to vector<16xi32>
        %add3A_241 = arith.addi %mul3A_183, %add3A_240 : vector<16xi32>
        %gather3A_242 = tpu.vector_load_idx %arg10[%add3A_241] : memref<40448xf32, #tpu.memory_space<vmem>>[vector<16xi32>], vector<16xf32>,
        %add3A_243 = arith.constant 2 : i32
        %add3A_244 = vector.broadcast %add3A_243 : i32 to vector<16xi32>
        %add3A_245 = arith.addi %mul3A_186, %add3A_244 : vector<16xi32>
        %gather3A_246 = tpu.vector_load_idx %arg11[%add3A_245] : memref<40448xf32, #tpu.memory_space<vmem>>[vector<16xi32>], vector<16xf32>,
        %add3A_247 = arith.addf %gather3A_242, %gather3A_246 : vector<16xf32>
        %ge3A_248 = arith.constant 0.000000e+00 : f32
        %ge3A_249 = vector.broadcast %ge3A_248 : f32 to vector<16xf32>
        %ge3A_250 = arith.cmpf oge, %add3A_247, %ge3A_249 : vector<16xf32>
        %mul3A_251 = arith.constant 2.000000e-01 : f32
        %mul3A_252 = vector.broadcast %mul3A_251 : f32 to vector<16xf32>
        %mul3A_253 = arith.mulf %mul3A_252, %add3A_247 : vector<16xf32>
        %select_n3A_254 = arith.select %ge3A_250, %add3A_247, %mul3A_253 : vector<16xi1>, vector<16xf32>
        %add3A_255 = arith.addf %gather3A_29, %gather3A_246 : vector<16xf32>
        %ge3A_256 = arith.constant 0.000000e+00 : f32
        %ge3A_257 = vector.broadcast %ge3A_256 : f32 to vector<16xf32>
        %ge3A_258 = arith.cmpf oge, %add3A_255, %ge3A_257 : vector<16xf32>
        %mul3A_259 = arith.constant 2.000000e-01 : f32
        %mul3A_260 = vector.broadcast %mul3A_259 : f32 to vector<16xf32>
        %mul3A_261 = arith.mulf %mul3A_260, %add3A_255 : vector<16xf32>
        %select_n3A_262 = arith.select %ge3A_258, %add3A_255, %mul3A_261 : vector<16xi1>, vector<16xf32>
        %sub3A_263 = arith.subf %select_n3A_254, %select_n3A_262 : vector<16xf32>
        %exp3A_264 = math.exp %sub3A_263 : vector<16xf32>
        %broadcast_in_dim3A_265 = arith.constant 2 : i32
        %broadcast_in_dim3A_266 = vector.broadcast %broadcast_in_dim3A_265 : i32 to vector<16xi32>
        tpu.vector_store_idx %arg20[%add3A_180, %broadcast_in_dim3A_266], %exp3A_264 : memref<128x8xf32, #tpu.memory_space<vmem>>[vector<16xi32>, vector<16xi32>], vector<16xf32>,
        %add3A_267 = arith.constant 3 : i32
        %add3A_268 = vector.broadcast %add3A_267 : i32 to vector<16xi32>
        %add3A_269 = arith.addi %mul3A_183, %add3A_268 : vector<16xi32>
        %gather3A_270 = tpu.vector_load_idx %arg10[%add3A_269] : memref<40448xf32, #tpu.memory_space<vmem>>[vector<16xi32>], vector<16xf32>,
        %add3A_271 = arith.constant 3 : i32
        %add3A_272 = vector.broadcast %add3A_271 : i32 to vector<16xi32>
        %add3A_273 = arith.addi %mul3A_186, %add3A_272 : vector<16xi32>
        %gather3A_274 = tpu.vector_load_idx %arg11[%add3A_273] : memref<40448xf32, #tpu.memory_space<vmem>>[vector<16xi32>], vector<16xf32>,
        %add3A_275 = arith.addf %gather3A_270, %gather3A_274 : vector<16xf32>
        %ge3A_276 = arith.constant 0.000000e+00 : f32
        %ge3A_277 = vector.broadcast %ge3A_276 : f32 to vector<16xf32>
        %ge3A_278 = arith.cmpf oge, %add3A_275, %ge3A_277 : vector<16xf32>
        %mul3A_279 = arith.constant 2.000000e-01 : f32
        %mul3A_280 = vector.broadcast %mul3A_279 : f32 to vector<16xf32>
        %mul3A_281 = arith.mulf %mul3A_280, %add3A_275 : vector<16xf32>
        %select_n3A_282 = arith.select %ge3A_278, %add3A_275, %mul3A_281 : vector<16xi1>, vector<16xf32>
        %add3A_283 = arith.addf %gather3A_36, %gather3A_274 : vector<16xf32>
        %ge3A_284 = arith.constant 0.000000e+00 : f32
        %ge3A_285 = vector.broadcast %ge3A_284 : f32 to vector<16xf32>
        %ge3A_286 = arith.cmpf oge, %add3A_283, %ge3A_285 : vector<16xf32>
        %mul3A_287 = arith.constant 2.000000e-01 : f32
        %mul3A_288 = vector.broadcast %mul3A_287 : f32 to vector<16xf32>
        %mul3A_289 = arith.mulf %mul3A_288, %add3A_283 : vector<16xf32>
        %select_n3A_290 = arith.select %ge3A_286, %add3A_283, %mul3A_289 : vector<16xi1>, vector<16xf32>
        %sub3A_291 = arith.subf %select_n3A_282, %select_n3A_290 : vector<16xf32>
        %exp3A_292 = math.exp %sub3A_291 : vector<16xf32>
        %broadcast_in_dim3A_293 = arith.constant 3 : i32
        %broadcast_in_dim3A_294 = vector.broadcast %broadcast_in_dim3A_293 : i32 to vector<16xi32>
        tpu.vector_store_idx %arg20[%add3A_180, %broadcast_in_dim3A_294], %exp3A_292 : memref<128x8xf32, #tpu.memory_space<vmem>>[vector<16xi32>, vector<16xi32>], vector<16xf32>,
      }
      %scan3A_144 = arith.constant 8 : i32
      %mul3A_145 = arith.constant 20736 : i32
      %mul3A_146 = arith.muli %arg1, %mul3A_145 : i32
      %mul3A_147 = arith.constant 128 : i32
      %mul3A_148 = arith.muli %add3A_126, %mul3A_147 : i32
      %add3A_149 = arith.addi %mul3A_146, %mul3A_148 : i32
      %dma_start3A_150 = arith.constant 0 : i32
      %dma_start3A_151 = tpu.memref_slice %arg8[%arg0, %add3A_149, %dma_start3A_150] : memref<2x331776x8xf32, #tpu.memory_space<hbm>> -> memref<1x128x8xf32, #tpu.memory_space<hbm>>
      %dma_start3A_152 = tpu.memref_squeeze %dma_start3A_151 : memref<1x128x8xf32, #tpu.memory_space<hbm>> -> memref<128x8xf32, #tpu.memory_space<hbm>>
      %dma_start3A_153 = arith.constant 0 : i32
      %dma_start3A_154 = tpu.memref_slice %arg8[%arg0, %add3A_149, %dma_start3A_153] : memref<2x331776x8xf32, #tpu.memory_space<hbm>> -> memref<1x128x8xf32, #tpu.memory_space<hbm>>
      %dma_start3A_155 = tpu.memref_squeeze %dma_start3A_154 : memref<1x128x8xf32, #tpu.memory_space<hbm>> -> memref<128x8xf32, #tpu.memory_space<hbm>>
      tpu.enqueue_dma source(%arg20 : memref<128x8xf32, #tpu.memory_space<vmem>>) target(%dma_start3A_155 : memref<128x8xf32, #tpu.memory_space<hbm>>) target_semaphore(%arg24 : memref<!tpu.dma_semaphore, #tpu.memory_space<semaphore_mem>>)
      %dma_start3A_156 = arith.constant 0 : i32
      %dma_start3A_157 = arith.constant 0 : i32
      %dma_start3A_158 = tpu.memref_slice %arg27[%dma_start3A_156, %dma_start3A_157] : memref<10112x8xf32, #tpu.memory_space<vmem_shared>> -> memref<10112x8xf32, #tpu.memory_space<vmem_shared>>
      tpu.enqueue_indirect_dma source(%arg20 : memref<128x8xf32, #tpu.memory_space<vmem>>) target(%dma_start3A_158 : memref<10112x8xf32, #tpu.memory_space<vmem_shared>>) offsets(%arg18 : memref<128xi32, #tpu.memory_space<vmem>>) semaphore(%arg26 : memref<!tpu.dma_semaphore, #tpu.memory_space<semaphore_mem>>) {add = true}
      %add3A_159 = arith.constant 2 : i32
      %add3A_160 = arith.addi %add3A_126, %add3A_159 : i32
      %lt3A_161 = arith.constant 162 : i32
      %lt3A_162 = arith.cmpi slt, %add3A_160, %lt3A_161 : i32
      %convert_element_type3A_163 = arith.extui %lt3A_162 : i1 to i32
      %cond3A_164 = arith.constant 0 : i32
      %cond3A_165 = arith.cmpi ne, %convert_element_type3A_163, %cond3A_164 : i32
      scf.if %cond3A_165 {
        %add3A_166 = arith.constant 2 : i32
        %add3A_167 = arith.addi %add3A_126, %add3A_166 : i32
        %mul3A_168 = arith.constant 20736 : i32
        %mul3A_169 = arith.muli %arg1, %mul3A_168 : i32
        %mul3A_170 = arith.constant 128 : i32
        %mul3A_171 = arith.muli %add3A_167, %mul3A_170 : i32
        %add3A_172 = arith.addi %mul3A_169, %mul3A_171 : i32
        %dma_start3A_173 = tpu.memref_slice %arg2[%add3A_172] : memref<331776xi32, #tpu.memory_space<hbm>> -> memref<128xi32, #tpu.memory_space<hbm>>
        %dma_start3A_174 = tpu.memref_slice %arg2[%add3A_172] : memref<331776xi32, #tpu.memory_space<hbm>> -> memref<128xi32, #tpu.memory_space<hbm>>
        tpu.enqueue_dma source(%dma_start3A_174 : memref<128xi32, #tpu.memory_space<hbm>>) target(%arg14 : memref<128xi32, #tpu.memory_space<vmem>>) target_semaphore(%arg22 : memref<!tpu.dma_semaphore, #tpu.memory_space<semaphore_mem>>)
        %dma_start3A_175 = tpu.memref_slice %arg3[%add3A_172] : memref<331776xi32, #tpu.memory_space<hbm>> -> memref<128xi32, #tpu.memory_space<hbm>>
        %dma_start3A_176 = tpu.memref_slice %arg3[%add3A_172] : memref<331776xi32, #tpu.memory_space<hbm>> -> memref<128xi32, #tpu.memory_space<hbm>>
        tpu.enqueue_dma source(%dma_start3A_176 : memref<128xi32, #tpu.memory_space<hbm>>) target(%arg16 : memref<128xi32, #tpu.memory_space<vmem>>) target_semaphore(%arg22 : memref<!tpu.dma_semaphore, #tpu.memory_space<semaphore_mem>>)
      } else {
      }
    }
    %scan3A_56 = arith.constant 81 : i32
    %dma_wait3A = arith.constant 0 : i32
    %dma_wait3A_57 = arith.constant 0 : i32
    %dma_wait3A_58 = tpu.memref_slice %arg8[%arg0, %dma_wait3A, %dma_wait3A_57] : memref<2x331776x8xf32, #tpu.memory_space<hbm>> -> memref<1x128x8xf32, #tpu.memory_space<hbm>>
    %dma_wait3A_59 = tpu.memref_squeeze %dma_wait3A_58 : memref<1x128x8xf32, #tpu.memory_space<hbm>> -> memref<128x8xf32, #tpu.memory_space<hbm>>
    %dma_wait3A_60 = arith.constant 0 : i32
    %dma_wait3A_61 = arith.constant 0 : i32
    %dma_wait3A_62 = tpu.memref_slice %arg8[%arg0, %dma_wait3A_60, %dma_wait3A_61] : memref<2x331776x8xf32, #tpu.memory_space<hbm>> -> memref<1x128x8xf32, #tpu.memory_space<hbm>>
    %dma_wait3A_63 = tpu.memref_squeeze %dma_wait3A_62 : memref<1x128x8xf32, #tpu.memory_space<hbm>> -> memref<128x8xf32, #tpu.memory_space<hbm>>
    tpu.wait_dma2 semaphore(%arg23 : memref<!tpu.dma_semaphore, #tpu.memory_space<semaphore_mem>>) src(%arg19 : memref<128x8xf32, #tpu.memory_space<vmem>>) dst(%dma_wait3A_63 : memref<128x8xf32, #tpu.memory_space<hbm>>)
    %dma_wait3A_64 = arith.constant 0 : i32
    %dma_wait3A_65 = arith.constant 0 : i32
    %dma_wait3A_66 = tpu.memref_slice %arg27[%dma_wait3A_64, %dma_wait3A_65] : memref<10112x8xf32, #tpu.memory_space<vmem_shared>> -> memref<10112x8xf32, #tpu.memory_space<vmem_shared>>
    tpu.wait_indirect_dma semaphore(%arg25 : memref<!tpu.dma_semaphore, #tpu.memory_space<semaphore_mem>>) src(%arg19 : memref<128x8xf32, #tpu.memory_space<vmem>>) dst(%dma_wait3A_66 : memref<10112x8xf32, #tpu.memory_space<vmem_shared>>)
    %dma_wait3A_67 = arith.constant 0 : i32
    %dma_wait3A_68 = arith.constant 0 : i32
    %dma_wait3A_69 = tpu.memref_slice %arg8[%arg0, %dma_wait3A_67, %dma_wait3A_68] : memref<2x331776x8xf32, #tpu.memory_space<hbm>> -> memref<1x128x8xf32, #tpu.memory_space<hbm>>
    %dma_wait3A_70 = tpu.memref_squeeze %dma_wait3A_69 : memref<1x128x8xf32, #tpu.memory_space<hbm>> -> memref<128x8xf32, #tpu.memory_space<hbm>>
    %dma_wait3A_71 = arith.constant 0 : i32
    %dma_wait3A_72 = arith.constant 0 : i32
    %dma_wait3A_73 = tpu.memref_slice %arg8[%arg0, %dma_wait3A_71, %dma_wait3A_72] : memref<2x331776x8xf32, #tpu.memory_space<hbm>> -> memref<1x128x8xf32, #tpu.memory_space<hbm>>
    %dma_wait3A_74 = tpu.memref_squeeze %dma_wait3A_73 : memref<1x128x8xf32, #tpu.memory_space<hbm>> -> memref<128x8xf32, #tpu.memory_space<hbm>>
    tpu.wait_dma2 semaphore(%arg24 : memref<!tpu.dma_semaphore, #tpu.memory_space<semaphore_mem>>) src(%arg20 : memref<128x8xf32, #tpu.memory_space<vmem>>) dst(%dma_wait3A_74 : memref<128x8xf32, #tpu.memory_space<hbm>>)
    %dma_wait3A_75 = arith.constant 0 : i32
    %dma_wait3A_76 = arith.constant 0 : i32
    %dma_wait3A_77 = tpu.memref_slice %arg27[%dma_wait3A_75, %dma_wait3A_76] : memref<10112x8xf32, #tpu.memory_space<vmem_shared>> -> memref<10112x8xf32, #tpu.memory_space<vmem_shared>>
    tpu.wait_indirect_dma semaphore(%arg26 : memref<!tpu.dma_semaphore, #tpu.memory_space<semaphore_mem>>) src(%arg20 : memref<128x8xf32, #tpu.memory_space<vmem>>) dst(%dma_wait3A_77 : memref<10112x8xf32, #tpu.memory_space<vmem_shared>>)
    %barrier3A_78 = arith.constant 0 : index
    tpu.barrier barrier_id(%barrier3A_78)
    "tpu.region"() ({
      %run_scoped3A = tpu.sem_alloc : memref<!tpu.dma_semaphore, #tpu.memory_space<semaphore_mem>>
      %dma_start3A_79 = arith.constant 0 : i32
      %dma_start3A_80 = tpu.memref_slice %arg9[%arg0, %mul3A_0, %dma_start3A_79] : memref<2x10112x8xf32, #tpu.memory_space<hbm>> -> memref<1x632x8xf32, #tpu.memory_space<hbm>>
      %dma_start3A_81 = tpu.memref_squeeze %dma_start3A_80 : memref<1x632x8xf32, #tpu.memory_space<hbm>> -> memref<632x8xf32, #tpu.memory_space<hbm>>
      %dma_start3A_82 = arith.constant 0 : i32
      %dma_start3A_83 = tpu.memref_slice %arg27[%mul3A_0, %dma_start3A_82] : memref<10112x8xf32, #tpu.memory_space<vmem_shared>> -> memref<632x8xf32, #tpu.memory_space<vmem_shared>>
      tpu.enqueue_dma source(%dma_start3A_83 : memref<632x8xf32, #tpu.memory_space<vmem_shared>>) target(%dma_start3A_81 : memref<632x8xf32, #tpu.memory_space<hbm>>) target_semaphore(%run_scoped3A : memref<!tpu.dma_semaphore, #tpu.memory_space<semaphore_mem>>)
      %dma_wait3A_84 = arith.constant 0 : i32
      %dma_wait3A_85 = tpu.memref_slice %arg9[%arg0, %mul3A_0, %dma_wait3A_84] : memref<2x10112x8xf32, #tpu.memory_space<hbm>> -> memref<1x632x8xf32, #tpu.memory_space<hbm>>
      %dma_wait3A_86 = tpu.memref_squeeze %dma_wait3A_85 : memref<1x632x8xf32, #tpu.memory_space<hbm>> -> memref<632x8xf32, #tpu.memory_space<hbm>>
      %dma_wait3A_87 = arith.constant 0 : i32
      %dma_wait3A_88 = tpu.memref_slice %arg27[%mul3A_0, %dma_wait3A_87] : memref<10112x8xf32, #tpu.memory_space<vmem_shared>> -> memref<632x8xf32, #tpu.memory_space<vmem_shared>>
      tpu.wait_dma2 semaphore(%run_scoped3A : memref<!tpu.dma_semaphore, #tpu.memory_space<semaphore_mem>>) src(%dma_wait3A_88 : memref<632x8xf32, #tpu.memory_space<vmem_shared>>) dst(%dma_wait3A_86 : memref<632x8xf32, #tpu.memory_space<hbm>>)
      tpu.yield
    }) : () -> ()
    return
  }
}

#map = affine_map<(d0, d1) -> (0)>
#map1 = affine_map<(d0, d1) -> (0, 0)>
module attributes {stable_mosaic.version = 14 : i64} {
  func.func @_pa1_body(%arg0: i32, %arg1: i32, %arg2: memref<331776xi32, #tpu.memory_space<hbm>>, %arg3: memref<331776xi32, #tpu.memory_space<hbm>>, %arg4: memref<10112xf32, #tpu.memory_space<hbm>>, %arg5: memref<10112xf32, #tpu.memory_space<hbm>>, %arg6: memref<10112xf32, #tpu.memory_space<hbm>>, %arg7: memref<10112xf32, #tpu.memory_space<hbm>>, %arg8: memref<331776xf32, #tpu.memory_space<hbm>>, %arg9: memref<2x10112xf32, #tpu.memory_space<hbm>>, %arg10: memref<10112xf32, #tpu.memory_space<vmem>>, %arg11: memref<10112xf32, #tpu.memory_space<vmem>>, %arg12: memref<10112xf32, #tpu.memory_space<vmem>>, %arg13: memref<128xi32, #tpu.memory_space<vmem>>, %arg14: memref<128xi32, #tpu.memory_space<vmem>>, %arg15: memref<128xf32, #tpu.memory_space<vmem>>, %arg16: memref<!tpu.dma_semaphore, #tpu.memory_space<semaphore_mem>>, %arg17: memref<10112xf32, #tpu.memory_space<vmem_shared>>) attributes {dimension_semantics = [#tpu.dimension_semantics<core_parallel>, #tpu.dimension_semantics<subcore_parallel>], iteration_bounds = array<i64: 2, 16>, scalar_prefetch = 0 : i64, scratch_operands = 8 : i64, tpu.core_type = #tpu.core_type<sc_vector_subcore>, window_params = [{transform_indices = #map}, {transform_indices = #map}, {transform_indices = #map}, {transform_indices = #map}, {transform_indices = #map}, {transform_indices = #map}, {transform_indices = #map}, {transform_indices = #map1}]} {
    "tpu.region"() ({
      %run_scoped3A = tpu.sem_alloc : memref<!tpu.dma_semaphore, #tpu.memory_space<semaphore_mem>>
      tpu.enqueue_dma source(%arg5 : memref<10112xf32, #tpu.memory_space<hbm>>) target(%arg10 : memref<10112xf32, #tpu.memory_space<vmem>>) target_semaphore(%run_scoped3A : memref<!tpu.dma_semaphore, #tpu.memory_space<semaphore_mem>>)
      tpu.wait_dma2 semaphore(%run_scoped3A : memref<!tpu.dma_semaphore, #tpu.memory_space<semaphore_mem>>) src(%arg5 : memref<10112xf32, #tpu.memory_space<hbm>>) dst(%arg10 : memref<10112xf32, #tpu.memory_space<vmem>>)
      tpu.yield
    }) : () -> ()
    "tpu.region"() ({
      %run_scoped3A = tpu.sem_alloc : memref<!tpu.dma_semaphore, #tpu.memory_space<semaphore_mem>>
      tpu.enqueue_dma source(%arg6 : memref<10112xf32, #tpu.memory_space<hbm>>) target(%arg11 : memref<10112xf32, #tpu.memory_space<vmem>>) target_semaphore(%run_scoped3A : memref<!tpu.dma_semaphore, #tpu.memory_space<semaphore_mem>>)
      tpu.wait_dma2 semaphore(%run_scoped3A : memref<!tpu.dma_semaphore, #tpu.memory_space<semaphore_mem>>) src(%arg6 : memref<10112xf32, #tpu.memory_space<hbm>>) dst(%arg11 : memref<10112xf32, #tpu.memory_space<vmem>>)
      tpu.yield
    }) : () -> ()
    "tpu.region"() ({
      %run_scoped3A = tpu.sem_alloc : memref<!tpu.dma_semaphore, #tpu.memory_space<semaphore_mem>>
      tpu.enqueue_dma source(%arg7 : memref<10112xf32, #tpu.memory_space<hbm>>) target(%arg12 : memref<10112xf32, #tpu.memory_space<vmem>>) target_semaphore(%run_scoped3A : memref<!tpu.dma_semaphore, #tpu.memory_space<semaphore_mem>>)
      tpu.wait_dma2 semaphore(%run_scoped3A : memref<!tpu.dma_semaphore, #tpu.memory_space<semaphore_mem>>) src(%arg7 : memref<10112xf32, #tpu.memory_space<hbm>>) dst(%arg12 : memref<10112xf32, #tpu.memory_space<vmem>>)
      tpu.yield
    }) : () -> ()
    %mul3A = arith.constant 632 : i32
    %mul3A_0 = arith.muli %arg1, %mul3A : i32
    "tpu.region"() ({
      %run_scoped3A = tpu.sem_alloc : memref<!tpu.dma_semaphore, #tpu.memory_space<semaphore_mem>>
      %dma_start3A = tpu.memref_slice %arg17[%mul3A_0] : memref<10112xf32, #tpu.memory_space<vmem_shared>> -> memref<632xf32, #tpu.memory_space<vmem_shared>>
      %dma_start3A_6 = tpu.memref_slice %arg4[%mul3A_0] : memref<10112xf32, #tpu.memory_space<hbm>> -> memref<632xf32, #tpu.memory_space<hbm>>
      tpu.enqueue_dma source(%dma_start3A_6 : memref<632xf32, #tpu.memory_space<hbm>>) target(%dma_start3A : memref<632xf32, #tpu.memory_space<vmem_shared>>) target_semaphore(%run_scoped3A : memref<!tpu.dma_semaphore, #tpu.memory_space<semaphore_mem>>)
      %dma_wait3A = tpu.memref_slice %arg17[%mul3A_0] : memref<10112xf32, #tpu.memory_space<vmem_shared>> -> memref<632xf32, #tpu.memory_space<vmem_shared>>
      %dma_wait3A_7 = tpu.memref_slice %arg4[%mul3A_0] : memref<10112xf32, #tpu.memory_space<hbm>> -> memref<632xf32, #tpu.memory_space<hbm>>
      tpu.wait_dma2 semaphore(%run_scoped3A : memref<!tpu.dma_semaphore, #tpu.memory_space<semaphore_mem>>) src(%dma_wait3A_7 : memref<632xf32, #tpu.memory_space<hbm>>) dst(%dma_wait3A : memref<632xf32, #tpu.memory_space<vmem_shared>>)
      tpu.yield
    }) : () -> ()
    %barrier3A = arith.constant 0 : index
    tpu.barrier barrier_id(%barrier3A)
    %scan3A = arith.constant 0 : i32
    %scan3A_1 = arith.constant 81 : i32
    %scan3A_2 = arith.addi %scan3A, %scan3A_1 : i32
    %scan3A_3 = arith.constant 1 : i32
    scf.for %scan3A_6 = %scan3A to %scan3A_2 step %scan3A_3  : i32 {
      %mul3A_7 = arith.constant 1 : i32
      %mul3A_8 = arith.muli %scan3A_6, %mul3A_7 : i32
      %add3A = arith.constant 0 : i32
      %add3A_9 = arith.addi %add3A, %mul3A_8 : i32
      %mul3A_10 = arith.constant 165888 : i32
      %mul3A_11 = arith.muli %arg0, %mul3A_10 : i32
      %mul3A_12 = arith.constant 10368 : i32
      %mul3A_13 = arith.muli %arg1, %mul3A_12 : i32
      %add3A_14 = arith.addi %mul3A_11, %mul3A_13 : i32
      %mul3A_15 = arith.constant 128 : i32
      %mul3A_16 = arith.muli %add3A_9, %mul3A_15 : i32
      %add3A_17 = arith.addi %add3A_14, %mul3A_16 : i32
      "tpu.region"() ({
        %run_scoped3A = tpu.sem_alloc : memref<!tpu.dma_semaphore, #tpu.memory_space<semaphore_mem>>
        %dma_start3A_25 = tpu.memref_slice %arg2[%add3A_17] : memref<331776xi32, #tpu.memory_space<hbm>> -> memref<128xi32, #tpu.memory_space<hbm>>
        %dma_start3A_26 = tpu.memref_slice %arg2[%add3A_17] : memref<331776xi32, #tpu.memory_space<hbm>> -> memref<128xi32, #tpu.memory_space<hbm>>
        tpu.enqueue_dma source(%dma_start3A_26 : memref<128xi32, #tpu.memory_space<hbm>>) target(%arg13 : memref<128xi32, #tpu.memory_space<vmem>>) target_semaphore(%run_scoped3A : memref<!tpu.dma_semaphore, #tpu.memory_space<semaphore_mem>>)
        %dma_wait3A_27 = tpu.memref_slice %arg2[%add3A_17] : memref<331776xi32, #tpu.memory_space<hbm>> -> memref<128xi32, #tpu.memory_space<hbm>>
        %dma_wait3A_28 = tpu.memref_slice %arg2[%add3A_17] : memref<331776xi32, #tpu.memory_space<hbm>> -> memref<128xi32, #tpu.memory_space<hbm>>
        tpu.wait_dma2 semaphore(%run_scoped3A : memref<!tpu.dma_semaphore, #tpu.memory_space<semaphore_mem>>) src(%dma_wait3A_28 : memref<128xi32, #tpu.memory_space<hbm>>) dst(%arg13 : memref<128xi32, #tpu.memory_space<vmem>>)
        tpu.yield
      }) : () -> ()
      "tpu.region"() ({
        %run_scoped3A = tpu.sem_alloc : memref<!tpu.dma_semaphore, #tpu.memory_space<semaphore_mem>>
        %dma_start3A_25 = tpu.memref_slice %arg3[%add3A_17] : memref<331776xi32, #tpu.memory_space<hbm>> -> memref<128xi32, #tpu.memory_space<hbm>>
        %dma_start3A_26 = tpu.memref_slice %arg3[%add3A_17] : memref<331776xi32, #tpu.memory_space<hbm>> -> memref<128xi32, #tpu.memory_space<hbm>>
        tpu.enqueue_dma source(%dma_start3A_26 : memref<128xi32, #tpu.memory_space<hbm>>) target(%arg14 : memref<128xi32, #tpu.memory_space<vmem>>) target_semaphore(%run_scoped3A : memref<!tpu.dma_semaphore, #tpu.memory_space<semaphore_mem>>)
        %dma_wait3A_27 = tpu.memref_slice %arg3[%add3A_17] : memref<331776xi32, #tpu.memory_space<hbm>> -> memref<128xi32, #tpu.memory_space<hbm>>
        %dma_wait3A_28 = tpu.memref_slice %arg3[%add3A_17] : memref<331776xi32, #tpu.memory_space<hbm>> -> memref<128xi32, #tpu.memory_space<hbm>>
        tpu.wait_dma2 semaphore(%run_scoped3A : memref<!tpu.dma_semaphore, #tpu.memory_space<semaphore_mem>>) src(%dma_wait3A_28 : memref<128xi32, #tpu.memory_space<hbm>>) dst(%arg14 : memref<128xi32, #tpu.memory_space<vmem>>)
        tpu.yield
      }) : () -> ()
      %scan3A_18 = arith.constant 0 : i32
      %scan3A_19 = arith.constant 8 : i32
      %scan3A_20 = arith.addi %scan3A_18, %scan3A_19 : i32
      %scan3A_21 = arith.constant 1 : i32
      scf.for %scan3A_25 = %scan3A_18 to %scan3A_20 step %scan3A_21  : i32 {
        %mul3A_26 = arith.constant 1 : i32
        %mul3A_27 = arith.muli %scan3A_25, %mul3A_26 : i32
        %add3A_28 = arith.constant 0 : i32
        %add3A_29 = arith.addi %add3A_28, %mul3A_27 : i32
        %mul3A_30 = arith.constant 16 : i32
        %mul3A_31 = arith.muli %add3A_29, %mul3A_30 : i32
        %get3A = arith.index_cast %mul3A_31 : i32 to index
        %get3A_32 = tpu.vector_load %arg13[%get3A] {strides = array<i32>} : memref<128xi32, #tpu.memory_space<vmem>>, vector<16xi32>,
        %get3A_33 = arith.index_cast %mul3A_31 : i32 to index
        %get3A_34 = tpu.vector_load %arg14[%get3A_33] {strides = array<i32>} : memref<128xi32, #tpu.memory_space<vmem>>, vector<16xi32>,
        %gather3A = tpu.vector_load_idx %arg10[%get3A_32] : memref<10112xf32, #tpu.memory_space<vmem>>[vector<16xi32>], vector<16xf32>,
        %gather3A_35 = tpu.vector_load_idx %arg11[%get3A_34] : memref<10112xf32, #tpu.memory_space<vmem>>[vector<16xi32>], vector<16xf32>,
        %gather3A_36 = tpu.vector_load_idx %arg12[%get3A_34] : memref<10112xf32, #tpu.memory_space<vmem>>[vector<16xi32>], vector<16xf32>,
        %add3A_37 = arith.addf %gather3A, %gather3A_35 : vector<16xf32>
        %ge3A = arith.constant 0.000000e+00 : f32
        %ge3A_38 = vector.broadcast %ge3A : f32 to vector<16xf32>
        %ge3A_39 = arith.cmpf oge, %add3A_37, %ge3A_38 : vector<16xf32>
        %mul3A_40 = arith.constant 2.000000e-01 : f32
        %mul3A_41 = vector.broadcast %mul3A_40 : f32 to vector<16xf32>
        %mul3A_42 = arith.mulf %mul3A_41, %add3A_37 : vector<16xf32>
        %select_n3A = arith.select %ge3A_39, %add3A_37, %mul3A_42 : vector<16xi1>, vector<16xf32>
        %sub3A = arith.subf %select_n3A, %gather3A_36 : vector<16xf32>
        %exp3A = math.exp %sub3A : vector<16xf32>
        %swap3A = arith.index_cast %mul3A_31 : i32 to index
        %swap3A_43 = tpu.vector_load %arg15[%swap3A] {strides = array<i32>} : memref<128xf32, #tpu.memory_space<vmem>>, vector<16xf32>,
        tpu.vector_store %arg15[%swap3A], %exp3A {strides = array<i32>} : memref<128xf32, #tpu.memory_space<vmem>>, vector<16xf32>,
      }
      %scan3A_22 = arith.constant 8 : i32
      "tpu.region"() ({
        %run_scoped3A = tpu.sem_alloc : memref<!tpu.dma_semaphore, #tpu.memory_space<semaphore_mem>>
        %dma_start3A_25 = tpu.memref_slice %arg8[%add3A_17] : memref<331776xf32, #tpu.memory_space<hbm>> -> memref<128xf32, #tpu.memory_space<hbm>>
        %dma_start3A_26 = tpu.memref_slice %arg8[%add3A_17] : memref<331776xf32, #tpu.memory_space<hbm>> -> memref<128xf32, #tpu.memory_space<hbm>>
        tpu.enqueue_dma source(%arg15 : memref<128xf32, #tpu.memory_space<vmem>>) target(%dma_start3A_26 : memref<128xf32, #tpu.memory_space<hbm>>) target_semaphore(%run_scoped3A : memref<!tpu.dma_semaphore, #tpu.memory_space<semaphore_mem>>)
        %dma_wait3A_27 = tpu.memref_slice %arg8[%add3A_17] : memref<331776xf32, #tpu.memory_space<hbm>> -> memref<128xf32, #tpu.memory_space<hbm>>
        %dma_wait3A_28 = tpu.memref_slice %arg8[%add3A_17] : memref<331776xf32, #tpu.memory_space<hbm>> -> memref<128xf32, #tpu.memory_space<hbm>>
        tpu.wait_dma2 semaphore(%run_scoped3A : memref<!tpu.dma_semaphore, #tpu.memory_space<semaphore_mem>>) src(%arg15 : memref<128xf32, #tpu.memory_space<vmem>>) dst(%dma_wait3A_28 : memref<128xf32, #tpu.memory_space<hbm>>)
        tpu.yield
      }) : () -> ()
      %dma_start3A = arith.constant 0 : i32
      %dma_start3A_23 = tpu.memref_slice %arg17[%dma_start3A] : memref<10112xf32, #tpu.memory_space<vmem_shared>> -> memref<10112xf32, #tpu.memory_space<vmem_shared>>
      tpu.enqueue_indirect_dma source(%arg15 : memref<128xf32, #tpu.memory_space<vmem>>) target(%dma_start3A_23 : memref<10112xf32, #tpu.memory_space<vmem_shared>>) offsets(%arg14 : memref<128xi32, #tpu.memory_space<vmem>>) semaphore(%arg16 : memref<!tpu.dma_semaphore, #tpu.memory_space<semaphore_mem>>) {add = true}
      %dma_wait3A = arith.constant 0 : i32
      %dma_wait3A_24 = tpu.memref_slice %arg17[%dma_wait3A] : memref<10112xf32, #tpu.memory_space<vmem_shared>> -> memref<10112xf32, #tpu.memory_space<vmem_shared>>
      tpu.wait_indirect_dma semaphore(%arg16 : memref<!tpu.dma_semaphore, #tpu.memory_space<semaphore_mem>>) src(%arg15 : memref<128xf32, #tpu.memory_space<vmem>>) dst(%dma_wait3A_24 : memref<10112xf32, #tpu.memory_space<vmem_shared>>)
    }
    %scan3A_4 = arith.constant 81 : i32
    %barrier3A_5 = arith.constant 0 : index
    tpu.barrier barrier_id(%barrier3A_5)
    "tpu.region"() ({
      %run_scoped3A = tpu.sem_alloc : memref<!tpu.dma_semaphore, #tpu.memory_space<semaphore_mem>>
      %dma_start3A = tpu.memref_slice %arg9[%arg0, %mul3A_0] : memref<2x10112xf32, #tpu.memory_space<hbm>> -> memref<1x632xf32, #tpu.memory_space<hbm>>
      %dma_start3A_6 = tpu.memref_squeeze %dma_start3A : memref<1x632xf32, #tpu.memory_space<hbm>> -> memref<632xf32, #tpu.memory_space<hbm>>
      %dma_start3A_7 = tpu.memref_slice %arg17[%mul3A_0] : memref<10112xf32, #tpu.memory_space<vmem_shared>> -> memref<632xf32, #tpu.memory_space<vmem_shared>>
      tpu.enqueue_dma source(%dma_start3A_7 : memref<632xf32, #tpu.memory_space<vmem_shared>>) target(%dma_start3A_6 : memref<632xf32, #tpu.memory_space<hbm>>) target_semaphore(%run_scoped3A : memref<!tpu.dma_semaphore, #tpu.memory_space<semaphore_mem>>)
      %dma_wait3A = tpu.memref_slice %arg9[%arg0, %mul3A_0] : memref<2x10112xf32, #tpu.memory_space<hbm>> -> memref<1x632xf32, #tpu.memory_space<hbm>>
      %dma_wait3A_8 = tpu.memref_squeeze %dma_wait3A : memref<1x632xf32, #tpu.memory_space<hbm>> -> memref<632xf32, #tpu.memory_space<hbm>>
      %dma_wait3A_9 = tpu.memref_slice %arg17[%mul3A_0] : memref<10112xf32, #tpu.memory_space<vmem_shared>> -> memref<632xf32, #tpu.memory_space<vmem_shared>>
      tpu.wait_dma2 semaphore(%run_scoped3A : memref<!tpu.dma_semaphore, #tpu.memory_space<semaphore_mem>>) src(%dma_wait3A_9 : memref<632xf32, #tpu.memory_space<vmem_shared>>) dst(%dma_wait3A_8 : memref<632xf32, #tpu.memory_space<hbm>>)
      tpu.yield
    }) : () -> ()
    return
  }
}

#map = affine_map<(d0, d1) -> (0)>
#map1 = affine_map<(d0, d1) -> (0, 0)>
#map2 = affine_map<(d0, d1) -> (0, 0, 0)>
module attributes {stable_mosaic.version = 14 : i64} {
  func.func @_pb1_body(%arg0: i32, %arg1: i32, %arg2: memref<331776xi32, #tpu.memory_space<hbm>>, %arg3: memref<331776xi32, #tpu.memory_space<hbm>>, %arg4: memref<331776xf32, #tpu.memory_space<hbm>>, %arg5: memref<10112xf32, #tpu.memory_space<hbm>>, %arg6: memref<10112x8xf32, #tpu.memory_space<hbm>>, %arg7: memref<10112x8xf32, #tpu.memory_space<hbm>>, %arg8: memref<2x10112x8xf32, #tpu.memory_space<hbm>>, %arg9: memref<10112x8xf32, #tpu.memory_space<vmem>>, %arg10: memref<128xi32, #tpu.memory_space<vmem>>, %arg11: memref<128xi32, #tpu.memory_space<vmem>>, %arg12: memref<128xf32, #tpu.memory_space<vmem>>, %arg13: memref<128xf32, #tpu.memory_space<vmem>>, %arg14: memref<128xf32, #tpu.memory_space<vmem>>, %arg15: memref<128x8xf32, #tpu.memory_space<vmem>>, %arg16: memref<!tpu.dma_semaphore, #tpu.memory_space<semaphore_mem>>, %arg17: memref<10112x8xf32, #tpu.memory_space<vmem_shared>>) attributes {dimension_semantics = [#tpu.dimension_semantics<core_parallel>, #tpu.dimension_semantics<subcore_parallel>], iteration_bounds = array<i64: 2, 16>, scalar_prefetch = 0 : i64, scratch_operands = 9 : i64, tpu.core_type = #tpu.core_type<sc_vector_subcore>, window_params = [{transform_indices = #map}, {transform_indices = #map}, {transform_indices = #map}, {transform_indices = #map}, {transform_indices = #map1}, {transform_indices = #map1}, {transform_indices = #map2}]} {
    "tpu.region"() ({
      %run_scoped3A = tpu.sem_alloc : memref<!tpu.dma_semaphore, #tpu.memory_space<semaphore_mem>>
      tpu.enqueue_dma source(%arg6 : memref<10112x8xf32, #tpu.memory_space<hbm>>) target(%arg9 : memref<10112x8xf32, #tpu.memory_space<vmem>>) target_semaphore(%run_scoped3A : memref<!tpu.dma_semaphore, #tpu.memory_space<semaphore_mem>>)
      tpu.wait_dma2 semaphore(%run_scoped3A : memref<!tpu.dma_semaphore, #tpu.memory_space<semaphore_mem>>) src(%arg6 : memref<10112x8xf32, #tpu.memory_space<hbm>>) dst(%arg9 : memref<10112x8xf32, #tpu.memory_space<vmem>>)
      tpu.yield
    }) : () -> ()
    %mul3A = arith.constant 632 : i32
    %mul3A_0 = arith.muli %arg1, %mul3A : i32
    "tpu.region"() ({
      %run_scoped3A = tpu.sem_alloc : memref<!tpu.dma_semaphore, #tpu.memory_space<semaphore_mem>>
      %dma_start3A = arith.constant 0 : i32
      %dma_start3A_10 = tpu.memref_slice %arg17[%mul3A_0, %dma_start3A] : memref<10112x8xf32, #tpu.memory_space<vmem_shared>> -> memref<632x8xf32, #tpu.memory_space<vmem_shared>>
      %dma_start3A_11 = arith.constant 0 : i32
      %dma_start3A_12 = tpu.memref_slice %arg7[%mul3A_0, %dma_start3A_11] : memref<10112x8xf32, #tpu.memory_space<hbm>> -> memref<632x8xf32, #tpu.memory_space<hbm>>
      tpu.enqueue_dma source(%dma_start3A_12 : memref<632x8xf32, #tpu.memory_space<hbm>>) target(%dma_start3A_10 : memref<632x8xf32, #tpu.memory_space<vmem_shared>>) target_semaphore(%run_scoped3A : memref<!tpu.dma_semaphore, #tpu.memory_space<semaphore_mem>>)
      %dma_wait3A = arith.constant 0 : i32
      %dma_wait3A_13 = tpu.memref_slice %arg17[%mul3A_0, %dma_wait3A] : memref<10112x8xf32, #tpu.memory_space<vmem_shared>> -> memref<632x8xf32, #tpu.memory_space<vmem_shared>>
      %dma_wait3A_14 = arith.constant 0 : i32
      %dma_wait3A_15 = tpu.memref_slice %arg7[%mul3A_0, %dma_wait3A_14] : memref<10112x8xf32, #tpu.memory_space<hbm>> -> memref<632x8xf32, #tpu.memory_space<hbm>>
      tpu.wait_dma2 semaphore(%run_scoped3A : memref<!tpu.dma_semaphore, #tpu.memory_space<semaphore_mem>>) src(%dma_wait3A_15 : memref<632x8xf32, #tpu.memory_space<hbm>>) dst(%dma_wait3A_13 : memref<632x8xf32, #tpu.memory_space<vmem_shared>>)
      tpu.yield
    }) : () -> ()
    %barrier3A = arith.constant 0 : index
    tpu.barrier barrier_id(%barrier3A)
    %iota3A = tpu.iota {dimensions = array<i32: 0>} : vector<16xi32>
    %shift_right_logical3A = arith.constant 3 : i32
    %shift_right_logical3A_1 = vector.broadcast %shift_right_logical3A : i32 to vector<16xi32>
    %shift_right_logical3A_2 = arith.shrui %iota3A, %shift_right_logical3A_1 : vector<16xi32>
    %and3A = arith.constant 7 : i32
    %and3A_3 = vector.broadcast %and3A : i32 to vector<16xi32>
    %and3A_4 = arith.andi %iota3A, %and3A_3 : vector<16xi32>
    %scan3A = arith.constant 0 : i32
    %scan3A_5 = arith.constant 81 : i32
    %scan3A_6 = arith.addi %scan3A, %scan3A_5 : i32
    %scan3A_7 = arith.constant 1 : i32
    scf.for %scan3A_10 = %scan3A to %scan3A_6 step %scan3A_7  : i32 {
      %mul3A_11 = arith.constant 1 : i32
      %mul3A_12 = arith.muli %scan3A_10, %mul3A_11 : i32
      %add3A = arith.constant 0 : i32
      %add3A_13 = arith.addi %add3A, %mul3A_12 : i32
      %mul3A_14 = arith.constant 165888 : i32
      %mul3A_15 = arith.muli %arg0, %mul3A_14 : i32
      %mul3A_16 = arith.constant 10368 : i32
      %mul3A_17 = arith.muli %arg1, %mul3A_16 : i32
      %add3A_18 = arith.addi %mul3A_15, %mul3A_17 : i32
      %mul3A_19 = arith.constant 128 : i32
      %mul3A_20 = arith.muli %add3A_13, %mul3A_19 : i32
      %add3A_21 = arith.addi %add3A_18, %mul3A_20 : i32
      "tpu.region"() ({
        %run_scoped3A = tpu.sem_alloc : memref<!tpu.dma_semaphore, #tpu.memory_space<semaphore_mem>>
        %dma_start3A_40 = tpu.memref_slice %arg2[%add3A_21] : memref<331776xi32, #tpu.memory_space<hbm>> -> memref<128xi32, #tpu.memory_space<hbm>>
        %dma_start3A_41 = tpu.memref_slice %arg2[%add3A_21] : memref<331776xi32, #tpu.memory_space<hbm>> -> memref<128xi32, #tpu.memory_space<hbm>>
        tpu.enqueue_dma source(%dma_start3A_41 : memref<128xi32, #tpu.memory_space<hbm>>) target(%arg10 : memref<128xi32, #tpu.memory_space<vmem>>) target_semaphore(%run_scoped3A : memref<!tpu.dma_semaphore, #tpu.memory_space<semaphore_mem>>)
        %dma_wait3A_42 = tpu.memref_slice %arg2[%add3A_21] : memref<331776xi32, #tpu.memory_space<hbm>> -> memref<128xi32, #tpu.memory_space<hbm>>
        %dma_wait3A_43 = tpu.memref_slice %arg2[%add3A_21] : memref<331776xi32, #tpu.memory_space<hbm>> -> memref<128xi32, #tpu.memory_space<hbm>>
        tpu.wait_dma2 semaphore(%run_scoped3A : memref<!tpu.dma_semaphore, #tpu.memory_space<semaphore_mem>>) src(%dma_wait3A_43 : memref<128xi32, #tpu.memory_space<hbm>>) dst(%arg10 : memref<128xi32, #tpu.memory_space<vmem>>)
        tpu.yield
      }) : () -> ()
      "tpu.region"() ({
        %run_scoped3A = tpu.sem_alloc : memref<!tpu.dma_semaphore, #tpu.memory_space<semaphore_mem>>
        %dma_start3A_40 = tpu.memref_slice %arg3[%add3A_21] : memref<331776xi32, #tpu.memory_space<hbm>> -> memref<128xi32, #tpu.memory_space<hbm>>
        %dma_start3A_41 = tpu.memref_slice %arg3[%add3A_21] : memref<331776xi32, #tpu.memory_space<hbm>> -> memref<128xi32, #tpu.memory_space<hbm>>
        tpu.enqueue_dma source(%dma_start3A_41 : memref<128xi32, #tpu.memory_space<hbm>>) target(%arg11 : memref<128xi32, #tpu.memory_space<vmem>>) target_semaphore(%run_scoped3A : memref<!tpu.dma_semaphore, #tpu.memory_space<semaphore_mem>>)
        %dma_wait3A_42 = tpu.memref_slice %arg3[%add3A_21] : memref<331776xi32, #tpu.memory_space<hbm>> -> memref<128xi32, #tpu.memory_space<hbm>>
        %dma_wait3A_43 = tpu.memref_slice %arg3[%add3A_21] : memref<331776xi32, #tpu.memory_space<hbm>> -> memref<128xi32, #tpu.memory_space<hbm>>
        tpu.wait_dma2 semaphore(%run_scoped3A : memref<!tpu.dma_semaphore, #tpu.memory_space<semaphore_mem>>) src(%dma_wait3A_43 : memref<128xi32, #tpu.memory_space<hbm>>) dst(%arg11 : memref<128xi32, #tpu.memory_space<vmem>>)
        tpu.yield
      }) : () -> ()
      "tpu.region"() ({
        %run_scoped3A = tpu.sem_alloc : memref<!tpu.dma_semaphore, #tpu.memory_space<semaphore_mem>>
        %dma_start3A_40 = tpu.memref_slice %arg4[%add3A_21] : memref<331776xf32, #tpu.memory_space<hbm>> -> memref<128xf32, #tpu.memory_space<hbm>>
        %dma_start3A_41 = tpu.memref_slice %arg4[%add3A_21] : memref<331776xf32, #tpu.memory_space<hbm>> -> memref<128xf32, #tpu.memory_space<hbm>>
        tpu.enqueue_dma source(%dma_start3A_41 : memref<128xf32, #tpu.memory_space<hbm>>) target(%arg12 : memref<128xf32, #tpu.memory_space<vmem>>) target_semaphore(%run_scoped3A : memref<!tpu.dma_semaphore, #tpu.memory_space<semaphore_mem>>)
        %dma_wait3A_42 = tpu.memref_slice %arg4[%add3A_21] : memref<331776xf32, #tpu.memory_space<hbm>> -> memref<128xf32, #tpu.memory_space<hbm>>
        %dma_wait3A_43 = tpu.memref_slice %arg4[%add3A_21] : memref<331776xf32, #tpu.memory_space<hbm>> -> memref<128xf32, #tpu.memory_space<hbm>>
        tpu.wait_dma2 semaphore(%run_scoped3A : memref<!tpu.dma_semaphore, #tpu.memory_space<semaphore_mem>>) src(%dma_wait3A_43 : memref<128xf32, #tpu.memory_space<hbm>>) dst(%arg12 : memref<128xf32, #tpu.memory_space<vmem>>)
        tpu.yield
      }) : () -> ()
      %dma_start3A = arith.constant 0 : i32
      %dma_start3A_22 = tpu.memref_slice %arg5[%dma_start3A] : memref<10112xf32, #tpu.memory_space<hbm>> -> memref<10112xf32, #tpu.memory_space<hbm>>
      tpu.enqueue_indirect_dma source(%dma_start3A_22 : memref<10112xf32, #tpu.memory_space<hbm>>) target(%arg13 : memref<128xf32, #tpu.memory_space<vmem>>) offsets(%arg11 : memref<128xi32, #tpu.memory_space<vmem>>) semaphore(%arg16 : memref<!tpu.dma_semaphore, #tpu.memory_space<semaphore_mem>>)
      %dma_wait3A = arith.constant 0 : i32
      %dma_wait3A_23 = tpu.memref_slice %arg5[%dma_wait3A] : memref<10112xf32, #tpu.memory_space<hbm>> -> memref<10112xf32, #tpu.memory_space<hbm>>
      tpu.wait_indirect_dma semaphore(%arg16 : memref<!tpu.dma_semaphore, #tpu.memory_space<semaphore_mem>>) src(%dma_wait3A_23 : memref<10112xf32, #tpu.memory_space<hbm>>) dst(%arg13 : memref<128xf32, #tpu.memory_space<vmem>>)
      %scan3A_24 = arith.constant 0 : i32
      %scan3A_25 = arith.constant 8 : i32
      %scan3A_26 = arith.addi %scan3A_24, %scan3A_25 : i32
      %scan3A_27 = arith.constant 1 : i32
      scf.for %scan3A_40 = %scan3A_24 to %scan3A_26 step %scan3A_27  : i32 {
        %mul3A_41 = arith.constant 1 : i32
        %mul3A_42 = arith.muli %scan3A_40, %mul3A_41 : i32
        %add3A_43 = arith.constant 0 : i32
        %add3A_44 = arith.addi %add3A_43, %mul3A_42 : i32
        %mul3A_45 = arith.constant 16 : i32
        %mul3A_46 = arith.muli %add3A_44, %mul3A_45 : i32
        %get3A = arith.index_cast %mul3A_46 : i32 to index
        %get3A_47 = tpu.vector_load %arg12[%get3A] {strides = array<i32>} : memref<128xf32, #tpu.memory_space<vmem>>, vector<16xf32>,
        %get3A_48 = arith.index_cast %mul3A_46 : i32 to index
        %get3A_49 = tpu.vector_load %arg13[%get3A_48] {strides = array<i32>} : memref<128xf32, #tpu.memory_space<vmem>>, vector<16xf32>,
        %mul3A_50 = arith.mulf %get3A_47, %get3A_49 : vector<16xf32>
        %swap3A = arith.index_cast %mul3A_46 : i32 to index
        %swap3A_51 = tpu.vector_load %arg14[%swap3A] {strides = array<i32>} : memref<128xf32, #tpu.memory_space<vmem>>, vector<16xf32>,
        tpu.vector_store %arg14[%swap3A], %mul3A_50 {strides = array<i32>} : memref<128xf32, #tpu.memory_space<vmem>>, vector<16xf32>,
      }
      %scan3A_28 = arith.constant 8 : i32
      %scan3A_29 = arith.constant 0 : i32
      %scan3A_30 = arith.constant 64 : i32
      %scan3A_31 = arith.addi %scan3A_29, %scan3A_30 : i32
      %scan3A_32 = arith.constant 1 : i32
      scf.for %scan3A_40 = %scan3A_29 to %scan3A_31 step %scan3A_32  : i32 {
        %mul3A_41 = arith.constant 1 : i32
        %mul3A_42 = arith.muli %scan3A_40, %mul3A_41 : i32
        %add3A_43 = arith.constant 0 : i32
        %add3A_44 = arith.addi %add3A_43, %mul3A_42 : i32
        %mul3A_45 = arith.constant 2 : i32
        %mul3A_46 = arith.muli %add3A_44, %mul3A_45 : i32
        %add3A_47 = vector.broadcast %mul3A_46 : i32 to vector<16xi32>
        %add3A_48 = arith.addi %add3A_47, %shift_right_logical3A_2 : vector<16xi32>
        %gather3A = tpu.vector_load_idx %arg10[%add3A_48] : memref<128xi32, #tpu.memory_space<vmem>>[vector<16xi32>], vector<16xi32>,
        %gather3A_49 = tpu.vector_load_idx %arg9[%gather3A, %and3A_4] : memref<10112x8xf32, #tpu.memory_space<vmem>>[vector<16xi32>, vector<16xi32>], vector<16xf32>,
        %gather3A_50 = tpu.vector_load_idx %arg14[%add3A_48] : memref<128xf32, #tpu.memory_space<vmem>>[vector<16xi32>], vector<16xf32>,
        %mul3A_51 = arith.mulf %gather3A_49, %gather3A_50 : vector<16xf32>
        tpu.vector_store_idx %arg15[%add3A_48, %and3A_4], %mul3A_51 : memref<128x8xf32, #tpu.memory_space<vmem>>[vector<16xi32>, vector<16xi32>], vector<16xf32>,
      }
      %scan3A_33 = arith.constant 64 : i32
      %dma_start3A_34 = arith.constant 0 : i32
      %dma_start3A_35 = arith.constant 0 : i32
      %dma_start3A_36 = tpu.memref_slice %arg17[%dma_start3A_34, %dma_start3A_35] : memref<10112x8xf32, #tpu.memory_space<vmem_shared>> -> memref<10112x8xf32, #tpu.memory_space<vmem_shared>>
      tpu.enqueue_indirect_dma source(%arg15 : memref<128x8xf32, #tpu.memory_space<vmem>>) target(%dma_start3A_36 : memref<10112x8xf32, #tpu.memory_space<vmem_shared>>) offsets(%arg11 : memref<128xi32, #tpu.memory_space<vmem>>) semaphore(%arg16 : memref<!tpu.dma_semaphore, #tpu.memory_space<semaphore_mem>>) {add = true}
      %dma_wait3A_37 = arith.constant 0 : i32
      %dma_wait3A_38 = arith.constant 0 : i32
      %dma_wait3A_39 = tpu.memref_slice %arg17[%dma_wait3A_37, %dma_wait3A_38] : memref<10112x8xf32, #tpu.memory_space<vmem_shared>> -> memref<10112x8xf32, #tpu.memory_space<vmem_shared>>
      tpu.wait_indirect_dma semaphore(%arg16 : memref<!tpu.dma_semaphore, #tpu.memory_space<semaphore_mem>>) src(%arg15 : memref<128x8xf32, #tpu.memory_space<vmem>>) dst(%dma_wait3A_39 : memref<10112x8xf32, #tpu.memory_space<vmem_shared>>)
    }
    %scan3A_8 = arith.constant 81 : i32
    %barrier3A_9 = arith.constant 0 : index
    tpu.barrier barrier_id(%barrier3A_9)
    "tpu.region"() ({
      %run_scoped3A = tpu.sem_alloc : memref<!tpu.dma_semaphore, #tpu.memory_space<semaphore_mem>>
      %dma_start3A = arith.constant 0 : i32
      %dma_start3A_10 = tpu.memref_slice %arg8[%arg0, %mul3A_0, %dma_start3A] : memref<2x10112x8xf32, #tpu.memory_space<hbm>> -> memref<1x632x8xf32, #tpu.memory_space<hbm>>
      %dma_start3A_11 = tpu.memref_squeeze %dma_start3A_10 : memref<1x632x8xf32, #tpu.memory_space<hbm>> -> memref<632x8xf32, #tpu.memory_space<hbm>>
      %dma_start3A_12 = arith.constant 0 : i32
      %dma_start3A_13 = tpu.memref_slice %arg17[%mul3A_0, %dma_start3A_12] : memref<10112x8xf32, #tpu.memory_space<vmem_shared>> -> memref<632x8xf32, #tpu.memory_space<vmem_shared>>
      tpu.enqueue_dma source(%dma_start3A_13 : memref<632x8xf32, #tpu.memory_space<vmem_shared>>) target(%dma_start3A_11 : memref<632x8xf32, #tpu.memory_space<hbm>>) target_semaphore(%run_scoped3A : memref<!tpu.dma_semaphore, #tpu.memory_space<semaphore_mem>>)
      %dma_wait3A = arith.constant 0 : i32
      %dma_wait3A_14 = tpu.memref_slice %arg8[%arg0, %mul3A_0, %dma_wait3A] : memref<2x10112x8xf32, #tpu.memory_space<hbm>> -> memref<1x632x8xf32, #tpu.memory_space<hbm>>
      %dma_wait3A_15 = tpu.memref_squeeze %dma_wait3A_14 : memref<1x632x8xf32, #tpu.memory_space<hbm>> -> memref<632x8xf32, #tpu.memory_space<hbm>>
      %dma_wait3A_16 = arith.constant 0 : i32
      %dma_wait3A_17 = tpu.memref_slice %arg17[%mul3A_0, %dma_wait3A_16] : memref<10112x8xf32, #tpu.memory_space<vmem_shared>> -> memref<632x8xf32, #tpu.memory_space<vmem_shared>>
      tpu.wait_dma2 semaphore(%run_scoped3A : memref<!tpu.dma_semaphore, #tpu.memory_space<semaphore_mem>>) src(%dma_wait3A_17 : memref<632x8xf32, #tpu.memory_space<vmem_shared>>) dst(%dma_wait3A_15 : memref<632x8xf32, #tpu.memory_space<hbm>>)
      tpu.yield
    }) : () -> ()
    return
  }
}

module attributes {stable_mosaic.version = 14 : i64} {
  func.func @_dense_body(%arg0: i32, %arg1: memref<1264x128xf32, #tpu.memory_space<vmem>>, %arg2: memref<1x128xf32, #tpu.memory_space<vmem>>, %arg3: memref<128x256xf32, #tpu.memory_space<vmem>>, %arg4: memref<256x16xf32, #tpu.memory_space<vmem>>, %arg5: memref<1264x256xf32, #tpu.memory_space<vmem>>, %arg6: memref<1264x16xf32, #tpu.memory_space<vmem>>) attributes {dimension_semantics = [#tpu.dimension_semantics<arbitrary>], iteration_bounds = array<i64: 8>, scalar_prefetch = 0 : i64, scratch_operands = 0 : i64, tpu.core_type = #tpu.core_type<tc>, window_params = [{transform_indices = @transform_0, window_bounds = array<i64: 1264, 128>}, {pipeline_mode = #tpu.pipeline_mode<synchronous>, transform_indices = @transform_1, window_bounds = array<i64: 1, 128>}, {pipeline_mode = #tpu.pipeline_mode<synchronous>, transform_indices = @transform_2, window_bounds = array<i64: 128, 256>}, {pipeline_mode = #tpu.pipeline_mode<synchronous>, transform_indices = @transform_3, window_bounds = array<i64: 256, 16>}, {transform_indices = @transform_4, window_bounds = array<i64: 1264, 256>}, {transform_indices = @transform_5, window_bounds = array<i64: 1264, 16>}]} {
    %get3A = arith.constant 0 : index
    %get3A_0 = arith.constant 0 : index
    %get3A_1 = vector.load %arg1[%get3A, %get3A_0] : memref<1264x128xf32, #tpu.memory_space<vmem>>, vector<1264x128xf32>
    %get3A_2 = arith.constant 0 : index
    %get3A_3 = arith.constant 0 : index
    %get3A_4 = vector.load %arg3[%get3A_2, %get3A_3] : memref<128x256xf32, #tpu.memory_space<vmem>>, vector<128x256xf32>
    %dot_general3A = arith.constant dense<0.000000e+00> : vector<1264x256xf32>
    %dot_general3A_5 = tpu.matmul %get3A_1, %get3A_4, %dot_general3A {dimension_numbers = #tpu.dot_dimension_numbers<[1], [0], [0], [1], [0, 0, 1, 1], [], []>, precision = #tpu.contract_precision<fp32>, transpose_lhs_hint = false} : vector<1264x128xf32>, vector<128x256xf32>, vector<1264x256xf32> -> vector<1264x256xf32>
    %swap3A = arith.constant 0 : index
    %swap3A_6 = arith.constant 0 : index
    %swap3A_7 = vector.load %arg5[%swap3A, %swap3A_6] : memref<1264x256xf32, #tpu.memory_space<vmem>>, vector<1264x256xf32>
    tpu.vector_store %arg5[%swap3A, %swap3A_6], %dot_general3A_5 {strides = array<i32>} : memref<1264x256xf32, #tpu.memory_space<vmem>>, vector<1264x256xf32>,
    %get3A_8 = arith.constant 0 : index
    %get3A_9 = arith.constant 0 : index
    %get3A_10 = vector.load %arg4[%get3A_8, %get3A_9] : memref<256x16xf32, #tpu.memory_space<vmem>>, vector<256x16xf32>
    %dot_general3A_11 = arith.constant dense<0.000000e+00> : vector<1264x16xf32>
    %dot_general3A_12 = tpu.matmul %dot_general3A_5, %get3A_10, %dot_general3A_11 {dimension_numbers = #tpu.dot_dimension_numbers<[1], [0], [0], [1], [0, 0, 1, 1], [], []>, precision = #tpu.contract_precision<fp32>, transpose_lhs_hint = false} : vector<1264x256xf32>, vector<256x16xf32>, vector<1264x16xf32> -> vector<1264x16xf32>
    %swap3A_13 = arith.constant 0 : index
    %swap3A_14 = arith.constant 0 : index
    %swap3A_15 = vector.load %arg6[%swap3A_13, %swap3A_14] : memref<1264x16xf32, #tpu.memory_space<vmem>>, vector<1264x16xf32>
    tpu.vector_store %arg6[%swap3A_13, %swap3A_14], %dot_general3A_12 {strides = array<i32>} : memref<1264x16xf32, #tpu.memory_space<vmem>>, vector<1264x16xf32>,
    return
  }
  func.func @transform_0(%arg0: i32) -> (i32, i32) {
    %c0_i32 = arith.constant 0 : i32
    %c0_i32_0 = arith.constant 0 : i32
    return %arg0, %c0_i32 : i32, i32
  }
  func.func @transform_1(%arg0: i32) -> (i32, i32) {
    %c0_i32 = arith.constant 0 : i32
    %c0_i32_0 = arith.constant 0 : i32
    %c0_i32_1 = arith.constant 0 : i32
    return %c0_i32, %c0_i32_0 : i32, i32
  }
  func.func @transform_2(%arg0: i32) -> (i32, i32) {
    %c0_i32 = arith.constant 0 : i32
    %c0_i32_0 = arith.constant 0 : i32
    %c0_i32_1 = arith.constant 0 : i32
    return %c0_i32, %c0_i32_0 : i32, i32
  }
  func.func @transform_3(%arg0: i32) -> (i32, i32) {
    %c0_i32 = arith.constant 0 : i32
    %c0_i32_0 = arith.constant 0 : i32
    %c0_i32_1 = arith.constant 0 : i32
    return %c0_i32, %c0_i32_0 : i32, i32
  }
  func.func @transform_4(%arg0: i32) -> (i32, i32) {
    %c0_i32 = arith.constant 0 : i32
    %c0_i32_0 = arith.constant 0 : i32
    return %arg0, %c0_i32 : i32, i32
  }
  func.func @transform_5(%arg0: i32) -> (i32, i32) {
    %c0_i32 = arith.constant 0 : i32
    %c0_i32_0 = arith.constant 0 : i32
    return %arg0, %c0_i32 : i32, i32
  }
}

module attributes {stable_mosaic.version = 14 : i64} {
  func.func @_prep_body(%arg0: memref<10112x16xf32, #tpu.memory_space<vmem>>, %arg1: memref<1x8xf32, #tpu.memory_space<vmem>>) attributes {dimension_semantics = [], scalar_prefetch = 0 : i64, scratch_operands = 0 : i64, tpu.core_type = #tpu.core_type<tc>} {
    %get3A = arith.constant 0 : index
    %get3A_0 = arith.constant 0 : index
    %get3A_1 = vector.load %arg0[%get3A, %get3A_0] : memref<10112x16xf32, #tpu.memory_space<vmem>>, vector<10112x16xf32>
    %slice3A = vector.extract_strided_slice %get3A_1 {offsets = [0, 0], sizes = [10112, 8], strides = [1, 1]} : vector<10112x16xf32> to vector<10112x8xf32>
    %reduce_max3A = arith.constant dense<0xFF800000> : vector<8xf32>
    %reduce_max3A_2 = vector.multi_reduction <maximumf>, %slice3A, %reduce_max3A [0] : vector<10112x8xf32> to vector<8xf32>
    %broadcast_in_dim3A = vector.shape_cast %reduce_max3A_2 : vector<8xf32> to vector<1x8xf32>
    %swap3A = arith.constant 0 : index
    %swap3A_3 = arith.constant 0 : index
    %swap3A_4 = vector.load %arg1[%swap3A, %swap3A_3] : memref<1x8xf32, #tpu.memory_space<vmem>>, vector<1x8xf32>
    tpu.vector_store %arg1[%swap3A, %swap3A_3], %broadcast_in_dim3A {strides = array<i32>} : memref<1x8xf32, #tpu.memory_space<vmem>>, vector<1x8xf32>,
    return
  }
}

module attributes {stable_mosaic.version = 14 : i64} {
  func.func @_recip_body(%arg0: memref<1264x128xf32, #tpu.memory_space<vmem>>, %arg1: memref<1264x128xf32, #tpu.memory_space<vmem>>) attributes {dimension_semantics = [], scalar_prefetch = 0 : i64, scratch_operands = 0 : i64, tpu.core_type = #tpu.core_type<tc>} {
    %get3A = arith.constant 0 : index
    %get3A_0 = arith.constant 0 : index
    %get3A_1 = vector.load %arg0[%get3A, %get3A_0] : memref<1264x128xf32, #tpu.memory_space<vmem>>, vector<1264x128xf32>
    %add3A = arith.constant 1.000000e-16 : f32
    %add3A_2 = vector.broadcast %add3A : f32 to vector<1264x128xf32>
    %add3A_3 = arith.addf %get3A_1, %add3A_2 : vector<1264x128xf32>
    %div3A = arith.constant 1.000000e+00 : f32
    %div3A_4 = vector.broadcast %div3A : f32 to vector<1264x128xf32>
    %div3A_5 = arith.divf %div3A_4, %add3A_3 : vector<1264x128xf32>
    %swap3A = arith.constant 0 : index
    %swap3A_6 = arith.constant 0 : index
    %swap3A_7 = vector.load %arg1[%swap3A, %swap3A_6] : memref<1264x128xf32, #tpu.memory_space<vmem>>, vector<1264x128xf32>
    tpu.vector_store %arg1[%swap3A, %swap3A_6], %div3A_5 {strides = array<i32>} : memref<1264x128xf32, #tpu.memory_space<vmem>>, vector<1264x128xf32>,
    return
  }
}

module attributes {stable_mosaic.version = 14 : i64} {
  func.func @_dense_body(%arg0: i32, %arg1: memref<1264x256xf32, #tpu.memory_space<vmem>>, %arg2: memref<1x256xf32, #tpu.memory_space<vmem>>, %arg3: memref<256x256xf32, #tpu.memory_space<vmem>>, %arg4: memref<256x16xf32, #tpu.memory_space<vmem>>, %arg5: memref<1264x256xf32, #tpu.memory_space<vmem>>, %arg6: memref<1264x16xf32, #tpu.memory_space<vmem>>) attributes {dimension_semantics = [#tpu.dimension_semantics<arbitrary>], iteration_bounds = array<i64: 8>, scalar_prefetch = 0 : i64, scratch_operands = 0 : i64, tpu.core_type = #tpu.core_type<tc>, window_params = [{transform_indices = @transform_0, window_bounds = array<i64: 1264, 256>}, {pipeline_mode = #tpu.pipeline_mode<synchronous>, transform_indices = @transform_1, window_bounds = array<i64: 1, 256>}, {pipeline_mode = #tpu.pipeline_mode<synchronous>, transform_indices = @transform_2, window_bounds = array<i64: 256, 256>}, {pipeline_mode = #tpu.pipeline_mode<synchronous>, transform_indices = @transform_3, window_bounds = array<i64: 256, 16>}, {transform_indices = @transform_4, window_bounds = array<i64: 1264, 256>}, {transform_indices = @transform_5, window_bounds = array<i64: 1264, 16>}]} {
    %get3A = arith.constant 0 : index
    %get3A_0 = arith.constant 0 : index
    %get3A_1 = vector.load %arg1[%get3A, %get3A_0] : memref<1264x256xf32, #tpu.memory_space<vmem>>, vector<1264x256xf32>
    %get3A_2 = arith.constant 0 : index
    %get3A_3 = arith.constant 0 : index
    %get3A_4 = vector.load %arg2[%get3A_2, %get3A_3] : memref<1x256xf32, #tpu.memory_space<vmem>>, vector<1x256xf32>
    %add3A = vector.broadcast %get3A_4 : vector<1x256xf32> to vector<1264x256xf32>
    %add3A_5 = arith.addf %get3A_1, %add3A : vector<1264x256xf32>
    %gt3A = arith.constant 0.000000e+00 : f32
    %gt3A_6 = vector.broadcast %gt3A : f32 to vector<1264x256xf32>
    %gt3A_7 = arith.cmpf ogt, %add3A_5, %gt3A_6 : vector<1264x256xf32>
    %exp3A = math.exp %add3A_5 : vector<1264x256xf32>
    %sub3A = arith.constant 1.000000e+00 : f32
    %sub3A_8 = vector.broadcast %sub3A : f32 to vector<1264x256xf32>
    %sub3A_9 = arith.subf %exp3A, %sub3A_8 : vector<1264x256xf32>
    %select_n3A = arith.select %gt3A_7, %add3A_5, %sub3A_9 : vector<1264x256xi1>, vector<1264x256xf32>
    %get3A_10 = arith.constant 0 : index
    %get3A_11 = arith.constant 0 : index
    %get3A_12 = vector.load %arg3[%get3A_10, %get3A_11] : memref<256x256xf32, #tpu.memory_space<vmem>>, vector<256x256xf32>
    %dot_general3A = arith.constant dense<0.000000e+00> : vector<1264x256xf32>
    %dot_general3A_13 = tpu.matmul %select_n3A, %get3A_12, %dot_general3A {dimension_numbers = #tpu.dot_dimension_numbers<[1], [0], [0], [1], [0, 0, 1, 1], [], []>, precision = #tpu.contract_precision<fp32>, transpose_lhs_hint = false} : vector<1264x256xf32>, vector<256x256xf32>, vector<1264x256xf32> -> vector<1264x256xf32>
    %swap3A = arith.constant 0 : index
    %swap3A_14 = arith.constant 0 : index
    %swap3A_15 = vector.load %arg5[%swap3A, %swap3A_14] : memref<1264x256xf32, #tpu.memory_space<vmem>>, vector<1264x256xf32>
    tpu.vector_store %arg5[%swap3A, %swap3A_14], %dot_general3A_13 {strides = array<i32>} : memref<1264x256xf32, #tpu.memory_space<vmem>>, vector<1264x256xf32>,
    %get3A_16 = arith.constant 0 : index
    %get3A_17 = arith.constant 0 : index
    %get3A_18 = vector.load %arg4[%get3A_16, %get3A_17] : memref<256x16xf32, #tpu.memory_space<vmem>>, vector<256x16xf32>
    %dot_general3A_19 = arith.constant dense<0.000000e+00> : vector<1264x16xf32>
    %dot_general3A_20 = tpu.matmul %dot_general3A_13, %get3A_18, %dot_general3A_19 {dimension_numbers = #tpu.dot_dimension_numbers<[1], [0], [0], [1], [0, 0, 1, 1], [], []>, precision = #tpu.contract_precision<fp32>, transpose_lhs_hint = false} : vector<1264x256xf32>, vector<256x16xf32>, vector<1264x16xf32> -> vector<1264x16xf32>
    %swap3A_21 = arith.constant 0 : index
    %swap3A_22 = arith.constant 0 : index
    %swap3A_23 = vector.load %arg6[%swap3A_21, %swap3A_22] : memref<1264x16xf32, #tpu.memory_space<vmem>>, vector<1264x16xf32>
    tpu.vector_store %arg6[%swap3A_21, %swap3A_22], %dot_general3A_20 {strides = array<i32>} : memref<1264x16xf32, #tpu.memory_space<vmem>>, vector<1264x16xf32>,
    return
  }
  func.func @transform_0(%arg0: i32) -> (i32, i32) {
    %c0_i32 = arith.constant 0 : i32
    %c0_i32_0 = arith.constant 0 : i32
    return %arg0, %c0_i32 : i32, i32
  }
  func.func @transform_1(%arg0: i32) -> (i32, i32) {
    %c0_i32 = arith.constant 0 : i32
    %c0_i32_0 = arith.constant 0 : i32
    %c0_i32_1 = arith.constant 0 : i32
    return %c0_i32, %c0_i32_0 : i32, i32
  }
  func.func @transform_2(%arg0: i32) -> (i32, i32) {
    %c0_i32 = arith.constant 0 : i32
    %c0_i32_0 = arith.constant 0 : i32
    %c0_i32_1 = arith.constant 0 : i32
    return %c0_i32, %c0_i32_0 : i32, i32
  }
  func.func @transform_3(%arg0: i32) -> (i32, i32) {
    %c0_i32 = arith.constant 0 : i32
    %c0_i32_0 = arith.constant 0 : i32
    %c0_i32_1 = arith.constant 0 : i32
    return %c0_i32, %c0_i32_0 : i32, i32
  }
  func.func @transform_4(%arg0: i32) -> (i32, i32) {
    %c0_i32 = arith.constant 0 : i32
    %c0_i32_0 = arith.constant 0 : i32
    return %arg0, %c0_i32 : i32, i32
  }
  func.func @transform_5(%arg0: i32) -> (i32, i32) {
    %c0_i32 = arith.constant 0 : i32
    %c0_i32_0 = arith.constant 0 : i32
    return %arg0, %c0_i32 : i32, i32
  }
}

module attributes {stable_mosaic.version = 14 : i64} {
  func.func @_dense_body(%arg0: i32, %arg1: memref<1264x256xf32, #tpu.memory_space<vmem>>, %arg2: memref<1x256xf32, #tpu.memory_space<vmem>>, %arg3: memref<256x128xf32, #tpu.memory_space<vmem>>, %arg4: memref<128x16xf32, #tpu.memory_space<vmem>>, %arg5: memref<1264x128xf32, #tpu.memory_space<vmem>>, %arg6: memref<1264x16xf32, #tpu.memory_space<vmem>>) attributes {dimension_semantics = [#tpu.dimension_semantics<arbitrary>], iteration_bounds = array<i64: 8>, scalar_prefetch = 0 : i64, scratch_operands = 0 : i64, tpu.core_type = #tpu.core_type<tc>, window_params = [{transform_indices = @transform_0, window_bounds = array<i64: 1264, 256>}, {pipeline_mode = #tpu.pipeline_mode<synchronous>, transform_indices = @transform_1, window_bounds = array<i64: 1, 256>}, {pipeline_mode = #tpu.pipeline_mode<synchronous>, transform_indices = @transform_2, window_bounds = array<i64: 256, 128>}, {pipeline_mode = #tpu.pipeline_mode<synchronous>, transform_indices = @transform_3, window_bounds = array<i64: 128, 16>}, {transform_indices = @transform_4, window_bounds = array<i64: 1264, 128>}, {transform_indices = @transform_5, window_bounds = array<i64: 1264, 16>}]} {
    %get3A = arith.constant 0 : index
    %get3A_0 = arith.constant 0 : index
    %get3A_1 = vector.load %arg1[%get3A, %get3A_0] : memref<1264x256xf32, #tpu.memory_space<vmem>>, vector<1264x256xf32>
    %get3A_2 = arith.constant 0 : index
    %get3A_3 = arith.constant 0 : index
    %get3A_4 = vector.load %arg2[%get3A_2, %get3A_3] : memref<1x256xf32, #tpu.memory_space<vmem>>, vector<1x256xf32>
    %add3A = vector.broadcast %get3A_4 : vector<1x256xf32> to vector<1264x256xf32>
    %add3A_5 = arith.addf %get3A_1, %add3A : vector<1264x256xf32>
    %gt3A = arith.constant 0.000000e+00 : f32
    %gt3A_6 = vector.broadcast %gt3A : f32 to vector<1264x256xf32>
    %gt3A_7 = arith.cmpf ogt, %add3A_5, %gt3A_6 : vector<1264x256xf32>
    %exp3A = math.exp %add3A_5 : vector<1264x256xf32>
    %sub3A = arith.constant 1.000000e+00 : f32
    %sub3A_8 = vector.broadcast %sub3A : f32 to vector<1264x256xf32>
    %sub3A_9 = arith.subf %exp3A, %sub3A_8 : vector<1264x256xf32>
    %select_n3A = arith.select %gt3A_7, %add3A_5, %sub3A_9 : vector<1264x256xi1>, vector<1264x256xf32>
    %get3A_10 = arith.constant 0 : index
    %get3A_11 = arith.constant 0 : index
    %get3A_12 = vector.load %arg3[%get3A_10, %get3A_11] : memref<256x128xf32, #tpu.memory_space<vmem>>, vector<256x128xf32>
    %dot_general3A = arith.constant dense<0.000000e+00> : vector<1264x128xf32>
    %dot_general3A_13 = tpu.matmul %select_n3A, %get3A_12, %dot_general3A {dimension_numbers = #tpu.dot_dimension_numbers<[1], [0], [0], [1], [0, 0, 1, 1], [], []>, precision = #tpu.contract_precision<fp32>, transpose_lhs_hint = false} : vector<1264x256xf32>, vector<256x128xf32>, vector<1264x128xf32> -> vector<1264x128xf32>
    %swap3A = arith.constant 0 : index
    %swap3A_14 = arith.constant 0 : index
    %swap3A_15 = vector.load %arg5[%swap3A, %swap3A_14] : memref<1264x128xf32, #tpu.memory_space<vmem>>, vector<1264x128xf32>
    tpu.vector_store %arg5[%swap3A, %swap3A_14], %dot_general3A_13 {strides = array<i32>} : memref<1264x128xf32, #tpu.memory_space<vmem>>, vector<1264x128xf32>,
    %get3A_16 = arith.constant 0 : index
    %get3A_17 = arith.constant 0 : index
    %get3A_18 = vector.load %arg4[%get3A_16, %get3A_17] : memref<128x16xf32, #tpu.memory_space<vmem>>, vector<128x16xf32>
    %dot_general3A_19 = arith.constant dense<0.000000e+00> : vector<1264x16xf32>
    %dot_general3A_20 = tpu.matmul %dot_general3A_13, %get3A_18, %dot_general3A_19 {dimension_numbers = #tpu.dot_dimension_numbers<[1], [0], [0], [1], [0, 0, 1, 1], [], []>, precision = #tpu.contract_precision<fp32>, transpose_lhs_hint = false} : vector<1264x128xf32>, vector<128x16xf32>, vector<1264x16xf32> -> vector<1264x16xf32>
    %swap3A_21 = arith.constant 0 : index
    %swap3A_22 = arith.constant 0 : index
    %swap3A_23 = vector.load %arg6[%swap3A_21, %swap3A_22] : memref<1264x16xf32, #tpu.memory_space<vmem>>, vector<1264x16xf32>
    tpu.vector_store %arg6[%swap3A_21, %swap3A_22], %dot_general3A_20 {strides = array<i32>} : memref<1264x16xf32, #tpu.memory_space<vmem>>, vector<1264x16xf32>,
    return
  }
  func.func @transform_0(%arg0: i32) -> (i32, i32) {
    %c0_i32 = arith.constant 0 : i32
    %c0_i32_0 = arith.constant 0 : i32
    return %arg0, %c0_i32 : i32, i32
  }
  func.func @transform_1(%arg0: i32) -> (i32, i32) {
    %c0_i32 = arith.constant 0 : i32
    %c0_i32_0 = arith.constant 0 : i32
    %c0_i32_1 = arith.constant 0 : i32
    return %c0_i32, %c0_i32_0 : i32, i32
  }
  func.func @transform_2(%arg0: i32) -> (i32, i32) {
    %c0_i32 = arith.constant 0 : i32
    %c0_i32_0 = arith.constant 0 : i32
    %c0_i32_1 = arith.constant 0 : i32
    return %c0_i32, %c0_i32_0 : i32, i32
  }
  func.func @transform_3(%arg0: i32) -> (i32, i32) {
    %c0_i32 = arith.constant 0 : i32
    %c0_i32_0 = arith.constant 0 : i32
    %c0_i32_1 = arith.constant 0 : i32
    return %c0_i32, %c0_i32_0 : i32, i32
  }
  func.func @transform_4(%arg0: i32) -> (i32, i32) {
    %c0_i32 = arith.constant 0 : i32
    %c0_i32_0 = arith.constant 0 : i32
    return %arg0, %c0_i32 : i32, i32
  }
  func.func @transform_5(%arg0: i32) -> (i32, i32) {
    %c0_i32 = arith.constant 0 : i32
    %c0_i32_0 = arith.constant 0 : i32
    return %arg0, %c0_i32 : i32, i32
  }
}

module attributes {stable_mosaic.version = 14 : i64} {
  func.func @_prep_m_body(%arg0: memref<10112x16xf32, #tpu.memory_space<vmem>>, %arg1: memref<10112x8xf32, #tpu.memory_space<vmem>>) attributes {dimension_semantics = [], scalar_prefetch = 0 : i64, scratch_operands = 0 : i64, tpu.core_type = #tpu.core_type<tc>} {
    %get3A = arith.constant 0 : index
    %get3A_0 = arith.constant 0 : index
    %get3A_1 = vector.load %arg0[%get3A, %get3A_0] : memref<10112x16xf32, #tpu.memory_space<vmem>>, vector<10112x16xf32>
    %slice3A = vector.extract_strided_slice %get3A_1 {offsets = [0, 0], sizes = [10112, 8], strides = [1, 1]} : vector<10112x16xf32> to vector<10112x8xf32>
    %reduce_max3A = arith.constant dense<0xFF800000> : vector<8xf32>
    %reduce_max3A_2 = vector.multi_reduction <maximumf>, %slice3A, %reduce_max3A [0] : vector<10112x8xf32> to vector<8xf32>
    %broadcast_in_dim3A = vector.shape_cast %reduce_max3A_2 : vector<8xf32> to vector<1x8xf32>
    %slice3A_3 = vector.extract_strided_slice %get3A_1 {offsets = [0, 8], sizes = [10112, 8], strides = [1, 1]} : vector<10112x16xf32> to vector<10112x8xf32>
    %add3A = vector.broadcast %broadcast_in_dim3A : vector<1x8xf32> to vector<10112x8xf32>
    %add3A_4 = arith.addf %add3A, %slice3A_3 : vector<10112x8xf32>
    %ge3A = arith.constant 0.000000e+00 : f32
    %ge3A_5 = vector.broadcast %ge3A : f32 to vector<10112x8xf32>
    %ge3A_6 = arith.cmpf oge, %add3A_4, %ge3A_5 : vector<10112x8xf32>
    %mul3A = arith.constant 2.000000e-01 : f32
    %mul3A_7 = vector.broadcast %mul3A : f32 to vector<10112x8xf32>
    %mul3A_8 = arith.mulf %mul3A_7, %add3A_4 : vector<10112x8xf32>
    %select_n3A = arith.select %ge3A_6, %add3A_4, %mul3A_8 : vector<10112x8xi1>, vector<10112x8xf32>
    %swap3A = arith.constant 0 : index
    %swap3A_9 = arith.constant 0 : index
    %swap3A_10 = vector.load %arg1[%swap3A, %swap3A_9] : memref<10112x8xf32, #tpu.memory_space<vmem>>, vector<10112x8xf32>
    tpu.vector_store %arg1[%swap3A, %swap3A_9], %select_n3A {strides = array<i32>} : memref<10112x8xf32, #tpu.memory_space<vmem>>, vector<10112x8xf32>,
    return
  }
}

module attributes {stable_mosaic.version = 14 : i64} {
  func.func @_recip3_body(%arg0: memref<2x10112xf32, #tpu.memory_space<vmem>>, %arg1: memref<1x10112xf32, #tpu.memory_space<vmem>>) attributes {dimension_semantics = [], scalar_prefetch = 0 : i64, scratch_operands = 0 : i64, tpu.core_type = #tpu.core_type<tc>} {
    %get3A = arith.constant 0 : index
    %get3A_0 = arith.constant 0 : index
    %get3A_1 = vector.load %arg0[%get3A, %get3A_0] : memref<2x10112xf32, #tpu.memory_space<vmem>>, vector<1x10112xf32>
    %get3A_2 = arith.constant 1 : index
    %get3A_3 = arith.constant 0 : index
    %get3A_4 = vector.load %arg0[%get3A_2, %get3A_3] : memref<2x10112xf32, #tpu.memory_space<vmem>>, vector<1x10112xf32>
    %add3A = arith.addf %get3A_1, %get3A_4 : vector<1x10112xf32>
    %add3A_5 = arith.constant 1.000000e-16 : f32
    %add3A_6 = vector.broadcast %add3A_5 : f32 to vector<1x10112xf32>
    %add3A_7 = arith.addf %add3A, %add3A_6 : vector<1x10112xf32>
    %div3A = arith.constant 1.000000e+00 : f32
    %div3A_8 = vector.broadcast %div3A : f32 to vector<1x10112xf32>
    %div3A_9 = arith.divf %div3A_8, %add3A_7 : vector<1x10112xf32>
    %swap3A = arith.constant 0 : index
    %swap3A_10 = arith.constant 0 : index
    %swap3A_11 = vector.load %arg1[%swap3A, %swap3A_10] : memref<1x10112xf32, #tpu.memory_space<vmem>>, vector<1x10112xf32>
    tpu.vector_store %arg1[%swap3A, %swap3A_10], %div3A_9 {strides = array<i32>} : memref<1x10112xf32, #tpu.memory_space<vmem>>, vector<1x10112xf32>,
    return
  }
}

module attributes {stable_mosaic.version = 14 : i64} {
  func.func @_comb_body(%arg0: memref<2x10112x8xf32, #tpu.memory_space<vmem>>, %arg1: memref<1x8xf32, #tpu.memory_space<vmem>>, %arg2: memref<10112x8xf32, #tpu.memory_space<vmem>>) attributes {dimension_semantics = [], scalar_prefetch = 0 : i64, scratch_operands = 0 : i64, tpu.core_type = #tpu.core_type<tc>} {
    %get3A = arith.constant 0 : index
    %get3A_0 = arith.constant 0 : index
    %get3A_1 = arith.constant 0 : index
    %get3A_2 = vector.load %arg0[%get3A, %get3A_0, %get3A_1] : memref<2x10112x8xf32, #tpu.memory_space<vmem>>, vector<1x10112x8xf32>
    %get3A_3 = vector.shape_cast %get3A_2 : vector<1x10112x8xf32> to vector<10112x8xf32>
    %get3A_4 = arith.constant 1 : index
    %get3A_5 = arith.constant 0 : index
    %get3A_6 = arith.constant 0 : index
    %get3A_7 = vector.load %arg0[%get3A_4, %get3A_5, %get3A_6] : memref<2x10112x8xf32, #tpu.memory_space<vmem>>, vector<1x10112x8xf32>
    %get3A_8 = vector.shape_cast %get3A_7 : vector<1x10112x8xf32> to vector<10112x8xf32>
    %add3A = arith.addf %get3A_3, %get3A_8 : vector<10112x8xf32>
    %get3A_9 = arith.constant 0 : index
    %get3A_10 = arith.constant 0 : index
    %get3A_11 = vector.load %arg1[%get3A_9, %get3A_10] : memref<1x8xf32, #tpu.memory_space<vmem>>, vector<1x8xf32>
    %add3A_12 = vector.broadcast %get3A_11 : vector<1x8xf32> to vector<10112x8xf32>
    %add3A_13 = arith.addf %add3A, %add3A_12 : vector<10112x8xf32>
    %swap3A = arith.constant 0 : index
    %swap3A_14 = arith.constant 0 : index
    %swap3A_15 = vector.load %arg2[%swap3A, %swap3A_14] : memref<10112x8xf32, #tpu.memory_space<vmem>>, vector<10112x8xf32>
    tpu.vector_store %arg2[%swap3A, %swap3A_14], %add3A_13 {strides = array<i32>} : memref<10112x8xf32, #tpu.memory_space<vmem>>, vector<10112x8xf32>,
    return
  }
}

</mosaic_0001>

<sc_bundles>
// kernel: kernel.18.cloned.1.call-start
scs
__scs_entry_jumppad:
0x0: {  	(pc) =	sbr.rel $0x88, $3  }
0x1: {  	(tag) =	ssettag $0x0;
	lr =	simm.s32 $0x1  }
0x2: {  	[smem:$0x3F93] =	sst lr;
	_ =	strace $0xD0000000  }
0x3: {  	_ = 	snop  }
0x4: {  	_ = 	snop  }
0x5: {  	_ = 	snop  }
0x6: {  	_ = 	snop  }
0x7: {  	_ = 	snop  }
__scs_overlays_trampoline_lowered:
0x8: {  	[smem:$0x3FA2] =	sst s0  }
0x9: {  	[smem:$0x3FA3] =	sst s1  }
0xa: {  	[smem:$0x3FA4] =	sst s2  }
0xb: {  	[smem:$0x3FA5] =	sst s3  }
0xc: {  	[smem:$0x3FA6] =	sst s4  }
0xd: {  	[smem:$0x3FA7] =	sst s5  }
0xe: {  	[smem:$0x3FA8] =	sst s6  }
0xf: {  	[smem:$0x3FA9] =	sst s7  }
0x10: {  	[smem:$0x3FAA] =	sst s8  }
0x11: {  	[smem:$0x3FAB] =	sst s9;
	s0 =	simm.s32 @!p0 $0x0  }
0x12: {  	s1 =	sld [smem:$0x3F91];
	s0 =	simm.s32 @p0 $0x1  }
0x13: {  	[smem:$0x3FAC] =	sst s0;
	s0 =	simm.s32 @!p1 $0x0  }
0x14: {  	s2 =	sld [smem:$0x3F90];
	s0 =	simm.s32 @p1 $0x1  }
0x15: {  	[smem:$0x3FAD] =	sst s0;
	s0 =	simm.s32 @!p2 $0x0  }
0x16: {  	s3 =	sld [smem:$0x3FDB];
	s0 =	simm.s32 @p2 $0x1  }
0x17: {  	s4 =	simm.s32 $0x1BF5;
	[smem:$0x3FAF] =	sst s0  }
0x18: {  	s0 =	sld [smem:$0x3F92];
	_ =	swait.ge [sflag:s4], $0x0  }
0x19: {  	s7 =	sld [smem:$0x3F93]  }
0x1a: {  	s8 =	sadd.s32 $0xFFFFE003, lr  }
0x1b: {  	s9 =	sadd.s32 $0xFFFFFEF7, lr;
	s5 =	simm.s32 $0xFFFFFFFF;
	p2 =	slt.u32 s8, $0xFFFFF086  }
0x1c: {  	p1 =	slt.u32 s9, $0xF7A;
	s5 =	simm.s32 @!p2 $0x0  }
0x1d: {  	s5 =	simm.s32 @p1 $0x1;
	p0 =	seq.s32 s7, s2  }
0x1e: {  	s7 =	smul.u32 @!p0 $0xF7A, s2;
	p2 =	seq.s32 @!p0 s5, $0x0  }
0x1f: {  	s9 =	smul.u32 $0xF7A, s1;
	s8 =	simm.s32 @!p0 $0x1BF5;
	p2 =	por !p2, p0  }
0x20: {  	[sflag:s8] =	ssyncset.s32 @!p0 $0xFFFFF086;
	s6 =	sadd.s32 @!p0 s3, s7;
	s7 =	simm.s32 @!p0 $0x108  }
0x21: {  	s3 =	sadd.s32 s3, s9;
	s6 =	sadd.s32 @!p0 $0x88, s6;
	s7 =	simm.s32 @p2 $0x1082  }
0x22: {  	[simem:s7], [sflag:s8] =	dma.local @!p0 [hbm:s6], $0xF7A  }
0x23: {  	s9 =	sor.u32 $0xD0000000, s2;
	s6 =	simm.s32 $0x108;
	_ =	swait.ge @!p0 [sflag:s8], $0x0  }
0x24: {  	s3 =	sadd.s32 $0x88, s3;
	s6 =	simm.s32 @!p1 $0x1082;
	[sflag:s4] =	ssyncset.s32 $0xFFFFF086  }
0x25: {  	[simem:s6], [sflag:s4] =	dma.local [hbm:s3], $0xF7A  }
0x26: {  	[smem:$0x3F93] =	sst s1;
	(tag) =	ssettag s2;
	_ =	strace s9  }
0x27: {  	s1 =	sld [smem:$0x3FA3]  }
0x28: {  	s2 =	sld [smem:$0x3FA4]  }
0x29: {  	s4 =	sld [smem:$0x3FA6]  }
0x2a: {  	p0 =	seq.s32 s5, $0x0;
	s5 =	sld [smem:$0x3FA7]  }
0x2b: {  	s6 =	sld [smem:$0x3FA8]  }
0x2c: {  	s7 =	sld [smem:$0x3FA9]  }
0x2d: {  	s3 =	simm.s32 $0x108;
	s8 =	sld [smem:$0x3FAA]  }
0x2e: {  	s3 =	simm.s32 @!p0 $0x1082;
	s9 =	sld [smem:$0x3FAB]  }
0x2f: {  	lr =	sadd.s32 s0, s3;
	s0 =	sld [smem:$0x3FA2]  }
0x30: {  	s3 =	sld [smem:$0x3FA5]  }
0x31: {  	[smem:$0x3FAE] =	sst s10  }
0x32: {  	s10 =	sld [smem:$0x3FAC];
	_ =	sdelay $0x3  }
0x33: {  	p0 =	seq.s32 s10, $0x1;
	s10 =	sld [smem:$0x3FAE];
	_ =	sdelay $0x3  }
0x34: {  	[smem:$0x3FAE] =	sst s10  }
0x35: {  	s10 =	sld [smem:$0x3FAD];
	_ =	sdelay $0x3  }
0x36: {  	p1 =	seq.s32 s10, $0x1;
	s10 =	sld [smem:$0x3FAE];
	_ =	sdelay $0x3  }
0x37: {  	[smem:$0x3FAE] =	sst s10  }
0x38: {  	s10 =	sld [smem:$0x3FAF]  }
0x39: {  	_ = 	snop;
	(pc) =	sbr.ind lr, $3  }
0x3a: {  	_ = 	snop  }
0x3b: {  	_ = 	snop  }
0x3c: {  	p2 =	seq.s32 s10, $0x1;
	s10 =	sld [smem:$0x3FAE]  }
0x3d: {  	_ =	shalt  }
0x3e: {  	_ =	shalt  }
0x3f: {  	_ =	shalt  }
0x40: {  	_ =	shalt  }
0x41: {  	_ =	shalt  }
0x42: {  	_ =	shalt  }
0x43: {  	_ =	shalt  }
0x44: {  	_ =	shalt  }
0x45: {  	_ =	shalt  }
0x46: {  	_ =	shalt  }
0x47: {  	_ =	shalt  }
0x48: {  	_ =	shalt  }
0x49: {  	_ =	shalt  }
0x4a: {  	_ =	shalt  }
0x4b: {  	_ =	shalt  }
0x4c: {  	_ =	shalt  }
0x4d: {  	_ =	shalt  }
0x4e: {  	_ =	shalt  }
0x4f: {  	_ =	shalt  }
0x50: {  	_ =	shalt  }
0x51: {  	_ =	shalt  }
0x52: {  	_ =	shalt  }
0x53: {  	_ =	shalt  }
0x54: {  	_ =	shalt  }
0x55: {  	_ =	shalt  }
0x56: {  	_ =	shalt  }
0x57: {  	_ =	shalt  }
0x58: {  	_ =	shalt  }
0x59: {  	_ =	shalt  }
0x5a: {  	_ =	shalt  }
0x5b: {  	_ =	shalt  }
0x5c: {  	_ =	shalt  }
0x5d: {  	_ =	shalt  }
0x5e: {  	_ =	shalt  }
0x5f: {  	_ =	shalt  }
0x60: {  	_ =	shalt  }
0x61: {  	_ =	shalt  }
0x62: {  	_ =	shalt  }
0x63: {  	_ =	shalt  }
0x64: {  	_ =	shalt  }
0x65: {  	_ =	shalt  }
0x66: {  	_ =	shalt  }
0x67: {  	_ =	shalt  }
0x68: {  	_ =	shalt  }
0x69: {  	_ =	shalt  }
0x6a: {  	_ =	shalt  }
0x6b: {  	_ =	shalt  }
0x6c: {  	_ =	shalt  }
0x6d: {  	_ =	shalt  }
0x6e: {  	_ =	shalt  }
0x6f: {  	_ =	shalt  }
0x70: {  	_ =	shalt  }
0x71: {  	_ =	shalt  }
0x72: {  	_ =	shalt  }
0x73: {  	_ =	shalt  }
0x74: {  	_ =	shalt  }
0x75: {  	_ =	shalt  }
0x76: {  	_ =	shalt  }
0x77: {  	_ =	shalt  }
0x78: {  	_ =	shalt  }
0x79: {  	_ =	shalt  }
0x7a: {  	_ =	shalt  }
0x7b: {  	_ =	shalt  }
0x7c: {  	_ =	shalt  }
0x7d: {  	_ =	shalt  }
0x7e: {  	_ =	shalt  }
0x7f: {  	_ =	shalt  }
0x80: {  	_ =	shalt  }
0x81: {  	_ =	shalt  }
0x82: {  	_ =	shalt  }
0x83: {  	_ =	shalt  }
0x84: {  	_ =	shalt  }
0x85: {  	_ =	shalt  }
0x86: {  	_ =	shalt  }
0x87: {  	_ =	shalt  }
.Lfunc_end0:
.L_simem_size_0:
called_computation_lowered:
.L_overlay_start_0:
0x88: {  	s2 =	sld [smem:$0x3FD9]  }
0x89: {  	s3 =	sld [smem:$0x3FFE];
	_ =	sdelay $0x1  }
0x8a: {  	s1 =	srdreg.scid  }
0x8b: {  	s0 =	sand.u32 $0x1, s1  }
0x8c: {  	s17 =	sshll.u32 s0, $0xA;
	s2 =	sadd.s32 s3, s2  }
0x8d: {  	s2 =	sadd.s32 s2, s17  }
0x8e: {  	[smem:$0x3FBA] =	sst s2  }
0x8f: {  	_ = 	snop  }
0x90: {  	s2 =	sld [smem:$0x3FD0];
	(tm) =	ssettm $0x1  }
0x91: {  	s18 =	sld [smem:$0x3FFB];
	_ =	sdelay $0x3  }
0x92: {  	_ =	strace s18  }
0x93: {  	s3 =	sld [smem:$0x3FFC];
	_ =	sdelay $0x3  }
0x94: {  	_ =	strace s3  }
0x95: {  	s3 =	sld [smem:$0x3FFD];
	_ =	sdelay $0x3  }
0x96: {  	_ =	strace s3  }
0x97: {  	_ =	strace $0x8FFFFFFF  }
0x98: {  	s19 =	sld [smem:$0x3FDB];
	_ =	sdelay $0x1  }
0x99: {  	s4 =	simm.s32 $_scs_section_size  }
0x9a: {  	s5 =	simm.s32 $_size__tile_overlayer_lowered;
	s6 =	simm.s32 $_tile_overlayer_lowered  }
0x9b: {  	s22 =	simm.s32 $0x1BFF;
	s21 =	sshll.u32 s6, $0x1;
	s3 =	sadd.s32 s4, s19  }
0x9c: {  	s7 =	simm.s32 $0x0;
	s20 =	sshll.u32 s5, $0x1;
	s5 =	sadd.s32 s21, s3  }
0x9d: {  	[timem:s7], [sflag:s22] =	dma.local [hbm:s5], s20  }
0x9e: {  	_ =	swait.ge [sflag:s22], s20  }
0x9f: {  	s4 =	ssub.s32 $0x0, s20;
	[sflag:s22] =	ssyncset.done $0x0  }
0xa0: {  	[sflag:s22] =	ssyncadd.s32 s4;
	_ =	sdelay $0x1  }
0xa1: {  	s23 =	simm.s32 $0x1B8B  }
0xa2: {  	_ =	swait.ge [sflag:s23], $0x1  }
0xa3: {  	[sflag:s23] =	ssyncset.done $0x0  }
0xa4: {  	s25 =	simm.s32 $0x1B8E;
	s24 =	sld [smem:$0x3FFE];
	[sflag:s23] =	ssyncadd.s32 $0xFFFFFFFF  }
0xa5: {  	s26 =	simm.s32 $execute0_lowered;
	[smem:$0x3FD2] =	sst s25  }
0xa6: {  	s5 =	sshll.u32 s26, $0x1;
	_ =	strace $0x80000046;
	[dreg:$0x1] =	wrdreg $0xFFFFFFFF  }
0xa7: {  	s28 =	simm.s32 $_size_execute0_lowered;
	s3 =	sadd.s32 s3, s5;
	[dreg:$0x0] =	wrdreg $0x0  }
0xa8: {  	s5 =	sshll.u32 s28, $0x1;
	[dreg:$0x2] =	wrdreg s3  }
0xa9: {  	[dreg:$0x3] =	wrdreg s5  }
0xaa: {  	[dreg:$0x4] =	wrdreg $0xC0  }
0xab: {  	_ =	task [dreg:s7], $0x5FFFF  }
0xac: {  	[dreg:$0x1] =	wrdreg $0xFFFFFFFF  }
0xad: {  	[dreg:$0x0] =	wrdreg $0x60  }
0xae: {  	[dreg:$0x2] =	wrdreg s24  }
0xaf: {  	[dreg:$0x3] =	wrdreg s2  }
0xb0: {  	[dreg:$0x4] =	wrdreg $0x147080  }
0xb1: {  	[dreg:$0x5] =	wrdreg $0x9  }
0xb2: {  	_ =	task.clear_ibuf [dreg:s7], $0x6FFFF;
	_ =	strace $0x90000046  }
0xb3: {  	s29 =	simm.s32 $0x9;
	_ =	strace $0x80000048  }
0xb4: {  	_ =	swait.ge [sflag:s29], $0x1  }
0xb5: {  	[sflag:s29] =	ssyncadd.s32 $0xFFFFFFFF  }
0xb6: {  	_ =	strace $0x90000048  }
0xb7: {  	_ =	sfence  }
0xb8: {  	s30 =	sld [smem:$0x0];
	_ =	sdelay $0x2  }
0xb9: {  	s31 =	sshll.u32 s1, $0xD;
	s1 =	sshrl.u32 s1, $0x2  }
0xba: {  	s3 =	sand.u32 $0x4000, s31;
	s1 =	sadd.s32 s1, s30  }
0xbb: {  	s0 =	sor.u32 s3, s0;
	s1 =	sshll.u32 s1, $0x11  }
0xbc: {  	s0 =	sor.u32 s1, s0  }
0xbd: {  	s0 =	sadd.s32 $0x8F2B, s0  }
0xbe: {  	[sflag:s0] =	ssyncadd.remote.s32 $0x1  }
0xbf: {  	_ =	sfence.sel $0xFFFF  }
0xc0: {  	[dreg:$0x0] =	wrdreg $0xFFFFFFFF;
	(pc) =	sbr.abs _section_cstart, $3  }
0xc1: {  	[dreg:$0x1] =	wrdreg $0xFFFFFFFF  }
0xc2: {  	_ =	task.clear_ibuf [dreg:s7], $0x2FFFF;
	_ =	strace $0x9FFFFFFF  }
0xc3: {  	(tm) =	ssettm $0x7FFFFFFF  }
tec
execute0_lowered:
.L_overlay_start_1:
0x0: {  	(tag) =	ssettag $0x1  }
0x1: {  	s0 =	rddreg [dreg:$0x0]  }
0x2: {  	s2 =	rddreg [dreg:$0x1]  }
0x3: {  	s1 =	rddreg [dreg:$0x2]  }
0x4: {  	s3 =	srdreg.scid;
	s13 =	stileid.u32;
	s30 =	simm.s32 $0x13C88  }
0x5: {  	s31 =	simm.s32 $0x13D88;
	s28 =	simm.s32 $0x80;
	s29 =	simm.s32 $0x13E08  }
0x6: {  	s6 =	sand.u32 $0x1, s3;
	s3 =	simm.s32 $0x0;
	s8 =	smul.u32 $0x13C0, s13  }
0x7: {  	s4 =	sadd.s32 $0x11C00, s0;
	s5 =	sadd.s32 $0x7A00, s0;
	s21 =	smul.u32 $0x28800, s13  }
0x8: {  	s25 =	sadd.s32 $0x2800, s0;
	s7 =	smul.u32 $0x13C0, s6;
	[smem:$0x7FF] =	sst s3  }
0x9: {  	s9 =	smul.u32 $0x13C00, s6;
	s11 =	ssub.s32 $0x2, s6;
	s15 =	sshll.u32 s6, $0x2  }
0xa: {  	s6 =	smul.u32 $0x288000, s6;
	_ =	strace $0x80000047;
	[dreg:$0x4] =	wrdreg s25  }
0xb: {  	s12 =	sshrl.u32 s11, $0x1;
	v0 =	vmov s15;
	s15 =	simm.s32 $0x0;
	s10 =	sadd.s32 s7, s0  }
0xc: {  	s9 =	sadd.s32 s8, s9;
	s7 =	sadd.s32 $0x20E00, s0;
	s23 =	sshrl.u32 s6, $0x3  }
0xd: {  	s16 =	sadd.s32 s21, s6;
	s6 =	simm.s32 $0x13E88;
	s9 =	sshrl.u32 s9, $0x3  }
0xe: {  	s26 =	sadd.s32 $0x5200, s10;
	s10 =	sadd.s32 $0x2A00, s10;
	s0 =	sadd.s32 s9, s0  }
0xf: {  	s9 =	ssub.s32 s11, s12;
	s11 =	smul.u32 $0x5100, s13;
	[dreg:$0x5] =	wrdreg s26  }
0x10: {  	[dreg:$0x6] =	wrdreg s10;
	s12 =	sshrl.u32 s8, $0x3;
	s8 =	sadd.s32 s8, s1  }
0x11: {  	s10 =	simm.s32 $0x4;
	[dreg:$0x7] =	wrdreg s8;
	s2 =	sadd.s32 s2, s12  }
0x12: {  	s0 =	sadd.s32 $0x1BE00, s0;
	s26 =	smax.u32 s9, $0x1;
	s9 =	simm.s32 $0x13C00  }
0x13: {  	s12 =	simm.s32 $0x0;
	[dreg:$0x8] =	wrdreg s2;
	s14 =	sshrl.u32 s11, $0x3  }
0x14: {  	s24 =	sadd.s32 s11, s7;
	s17 =	sadd.s32 $0x100, s11;
	[dreg:$0xd] =	wrdreg s0  }
0x15: {  	[dreg:$0xe] =	wrdreg s26;
	s26 =	simm.s32 $0x14308;
	s0 =	simm.s32 $0x1  }
0x16: {  	s19 =	sadd.s32 s4, s14;
	s20 =	sadd.s32 s5, s14;
	s2 =	sor.u32 $0x10, s14  }
.Ltmp0:
0x17: {  	s25 =	sadd.s32 s23, s24;
	[dreg:$0x9] =	wrdreg s19;
	(pc) =	sbr.rel .LBB2_1-.Ltmp0, $4  }
0x18: {  	v7 =	vlaneseq.u32;
	s23 =	simm.s32 $0x9E00;
	[dreg:$0xa] =	wrdreg s20;
	s22 =	sadd.s32 s4, s2  }
0x19: {  	v6 =	vimm.f32 $0.0e+00;
	v4 =	vshrl.u32 v7, $0x3;
	s2 =	sadd.s32 s5, s2;
	s18 =	sadd.s32 $0x80, s25;
	s19 =	sadd.s32 $0x180, s11  }
0x1a: {  	v5 =	vand.u32 $0x7, v7;
	v7 =	vmul.u32 $0x8, v7;
	v4 =	vmul.u32 $0x8, v4;
	s25 =	simm.s32 $0x13F08;
	s11 =	simm.s32 $0x6;
	[dreg:$0xb] =	wrdreg s22  }
0x1b: {  	v1 =	vor.u32 $0x1, v0;
	v2 =	vor.u32 $0x2, v0;
	v3 =	vor.u32 $0x3, v0;
	[dreg:$0xc] =	wrdreg s2;
	s22 =	simm.s32 $0x7;
	s2 =	simm.s32 $0x2  }
.LBB2_12:
0x1c: {  	s8 =	simm.s32 $0x3  }
0x1d: {  	_ =	swait.ge [sflag:s8], $0x400  }
0x1e: {  	[sflag:s8] =	ssyncset.done $0x0  }
0x1f: {  	s20 =	simm.s32 $0x5;
	[sflag:s8] =	ssyncadd.s32 $0xFFFFFC00  }
0x20: {  	_ =	swait.ge [sflag:s20], $0x400  }
0x21: {  	[sflag:s20] =	ssyncset.done $0x0  }
0x22: {  	[sflag:s20] =	ssyncadd.s32 $0xFFFFFC00  }
0x23: {  	_ =	swait.ge [sflag:s10], $0x400  }
0x24: {  	[sflag:s10] =	ssyncset.done $0x0  }
0x25: {  	[sflag:s10] =	ssyncadd.s32 $0xFFFFFC00  }
0x26: {  	_ =	swait.ge [sflag:s11], $0x400  }
0x27: {  	[sflag:s11] =	ssyncset.done $0x0  }
0x28: {  	[sflag:s11] =	ssyncadd.s32 $0xFFFFFC00  }
0x29: {  	[bflag:$0x0] =	sbarrier.arrive $0xFFFF  }
0x2a: {  	s21 =	rddreg [dreg:$0xd]  }
0x2b: {  	s9 =	rddreg [dreg:$0xf]  }
0x2c: {  	s13 =	rddreg [dreg:$0x10]  }
0x2d: {  	[hbm:s21], [sflag:s9] =	dma.local [spmem:s13], $0x278  }
0x2e: {  	_ =	swait.ge [sflag:s22], $0x278  }
0x2f: {  	s12 =	sadd.s32 $0x1, s12;
	s24 =	rddreg [dreg:$0xe]  }
0x30: {  	p0 =	sne.s32 s12, s24  }
.Ltmp1:
0x31: {  	_ = 	snop;
	(pc) =	sbr.rel @!p0 .LBB2_13-.Ltmp1, $3  }
0x32: {  	_ =	sdelay $0x1  }
0x33: {  	[sflag:s22] =	ssyncset.done $0x0  }
0x34: {  	s9 =	simm.s32 $0x13C00;
	[sflag:s22] =	ssyncadd.s32 $0xFFFFFD88  }
.LBB2_1:
0x35: {  	s8 =	rddreg [dreg:$0x5]  }
0x36: {  	[tilespmem:s3], [sflag:$0x7] =	stream.linear.gather [hbm4b:s8+s3], $0x9E00, $0x38;
	[tilespmem:$0x15AC8] =	vst v63  }
0x37: {  	_ =	swait.ge [sflag:s22], $0x9E00  }
0x38: {  	[sflag:s22] =	ssyncset.done $0x0  }
0x39: {  	s13 =	rddreg [dreg:$0x6];
	[sflag:s22] =	ssyncadd.s32 $0xFFFF6200  }
0x3a: {  	[tilespmem:s23], [sflag:$0x7] =	stream.linear.gather [hbm4b:s13+s3], $0x9E00, $0x38;
	[tilespmem:$0x15AC8] =	vst v63  }
0x3b: {  	s20 =	stileid.u32;
	_ =	swait.ge [sflag:s22], $0x9E00  }
0x3c: {  	s8 =	sshll.u32 s20, $0x6;
	[sflag:s22] =	ssyncset.done $0x0  }
0x3d: {  	s13 =	sor.u32 $0x1C07, s8;
	s14 =	rddreg [dreg:$0x4];
	[sflag:s22] =	ssyncadd.s32 $0xFFFF6200  }
0x3e: {  	[tilespmem:s9], [sflag:$0x7] =	stream.linear.gather [hbm4b:s14+s3], $0x8, $0x38;
	[tilespmem:$0x15AC8] =	vst v63  }
0x3f: {  	_ =	swait.ge [sflag:s22], $0x8;
	[dreg:$0xf] =	wrdreg s13  }
0x40: {  	s21 =	rddreg [dreg:$0x7]  }
0x41: {  	[sflag:s22] =	ssyncset.done $0x0;
	s24 =	rddreg [dreg:$0x8];
	s14 =	sshrl.u32 s21, $0x3  }
0x42: {  	[sflag:s22] =	ssyncadd.s32 $0xFFFFFFF8;
	[dreg:$0x10] =	wrdreg s14  }
0x43: {  	[spmem:s14], [sflag:s13] =	dma.local [hbm:s24], $0x278  }
0x44: {  	_ =	swait.ge [sflag:s22], $0x278  }
0x45: {  	[sflag:s22] =	ssyncset.done $0x0  }
0x46: {  	s8 =	simm.s32 $0x0;
	[sflag:s22] =	ssyncadd.s32 $0xFFFFFD88  }
.LBB2_2:
0x47: {  	v8 =	vmov s8  }
0x48: {  	v8 =	vshll.u32 v8, $0x3  }
0x49: {  	v8 =	vor.u32 v4, v8  }
0x4a: {  	p0 =	sne.s32 s8, $0x7E;
	v8 =	vor.u32 v5, v8  }
.Ltmp2:
0x4b: {  	_ = 	snop;
	(pc) =	sbr.rel @p0 .LBB2_2-.Ltmp2, $2  }
0x4c: {  	_ =	sdelay $0x2  }
0x4d: {  	s8 =	sadd.s32 $0x2, s8;
	[tilespmem:v8+s25+$0x0] =	vst.idx.msk $0xffff, v6  }
0x4e: {  	s8 =	simm.s32 $0x0  }
0x4f: {  	v8 =	vmov s8  }
0x50: {  	v8 =	vshll.u32 v8, $0x3  }
0x51: {  	v8 =	vor.u32 v4, v8  }
0x52: {  	s8 =	simm.s32 $0x2;
	v8 =	vor.u32 v5, v8  }
.LBB2_4:
0x53: {  	p0 =	sne.s32 s8, $0x7E  }
.Ltmp3:
0x54: {  	_ = 	snop;
	(pc) =	sbr.rel @p0 .LBB2_4-.Ltmp3, $4  }
0x55: {  	v9 =	vmov s8  }
0x56: {  	v9 =	vshll.u32 v9, $0x3  }
0x57: {  	v9 =	vor.u32 v4, v9  }
0x58: {  	s8 =	sadd.s32 $0x2, s8;
	[tilespmem:v8+s26+$0x0] =	vst.idx.msk $0xffff, v6;
	v8 =	vor.u32 v5, v9  }
0x59: {  	_ =	sdelay $0x3  }
0x5a: {  	[tilespmem:v8+s26+$0x0] =	vst.idx.msk $0xffff, v6  }
0x5b: {  	[bflag:$0x0] =	sbarrier.arrive $0xFFFF  }
0x5c: {  	v8 =	vld.idx.msk [tilespmem:v0+s9+$0x0], $0xffff  }
0x5d: {  	v9 =	vld.idx.msk [tilespmem:v1+s9+$0x0], $0xffff  }
0x5e: {  	s13 =	simm.s32 $0x13C08;
	v10 =	vld.idx.msk [tilespmem:v2+s9+$0x0], $0xffff;
	s8 =	rddreg [dreg:$0x9]  }
0x5f: {  	v11 =	vld.idx.msk [tilespmem:v3+s9+$0x0], $0xffff;
	[tilespmem:s13], [sflag:$0x1] =	stream.linear.gather [hbm4b:s8+s15], $0x80, $0x38  }
0x60: {  	s20 =	simm.s32 $0x13D08;
	s14 =	rddreg [dreg:$0xa]  }
0x61: {  	[tilespmem:s20], [sflag:$0x1] =	stream.linear.gather [hbm4b:s14+s15], $0x80, $0x38;
	[tilespmem:$0x15AC8] =	vst v63  }
0x62: {  	s21 =	rddreg [dreg:$0xb]  }
0x63: {  	[tilespmem:s30], [sflag:$0x2] =	stream.linear.gather [hbm4b:s21+s15], $0x80, $0x38;
	[tilespmem:$0x15AC8] =	vst v63  }
0x64: {  	s24 =	rddreg [dreg:$0xc];
	s20 =	simm.s32 $0x0  }
0x65: {  	[tilespmem:s31], [sflag:$0x2] =	stream.linear.gather [hbm4b:s24+s15], $0x80, $0x38;
	[tilespmem:$0x15AC8] =	vst v63  }
.LBB2_6:
0x66: {  	p0 =	seq.s32 s20, $0x0  }
0x67: {  	s8 =	simm.s32 @!p0 $0x3  }
0x68: {  	_ =	swait.ge @!p0 [sflag:s8], $0x400  }
0x69: {  	[sflag:s8] =	ssyncset.done @!p0 $0x0  }
0x6a: {  	[sflag:s8] =	ssyncadd.s32 @!p0 $0xFFFFFC00;
	s8 =	simm.s32 @!p0 $0x5  }
0x6b: {  	_ =	swait.ge @!p0 [sflag:s8], $0x400  }
0x6c: {  	[sflag:s8] =	ssyncset.done @!p0 $0x0  }
0x6d: {  	[sflag:s8] =	ssyncadd.s32 @!p0 $0xFFFFFC00  }
0x6e: {  	_ =	swait.ge [sflag:s0], $0x80  }
0x6f: {  	[sflag:s0] =	ssyncset.done $0x0  }
0x70: {  	[sflag:s0] =	ssyncadd.s32 $0xFFFFFF80  }
0x71: {  	_ =	swait.ge [sflag:s0], $0x80  }
0x72: {  	[sflag:s0] =	ssyncset.done $0x0  }
0x73: {  	s8 =	simm.s32 $0x13C08;
	[sflag:s0] =	ssyncadd.s32 $0xFFFFFF80  }
0x74: {  	s9 =	simm.s32 $0x13D08;
	v12 =	vld [tilespmem:s8+$0x0]  }
0x75: {  	v13 =	vld [tilespmem:s9+$0x0];
	_ =	sdelay $0x3  }
0x76: {  	v12 =	vshll.u32 v12, $0x2  }
0x77: {  	v14 =	vshll.u32 v13, $0x2;
	_ =	sdelay $0x1  }
0x78: {  	s24 =	simm.s32 $0x13E08  }
0x79: {  	[tilespmem:s24+$0x0] =	vst v13  }
0x7a: {  	v13 =	vld.idx.msk [tilespmem:v12+s3+$0x0], $0xffff  }
0x7b: {  	v15 =	vld.idx.msk [tilespmem:v14+s23+$0x0], $0xffff;
	_ =	sdelay $0x4  }
0x7c: {  	v13 =	vadd.f32 v15, v13;
	v15 =	vadd.f32 v15, v8;
	_ =	sdelay $0x1  }
0x7d: {  	v16 =	vmul.f32 $2.000000030e-01, v13;
	v17 =	vmul.f32 $2.000000030e-01, v15  }
0x7e: {  	vm0 =	vge.f32 v13, $0.0e+00;
	vm1 =	vge.f32 v15, $0.0e+00  }
0x7f: {  	v13 =	vsel vm0, v13, v16;
	v15 =	vsel vm1, v15, v17  }
0x80: {  	v13 =	vsub.f32 v13, v15;
	_ =	sdelay $0x1  }
0x81: {  	v13 =	vmul.f32 $1.442695020e+00, v13;
	_ =	sdelay $0x1  }
0x82: {  	(erf) = vpow2.f32 v13;
	_ =	sdelay $0x2  }
0x83: {  	v13 =	vmov s15  }
0x84: {  	v13 =	vshll.u32 v13, $0x3  }
0x85: {  	v13 =	vor.u32 v7, v13  }
0x86: {  	v15 =	vor.u32 $0x1, v12  }
0x87: {  	v53 =	vor.u32 $0x1, v14;
	_ =	sdelay $0x1  }
0x88: {  	v54 =	vpop (erf)  }
0x89: {  	[tilespmem:v13+s25+$0x0] =	vst.idx.msk $0xffff, v54  }
0x8a: {  	v15 =	vld.idx.msk [tilespmem:v15+s3+$0x0], $0xffff  }
0x8b: {  	v16 =	vld.idx.msk [tilespmem:v53+s23+$0x0], $0xffff;
	_ =	sdelay $0x4  }
0x8c: {  	v15 =	vadd.f32 v16, v15;
	v16 =	vadd.f32 v16, v9;
	_ =	sdelay $0x1  }
0x8d: {  	v55 =	vmul.f32 $2.000000030e-01, v15;
	v18 =	vmul.f32 $2.000000030e-01, v16  }
0x8e: {  	vm10 =	vge.f32 v15, $0.0e+00;
	vm11 =	vge.f32 v16, $0.0e+00  }
0x8f: {  	v15 =	vsel vm10, v15, v55;
	v16 =	vsel vm11, v16, v18  }
0x90: {  	v15 =	vsub.f32 v15, v16;
	_ =	sdelay $0x1  }
0x91: {  	v15 =	vmul.f32 $1.442695020e+00, v15;
	_ =	sdelay $0x1  }
0x92: {  	(erf) = vpow2.f32 v15;
	_ =	sdelay $0x4  }
0x93: {  	v15 =	vor.u32 $0x1, v13  }
0x94: {  	v56 =	vor.u32 $0x2, v12  }
0x95: {  	v57 =	vor.u32 $0x2, v14;
	_ =	sdelay $0x1  }
0x96: {  	v58 =	vpop (erf)  }
0x97: {  	[tilespmem:v15+s25+$0x0] =	vst.idx.msk $0xffff, v58  }
0x98: {  	v15 =	vld.idx.msk [tilespmem:v56+s3+$0x0], $0xffff  }
0x99: {  	v59 =	vld.idx.msk [tilespmem:v57+s23+$0x0], $0xffff;
	_ =	sdelay $0x4  }
0x9a: {  	v15 =	vadd.f32 v59, v15;
	v16 =	vadd.f32 v59, v10;
	_ =	sdelay $0x1  }
0x9b: {  	v60 =	vmul.f32 $2.000000030e-01, v15;
	v61 =	vmul.f32 $2.000000030e-01, v16  }
0x9c: {  	vm12 =	vge.f32 v15, $0.0e+00;
	vm13 =	vge.f32 v16, $0.0e+00  }
0x9d: {  	v15 =	vsel vm12, v15, v60;
	v16 =	vsel vm13, v16, v61  }
0x9e: {  	v15 =	vsub.f32 v15, v16;
	_ =	sdelay $0x1  }
0x9f: {  	v15 =	vmul.f32 $1.442695020e+00, v15;
	_ =	sdelay $0x1  }
0xa0: {  	(erf) = vpow2.f32 v15;
	_ =	sdelay $0x4  }
0xa1: {  	v15 =	vor.u32 $0x2, v13  }
0xa2: {  	v12 =	vor.u32 $0x3, v12  }
0xa3: {  	v14 =	vor.u32 $0x3, v14;
	_ =	sdelay $0x1  }
0xa4: {  	v62 =	vpop (erf)  }
0xa5: {  	[tilespmem:v15+s25+$0x0] =	vst.idx.msk $0xffff, v62  }
0xa6: {  	v12 =	vld.idx.msk [tilespmem:v12+s3+$0x0], $0xffff  }
0xa7: {  	v14 =	vld.idx.msk [tilespmem:v14+s23+$0x0], $0xffff;
	_ =	sdelay $0x4  }
0xa8: {  	v12 =	vadd.f32 v14, v12;
	v14 =	vadd.f32 v14, v11;
	_ =	sdelay $0x1  }
0xa9: {  	v15 =	vmul.f32 $2.000000030e-01, v12;
	v63 =	vmul.f32 $2.000000030e-01, v14  }
0xaa: {  	vm14 =	vge.f32 v12, $0.0e+00;
	vm15 =	vge.f32 v14, $0.0e+00  }
0xab: {  	v12 =	vsel vm14, v12, v15;
	v14 =	vsel vm15, v14, v63  }
0xac: {  	v12 =	vsub.f32 v12, v14;
	_ =	sdelay $0x1  }
0xad: {  	v12 =	vmul.f32 $1.442695020e+00, v12;
	_ =	sdelay $0x1  }
0xae: {  	(erf) = vpow2.f32 v12;
	_ =	sdelay $0x1  }
0xaf: {  	s21 =	sshll.u32 s20, $0x8;
	s13 =	simm.s32 $0x10;
	v12 =	vor.u32 $0x3, v13  }
.LBB2_7:
0xb0: {  	_ =	sdelay $0x3  }
0xb1: {  	s8 =	sadd.s32 $0x10, s8;
	s9 =	sadd.s32 $0x10, s9;
	s24 =	sadd.s32 $0x10, s24  }
0xb2: {  	p0 =	sne.s32 s13, $0x70;
	s14 =	smov.u32 s13;
	s13 =	sadd.s32 $0x10, s13  }
0xb3: {  	v13 =	vpop (erf)  }
0xb4: {  	[tilespmem:v12+s25+$0x0] =	vst.idx.msk $0xffff, v13  }
0xb5: {  	v12 =	vld [tilespmem:s8+$0x0]  }
0xb6: {  	v14 =	vld [tilespmem:s9+$0x0];
	_ =	sdelay $0x3  }
0xb7: {  	v12 =	vshll.u32 v12, $0x2  }
0xb8: {  	v13 =	vshll.u32 v14, $0x2;
	_ =	sdelay $0x2  }
0xb9: {  	[tilespmem:s24+$0x0] =	vst v14  }
0xba: {  	v14 =	vld.idx.msk [tilespmem:v12+s3+$0x0], $0xffff  }
0xbb: {  	v15 =	vld.idx.msk [tilespmem:v13+s23+$0x0], $0xffff;
	_ =	sdelay $0x5  }
0xbc: {  	v14 =	vadd.f32 v15, v14;
	v15 =	vadd.f32 v15, v8;
	_ =	sdelay $0x1  }
0xbd: {  	v16 =	vmul.f32 $2.000000030e-01, v14;
	v17 =	vmul.f32 $2.000000030e-01, v15  }
0xbe: {  	vm0 =	vge.f32 v14, $0.0e+00;
	vm1 =	vge.f32 v15, $0.0e+00  }
0xbf: {  	v14 =	vsel vm0, v14, v16;
	v15 =	vsel vm1, v15, v17  }
0xc0: {  	v14 =	vsub.f32 v14, v15;
	_ =	sdelay $0x1  }
0xc1: {  	v14 =	vmul.f32 $1.442695020e+00, v14;
	_ =	sdelay $0x1  }
0xc2: {  	(erf) = vpow2.f32 v14;
	_ =	sdelay $0x2  }
0xc3: {  	v14 =	vmov s14  }
0xc4: {  	v14 =	vshll.u32 v14, $0x3  }
0xc5: {  	v14 =	vor.u32 v7, v14  }
0xc6: {  	v16 =	vor.u32 $0x1, v13;
	v15 =	vor.u32 $0x1, v12;
	_ =	sdelay $0x2  }
0xc7: {  	v17 =	vpop (erf)  }
0xc8: {  	[tilespmem:v14+s25+$0x0] =	vst.idx.msk $0xffff, v17  }
0xc9: {  	v15 =	vld.idx.msk [tilespmem:v15+s3+$0x0], $0xffff  }
0xca: {  	v16 =	vld.idx.msk [tilespmem:v16+s23+$0x0], $0xffff;
	_ =	sdelay $0x5  }
0xcb: {  	v15 =	vadd.f32 v16, v15;
	v16 =	vadd.f32 v16, v9;
	_ =	sdelay $0x1  }
0xcc: {  	vm0 =	vge.f32 v15, $0.0e+00;
	v17 =	vmul.f32 $2.000000030e-01, v15;
	v18 =	vmul.f32 $2.000000030e-01, v16  }
0xcd: {  	vm1 =	vge.f32 v16, $0.0e+00  }
0xce: {  	v15 =	vsel vm0, v15, v17;
	v16 =	vsel vm1, v16, v18  }
0xcf: {  	v15 =	vsub.f32 v15, v16;
	_ =	sdelay $0x1  }
0xd0: {  	v15 =	vmul.f32 $1.442695020e+00, v15;
	_ =	sdelay $0x1  }
0xd1: {  	(erf) = vpow2.f32 v15;
	_ =	sdelay $0x3  }
0xd2: {  	v15 =	vor.u32 $0x1, v14;
	_ =	sdelay $0x1  }
0xd3: {  	v17 =	vor.u32 $0x2, v13;
	v16 =	vor.u32 $0x2, v12;
	_ =	sdelay $0x2  }
0xd4: {  	v18 =	vpop (erf)  }
0xd5: {  	[tilespmem:v15+s25+$0x0] =	vst.idx.msk $0xffff, v18  }
0xd6: {  	v15 =	vld.idx.msk [tilespmem:v16+s3+$0x0], $0xffff  }
0xd7: {  	v16 =	vld.idx.msk [tilespmem:v17+s23+$0x0], $0xffff;
	_ =	sdelay $0x5  }
0xd8: {  	v15 =	vadd.f32 v16, v15;
	v16 =	vadd.f32 v16, v10;
	_ =	sdelay $0x1  }
0xd9: {  	vm0 =	vge.f32 v15, $0.0e+00;
	v17 =	vmul.f32 $2.000000030e-01, v15;
	v18 =	vmul.f32 $2.000000030e-01, v16  }
0xda: {  	vm1 =	vge.f32 v16, $0.0e+00  }
0xdb: {  	v15 =	vsel vm0, v15, v17;
	v16 =	vsel vm1, v16, v18  }
0xdc: {  	v15 =	vsub.f32 v15, v16;
	_ =	sdelay $0x1  }
0xdd: {  	v15 =	vmul.f32 $1.442695020e+00, v15;
	_ =	sdelay $0x1  }
0xde: {  	(erf) = vpow2.f32 v15;
	_ =	sdelay $0x2  }
0xdf: {  	v15 =	vor.u32 $0x2, v14;
	_ =	sdelay $0x2  }
0xe0: {  	v13 =	vor.u32 $0x3, v13;
	v12 =	vor.u32 $0x3, v12;
	_ =	sdelay $0x2  }
0xe1: {  	v16 =	vpop (erf)  }
0xe2: {  	[tilespmem:v15+s25+$0x0] =	vst.idx.msk $0xffff, v16  }
0xe3: {  	v12 =	vld.idx.msk [tilespmem:v12+s3+$0x0], $0xffff  }
0xe4: {  	v13 =	vld.idx.msk [tilespmem:v13+s23+$0x0], $0xffff;
	_ =	sdelay $0x5  }
0xe5: {  	v12 =	vadd.f32 v13, v12;
	v13 =	vadd.f32 v13, v11;
	_ =	sdelay $0x1  }
0xe6: {  	vm0 =	vge.f32 v12, $0.0e+00;
	v15 =	vmul.f32 $2.000000030e-01, v12;
	v16 =	vmul.f32 $2.000000030e-01, v13  }
0xe7: {  	vm1 =	vge.f32 v13, $0.0e+00  }
0xe8: {  	v12 =	vsel vm0, v12, v15;
	v13 =	vsel vm1, v13, v16  }
0xe9: {  	v12 =	vsub.f32 v12, v13;
	_ =	sdelay $0x1  }
.Ltmp4:
0xea: {  	v12 =	vmul.f32 $1.442695020e+00, v12;
	(pc) =	sbr.rel @p0 .LBB2_7-.Ltmp4, $3  }
0xeb: {  	_ = 	snop  }
0xec: {  	(erf) = vpow2.f32 v12;
	_ =	sdelay $0x1  }
0xed: {  	v12 =	vor.u32 $0x3, v14  }
0xee: {  	_ =	sdelay $0x3  }
0xef: {  	s8 =	sshll.u32 s20, $0xB  }
0xf0: {  	s8 =	sadd.s32 s8, s16  }
0xf1: {  	s8 =	sshrl.u32 s8, $0x3;
	v13 =	vpop (erf)  }
0xf2: {  	p0 =	seq.s32 s20, $0x50;
	s8 =	sadd.s32 s7, s8;
	[tilespmem:v12+s25+$0x0] =	vst.idx.msk $0xffff, v13  }
0xf3: {  	[hbm4b:s8+s3] =	stream.linear.scatter [tilespmem:s25], [sflag:$0x3], $0x400, $0x38;
	[tilespmem:$0x15AC8] =	vst v63  }
0xf4: {  	s8 =	sadd.s32 @!p0 s21, s17  }
0xf5: {  	s13 =	simm.s32 @!p0 $0x0;
	s8 =	sshrl.u32 @!p0 s8, $0x3  }
0xf6: {  	[spmem:s1] =	stream.indirect.scatter.add.f32 [tilespmem:s25], [sflag:$0x5], $0x8, s29, s28, $0xb8;
	[tilespmem:$0x15AC8] =	vst v63  }
0xf7: {  	s14 =	simm.s32 @!p0 $0x13C08;
	p1 =	seq.s32 @!p0 s20, $0x0;
	s9 =	sadd.s32 @!p0 s4, s8  }
0xf8: {  	[tilespmem:s14], [sflag:$0x1] =	stream.linear.gather @!p0 [hbm4b:s9+s13], $0x80, $0x38;
	[tilespmem:$0x15AC8] =	vst v63  }
0xf9: {  	p1 =	por p0, !p1;
	s8 =	sadd.s32 @!p0 s5, s8;
	s9 =	simm.s32 @!p0 $0x13D08  }
0xfa: {  	[tilespmem:s9], [sflag:$0x1] =	stream.linear.gather @!p0 [hbm4b:s8+s13], $0x80, $0x38;
	[tilespmem:$0x15AC8] =	vst v63  }
0xfb: {  	_ =	swait.ge @p1 [sflag:s10], $0x400  }
0xfc: {  	[sflag:s10] =	ssyncset.done @p1 $0x0  }
0xfd: {  	[sflag:s10] =	ssyncadd.s32 @p1 $0xFFFFFC00  }
0xfe: {  	_ =	swait.ge @p1 [sflag:s11], $0x400  }
0xff: {  	[sflag:s11] =	ssyncset.done @p1 $0x0  }
0x100: {  	[sflag:s11] =	ssyncadd.s32 @p1 $0xFFFFFC00  }
0x101: {  	_ =	swait.ge [sflag:s2], $0x80  }
0x102: {  	[sflag:s2] =	ssyncset.done $0x0  }
0x103: {  	[sflag:s2] =	ssyncadd.s32 $0xFFFFFF80  }
0x104: {  	_ =	swait.ge [sflag:s2], $0x80  }
0x105: {  	[sflag:s2] =	ssyncset.done $0x0  }
0x106: {  	s8 =	simm.s32 $0x13C88;
	[sflag:s2] =	ssyncadd.s32 $0xFFFFFF80  }
0x107: {  	s9 =	simm.s32 $0x13D88;
	v12 =	vld [tilespmem:s8+$0x0]  }
0x108: {  	v13 =	vld [tilespmem:s9+$0x0];
	_ =	sdelay $0x3  }
0x109: {  	v12 =	vshll.u32 v12, $0x2  }
0x10a: {  	v14 =	vshll.u32 v13, $0x2;
	_ =	sdelay $0x1  }
0x10b: {  	s24 =	simm.s32 $0x13E88  }
0x10c: {  	[tilespmem:s24+$0x0] =	vst v13  }
0x10d: {  	v13 =	vld.idx.msk [tilespmem:v12+s3+$0x0], $0xffff  }
0x10e: {  	v15 =	vld.idx.msk [tilespmem:v14+s23+$0x0], $0xffff;
	_ =	sdelay $0x4  }
0x10f: {  	v13 =	vadd.f32 v15, v13;
	v15 =	vadd.f32 v15, v8;
	_ =	sdelay $0x1  }
0x110: {  	v16 =	vmul.f32 $2.000000030e-01, v13;
	v17 =	vmul.f32 $2.000000030e-01, v15  }
0x111: {  	vm0 =	vge.f32 v13, $0.0e+00;
	vm1 =	vge.f32 v15, $0.0e+00  }
0x112: {  	v13 =	vsel vm0, v13, v16;
	v15 =	vsel vm1, v15, v17  }
0x113: {  	v13 =	vsub.f32 v13, v15;
	_ =	sdelay $0x1  }
0x114: {  	v13 =	vmul.f32 $1.442695020e+00, v13;
	_ =	sdelay $0x1  }
0x115: {  	(erf) = vpow2.f32 v13;
	_ =	sdelay $0x1  }
0x116: {  	s14 =	simm.s32 $0x0  }
0x117: {  	v13 =	vmov s14  }
0x118: {  	v13 =	vshll.u32 v13, $0x3  }
0x119: {  	v13 =	vor.u32 v7, v13  }
0x11a: {  	v15 =	vor.u32 $0x1, v12  }
0x11b: {  	v53 =	vor.u32 $0x1, v14;
	_ =	sdelay $0x1  }
0x11c: {  	v54 =	vpop (erf)  }
0x11d: {  	[tilespmem:v13+s26+$0x0] =	vst.idx.msk $0xffff, v54  }
0x11e: {  	v15 =	vld.idx.msk [tilespmem:v15+s3+$0x0], $0xffff  }
0x11f: {  	v16 =	vld.idx.msk [tilespmem:v53+s23+$0x0], $0xffff;
	_ =	sdelay $0x4  }
0x120: {  	v15 =	vadd.f32 v16, v15;
	v16 =	vadd.f32 v16, v9;
	_ =	sdelay $0x1  }
0x121: {  	v55 =	vmul.f32 $2.000000030e-01, v15;
	v18 =	vmul.f32 $2.000000030e-01, v16  }
0x122: {  	vm10 =	vge.f32 v15, $0.0e+00;
	vm11 =	vge.f32 v16, $0.0e+00  }
0x123: {  	v15 =	vsel vm10, v15, v55;
	v16 =	vsel vm11, v16, v18  }
0x124: {  	v15 =	vsub.f32 v15, v16;
	_ =	sdelay $0x1  }
0x125: {  	v15 =	vmul.f32 $1.442695020e+00, v15;
	_ =	sdelay $0x1  }
0x126: {  	(erf) = vpow2.f32 v15;
	_ =	sdelay $0x4  }
0x127: {  	v15 =	vor.u32 $0x1, v13  }
0x128: {  	v56 =	vor.u32 $0x2, v12  }
0x129: {  	v57 =	vor.u32 $0x2, v14;
	_ =	sdelay $0x1  }
0x12a: {  	v58 =	vpop (erf)  }
0x12b: {  	[tilespmem:v15+s26+$0x0] =	vst.idx.msk $0xffff, v58  }
0x12c: {  	v15 =	vld.idx.msk [tilespmem:v56+s3+$0x0], $0xffff  }
0x12d: {  	v59 =	vld.idx.msk [tilespmem:v57+s23+$0x0], $0xffff;
	_ =	sdelay $0x4  }
0x12e: {  	v15 =	vadd.f32 v59, v15;
	v16 =	vadd.f32 v59, v10;
	_ =	sdelay $0x1  }
0x12f: {  	v60 =	vmul.f32 $2.000000030e-01, v15;
	v61 =	vmul.f32 $2.000000030e-01, v16  }
0x130: {  	vm12 =	vge.f32 v15, $0.0e+00;
	vm13 =	vge.f32 v16, $0.0e+00  }
0x131: {  	v15 =	vsel vm12, v15, v60;
	v16 =	vsel vm13, v16, v61  }
0x132: {  	v15 =	vsub.f32 v15, v16;
	_ =	sdelay $0x1  }
0x133: {  	v15 =	vmul.f32 $1.442695020e+00, v15;
	_ =	sdelay $0x1  }
0x134: {  	(erf) = vpow2.f32 v15;
	_ =	sdelay $0x4  }
0x135: {  	v15 =	vor.u32 $0x2, v13  }
0x136: {  	v12 =	vor.u32 $0x3, v12  }
0x137: {  	v14 =	vor.u32 $0x3, v14;
	_ =	sdelay $0x1  }
0x138: {  	v62 =	vpop (erf)  }
0x139: {  	[tilespmem:v15+s26+$0x0] =	vst.idx.msk $0xffff, v62  }
0x13a: {  	v12 =	vld.idx.msk [tilespmem:v12+s3+$0x0], $0xffff  }
0x13b: {  	v14 =	vld.idx.msk [tilespmem:v14+s23+$0x0], $0xffff;
	_ =	sdelay $0x4  }
0x13c: {  	v12 =	vadd.f32 v14, v12;
	v14 =	vadd.f32 v14, v11;
	_ =	sdelay $0x1  }
0x13d: {  	v15 =	vmul.f32 $2.000000030e-01, v12;
	v63 =	vmul.f32 $2.000000030e-01, v14  }
0x13e: {  	vm14 =	vge.f32 v12, $0.0e+00;
	vm15 =	vge.f32 v14, $0.0e+00  }
0x13f: {  	v12 =	vsel vm14, v12, v15;
	v14 =	vsel vm15, v14, v63  }
0x140: {  	v12 =	vsub.f32 v12, v14;
	_ =	sdelay $0x1  }
0x141: {  	v12 =	vmul.f32 $1.442695020e+00, v12;
	_ =	sdelay $0x1  }
0x142: {  	(erf) = vpow2.f32 v12;
	_ =	sdelay $0x1  }
0x143: {  	s13 =	simm.s32 $0x10;
	v12 =	vor.u32 $0x3, v13  }
.LBB2_9:
0x144: {  	_ =	sdelay $0x3  }
0x145: {  	s8 =	sadd.s32 $0x10, s8;
	s9 =	sadd.s32 $0x10, s9;
	s24 =	sadd.s32 $0x10, s24  }
0x146: {  	p1 =	sne.s32 s13, $0x70;
	s14 =	smov.u32 s13;
	s13 =	sadd.s32 $0x10, s13  }
0x147: {  	v13 =	vpop (erf)  }
0x148: {  	[tilespmem:v12+s26+$0x0] =	vst.idx.msk $0xffff, v13  }
0x149: {  	v12 =	vld [tilespmem:s8+$0x0]  }
0x14a: {  	v14 =	vld [tilespmem:s9+$0x0];
	_ =	sdelay $0x3  }
0x14b: {  	v12 =	vshll.u32 v12, $0x2  }
0x14c: {  	v13 =	vshll.u32 v14, $0x2;
	_ =	sdelay $0x2  }
0x14d: {  	[tilespmem:s24+$0x0] =	vst v14  }
0x14e: {  	v14 =	vld.idx.msk [tilespmem:v12+s3+$0x0], $0xffff  }
0x14f: {  	v15 =	vld.idx.msk [tilespmem:v13+s23+$0x0], $0xffff;
	_ =	sdelay $0x5  }
0x150: {  	v14 =	vadd.f32 v15, v14;
	v15 =	vadd.f32 v15, v8;
	_ =	sdelay $0x1  }
0x151: {  	v16 =	vmul.f32 $2.000000030e-01, v14;
	v17 =	vmul.f32 $2.000000030e-01, v15  }
0x152: {  	vm0 =	vge.f32 v14, $0.0e+00;
	vm1 =	vge.f32 v15, $0.0e+00  }
0x153: {  	v14 =	vsel vm0, v14, v16;
	v15 =	vsel vm1, v15, v17  }
0x154: {  	v14 =	vsub.f32 v14, v15;
	_ =	sdelay $0x1  }
0x155: {  	v14 =	vmul.f32 $1.442695020e+00, v14;
	_ =	sdelay $0x1  }
0x156: {  	(erf) = vpow2.f32 v14;
	_ =	sdelay $0x2  }
0x157: {  	v14 =	vmov s14  }
0x158: {  	v14 =	vshll.u32 v14, $0x3  }
0x159: {  	v14 =	vor.u32 v7, v14  }
0x15a: {  	v16 =	vor.u32 $0x1, v13;
	v15 =	vor.u32 $0x1, v12;
	_ =	sdelay $0x2  }
0x15b: {  	v17 =	vpop (erf)  }
0x15c: {  	[tilespmem:v14+s26+$0x0] =	vst.idx.msk $0xffff, v17  }
0x15d: {  	v15 =	vld.idx.msk [tilespmem:v15+s3+$0x0], $0xffff  }
0x15e: {  	v16 =	vld.idx.msk [tilespmem:v16+s23+$0x0], $0xffff;
	_ =	sdelay $0x5  }
0x15f: {  	v15 =	vadd.f32 v16, v15;
	v16 =	vadd.f32 v16, v9;
	_ =	sdelay $0x1  }
0x160: {  	vm0 =	vge.f32 v15, $0.0e+00;
	v17 =	vmul.f32 $2.000000030e-01, v15;
	v18 =	vmul.f32 $2.000000030e-01, v16  }
0x161: {  	vm1 =	vge.f32 v16, $0.0e+00  }
0x162: {  	v15 =	vsel vm0, v15, v17;
	v16 =	vsel vm1, v16, v18  }
0x163: {  	v15 =	vsub.f32 v15, v16;
	_ =	sdelay $0x1  }
0x164: {  	v15 =	vmul.f32 $1.442695020e+00, v15;
	_ =	sdelay $0x1  }
0x165: {  	(erf) = vpow2.f32 v15;
	_ =	sdelay $0x3  }
0x166: {  	v15 =	vor.u32 $0x1, v14;
	_ =	sdelay $0x1  }
0x167: {  	v17 =	vor.u32 $0x2, v13;
	v16 =	vor.u32 $0x2, v12;
	_ =	sdelay $0x2  }
0x168: {  	v18 =	vpop (erf)  }
0x169: {  	[tilespmem:v15+s26+$0x0] =	vst.idx.msk $0xffff, v18  }
0x16a: {  	v15 =	vld.idx.msk [tilespmem:v16+s3+$0x0], $0xffff  }
0x16b: {  	v16 =	vld.idx.msk [tilespmem:v17+s23+$0x0], $0xffff;
	_ =	sdelay $0x5  }
0x16c: {  	v15 =	vadd.f32 v16, v15;
	v16 =	vadd.f32 v16, v10;
	_ =	sdelay $0x1  }
0x16d: {  	vm0 =	vge.f32 v15, $0.0e+00;
	v17 =	vmul.f32 $2.000000030e-01, v15;
	v18 =	vmul.f32 $2.000000030e-01, v16  }
0x16e: {  	vm1 =	vge.f32 v16, $0.0e+00  }
0x16f: {  	v15 =	vsel vm0, v15, v17;
	v16 =	vsel vm1, v16, v18  }
0x170: {  	v15 =	vsub.f32 v15, v16;
	_ =	sdelay $0x1  }
0x171: {  	v15 =	vmul.f32 $1.442695020e+00, v15;
	_ =	sdelay $0x1  }
0x172: {  	(erf) = vpow2.f32 v15;
	_ =	sdelay $0x2  }
0x173: {  	v15 =	vor.u32 $0x2, v14;
	_ =	sdelay $0x2  }
0x174: {  	v13 =	vor.u32 $0x3, v13;
	v12 =	vor.u32 $0x3, v12;
	_ =	sdelay $0x2  }
0x175: {  	v16 =	vpop (erf)  }
0x176: {  	[tilespmem:v15+s26+$0x0] =	vst.idx.msk $0xffff, v16  }
0x177: {  	v12 =	vld.idx.msk [tilespmem:v12+s3+$0x0], $0xffff  }
0x178: {  	v13 =	vld.idx.msk [tilespmem:v13+s23+$0x0], $0xffff;
	_ =	sdelay $0x5  }
0x179: {  	v12 =	vadd.f32 v13, v12;
	v13 =	vadd.f32 v13, v11;
	_ =	sdelay $0x1  }
0x17a: {  	vm0 =	vge.f32 v12, $0.0e+00;
	v15 =	vmul.f32 $2.000000030e-01, v12;
	v16 =	vmul.f32 $2.000000030e-01, v13  }
0x17b: {  	vm1 =	vge.f32 v13, $0.0e+00  }
0x17c: {  	v12 =	vsel vm0, v12, v15;
	v13 =	vsel vm1, v13, v16  }
0x17d: {  	v12 =	vsub.f32 v12, v13;
	_ =	sdelay $0x1  }
.Ltmp5:
0x17e: {  	v12 =	vmul.f32 $1.442695020e+00, v12;
	(pc) =	sbr.rel @p1 .LBB2_9-.Ltmp5, $3  }
0x17f: {  	_ = 	snop  }
0x180: {  	(erf) = vpow2.f32 v12;
	_ =	sdelay $0x1  }
0x181: {  	v12 =	vor.u32 $0x3, v14  }
0x182: {  	_ =	sdelay $0x5  }
.Ltmp6:
0x183: {  	v13 =	vpop (erf);
	(pc) =	sbr.rel @p0 .LBB2_12-.Ltmp6, $4  }
0x184: {  	s8 =	sadd.s32 s21, s18;
	[tilespmem:v12+s26+$0x0] =	vst.idx.msk $0xffff, v13  }
0x185: {  	[hbm4b:s8+s3] =	stream.linear.scatter [tilespmem:s26], [sflag:$0x4], $0x400, $0x38;
	[tilespmem:$0x15AC8] =	vst v63  }
0x186: {  	_ = 	snop  }
0x187: {  	[spmem:s1] =	stream.indirect.scatter.add.f32 [tilespmem:s26], [sflag:$0x6], $0x8, s6, s28, $0xb8;
	[tilespmem:$0x15AC8] =	vst v63  }
0x188: {  	s8 =	sadd.s32 s21, s19  }
.Ltmp7:
0x189: {  	s8 =	sshrl.u32 s8, $0x3;
	(pc) =	sbr.rel .LBB2_6-.Ltmp7, $4  }
0x18a: {  	s9 =	sadd.s32 s4, s8  }
0x18b: {  	[tilespmem:s30], [sflag:$0x2] =	stream.linear.gather [hbm4b:s9+s3], $0x80, $0x38;
	[tilespmem:$0x15AC8] =	vst v63  }
0x18c: {  	s20 =	sadd.s32 $0x1, s20;
	s8 =	sadd.s32 s5, s8  }
0x18d: {  	[tilespmem:s31], [sflag:$0x2] =	stream.linear.gather [hbm4b:s8+s3], $0x80, $0x38;
	[tilespmem:$0x15AC8] =	vst v63  }
.LBB2_13:
0x18e: {  	_ =	sfence.sel $0x180000  }
0x18f: {  	[bflag:$0x0] =	sbarrier.arrive $0xFFFF  }
0x190: {  	_ =	strace $0x90000047  }
0x191: {  	s0 =	stileid.u32;
	[bflag:$0x2] =	sbarrier.arrive $0xFFFF  }
0x192: {  	p0 =	sne.s32 s0, $0x0;
	s0 =	rddreg [dreg:$0x3]  }
0x193: {  	s0 =	sadd.s32 @!p0 $0x100000, s0  }
0x194: {  	[sflag:s0] =	ssyncadd.tile.s32 @!p0 $0x1;
	_ =	shalt  }
.Lfunc_end2:
_tile_overlayer_lowered:
.L_overlay_start_2:
0x195: {  	(tag) =	ssettag $0x2  }
0x196: {  	s0 =	rddreg [dreg:$0x0];
	s2 =	stileid.u32  }
0x197: {  	s1 =	rddreg [dreg:$0x1];
	p0 =	sne.s32 s2, $0x0  }
0x198: {  	s3 =	rddreg [dreg:$0x2];
	[bflag:$0x3] =	sbarrier.arrive $0xFFFF;
	s2 =	simm.s32 @!p0 $0x1C07  }
0x199: {  	[timem:s3], [sflag:s2] =	dma.local @!p0 [hbm:s0], s1  }
0x19a: {  	s0 =	simm.s32 @!p0 $0x7  }
0x19b: {  	_ =	swait.ge @!p0 [sflag:s0], s1  }
0x19c: {  	s1 =	ssub.s32 @!p0 $0x0, s1;
	[sflag:s0] =	ssyncset.done @!p0 $0x0  }
0x19d: {  	[sflag:s0] =	ssyncadd.s32 @!p0 s1  }
0x19e: {  	[bflag:$0x3] =	sbarrier.arrive $0xFFFF  }
0x19f: {  	_ =	shalt  }

// kernel: kernel.21.cloned.1.call-start
scs
__scs_entry_jumppad:
0x0: {  	(pc) =	sbr.rel $0x88, $3  }
0x1: {  	(tag) =	ssettag $0x0;
	lr =	simm.s32 $0x1  }
0x2: {  	[smem:$0x3F93] =	sst lr;
	_ =	strace $0xD0000000  }
0x3: {  	_ = 	snop  }
0x4: {  	_ = 	snop  }
0x5: {  	_ = 	snop  }
0x6: {  	_ = 	snop  }
0x7: {  	_ = 	snop  }
__scs_overlays_trampoline_lowered:
0x8: {  	[smem:$0x3FA2] =	sst s0  }
0x9: {  	[smem:$0x3FA3] =	sst s1  }
0xa: {  	[smem:$0x3FA4] =	sst s2  }
0xb: {  	[smem:$0x3FA5] =	sst s3  }
0xc: {  	[smem:$0x3FA6] =	sst s4  }
0xd: {  	[smem:$0x3FA7] =	sst s5  }
0xe: {  	[smem:$0x3FA8] =	sst s6  }
0xf: {  	[smem:$0x3FA9] =	sst s7  }
0x10: {  	[smem:$0x3FAA] =	sst s8  }
0x11: {  	[smem:$0x3FAB] =	sst s9;
	s0 =	simm.s32 @!p0 $0x0  }
0x12: {  	s1 =	sld [smem:$0x3F91];
	s0 =	simm.s32 @p0 $0x1  }
0x13: {  	[smem:$0x3FAC] =	sst s0;
	s0 =	simm.s32 @!p1 $0x0  }
0x14: {  	s2 =	sld [smem:$0x3F90];
	s0 =	simm.s32 @p1 $0x1  }
0x15: {  	[smem:$0x3FAD] =	sst s0;
	s0 =	simm.s32 @!p2 $0x0  }
0x16: {  	s3 =	sld [smem:$0x3FDB];
	s0 =	simm.s32 @p2 $0x1  }
0x17: {  	s4 =	simm.s32 $0x1BF5;
	[smem:$0x3FAF] =	sst s0  }
0x18: {  	s0 =	sld [smem:$0x3F92];
	_ =	swait.ge [sflag:s4], $0x0  }
0x19: {  	s7 =	sld [smem:$0x3F93]  }
0x1a: {  	s8 =	sadd.s32 $0xFFFFE003, lr  }
0x1b: {  	s9 =	sadd.s32 $0xFFFFFEF7, lr;
	s5 =	simm.s32 $0xFFFFFFFF;
	p2 =	slt.u32 s8, $0xFFFFF086  }
0x1c: {  	p1 =	slt.u32 s9, $0xF7A;
	s5 =	simm.s32 @!p2 $0x0  }
0x1d: {  	s5 =	simm.s32 @p1 $0x1;
	p0 =	seq.s32 s7, s2  }
0x1e: {  	s7 =	smul.u32 @!p0 $0xF7A, s2;
	p2 =	seq.s32 @!p0 s5, $0x0  }
0x1f: {  	s9 =	smul.u32 $0xF7A, s1;
	s8 =	simm.s32 @!p0 $0x1BF5;
	p2 =	por !p2, p0  }
0x20: {  	[sflag:s8] =	ssyncset.s32 @!p0 $0xFFFFF086;
	s6 =	sadd.s32 @!p0 s3, s7;
	s7 =	simm.s32 @!p0 $0x108  }
0x21: {  	s3 =	sadd.s32 s3, s9;
	s6 =	sadd.s32 @!p0 $0x88, s6;
	s7 =	simm.s32 @p2 $0x1082  }
0x22: {  	[simem:s7], [sflag:s8] =	dma.local @!p0 [hbm:s6], $0xF7A  }
0x23: {  	s9 =	sor.u32 $0xD0000000, s2;
	s6 =	simm.s32 $0x108;
	_ =	swait.ge @!p0 [sflag:s8], $0x0  }
0x24: {  	s3 =	sadd.s32 $0x88, s3;
	s6 =	simm.s32 @!p1 $0x1082;
	[sflag:s4] =	ssyncset.s32 $0xFFFFF086  }
0x25: {  	[simem:s6], [sflag:s4] =	dma.local [hbm:s3], $0xF7A  }
0x26: {  	[smem:$0x3F93] =	sst s1;
	(tag) =	ssettag s2;
	_ =	strace s9  }
0x27: {  	s1 =	sld [smem:$0x3FA3]  }
0x28: {  	s2 =	sld [smem:$0x3FA4]  }
0x29: {  	s4 =	sld [smem:$0x3FA6]  }
0x2a: {  	p0 =	seq.s32 s5, $0x0;
	s5 =	sld [smem:$0x3FA7]  }
0x2b: {  	s6 =	sld [smem:$0x3FA8]  }
0x2c: {  	s7 =	sld [smem:$0x3FA9]  }
0x2d: {  	s3 =	simm.s32 $0x108;
	s8 =	sld [smem:$0x3FAA]  }
0x2e: {  	s3 =	simm.s32 @!p0 $0x1082;
	s9 =	sld [smem:$0x3FAB]  }
0x2f: {  	lr =	sadd.s32 s0, s3;
	s0 =	sld [smem:$0x3FA2]  }
0x30: {  	s3 =	sld [smem:$0x3FA5]  }
0x31: {  	[smem:$0x3FAE] =	sst s10  }
0x32: {  	s10 =	sld [smem:$0x3FAC];
	_ =	sdelay $0x3  }
0x33: {  	p0 =	seq.s32 s10, $0x1;
	s10 =	sld [smem:$0x3FAE];
	_ =	sdelay $0x3  }
0x34: {  	[smem:$0x3FAE] =	sst s10  }
0x35: {  	s10 =	sld [smem:$0x3FAD];
	_ =	sdelay $0x3  }
0x36: {  	p1 =	seq.s32 s10, $0x1;
	s10 =	sld [smem:$0x3FAE];
	_ =	sdelay $0x3  }
0x37: {  	[smem:$0x3FAE] =	sst s10  }
0x38: {  	s10 =	sld [smem:$0x3FAF]  }
0x39: {  	_ = 	snop;
	(pc) =	sbr.ind lr, $3  }
0x3a: {  	_ = 	snop  }
0x3b: {  	_ = 	snop  }
0x3c: {  	p2 =	seq.s32 s10, $0x1;
	s10 =	sld [smem:$0x3FAE]  }
0x3d: {  	_ =	shalt  }
0x3e: {  	_ =	shalt  }
0x3f: {  	_ =	shalt  }
0x40: {  	_ =	shalt  }
0x41: {  	_ =	shalt  }
0x42: {  	_ =	shalt  }
0x43: {  	_ =	shalt  }
0x44: {  	_ =	shalt  }
0x45: {  	_ =	shalt  }
0x46: {  	_ =	shalt  }
0x47: {  	_ =	shalt  }
0x48: {  	_ =	shalt  }
0x49: {  	_ =	shalt  }
0x4a: {  	_ =	shalt  }
0x4b: {  	_ =	shalt  }
0x4c: {  	_ =	shalt  }
0x4d: {  	_ =	shalt  }
0x4e: {  	_ =	shalt  }
0x4f: {  	_ =	shalt  }
0x50: {  	_ =	shalt  }
0x51: {  	_ =	shalt  }
0x52: {  	_ =	shalt  }
0x53: {  	_ =	shalt  }
0x54: {  	_ =	shalt  }
0x55: {  	_ =	shalt  }
0x56: {  	_ =	shalt  }
0x57: {  	_ =	shalt  }
0x58: {  	_ =	shalt  }
0x59: {  	_ =	shalt  }
0x5a: {  	_ =	shalt  }
0x5b: {  	_ =	shalt  }
0x5c: {  	_ =	shalt  }
0x5d: {  	_ =	shalt  }
0x5e: {  	_ =	shalt  }
0x5f: {  	_ =	shalt  }
0x60: {  	_ =	shalt  }
0x61: {  	_ =	shalt  }
0x62: {  	_ =	shalt  }
0x63: {  	_ =	shalt  }
0x64: {  	_ =	shalt  }
0x65: {  	_ =	shalt  }
0x66: {  	_ =	shalt  }
0x67: {  	_ =	shalt  }
0x68: {  	_ =	shalt  }
0x69: {  	_ =	shalt  }
0x6a: {  	_ =	shalt  }
0x6b: {  	_ =	shalt  }
0x6c: {  	_ =	shalt  }
0x6d: {  	_ =	shalt  }
0x6e: {  	_ =	shalt  }
0x6f: {  	_ =	shalt  }
0x70: {  	_ =	shalt  }
0x71: {  	_ =	shalt  }
0x72: {  	_ =	shalt  }
0x73: {  	_ =	shalt  }
0x74: {  	_ =	shalt  }
0x75: {  	_ =	shalt  }
0x76: {  	_ =	shalt  }
0x77: {  	_ =	shalt  }
0x78: {  	_ =	shalt  }
0x79: {  	_ =	shalt  }
0x7a: {  	_ =	shalt  }
0x7b: {  	_ =	shalt  }
0x7c: {  	_ =	shalt  }
0x7d: {  	_ =	shalt  }
0x7e: {  	_ =	shalt  }
0x7f: {  	_ =	shalt  }
0x80: {  	_ =	shalt  }
0x81: {  	_ =	shalt  }
0x82: {  	_ =	shalt  }
0x83: {  	_ =	shalt  }
0x84: {  	_ =	shalt  }
0x85: {  	_ =	shalt  }
0x86: {  	_ =	shalt  }
0x87: {  	_ =	shalt  }
.Lfunc_end0:
.L_simem_size_0:
called_computation.1_lowered:
.L_overlay_start_0:
0x88: {  	s2 =	sld [smem:$0x3FD9]  }
0x89: {  	s3 =	sld [smem:$0x3FFE];
	_ =	sdelay $0x1  }
0x8a: {  	s1 =	srdreg.scid  }
0x8b: {  	s0 =	sand.u32 $0x1, s1  }
0x8c: {  	s16 =	sshll.u32 s0, $0xA;
	s2 =	sadd.s32 s3, s2  }
0x8d: {  	s2 =	sadd.s32 s2, s16  }
0x8e: {  	[smem:$0x3FBA] =	sst s2  }
0x8f: {  	_ = 	snop  }
0x90: {  	(tm) =	ssettm $0x1  }
0x91: {  	s17 =	sld [smem:$0x3FFB];
	_ =	sdelay $0x3  }
0x92: {  	_ =	strace s17  }
0x93: {  	s2 =	sld [smem:$0x3FFC];
	_ =	sdelay $0x3  }
0x94: {  	_ =	strace s2  }
0x95: {  	s2 =	sld [smem:$0x3FFD];
	_ =	sdelay $0x3  }
0x96: {  	_ =	strace s2  }
0x97: {  	_ =	strace $0x8FFFFFFF  }
0x98: {  	s18 =	sld [smem:$0x3FDB];
	_ =	sdelay $0x1  }
0x99: {  	s19 =	simm.s32 $_scs_section_size  }
0x9a: {  	s4 =	simm.s32 $_size__tile_overlayer_lowered;
	s5 =	simm.s32 $_tile_overlayer_lowered  }
0x9b: {  	s22 =	simm.s32 $0x1BFF;
	s21 =	sshll.u32 s5, $0x1;
	s2 =	sadd.s32 s19, s18  }
0x9c: {  	s6 =	simm.s32 $0x0;
	s20 =	sshll.u32 s4, $0x1;
	s4 =	sadd.s32 s21, s2  }
0x9d: {  	[timem:s6], [sflag:s22] =	dma.local [hbm:s4], s20  }
0x9e: {  	_ =	swait.ge [sflag:s22], s20  }
0x9f: {  	s3 =	ssub.s32 $0x0, s20;
	[sflag:s22] =	ssyncset.done $0x0  }
0xa0: {  	[sflag:s22] =	ssyncadd.s32 s3;
	_ =	sdelay $0x1  }
0xa1: {  	s23 =	simm.s32 $0x1B8B  }
0xa2: {  	_ =	swait.ge [sflag:s23], $0x1  }
0xa3: {  	[sflag:s23] =	ssyncset.done $0x0  }
0xa4: {  	s25 =	simm.s32 $0x1B8E;
	s24 =	sld [smem:$0x3FFE];
	[sflag:s23] =	ssyncadd.s32 $0xFFFFFFFF  }
0xa5: {  	s26 =	simm.s32 $execute0_lowered;
	[smem:$0x3FD2] =	sst s25  }
0xa6: {  	s4 =	sshll.u32 s26, $0x1;
	_ =	strace $0x80000049;
	[dreg:$0x1] =	wrdreg $0xFFFFFFFF  }
0xa7: {  	s28 =	simm.s32 $_size_execute0_lowered;
	s2 =	sadd.s32 s2, s4;
	[dreg:$0x0] =	wrdreg $0x0  }
0xa8: {  	s4 =	sshll.u32 s28, $0x1;
	[dreg:$0x2] =	wrdreg s2  }
0xa9: {  	[dreg:$0x3] =	wrdreg s4  }
0xaa: {  	[dreg:$0x4] =	wrdreg $0xC0  }
0xab: {  	_ =	task [dreg:s6], $0x5FFFF  }
0xac: {  	[dreg:$0x1] =	wrdreg $0xFFFFFFFF  }
0xad: {  	[dreg:$0x0] =	wrdreg $0x60  }
0xae: {  	[dreg:$0x2] =	wrdreg s24  }
0xaf: {  	[dreg:$0x3] =	wrdreg $0x95000  }
0xb0: {  	[dreg:$0x4] =	wrdreg $0x9  }
0xb1: {  	_ =	task.clear_ibuf [dreg:s6], $0x5FFFF;
	_ =	strace $0x90000049  }
0xb2: {  	s29 =	simm.s32 $0x9;
	_ =	strace $0x8000004B  }
0xb3: {  	_ =	swait.ge [sflag:s29], $0x1  }
0xb4: {  	[sflag:s29] =	ssyncadd.s32 $0xFFFFFFFF  }
0xb5: {  	_ =	strace $0x9000004B  }
0xb6: {  	_ =	sfence  }
0xb7: {  	s30 =	sld [smem:$0x0];
	_ =	sdelay $0x2  }
0xb8: {  	s31 =	sshll.u32 s1, $0xD;
	s1 =	sshrl.u32 s1, $0x2  }
0xb9: {  	s3 =	sand.u32 $0x4000, s31;
	s1 =	sadd.s32 s1, s30  }
0xba: {  	s0 =	sor.u32 s3, s0;
	s1 =	sshll.u32 s1, $0x11  }
0xbb: {  	s0 =	sor.u32 s1, s0  }
0xbc: {  	s0 =	sadd.s32 $0x8F2B, s0  }
0xbd: {  	[sflag:s0] =	ssyncadd.remote.s32 $0x1  }
0xbe: {  	_ =	sfence.sel $0xFFFF  }
0xbf: {  	[dreg:$0x0] =	wrdreg $0xFFFFFFFF;
	(pc) =	sbr.abs _section_cstart, $3  }
0xc0: {  	[dreg:$0x1] =	wrdreg $0xFFFFFFFF  }
0xc1: {  	_ =	task.clear_ibuf [dreg:s6], $0x2FFFF;
	_ =	strace $0x9FFFFFFF  }
0xc2: {  	(tm) =	ssettm $0x7FFFFFFF  }
0xc3: {  	_ =	shalt  }
tec
execute0_lowered:
.L_overlay_start_1:
0x0: {  	(tag) =	ssettag $0x1  }
0x1: {  	s0 =	rddreg [dreg:$0x0]  }
0x2: {  	s1 =	rddreg [dreg:$0x1]  }
0x3: {  	s3 =	simm.s32 $0x0;
	s14 =	stileid.u32;
	s7 =	srdreg.scid  }
0x4: {  	s28 =	simm.s32 $0x500;
	s30 =	simm.s32 $0x1500;
	s31 =	simm.s32 $0x0  }
0x5: {  	[smem:$0x7FF] =	sst s3;
	s4 =	sadd.s32 $0x11C00, s0;
	s2 =	smul.u32 $0x13C00, s14  }
0x6: {  	s5 =	sadd.s32 $0x7A00, s0;
	s6 =	sadd.s32 $0x20E00, s0;
	s9 =	smul.u32 $0x27800, s14  }
0x7: {  	s21 =	sand.u32 $0x1, s7;
	s7 =	sadd.s32 $0x1BE00, s0;
	s13 =	smul.u32 $0x5100, s14  }
0x8: {  	s8 =	sadd.s32 $0xC2E00, s0;
	s25 =	sshll.u32 s14, $0x6;
	s19 =	smul.u32 $0x28800, s14  }
0x9: {  	s14 =	simm.s32 $0x400;
	_ =	strace $0x8000004A;
	s10 =	sshll.u32 s21, $0x7  }
0xa: {  	s24 =	ssub.s32 $0x2, s21;
	s25 =	sor.u32 $0x1C07, s25;
	s18 =	smul.u32 $0x288000, s21  }
0xb: {  	s22 =	smul.u32 $0x2780, s21;
	s11 =	sshrl.u32 s2, $0x3;
	s9 =	sor.u32 s10, s9  }
0xc: {  	s12 =	sshrl.u32 s24, $0x1;
	s2 =	sadd.s32 s2, s1;
	s26 =	sshrl.u32 s13, $0x3  }
0xd: {  	s23 =	sadd.s32 s13, s6;
	[dreg:$0x4] =	wrdreg s25;
	s9 =	sshrl.u32 s9, $0x3  }
0xe: {  	s11 =	sadd.s32 s11, s0;
	s15 =	sadd.s32 s4, s26;
	s16 =	sadd.s32 s5, s26  }
0xf: {  	s17 =	sor.u32 $0x10, s26;
	s20 =	sshrl.u32 s18, $0x3;
	s29 =	sshrl.u32 s2, $0x3  }
0x10: {  	s2 =	simm.s32 $0x2;
	v1 =	vmov s22;
	s22 =	simm.s32 $0x7;
	s0 =	sadd.s32 s9, s0  }
0x11: {  	s9 =	ssub.s32 s24, s12;
	s11 =	sadd.s32 $0x111E00, s11;
	[dreg:$0x5] =	wrdreg s15  }
0x12: {  	[dreg:$0x6] =	wrdreg s16;
	s12 =	sadd.s32 s4, s17;
	s10 =	sadd.s32 s5, s17  }
0x13: {  	s15 =	sadd.s32 s19, s18;
	s16 =	sadd.s32 $0x100, s13;
	[dreg:$0xb] =	wrdreg s29  }
0x14: {  	s24 =	sadd.s32 s20, s23;
	s18 =	sadd.s32 $0x180, s13;
	[dreg:$0x3] =	wrdreg s11  }
0x15: {  	s23 =	simm.s32 $0x900;
	s13 =	simm.s32 $0x3;
	[dreg:$0x7] =	wrdreg s12  }
0x16: {  	s19 =	simm.s32 $0x4;
	s20 =	simm.s32 $0x480;
	[dreg:$0x8] =	wrdreg s10  }
0x17: {  	s17 =	sadd.s32 $0x80, s24;
	s0 =	sadd.s32 $0x139600, s0;
	s26 =	smax.u32 s9, $0x1  }
0x18: {  	s24 =	simm.s32 $0x80;
	s9 =	simm.s32 $0x5500;
	s11 =	simm.s32 $0x380  }
0x19: {  	v2 =	vlaneseq.u32;
	s12 =	simm.s32 $0x1100;
	s10 =	simm.s32 $0x6;
	[dreg:$0x9] =	wrdreg s0  }
0x1a: {  	v2 =	vand.u32 $0x3, v2;
	v0 =	vmov s21;
	[dreg:$0xa] =	wrdreg s26;
	s26 =	simm.s32 $0x1;
	s0 =	simm.s32 $0xD00  }
.LBB2_1:
0x1b: {  	[dreg:$0xc] =	wrdreg s31  }
0x1c: {  	s21 =	rddreg [dreg:$0x3]  }
0x1d: {  	[spmem:s29], [sflag:s25] =	dma.local [hbm:s21], $0x2780  }
0x1e: {  	_ =	swait.ge [sflag:s22], $0x2780  }
0x1f: {  	[sflag:s22] =	ssyncset.done $0x0  }
0x20: {  	[sflag:s22] =	ssyncadd.s32 $0xFFFFD880  }
0x21: {  	[bflag:$0x0] =	sbarrier.arrive $0xFFFF  }
0x22: {  	s25 =	rddreg [dreg:$0x5]  }
0x23: {  	[tilespmem:s3], [sflag:$0x1] =	stream.linear.gather [hbm4b:s25+s3], $0x80, $0x38;
	[tilespmem:$0x1D100] =	vst v63  }
0x24: {  	s31 =	simm.s32 $0x100;
	s29 =	rddreg [dreg:$0x6]  }
0x25: {  	[tilespmem:s31], [sflag:$0x1] =	stream.linear.gather [hbm4b:s29+s3], $0x80, $0x38;
	[tilespmem:$0x1D100] =	vst v63  }
0x26: {  	s25 =	rddreg [dreg:$0x7]  }
0x27: {  	[tilespmem:s24], [sflag:$0x2] =	stream.linear.gather [hbm4b:s25+s3], $0x80, $0x38;
	[tilespmem:$0x1D100] =	vst v63  }
0x28: {  	s22 =	simm.s32 $0x0;
	s29 =	rddreg [dreg:$0x8];
	s31 =	simm.s32 $0x180  }
0x29: {  	[tilespmem:s31], [sflag:$0x2] =	stream.linear.gather [hbm4b:s29+s3], $0x80, $0x38;
	[tilespmem:$0x1D100] =	vst v63  }
.LBB2_2:
0x2a: {  	p0 =	seq.s32 s22, $0x0  }
0x2b: {  	s21 =	simm.s32 @!p0 $0x5  }
0x2c: {  	_ =	swait.ge @!p0 [sflag:s21], $0x4000  }
0x2d: {  	[sflag:s21] =	ssyncset.done @!p0 $0x0  }
0x2e: {  	[sflag:s21] =	ssyncadd.s32 @!p0 $0xFFFFC000  }
0x2f: {  	_ =	swait.ge [sflag:s26], $0x80  }
0x30: {  	[sflag:s26] =	ssyncset.done $0x0  }
0x31: {  	[sflag:s26] =	ssyncadd.s32 $0xFFFFFF80  }
0x32: {  	_ =	swait.ge [sflag:s26], $0x80  }
0x33: {  	[sflag:s26] =	ssyncset.done $0x0  }
0x34: {  	[sflag:s26] =	ssyncadd.s32 $0xFFFFFF80  }
0x35: {  	v3 =	vld [tilespmem:$0x0];
	_ =	sdelay $0x1  }
0x36: {  	v4 =	vld [tilespmem:$0x100]  }
0x37: {  	v5 =	vld [tilespmem:$0x10];
	_ =	sdelay $0x1  }
0x38: {  	v6 =	vld [tilespmem:$0x110];
	v3 =	vshll.u32 v3, $0x1  }
0x39: {  	v7 =	vld [tilespmem:$0x20];
	v3 =	vor.u32 v0, v3  }
0x3a: {  	[tilespmem:$0x200] =	vst v3;
	v3 =	vadd.s32 v1, v4  }
0x3b: {  	[tilespmem:$0x300] =	vst v3;
	v3 =	vshll.u32 v5, $0x1;
	v5 =	vld [tilespmem:$0x120]  }
0x3c: {  	[tilespmem:$0x400] =	vst v4;
	v4 =	vld [tilespmem:$0x30];
	v3 =	vor.u32 v0, v3  }
0x3d: {  	[tilespmem:$0x210] =	vst v3;
	v3 =	vadd.s32 v1, v6  }
0x3e: {  	[tilespmem:$0x310] =	vst v3;
	v3 =	vshll.u32 v7, $0x1;
	v7 =	vld [tilespmem:$0x130]  }
0x3f: {  	[tilespmem:$0x410] =	vst v6;
	v6 =	vld [tilespmem:$0x40];
	v3 =	vor.u32 v0, v3  }
0x40: {  	[tilespmem:$0x220] =	vst v3;
	v3 =	vadd.s32 v1, v5  }
0x41: {  	[tilespmem:$0x320] =	vst v3;
	v3 =	vshll.u32 v4, $0x1;
	v4 =	vld [tilespmem:$0x140]  }
0x42: {  	[tilespmem:$0x420] =	vst v5;
	v5 =	vld [tilespmem:$0x50];
	v3 =	vor.u32 v0, v3  }
0x43: {  	[tilespmem:$0x230] =	vst v3;
	v3 =	vadd.s32 v1, v7  }
0x44: {  	[tilespmem:$0x330] =	vst v3;
	v3 =	vshll.u32 v6, $0x1;
	v6 =	vld [tilespmem:$0x150]  }
0x45: {  	[tilespmem:$0x430] =	vst v7;
	v7 =	vld [tilespmem:$0x60];
	v3 =	vor.u32 v0, v3  }
0x46: {  	[tilespmem:$0x240] =	vst v3;
	v3 =	vadd.s32 v1, v4  }
0x47: {  	[tilespmem:$0x340] =	vst v3;
	v3 =	vshll.u32 v5, $0x1;
	v5 =	vld [tilespmem:$0x160]  }
0x48: {  	[tilespmem:$0x440] =	vst v4;
	v4 =	vld [tilespmem:$0x70];
	v3 =	vor.u32 v0, v3  }
0x49: {  	[tilespmem:$0x250] =	vst v3;
	v3 =	vadd.s32 v1, v6  }
0x4a: {  	[tilespmem:$0x350] =	vst v3;
	v3 =	vshll.u32 v7, $0x1  }
0x4b: {  	[tilespmem:$0x450] =	vst v6;
	v7 =	vld [tilespmem:$0x170];
	v3 =	vor.u32 v0, v3  }
0x4c: {  	[tilespmem:$0x260] =	vst v3;
	v3 =	vadd.s32 v1, v5  }
0x4d: {  	[tilespmem:$0x360] =	vst v3;
	v3 =	vshll.u32 v4, $0x1  }
0x4e: {  	s25 =	sshll.u32 s22, $0xB;
	[tilespmem:$0x460] =	vst v5;
	v3 =	vor.u32 v0, v3  }
0x4f: {  	s21 =	sadd.s32 s25, s15;
	[tilespmem:$0x270] =	vst v3  }
0x50: {  	s21 =	sshrl.u32 s21, $0x3;
	v3 =	vadd.s32 v1, v7;
	[tilespmem:$0x470] =	vst v7  }
0x51: {  	s29 =	sshll.u32 s22, $0x8;
	p0 =	seq.s32 s22, $0x50;
	s21 =	sadd.s32 s6, s21;
	[tilespmem:$0x370] =	vst v3  }
0x52: {  	[tilespmem:s28], [sflag:$0x3] =	stream.linear.gather [hbm4b:s21+s3], $0x400, $0x38;
	[tilespmem:$0x1D100] =	vst v63  }
0x53: {  	s31 =	simm.s32 $0x200;
	s21 =	sadd.s32 @!p0 s29, s16  }
0x54: {  	[tilespmem:s30], [sflag:$0x3] =	stream.indirect.gather [hbm4b:s8+s24], $0x80, s31, s24, $0xb8;
	[tilespmem:$0x1D100] =	vst v63  }
0x55: {  	s25 =	simm.s32 $0x300;
	s31 =	sshrl.u32 @!p0 s21, $0x3  }
0x56: {  	[tilespmem:s0], [sflag:$0x3] =	stream.indirect.gather [hbm4b:s7+s24], $0x8, s25, s24, $0xb8;
	[tilespmem:$0x1D100] =	vst v63  }
0x57: {  	p1 =	seq.s32 @!p0 s22, $0x0;
	s21 =	simm.s32 @!p0 $0x0;
	s25 =	sadd.s32 @!p0 s4, s31  }
0x58: {  	[tilespmem:s21], [sflag:$0x1] =	stream.linear.gather @!p0 [hbm4b:s25+s21], $0x80, $0x38;
	[tilespmem:$0x1D100] =	vst v63  }
0x59: {  	p1 =	por p0, !p1;
	s25 =	sadd.s32 @!p0 s5, s31;
	s31 =	simm.s32 @!p0 $0x100  }
0x5a: {  	[tilespmem:s31], [sflag:$0x1] =	stream.linear.gather @!p0 [hbm4b:s25+s21], $0x80, $0x38;
	[tilespmem:$0x1D100] =	vst v63  }
0x5b: {  	_ =	swait.ge @p1 [sflag:s10], $0x4000  }
0x5c: {  	[sflag:s10] =	ssyncset.done @p1 $0x0  }
0x5d: {  	[sflag:s10] =	ssyncadd.s32 @p1 $0xFFFFC000  }
0x5e: {  	_ =	swait.ge [sflag:s2], $0x80  }
0x5f: {  	[sflag:s2] =	ssyncset.done $0x0  }
0x60: {  	[sflag:s2] =	ssyncadd.s32 $0xFFFFFF80  }
0x61: {  	_ =	swait.ge [sflag:s2], $0x80  }
0x62: {  	[sflag:s2] =	ssyncset.done $0x0  }
0x63: {  	[sflag:s2] =	ssyncadd.s32 $0xFFFFFF80  }
0x64: {  	v3 =	vld [tilespmem:$0x80];
	_ =	sdelay $0x1  }
0x65: {  	v4 =	vld [tilespmem:$0x180]  }
0x66: {  	v5 =	vld [tilespmem:$0x90];
	_ =	sdelay $0x1  }
0x67: {  	v6 =	vld [tilespmem:$0x190];
	v3 =	vshll.u32 v3, $0x1  }
0x68: {  	v7 =	vld [tilespmem:$0xA0];
	v3 =	vor.u32 v0, v3  }
0x69: {  	[tilespmem:$0x280] =	vst v3;
	v3 =	vadd.s32 v1, v4  }
0x6a: {  	[tilespmem:$0x380] =	vst v3;
	v3 =	vshll.u32 v5, $0x1;
	v5 =	vld [tilespmem:$0x1A0]  }
0x6b: {  	[tilespmem:$0x480] =	vst v4;
	v4 =	vld [tilespmem:$0xB0];
	v3 =	vor.u32 v0, v3  }
0x6c: {  	[tilespmem:$0x290] =	vst v3;
	v3 =	vadd.s32 v1, v6  }
0x6d: {  	[tilespmem:$0x390] =	vst v3;
	v3 =	vshll.u32 v7, $0x1;
	v7 =	vld [tilespmem:$0x1B0]  }
0x6e: {  	[tilespmem:$0x490] =	vst v6;
	v6 =	vld [tilespmem:$0xC0];
	v3 =	vor.u32 v0, v3  }
0x6f: {  	[tilespmem:$0x2A0] =	vst v3;
	v3 =	vadd.s32 v1, v5  }
0x70: {  	[tilespmem:$0x3A0] =	vst v3;
	v3 =	vshll.u32 v4, $0x1;
	v4 =	vld [tilespmem:$0x1C0]  }
0x71: {  	[tilespmem:$0x4A0] =	vst v5;
	v5 =	vld [tilespmem:$0xD0];
	v3 =	vor.u32 v0, v3  }
0x72: {  	[tilespmem:$0x2B0] =	vst v3;
	v3 =	vadd.s32 v1, v7  }
0x73: {  	[tilespmem:$0x3B0] =	vst v3;
	v3 =	vshll.u32 v6, $0x1;
	v6 =	vld [tilespmem:$0x1D0]  }
0x74: {  	[tilespmem:$0x4B0] =	vst v7;
	v7 =	vld [tilespmem:$0xE0];
	v3 =	vor.u32 v0, v3  }
0x75: {  	[tilespmem:$0x2C0] =	vst v3;
	v3 =	vadd.s32 v1, v4  }
0x76: {  	[tilespmem:$0x3C0] =	vst v3;
	v3 =	vshll.u32 v5, $0x1;
	v5 =	vld [tilespmem:$0x1E0]  }
0x77: {  	[tilespmem:$0x4C0] =	vst v4;
	v4 =	vld [tilespmem:$0xF0];
	v3 =	vor.u32 v0, v3  }
0x78: {  	[tilespmem:$0x2D0] =	vst v3;
	v3 =	vadd.s32 v1, v6  }
0x79: {  	[tilespmem:$0x3D0] =	vst v3;
	v3 =	vshll.u32 v7, $0x1  }
0x7a: {  	[tilespmem:$0x4D0] =	vst v6;
	v7 =	vld [tilespmem:$0x1F0];
	v3 =	vor.u32 v0, v3  }
0x7b: {  	[tilespmem:$0x2E0] =	vst v3;
	v3 =	vadd.s32 v1, v5  }
0x7c: {  	[tilespmem:$0x3E0] =	vst v3;
	v3 =	vshll.u32 v4, $0x1  }
0x7d: {  	[tilespmem:$0x4E0] =	vst v5;
	v3 =	vor.u32 v0, v3  }
0x7e: {  	[tilespmem:$0x2F0] =	vst v3  }
0x7f: {  	v3 =	vadd.s32 v1, v7;
	[tilespmem:$0x4F0] =	vst v7  }
0x80: {  	s31 =	sadd.s32 s29, s17;
	[tilespmem:$0x3F0] =	vst v3  }
0x81: {  	[tilespmem:s23], [sflag:$0x4] =	stream.linear.gather [hbm4b:s31+s3], $0x400, $0x38;
	[tilespmem:$0x1D100] =	vst v63  }
0x82: {  	s25 =	sadd.s32 @!p0 s29, s18;
	s31 =	simm.s32 $0x280  }
0x83: {  	[tilespmem:s9], [sflag:$0x4] =	stream.indirect.gather [hbm4b:s8+s24], $0x80, s31, s24, $0xb8;
	[tilespmem:$0x1D100] =	vst v63  }
0x84: {  	s25 =	sshrl.u32 @!p0 s25, $0x3  }
0x85: {  	[tilespmem:s12], [sflag:$0x4] =	stream.indirect.gather [hbm4b:s7+s24], $0x8, s11, s24, $0xb8;
	[tilespmem:$0x1D100] =	vst v63  }
0x86: {  	s29 =	sadd.s32 @!p0 s4, s25;
	s31 =	simm.s32 @!p0 $0x80  }
0x87: {  	[tilespmem:s31], [sflag:$0x2] =	stream.linear.gather @!p0 [hbm4b:s29+s21], $0x80, $0x38;
	[tilespmem:$0x1D100] =	vst v63  }
0x88: {  	s25 =	sadd.s32 @!p0 s5, s25;
	s29 =	simm.s32 @!p0 $0x180  }
0x89: {  	[tilespmem:s29], [sflag:$0x2] =	stream.linear.gather @!p0 [hbm4b:s25+s21], $0x80, $0x38;
	[tilespmem:$0x1D100] =	vst v63  }
0x8a: {  	_ =	swait.ge [sflag:s13], $0x400  }
0x8b: {  	[sflag:s13] =	ssyncset.done $0x0  }
0x8c: {  	[sflag:s13] =	ssyncadd.s32 $0xFFFFFC00  }
0x8d: {  	s25 =	simm.s32 $0x0;
	_ =	swait.ge [sflag:s13], $0x4000  }
0x8e: {  	v3 =	vor.u32 s25, v2;
	[sflag:s13] =	ssyncset.done $0x0  }
0x8f: {  	[sflag:s13] =	ssyncadd.s32 $0xFFFFC000  }
0x90: {  	_ =	swait.ge [sflag:s13], $0x400  }
0x91: {  	[sflag:s13] =	ssyncset.done $0x0  }
0x92: {  	[sflag:s13] =	ssyncadd.s32 $0xFFFFFC00  }
0x93: {  	v4 =	vld.idx.msk [tilespmem:v3+s0+$0x0], $0xffff  }
0x94: {  	v3 =	vld.idx.msk [tilespmem:v3+s28+$0x0], $0xffff  }
0x95: {  	s21 =	simm.s32 $0x1540  }
0x96: {  	v5 =	vld [tilespmem:s21+$0xFFFFFFF0]  }
0x97: {  	v6 =	vld [tilespmem:s21+$0x30]  }
0x98: {  	v7 =	vld [tilespmem:s21+$0xFFFFFFC0]  }
0x99: {  	v8 =	vld [tilespmem:s21+$0xFFFFFFD0];
	v3 =	vmul.f32 v4, v3  }
0x9a: {  	v4 =	vld [tilespmem:s21+$0xFFFFFFE0]  }
0x9b: {  	v9 =	vld [tilespmem:s21+$0x10];
	v10 =	vbroadcast v3, $0x0  }
0x9c: {  	v11 =	vld [tilespmem:s21+$0x0]  }
0x9d: {  	v13 =	vld [tilespmem:s21+$0x20];
	v12 =	vbroadcast v3, $0x1;
	v7 =	vmul.f32 v10, v7  }
0x9e: {  	v8 =	vmul.f32 v8, v10  }
0x9f: {  	v63 =	vbroadcast v3, $0x2;
	v14 =	vmul.f32 v4, v12;
	[tilespmem:s21+$0xFFFFFFC0] =	vst v7  }
0xa0: {  	v15 =	vbroadcast v3, $0x3;
	v12 =	vmul.f32 v5, v12;
	[tilespmem:s21+$0xFFFFFFD0] =	vst v8  }
0xa1: {  	s31 =	simm.s32 $0x8;
	v3 =	vmul.f32 v9, v63;
	v4 =	vmul.f32 v11, v63;
	[tilespmem:s21+$0xFFFFFFE0] =	vst v14  }
0xa2: {  	s29 =	simm.s32 $0x2;
	v5 =	vmul.f32 v6, v15;
	v6 =	vor.u32 s31, v2;
	v7 =	vmul.f32 v13, v15;
	[tilespmem:s21+$0xFFFFFFF0] =	vst v12  }
.LBB2_3:
0xa3: {  	p0 =	sne.s32 s29, $0x7F;
	[tilespmem:s21+$0x0] =	vst v4  }
0xa4: {  	[tilespmem:s21+$0x10] =	vst v3  }
0xa5: {  	[tilespmem:s21+$0x20] =	vst v7  }
0xa6: {  	[tilespmem:s21+$0x30] =	vst v5  }
0xa7: {  	v3 =	vld.idx.msk [tilespmem:v6+s0+$0x0], $0xffff  }
0xa8: {  	s21 =	sadd.s32 $0x80, s21;
	v4 =	vld.idx.msk [tilespmem:v6+s28+$0x0], $0xffff  }
0xa9: {  	v5 =	vld [tilespmem:s21+$0xFFFFFFF0]  }
0xaa: {  	v6 =	vld [tilespmem:s21+$0x30]  }
0xab: {  	v7 =	vld [tilespmem:s21+$0x10]  }
0xac: {  	v8 =	vld [tilespmem:s21+$0xFFFFFFD0]  }
0xad: {  	v9 =	vld [tilespmem:s21+$0xFFFFFFC0]  }
0xae: {  	v3 =	vmul.f32 v3, v4;
	v4 =	vld [tilespmem:s21+$0xFFFFFFE0]  }
0xaf: {  	v10 =	vld [tilespmem:s21+$0x0]  }
0xb0: {  	v11 =	vbroadcast v3, $0x0;
	v12 =	vbroadcast v3, $0x1;
	v13 =	vld [tilespmem:s21+$0x20]  }
0xb1: {  	v14 =	vbroadcast v3, $0x2;
	v15 =	vbroadcast v3, $0x3  }
0xb2: {  	v8 =	vmul.f32 v8, v11;
	v3 =	vmul.f32 v11, v9  }
.Ltmp0:
0xb3: {  	v11 =	vmul.f32 v5, v12;
	v9 =	vmul.f32 v4, v12;
	(pc) =	sbr.rel @p0 .LBB2_3-.Ltmp0, $4  }
0xb4: {  	[tilespmem:s21+$0xFFFFFFC0] =	vst v3;
	v4 =	vmul.f32 v10, v14;
	v3 =	vmul.f32 v7, v14  }
0xb5: {  	v5 =	vmul.f32 v6, v15;
	[tilespmem:s21+$0xFFFFFFD0] =	vst v8;
	v7 =	vmul.f32 v13, v15  }
0xb6: {  	s25 =	sshll.u32 s29, $0x3;
	[tilespmem:s21+$0xFFFFFFE0] =	vst v9  }
0xb7: {  	s29 =	sadd.s32 $0x1, s29;
	v6 =	vor.u32 s25, v2;
	[tilespmem:s21+$0xFFFFFFF0] =	vst v11  }
0xb8: {  	[tilespmem:s21+$0x0] =	vst v4  }
0xb9: {  	[tilespmem:s21+$0x10] =	vst v3  }
0xba: {  	[tilespmem:s21+$0x20] =	vst v7  }
0xbb: {  	[tilespmem:s21+$0x30] =	vst v5  }
0xbc: {  	v3 =	vld.idx.msk [tilespmem:v6+s0+$0x0], $0xffff  }
0xbd: {  	v4 =	vld.idx.msk [tilespmem:v6+s28+$0x0], $0xffff;
	_ =	sdelay $0x2  }
0xbe: {  	s25 =	sadd.s32 $0x80, s21  }
0xbf: {  	v5 =	vld [tilespmem:s25+$0xFFFFFFC0]  }
0xc0: {  	v6 =	vld [tilespmem:s25+$0xFFFFFFD0];
	v3 =	vmul.f32 v3, v4  }
0xc1: {  	v4 =	vld [tilespmem:s25+$0xFFFFFFE0]  }
0xc2: {  	v7 =	vld [tilespmem:s25+$0xFFFFFFF0];
	v8 =	vbroadcast v3, $0x0  }
0xc3: {  	v9 =	vld [tilespmem:s25+$0x0]  }
0xc4: {  	v10 =	vld [tilespmem:s25+$0x10];
	v11 =	vbroadcast v3, $0x1;
	v5 =	vmul.f32 v8, v5  }
0xc5: {  	v12 =	vld [tilespmem:s25+$0x20];
	v6 =	vmul.f32 v6, v8  }
0xc6: {  	v13 =	vbroadcast v3, $0x2;
	v8 =	vld [tilespmem:s25+$0x30];
	v4 =	vmul.f32 v4, v11;
	[tilespmem:s25+$0xFFFFFFC0] =	vst v5  }
0xc7: {  	v5 =	vmul.f32 v7, v11;
	[tilespmem:s25+$0xFFFFFFD0] =	vst v6  }
0xc8: {  	v3 =	vbroadcast v3, $0x3;
	v6 =	vmul.f32 v9, v13;
	[tilespmem:s25+$0xFFFFFFE0] =	vst v4  }
0xc9: {  	v4 =	vmul.f32 v10, v13;
	[tilespmem:s25+$0xFFFFFFF0] =	vst v5  }
0xca: {  	v5 =	vmul.f32 v12, v3;
	[tilespmem:s25+$0x0] =	vst v6  }
0xcb: {  	v3 =	vmul.f32 v8, v3;
	[tilespmem:s25+$0x10] =	vst v4  }
0xcc: {  	[tilespmem:s25+$0x20] =	vst v5  }
0xcd: {  	[tilespmem:s25+$0x30] =	vst v3  }
0xce: {  	[spmem:s1] =	stream.indirect.scatter.add.f32 [tilespmem:s30], [sflag:$0x5], $0x80, s14, s24, $0xb8;
	[tilespmem:$0x1D100] =	vst v63  }
0xcf: {  	_ =	swait.ge [sflag:s19], $0x400  }
0xd0: {  	[sflag:s19] =	ssyncset.done $0x0  }
0xd1: {  	[sflag:s19] =	ssyncadd.s32 $0xFFFFFC00  }
0xd2: {  	s31 =	simm.s32 $0x0;
	_ =	swait.ge [sflag:s19], $0x4000  }
0xd3: {  	v3 =	vor.u32 s31, v2;
	[sflag:s19] =	ssyncset.done $0x0  }
0xd4: {  	[sflag:s19] =	ssyncadd.s32 $0xFFFFC000  }
0xd5: {  	_ =	swait.ge [sflag:s19], $0x400  }
0xd6: {  	[sflag:s19] =	ssyncset.done $0x0  }
0xd7: {  	[sflag:s19] =	ssyncadd.s32 $0xFFFFFC00  }
0xd8: {  	v4 =	vld.idx.msk [tilespmem:v3+s12+$0x0], $0xffff  }
0xd9: {  	v3 =	vld.idx.msk [tilespmem:v3+s23+$0x0], $0xffff  }
0xda: {  	s21 =	simm.s32 $0x5540  }
0xdb: {  	v5 =	vld [tilespmem:s21+$0xFFFFFFF0]  }
0xdc: {  	v6 =	vld [tilespmem:s21+$0x30]  }
0xdd: {  	v7 =	vld [tilespmem:s21+$0xFFFFFFC0]  }
0xde: {  	v8 =	vld [tilespmem:s21+$0xFFFFFFD0];
	v3 =	vmul.f32 v4, v3  }
0xdf: {  	v58 =	vld [tilespmem:s21+$0x10]  }
0xe0: {  	v4 =	vld [tilespmem:s21+$0xFFFFFFE0];
	v59 =	vbroadcast v3, $0x0  }
0xe1: {  	v60 =	vld [tilespmem:s21+$0x0]  }
0xe2: {  	v62 =	vld [tilespmem:s21+$0x20];
	v61 =	vbroadcast v3, $0x1;
	v7 =	vmul.f32 v59, v7  }
0xe3: {  	v8 =	vmul.f32 v8, v59  }
0xe4: {  	v63 =	vbroadcast v3, $0x2;
	v12 =	vmul.f32 v5, v61;
	[tilespmem:s21+$0xFFFFFFC0] =	vst v7  }
0xe5: {  	v15 =	vbroadcast v3, $0x3;
	v14 =	vmul.f32 v4, v61;
	[tilespmem:s21+$0xFFFFFFD0] =	vst v8  }
0xe6: {  	s25 =	simm.s32 $0x8;
	v3 =	vmul.f32 v58, v63;
	v4 =	vmul.f32 v60, v63;
	[tilespmem:s21+$0xFFFFFFF0] =	vst v12  }
0xe7: {  	s29 =	simm.s32 $0x2;
	v5 =	vmul.f32 v6, v15;
	v6 =	vor.u32 s25, v2;
	v7 =	vmul.f32 v62, v15;
	[tilespmem:s21+$0xFFFFFFE0] =	vst v14  }
.LBB2_5:
0xe8: {  	p0 =	sne.s32 s29, $0x7F;
	[tilespmem:s21+$0x0] =	vst v4  }
0xe9: {  	[tilespmem:s21+$0x10] =	vst v3  }
0xea: {  	[tilespmem:s21+$0x20] =	vst v7  }
0xeb: {  	[tilespmem:s21+$0x30] =	vst v5  }
0xec: {  	v3 =	vld.idx.msk [tilespmem:v6+s12+$0x0], $0xffff  }
0xed: {  	s21 =	sadd.s32 $0x80, s21;
	v4 =	vld.idx.msk [tilespmem:v6+s23+$0x0], $0xffff  }
0xee: {  	v5 =	vld [tilespmem:s21+$0xFFFFFFF0]  }
0xef: {  	v6 =	vld [tilespmem:s21+$0x30]  }
0xf0: {  	v7 =	vld [tilespmem:s21+$0x10]  }
0xf1: {  	v8 =	vld [tilespmem:s21+$0xFFFFFFD0]  }
0xf2: {  	v9 =	vld [tilespmem:s21+$0xFFFFFFC0]  }
0xf3: {  	v3 =	vmul.f32 v3, v4;
	v4 =	vld [tilespmem:s21+$0xFFFFFFE0]  }
0xf4: {  	v10 =	vld [tilespmem:s21+$0x0]  }
0xf5: {  	v11 =	vbroadcast v3, $0x0;
	v12 =	vbroadcast v3, $0x1;
	v13 =	vld [tilespmem:s21+$0x20]  }
0xf6: {  	v14 =	vbroadcast v3, $0x2;
	v15 =	vbroadcast v3, $0x3  }
0xf7: {  	v8 =	vmul.f32 v8, v11;
	v3 =	vmul.f32 v11, v9  }
.Ltmp1:
0xf8: {  	v11 =	vmul.f32 v5, v12;
	v9 =	vmul.f32 v4, v12;
	(pc) =	sbr.rel @p0 .LBB2_5-.Ltmp1, $4  }
0xf9: {  	[tilespmem:s21+$0xFFFFFFC0] =	vst v3;
	v4 =	vmul.f32 v10, v14;
	v3 =	vmul.f32 v7, v14  }
0xfa: {  	v5 =	vmul.f32 v6, v15;
	[tilespmem:s21+$0xFFFFFFD0] =	vst v8;
	v7 =	vmul.f32 v13, v15  }
0xfb: {  	s25 =	sshll.u32 s29, $0x3;
	[tilespmem:s21+$0xFFFFFFE0] =	vst v9  }
0xfc: {  	s29 =	sadd.s32 $0x1, s29;
	v6 =	vor.u32 s25, v2;
	[tilespmem:s21+$0xFFFFFFF0] =	vst v11  }
0xfd: {  	[tilespmem:s21+$0x0] =	vst v4  }
0xfe: {  	[tilespmem:s21+$0x10] =	vst v3  }
0xff: {  	[tilespmem:s21+$0x20] =	vst v7  }
0x100: {  	[tilespmem:s21+$0x30] =	vst v5  }
0x101: {  	v3 =	vld.idx.msk [tilespmem:v6+s12+$0x0], $0xffff  }
0x102: {  	v4 =	vld.idx.msk [tilespmem:v6+s23+$0x0], $0xffff;
	_ =	sdelay $0x2  }
0x103: {  	s31 =	sadd.s32 $0x80, s21  }
0x104: {  	v56 =	vld [tilespmem:s31+$0xFFFFFFC0]  }
0x105: {  	v57 =	vld [tilespmem:s31+$0xFFFFFFD0];
	v3 =	vmul.f32 v3, v4  }
0x106: {  	v58 =	vld [tilespmem:s31+$0xFFFFFFE0]  }
0x107: {  	v7 =	vld [tilespmem:s31+$0xFFFFFFF0];
	v8 =	vbroadcast v3, $0x0  }
0x108: {  	v9 =	vld [tilespmem:s31+$0x0]  }
0x109: {  	v10 =	vld [tilespmem:s31+$0x10];
	v11 =	vbroadcast v3, $0x1;
	v5 =	vmul.f32 v8, v56  }
0x10a: {  	v12 =	vld [tilespmem:s31+$0x20];
	v6 =	vmul.f32 v57, v8  }
0x10b: {  	v59 =	vld [tilespmem:s31+$0x30];
	v13 =	vbroadcast v3, $0x2;
	v4 =	vmul.f32 v58, v11;
	[tilespmem:s31+$0xFFFFFFC0] =	vst v5  }
0x10c: {  	v60 =	vmul.f32 v7, v11;
	[tilespmem:s31+$0xFFFFFFD0] =	vst v6  }
0x10d: {  	s22 =	sadd.s32 $0x1, s22;
	v3 =	vbroadcast v3, $0x3;
	v61 =	vmul.f32 v9, v13;
	[tilespmem:s31+$0xFFFFFFE0] =	vst v4  }
0x10e: {  	p0 =	sne.s32 s22, $0x51;
	v62 =	vmul.f32 v10, v13;
	[tilespmem:s31+$0xFFFFFFF0] =	vst v60  }
.Ltmp2:
0x10f: {  	v63 =	vmul.f32 v12, v3;
	[tilespmem:s31+$0x0] =	vst v61;
	(pc) =	sbr.rel @p0 .LBB2_2-.Ltmp2, $4  }
0x110: {  	v3 =	vmul.f32 v59, v3;
	[tilespmem:s31+$0x10] =	vst v62  }
0x111: {  	[tilespmem:s31+$0x20] =	vst v63  }
0x112: {  	[tilespmem:s31+$0x30] =	vst v3  }
0x113: {  	[spmem:s1] =	stream.indirect.scatter.add.f32 [tilespmem:s9], [sflag:$0x6], $0x80, s20, s24, $0xb8;
	[tilespmem:$0x1D100] =	vst v63  }
0x114: {  	s21 =	simm.s32 $0x5  }
0x115: {  	_ =	swait.ge [sflag:s21], $0x4000  }
0x116: {  	[sflag:s21] =	ssyncset.done $0x0  }
0x117: {  	[sflag:s21] =	ssyncadd.s32 $0xFFFFC000  }
0x118: {  	_ =	swait.ge [sflag:s10], $0x4000  }
0x119: {  	[sflag:s10] =	ssyncset.done $0x0  }
0x11a: {  	[sflag:s10] =	ssyncadd.s32 $0xFFFFC000  }
0x11b: {  	[bflag:$0x0] =	sbarrier.arrive $0xFFFF  }
0x11c: {  	s25 =	rddreg [dreg:$0x4]  }
0x11d: {  	s21 =	rddreg [dreg:$0x9]  }
0x11e: {  	s22 =	simm.s32 $0x20;
	s31 =	simm.s32 $0x10;
	s29 =	rddreg [dreg:$0xb]  }
0x11f: {  	[hbm:s21@s22], [sflag:s25] =	dma.strided [spmem:s29@s31], $0x2780, s26, $0x10   }
0x120: {  	s22 =	simm.s32 $0x7  }
0x121: {  	_ =	swait.ge [sflag:s22], $0x2780  }
0x122: {  	s31 =	rddreg [dreg:$0xc]  }
0x123: {  	s21 =	rddreg [dreg:$0xa];
	s31 =	sadd.s32 $0x1, s31  }
0x124: {  	p0 =	sne.s32 s31, s21  }
.Ltmp3:
0x125: {  	_ = 	snop;
	(pc) =	sbr.rel @p0 .LBB2_1-.Ltmp3, $3  }
0x126: {  	_ =	sdelay $0x1  }
0x127: {  	[sflag:s22] =	ssyncset.done $0x0  }
0x128: {  	[sflag:s22] =	ssyncadd.s32 $0xFFFFD880  }
0x129: {  	_ =	sfence.sel $0x180000  }
0x12a: {  	[bflag:$0x0] =	sbarrier.arrive $0xFFFF  }
0x12b: {  	_ =	strace $0x9000004A  }
0x12c: {  	s0 =	stileid.u32;
	[bflag:$0x2] =	sbarrier.arrive $0xFFFF  }
0x12d: {  	p0 =	sne.s32 s0, $0x0;
	s0 =	rddreg [dreg:$0x2]  }
0x12e: {  	s0 =	sadd.s32 @!p0 $0x100000, s0  }
0x12f: {  	[sflag:s0] =	ssyncadd.tile.s32 @!p0 $0x1;
	_ =	shalt  }
.Lfunc_end2:
_tile_overlayer_lowered:
.L_overlay_start_2:
0x130: {  	(tag) =	ssettag $0x2  }
0x131: {  	s0 =	rddreg [dreg:$0x0];
	s2 =	stileid.u32  }
0x132: {  	s1 =	rddreg [dreg:$0x1];
	p0 =	sne.s32 s2, $0x0  }
0x133: {  	s3 =	rddreg [dreg:$0x2];
	[bflag:$0x3] =	sbarrier.arrive $0xFFFF;
	s2 =	simm.s32 @!p0 $0x1C07  }
0x134: {  	[timem:s3], [sflag:s2] =	dma.local @!p0 [hbm:s0], s1  }
0x135: {  	s0 =	simm.s32 @!p0 $0x7  }
0x136: {  	_ =	swait.ge @!p0 [sflag:s0], s1  }
0x137: {  	s1 =	ssub.s32 @!p0 $0x0, s1;
	[sflag:s0] =	ssyncset.done @!p0 $0x0  }
0x138: {  	[sflag:s0] =	ssyncadd.s32 @!p0 s1  }
0x139: {  	[bflag:$0x3] =	sbarrier.arrive $0xFFFF  }
0x13a: {  	_ =	shalt  }

// kernel: kernel.24.cloned.1.call-start
scs
__scs_entry_jumppad:
0x0: {  	(pc) =	sbr.rel $0x88, $3  }
0x1: {  	(tag) =	ssettag $0x0;
	lr =	simm.s32 $0x1  }
0x2: {  	[smem:$0x3F93] =	sst lr;
	_ =	strace $0xD0000000  }
0x3: {  	_ = 	snop  }
0x4: {  	_ = 	snop  }
0x5: {  	_ = 	snop  }
0x6: {  	_ = 	snop  }
0x7: {  	_ = 	snop  }
__scs_overlays_trampoline_lowered:
0x8: {  	[smem:$0x3FA2] =	sst s0  }
0x9: {  	[smem:$0x3FA3] =	sst s1  }
0xa: {  	[smem:$0x3FA4] =	sst s2  }
0xb: {  	[smem:$0x3FA5] =	sst s3  }
0xc: {  	[smem:$0x3FA6] =	sst s4  }
0xd: {  	[smem:$0x3FA7] =	sst s5  }
0xe: {  	[smem:$0x3FA8] =	sst s6  }
0xf: {  	[smem:$0x3FA9] =	sst s7  }
0x10: {  	[smem:$0x3FAA] =	sst s8  }
0x11: {  	[smem:$0x3FAB] =	sst s9;
	s0 =	simm.s32 @!p0 $0x0  }
0x12: {  	s1 =	sld [smem:$0x3F91];
	s0 =	simm.s32 @p0 $0x1  }
0x13: {  	[smem:$0x3FAC] =	sst s0;
	s0 =	simm.s32 @!p1 $0x0  }
0x14: {  	s2 =	sld [smem:$0x3F90];
	s0 =	simm.s32 @p1 $0x1  }
0x15: {  	[smem:$0x3FAD] =	sst s0;
	s0 =	simm.s32 @!p2 $0x0  }
0x16: {  	s3 =	sld [smem:$0x3FDB];
	s0 =	simm.s32 @p2 $0x1  }
0x17: {  	s4 =	simm.s32 $0x1BF5;
	[smem:$0x3FAF] =	sst s0  }
0x18: {  	s0 =	sld [smem:$0x3F92];
	_ =	swait.ge [sflag:s4], $0x0  }
0x19: {  	s7 =	sld [smem:$0x3F93]  }
0x1a: {  	s8 =	sadd.s32 $0xFFFFE003, lr  }
0x1b: {  	s9 =	sadd.s32 $0xFFFFFEF7, lr;
	s5 =	simm.s32 $0xFFFFFFFF;
	p2 =	slt.u32 s8, $0xFFFFF086  }
0x1c: {  	p1 =	slt.u32 s9, $0xF7A;
	s5 =	simm.s32 @!p2 $0x0  }
0x1d: {  	s5 =	simm.s32 @p1 $0x1;
	p0 =	seq.s32 s7, s2  }
0x1e: {  	s7 =	smul.u32 @!p0 $0xF7A, s2;
	p2 =	seq.s32 @!p0 s5, $0x0  }
0x1f: {  	s9 =	smul.u32 $0xF7A, s1;
	s8 =	simm.s32 @!p0 $0x1BF5;
	p2 =	por !p2, p0  }
0x20: {  	[sflag:s8] =	ssyncset.s32 @!p0 $0xFFFFF086;
	s6 =	sadd.s32 @!p0 s3, s7;
	s7 =	simm.s32 @!p0 $0x108  }
0x21: {  	s3 =	sadd.s32 s3, s9;
	s6 =	sadd.s32 @!p0 $0x88, s6;
	s7 =	simm.s32 @p2 $0x1082  }
0x22: {  	[simem:s7], [sflag:s8] =	dma.local @!p0 [hbm:s6], $0xF7A  }
0x23: {  	s9 =	sor.u32 $0xD0000000, s2;
	s6 =	simm.s32 $0x108;
	_ =	swait.ge @!p0 [sflag:s8], $0x0  }
0x24: {  	s3 =	sadd.s32 $0x88, s3;
	s6 =	simm.s32 @!p1 $0x1082;
	[sflag:s4] =	ssyncset.s32 $0xFFFFF086  }
0x25: {  	[simem:s6], [sflag:s4] =	dma.local [hbm:s3], $0xF7A  }
0x26: {  	[smem:$0x3F93] =	sst s1;
	(tag) =	ssettag s2;
	_ =	strace s9  }
0x27: {  	s1 =	sld [smem:$0x3FA3]  }
0x28: {  	s2 =	sld [smem:$0x3FA4]  }
0x29: {  	s4 =	sld [smem:$0x3FA6]  }
0x2a: {  	p0 =	seq.s32 s5, $0x0;
	s5 =	sld [smem:$0x3FA7]  }
0x2b: {  	s6 =	sld [smem:$0x3FA8]  }
0x2c: {  	s7 =	sld [smem:$0x3FA9]  }
0x2d: {  	s3 =	simm.s32 $0x108;
	s8 =	sld [smem:$0x3FAA]  }
0x2e: {  	s3 =	simm.s32 @!p0 $0x1082;
	s9 =	sld [smem:$0x3FAB]  }
0x2f: {  	lr =	sadd.s32 s0, s3;
	s0 =	sld [smem:$0x3FA2]  }
0x30: {  	s3 =	sld [smem:$0x3FA5]  }
0x31: {  	[smem:$0x3FAE] =	sst s10  }
0x32: {  	s10 =	sld [smem:$0x3FAC];
	_ =	sdelay $0x3  }
0x33: {  	p0 =	seq.s32 s10, $0x1;
	s10 =	sld [smem:$0x3FAE];
	_ =	sdelay $0x3  }
0x34: {  	[smem:$0x3FAE] =	sst s10  }
0x35: {  	s10 =	sld [smem:$0x3FAD];
	_ =	sdelay $0x3  }
0x36: {  	p1 =	seq.s32 s10, $0x1;
	s10 =	sld [smem:$0x3FAE];
	_ =	sdelay $0x3  }
0x37: {  	[smem:$0x3FAE] =	sst s10  }
0x38: {  	s10 =	sld [smem:$0x3FAF]  }
0x39: {  	_ = 	snop;
	(pc) =	sbr.ind lr, $3  }
0x3a: {  	_ = 	snop  }
0x3b: {  	_ = 	snop  }
0x3c: {  	p2 =	seq.s32 s10, $0x1;
	s10 =	sld [smem:$0x3FAE]  }
0x3d: {  	_ =	shalt  }
0x3e: {  	_ =	shalt  }
0x3f: {  	_ =	shalt  }
0x40: {  	_ =	shalt  }
0x41: {  	_ =	shalt  }
0x42: {  	_ =	shalt  }
0x43: {  	_ =	shalt  }
0x44: {  	_ =	shalt  }
0x45: {  	_ =	shalt  }
0x46: {  	_ =	shalt  }
0x47: {  	_ =	shalt  }
0x48: {  	_ =	shalt  }
0x49: {  	_ =	shalt  }
0x4a: {  	_ =	shalt  }
0x4b: {  	_ =	shalt  }
0x4c: {  	_ =	shalt  }
0x4d: {  	_ =	shalt  }
0x4e: {  	_ =	shalt  }
0x4f: {  	_ =	shalt  }
0x50: {  	_ =	shalt  }
0x51: {  	_ =	shalt  }
0x52: {  	_ =	shalt  }
0x53: {  	_ =	shalt  }
0x54: {  	_ =	shalt  }
0x55: {  	_ =	shalt  }
0x56: {  	_ =	shalt  }
0x57: {  	_ =	shalt  }
0x58: {  	_ =	shalt  }
0x59: {  	_ =	shalt  }
0x5a: {  	_ =	shalt  }
0x5b: {  	_ =	shalt  }
0x5c: {  	_ =	shalt  }
0x5d: {  	_ =	shalt  }
0x5e: {  	_ =	shalt  }
0x5f: {  	_ =	shalt  }
0x60: {  	_ =	shalt  }
0x61: {  	_ =	shalt  }
0x62: {  	_ =	shalt  }
0x63: {  	_ =	shalt  }
0x64: {  	_ =	shalt  }
0x65: {  	_ =	shalt  }
0x66: {  	_ =	shalt  }
0x67: {  	_ =	shalt  }
0x68: {  	_ =	shalt  }
0x69: {  	_ =	shalt  }
0x6a: {  	_ =	shalt  }
0x6b: {  	_ =	shalt  }
0x6c: {  	_ =	shalt  }
0x6d: {  	_ =	shalt  }
0x6e: {  	_ =	shalt  }
0x6f: {  	_ =	shalt  }
0x70: {  	_ =	shalt  }
0x71: {  	_ =	shalt  }
0x72: {  	_ =	shalt  }
0x73: {  	_ =	shalt  }
0x74: {  	_ =	shalt  }
0x75: {  	_ =	shalt  }
0x76: {  	_ =	shalt  }
0x77: {  	_ =	shalt  }
0x78: {  	_ =	shalt  }
0x79: {  	_ =	shalt  }
0x7a: {  	_ =	shalt  }
0x7b: {  	_ =	shalt  }
0x7c: {  	_ =	shalt  }
0x7d: {  	_ =	shalt  }
0x7e: {  	_ =	shalt  }
0x7f: {  	_ =	shalt  }
0x80: {  	_ =	shalt  }
0x81: {  	_ =	shalt  }
0x82: {  	_ =	shalt  }
0x83: {  	_ =	shalt  }
0x84: {  	_ =	shalt  }
0x85: {  	_ =	shalt  }
0x86: {  	_ =	shalt  }
0x87: {  	_ =	shalt  }
.Lfunc_end0:
.L_simem_size_0:
called_computation.2_lowered:
.L_overlay_start_0:
0x88: {  	s2 =	sld [smem:$0x3FD9]  }
0x89: {  	s3 =	sld [smem:$0x3FFE];
	_ =	sdelay $0x1  }
0x8a: {  	s1 =	srdreg.scid  }
0x8b: {  	s0 =	sand.u32 $0x1, s1  }
0x8c: {  	s17 =	sshll.u32 s0, $0xA;
	s2 =	sadd.s32 s3, s2  }
0x8d: {  	s2 =	sadd.s32 s2, s17  }
0x8e: {  	[smem:$0x3FBA] =	sst s2  }
0x8f: {  	_ = 	snop  }
0x90: {  	s2 =	sld [smem:$0x3FD0];
	(tm) =	ssettm $0x1  }
0x91: {  	s18 =	sld [smem:$0x3FFB];
	_ =	sdelay $0x3  }
0x92: {  	_ =	strace s18  }
0x93: {  	s3 =	sld [smem:$0x3FFC];
	_ =	sdelay $0x3  }
0x94: {  	_ =	strace s3  }
0x95: {  	s3 =	sld [smem:$0x3FFD];
	_ =	sdelay $0x3  }
0x96: {  	_ =	strace s3  }
0x97: {  	_ =	strace $0x8FFFFFFF  }
0x98: {  	s19 =	sld [smem:$0x3FDB];
	_ =	sdelay $0x1  }
0x99: {  	s4 =	simm.s32 $_scs_section_size  }
0x9a: {  	s5 =	simm.s32 $_size__tile_overlayer_lowered;
	s6 =	simm.s32 $_tile_overlayer_lowered  }
0x9b: {  	s22 =	simm.s32 $0x1BFF;
	s21 =	sshll.u32 s6, $0x1;
	s3 =	sadd.s32 s4, s19  }
0x9c: {  	s7 =	simm.s32 $0x0;
	s20 =	sshll.u32 s5, $0x1;
	s5 =	sadd.s32 s21, s3  }
0x9d: {  	[timem:s7], [sflag:s22] =	dma.local [hbm:s5], s20  }
0x9e: {  	_ =	swait.ge [sflag:s22], s20  }
0x9f: {  	s4 =	ssub.s32 $0x0, s20;
	[sflag:s22] =	ssyncset.done $0x0  }
0xa0: {  	[sflag:s22] =	ssyncadd.s32 s4;
	_ =	sdelay $0x1  }
0xa1: {  	s23 =	simm.s32 $0x1B8B  }
0xa2: {  	_ =	swait.ge [sflag:s23], $0x1  }
0xa3: {  	[sflag:s23] =	ssyncset.done $0x0  }
0xa4: {  	s25 =	simm.s32 $0x1B8E;
	s24 =	sld [smem:$0x3FFE];
	[sflag:s23] =	ssyncadd.s32 $0xFFFFFFFF  }
0xa5: {  	s26 =	simm.s32 $execute0_lowered;
	[smem:$0x3FD2] =	sst s25  }
0xa6: {  	s5 =	sshll.u32 s26, $0x1;
	_ =	strace $0x8000004C;
	[dreg:$0x1] =	wrdreg $0xFFFFFFFF  }
0xa7: {  	s28 =	simm.s32 $_size_execute0_lowered;
	s3 =	sadd.s32 s3, s5;
	[dreg:$0x0] =	wrdreg $0x0  }
0xa8: {  	s5 =	sshll.u32 s28, $0x1;
	[dreg:$0x2] =	wrdreg s3  }
0xa9: {  	[dreg:$0x3] =	wrdreg s5  }
0xaa: {  	[dreg:$0x4] =	wrdreg $0xC0  }
0xab: {  	_ =	task [dreg:s7], $0x5FFFF  }
0xac: {  	[dreg:$0x1] =	wrdreg $0xFFFFFFFF  }
0xad: {  	[dreg:$0x0] =	wrdreg $0x60  }
0xae: {  	[dreg:$0x2] =	wrdreg s24  }
0xaf: {  	[dreg:$0x3] =	wrdreg s2  }
0xb0: {  	[dreg:$0x4] =	wrdreg $0x147080  }
0xb1: {  	[dreg:$0x5] =	wrdreg $0x9  }
0xb2: {  	_ =	task.clear_ibuf [dreg:s7], $0x6FFFF;
	_ =	strace $0x9000004C  }
0xb3: {  	s29 =	simm.s32 $0x9;
	_ =	strace $0x8000004E  }
0xb4: {  	_ =	swait.ge [sflag:s29], $0x1  }
0xb5: {  	[sflag:s29] =	ssyncadd.s32 $0xFFFFFFFF  }
0xb6: {  	_ =	strace $0x9000004E  }
0xb7: {  	_ =	sfence  }
0xb8: {  	s30 =	sld [smem:$0x0];
	_ =	sdelay $0x2  }
0xb9: {  	s31 =	sshll.u32 s1, $0xD;
	s1 =	sshrl.u32 s1, $0x2  }
0xba: {  	s3 =	sand.u32 $0x4000, s31;
	s1 =	sadd.s32 s1, s30  }
0xbb: {  	s0 =	sor.u32 s3, s0;
	s1 =	sshll.u32 s1, $0x11  }
0xbc: {  	s0 =	sor.u32 s1, s0  }
0xbd: {  	s0 =	sadd.s32 $0x8F2B, s0  }
0xbe: {  	[sflag:s0] =	ssyncadd.remote.s32 $0x1  }
0xbf: {  	_ =	sfence.sel $0xFFFF  }
0xc0: {  	[dreg:$0x0] =	wrdreg $0xFFFFFFFF;
	(pc) =	sbr.abs _section_cstart, $3  }
0xc1: {  	[dreg:$0x1] =	wrdreg $0xFFFFFFFF  }
0xc2: {  	_ =	task.clear_ibuf [dreg:s7], $0x2FFFF;
	_ =	strace $0x9FFFFFFF  }
0xc3: {  	(tm) =	ssettm $0x7FFFFFFF  }
tec
execute0_lowered:
.L_overlay_start_1:
0x0: {  	(tag) =	ssettag $0x1  }
0x1: {  	s0 =	rddreg [dreg:$0x0]  }
0x2: {  	s2 =	rddreg [dreg:$0x1]  }
0x3: {  	s1 =	rddreg [dreg:$0x2]  }
0x4: {  	s3 =	srdreg.scid;
	s13 =	stileid.u32;
	s30 =	simm.s32 $0x13C88  }
0x5: {  	s31 =	simm.s32 $0x13D88;
	s28 =	simm.s32 $0x80;
	s29 =	simm.s32 $0x13E08  }
0x6: {  	s6 =	sand.u32 $0x1, s3;
	s3 =	simm.s32 $0x0;
	s8 =	smul.u32 $0x13C0, s13  }
0x7: {  	s4 =	sadd.s32 $0x11C00, s0;
	s5 =	sadd.s32 $0x7A00, s0;
	s21 =	smul.u32 $0x28800, s13  }
0x8: {  	s25 =	sadd.s32 $0x2800, s0;
	s7 =	smul.u32 $0x13C0, s6;
	[smem:$0x7FF] =	sst s3  }
0x9: {  	s9 =	smul.u32 $0x13C00, s6;
	s11 =	ssub.s32 $0x2, s6;
	s15 =	sshll.u32 s6, $0x2  }
0xa: {  	s6 =	smul.u32 $0x288000, s6;
	_ =	strace $0x8000004D;
	[dreg:$0x4] =	wrdreg s25  }
0xb: {  	s12 =	sshrl.u32 s11, $0x1;
	v0 =	vmov s15;
	s15 =	simm.s32 $0x0;
	s10 =	sadd.s32 s7, s0  }
0xc: {  	s9 =	sadd.s32 s8, s9;
	s7 =	sadd.s32 $0x20E00, s0;
	s23 =	sshrl.u32 s6, $0x3  }
0xd: {  	s16 =	sadd.s32 s21, s6;
	s6 =	simm.s32 $0x13E88;
	s9 =	sshrl.u32 s9, $0x3  }
0xe: {  	s26 =	sadd.s32 $0x5200, s10;
	s10 =	sadd.s32 $0x2A00, s10;
	s0 =	sadd.s32 s9, s0  }
0xf: {  	s9 =	ssub.s32 s11, s12;
	s11 =	smul.u32 $0x5100, s13;
	[dreg:$0x5] =	wrdreg s26  }
0x10: {  	[dreg:$0x6] =	wrdreg s10;
	s12 =	sshrl.u32 s8, $0x3;
	s8 =	sadd.s32 s8, s1  }
0x11: {  	s10 =	simm.s32 $0x4;
	[dreg:$0x7] =	wrdreg s8;
	s2 =	sadd.s32 s2, s12  }
0x12: {  	s0 =	sadd.s32 $0x1BE00, s0;
	s26 =	smax.u32 s9, $0x1;
	s9 =	simm.s32 $0x13C00  }
0x13: {  	s12 =	simm.s32 $0x0;
	[dreg:$0x8] =	wrdreg s2;
	s14 =	sshrl.u32 s11, $0x3  }
0x14: {  	s24 =	sadd.s32 s11, s7;
	s17 =	sadd.s32 $0x100, s11;
	[dreg:$0xd] =	wrdreg s0  }
0x15: {  	[dreg:$0xe] =	wrdreg s26;
	s26 =	simm.s32 $0x14308;
	s0 =	simm.s32 $0x1  }
0x16: {  	s19 =	sadd.s32 s4, s14;
	s20 =	sadd.s32 s5, s14;
	s2 =	sor.u32 $0x10, s14  }
.Ltmp0:
0x17: {  	s25 =	sadd.s32 s23, s24;
	[dreg:$0x9] =	wrdreg s19;
	(pc) =	sbr.rel .LBB2_1-.Ltmp0, $4  }
0x18: {  	v7 =	vlaneseq.u32;
	s23 =	simm.s32 $0x9E00;
	[dreg:$0xa] =	wrdreg s20;
	s22 =	sadd.s32 s4, s2  }
0x19: {  	v6 =	vimm.f32 $0.0e+00;
	v4 =	vshrl.u32 v7, $0x3;
	s2 =	sadd.s32 s5, s2;
	s18 =	sadd.s32 $0x80, s25;
	s19 =	sadd.s32 $0x180, s11  }
0x1a: {  	v5 =	vand.u32 $0x7, v7;
	v7 =	vmul.u32 $0x8, v7;
	v4 =	vmul.u32 $0x8, v4;
	s25 =	simm.s32 $0x13F08;
	s11 =	simm.s32 $0x6;
	[dreg:$0xb] =	wrdreg s22  }
0x1b: {  	v1 =	vor.u32 $0x1, v0;
	v2 =	vor.u32 $0x2, v0;
	v3 =	vor.u32 $0x3, v0;
	[dreg:$0xc] =	wrdreg s2;
	s22 =	simm.s32 $0x7;
	s2 =	simm.s32 $0x2  }
.LBB2_12:
0x1c: {  	s8 =	simm.s32 $0x3  }
0x1d: {  	_ =	swait.ge [sflag:s8], $0x400  }
0x1e: {  	[sflag:s8] =	ssyncset.done $0x0  }
0x1f: {  	s20 =	simm.s32 $0x5;
	[sflag:s8] =	ssyncadd.s32 $0xFFFFFC00  }
0x20: {  	_ =	swait.ge [sflag:s20], $0x400  }
0x21: {  	[sflag:s20] =	ssyncset.done $0x0  }
0x22: {  	[sflag:s20] =	ssyncadd.s32 $0xFFFFFC00  }
0x23: {  	_ =	swait.ge [sflag:s10], $0x400  }
0x24: {  	[sflag:s10] =	ssyncset.done $0x0  }
0x25: {  	[sflag:s10] =	ssyncadd.s32 $0xFFFFFC00  }
0x26: {  	_ =	swait.ge [sflag:s11], $0x400  }
0x27: {  	[sflag:s11] =	ssyncset.done $0x0  }
0x28: {  	[sflag:s11] =	ssyncadd.s32 $0xFFFFFC00  }
0x29: {  	[bflag:$0x0] =	sbarrier.arrive $0xFFFF  }
0x2a: {  	s21 =	rddreg [dreg:$0xd]  }
0x2b: {  	s9 =	rddreg [dreg:$0xf]  }
0x2c: {  	s13 =	rddreg [dreg:$0x10]  }
0x2d: {  	[hbm:s21], [sflag:s9] =	dma.local [spmem:s13], $0x278  }
0x2e: {  	_ =	swait.ge [sflag:s22], $0x278  }
0x2f: {  	s12 =	sadd.s32 $0x1, s12;
	s24 =	rddreg [dreg:$0xe]  }
0x30: {  	p0 =	sne.s32 s12, s24  }
.Ltmp1:
0x31: {  	_ = 	snop;
	(pc) =	sbr.rel @!p0 .LBB2_13-.Ltmp1, $3  }
0x32: {  	_ =	sdelay $0x1  }
0x33: {  	[sflag:s22] =	ssyncset.done $0x0  }
0x34: {  	s9 =	simm.s32 $0x13C00;
	[sflag:s22] =	ssyncadd.s32 $0xFFFFFD88  }
.LBB2_1:
0x35: {  	s8 =	rddreg [dreg:$0x5]  }
0x36: {  	[tilespmem:s3], [sflag:$0x7] =	stream.linear.gather [hbm4b:s8+s3], $0x9E00, $0x38;
	[tilespmem:$0x15AC8] =	vst v63  }
0x37: {  	_ =	swait.ge [sflag:s22], $0x9E00  }
0x38: {  	[sflag:s22] =	ssyncset.done $0x0  }
0x39: {  	s13 =	rddreg [dreg:$0x6];
	[sflag:s22] =	ssyncadd.s32 $0xFFFF6200  }
0x3a: {  	[tilespmem:s23], [sflag:$0x7] =	stream.linear.gather [hbm4b:s13+s3], $0x9E00, $0x38;
	[tilespmem:$0x15AC8] =	vst v63  }
0x3b: {  	s20 =	stileid.u32;
	_ =	swait.ge [sflag:s22], $0x9E00  }
0x3c: {  	s8 =	sshll.u32 s20, $0x6;
	[sflag:s22] =	ssyncset.done $0x0  }
0x3d: {  	s13 =	sor.u32 $0x1C07, s8;
	s14 =	rddreg [dreg:$0x4];
	[sflag:s22] =	ssyncadd.s32 $0xFFFF6200  }
0x3e: {  	[tilespmem:s9], [sflag:$0x7] =	stream.linear.gather [hbm4b:s14+s3], $0x8, $0x38;
	[tilespmem:$0x15AC8] =	vst v63  }
0x3f: {  	_ =	swait.ge [sflag:s22], $0x8;
	[dreg:$0xf] =	wrdreg s13  }
0x40: {  	s21 =	rddreg [dreg:$0x7]  }
0x41: {  	[sflag:s22] =	ssyncset.done $0x0;
	s24 =	rddreg [dreg:$0x8];
	s14 =	sshrl.u32 s21, $0x3  }
0x42: {  	[sflag:s22] =	ssyncadd.s32 $0xFFFFFFF8;
	[dreg:$0x10] =	wrdreg s14  }
0x43: {  	[spmem:s14], [sflag:s13] =	dma.local [hbm:s24], $0x278  }
0x44: {  	_ =	swait.ge [sflag:s22], $0x278  }
0x45: {  	[sflag:s22] =	ssyncset.done $0x0  }
0x46: {  	s8 =	simm.s32 $0x0;
	[sflag:s22] =	ssyncadd.s32 $0xFFFFFD88  }
.LBB2_2:
0x47: {  	v8 =	vmov s8  }
0x48: {  	v8 =	vshll.u32 v8, $0x3  }
0x49: {  	v8 =	vor.u32 v4, v8  }
0x4a: {  	p0 =	sne.s32 s8, $0x7E;
	v8 =	vor.u32 v5, v8  }
.Ltmp2:
0x4b: {  	_ = 	snop;
	(pc) =	sbr.rel @p0 .LBB2_2-.Ltmp2, $2  }
0x4c: {  	_ =	sdelay $0x2  }
0x4d: {  	s8 =	sadd.s32 $0x2, s8;
	[tilespmem:v8+s25+$0x0] =	vst.idx.msk $0xffff, v6  }
0x4e: {  	s8 =	simm.s32 $0x0  }
0x4f: {  	v8 =	vmov s8  }
0x50: {  	v8 =	vshll.u32 v8, $0x3  }
0x51: {  	v8 =	vor.u32 v4, v8  }
0x52: {  	s8 =	simm.s32 $0x2;
	v8 =	vor.u32 v5, v8  }
.LBB2_4:
0x53: {  	p0 =	sne.s32 s8, $0x7E  }
.Ltmp3:
0x54: {  	_ = 	snop;
	(pc) =	sbr.rel @p0 .LBB2_4-.Ltmp3, $4  }
0x55: {  	v9 =	vmov s8  }
0x56: {  	v9 =	vshll.u32 v9, $0x3  }
0x57: {  	v9 =	vor.u32 v4, v9  }
0x58: {  	s8 =	sadd.s32 $0x2, s8;
	[tilespmem:v8+s26+$0x0] =	vst.idx.msk $0xffff, v6;
	v8 =	vor.u32 v5, v9  }
0x59: {  	_ =	sdelay $0x3  }
0x5a: {  	[tilespmem:v8+s26+$0x0] =	vst.idx.msk $0xffff, v6  }
0x5b: {  	[bflag:$0x0] =	sbarrier.arrive $0xFFFF  }
0x5c: {  	v8 =	vld.idx.msk [tilespmem:v0+s9+$0x0], $0xffff  }
0x5d: {  	v9 =	vld.idx.msk [tilespmem:v1+s9+$0x0], $0xffff  }
0x5e: {  	s13 =	simm.s32 $0x13C08;
	v10 =	vld.idx.msk [tilespmem:v2+s9+$0x0], $0xffff;
	s8 =	rddreg [dreg:$0x9]  }
0x5f: {  	v11 =	vld.idx.msk [tilespmem:v3+s9+$0x0], $0xffff;
	[tilespmem:s13], [sflag:$0x1] =	stream.linear.gather [hbm4b:s8+s15], $0x80, $0x38  }
0x60: {  	s20 =	simm.s32 $0x13D08;
	s14 =	rddreg [dreg:$0xa]  }
0x61: {  	[tilespmem:s20], [sflag:$0x1] =	stream.linear.gather [hbm4b:s14+s15], $0x80, $0x38;
	[tilespmem:$0x15AC8] =	vst v63  }
0x62: {  	s21 =	rddreg [dreg:$0xb]  }
0x63: {  	[tilespmem:s30], [sflag:$0x2] =	stream.linear.gather [hbm4b:s21+s15], $0x80, $0x38;
	[tilespmem:$0x15AC8] =	vst v63  }
0x64: {  	s24 =	rddreg [dreg:$0xc];
	s20 =	simm.s32 $0x0  }
0x65: {  	[tilespmem:s31], [sflag:$0x2] =	stream.linear.gather [hbm4b:s24+s15], $0x80, $0x38;
	[tilespmem:$0x15AC8] =	vst v63  }
.LBB2_6:
0x66: {  	p0 =	seq.s32 s20, $0x0  }
0x67: {  	s8 =	simm.s32 @!p0 $0x3  }
0x68: {  	_ =	swait.ge @!p0 [sflag:s8], $0x400  }
0x69: {  	[sflag:s8] =	ssyncset.done @!p0 $0x0  }
0x6a: {  	[sflag:s8] =	ssyncadd.s32 @!p0 $0xFFFFFC00;
	s8 =	simm.s32 @!p0 $0x5  }
0x6b: {  	_ =	swait.ge @!p0 [sflag:s8], $0x400  }
0x6c: {  	[sflag:s8] =	ssyncset.done @!p0 $0x0  }
0x6d: {  	[sflag:s8] =	ssyncadd.s32 @!p0 $0xFFFFFC00  }
0x6e: {  	_ =	swait.ge [sflag:s0], $0x80  }
0x6f: {  	[sflag:s0] =	ssyncset.done $0x0  }
0x70: {  	[sflag:s0] =	ssyncadd.s32 $0xFFFFFF80  }
0x71: {  	_ =	swait.ge [sflag:s0], $0x80  }
0x72: {  	[sflag:s0] =	ssyncset.done $0x0  }
0x73: {  	s8 =	simm.s32 $0x13C08;
	[sflag:s0] =	ssyncadd.s32 $0xFFFFFF80  }
0x74: {  	s9 =	simm.s32 $0x13D08;
	v12 =	vld [tilespmem:s8+$0x0]  }
0x75: {  	v13 =	vld [tilespmem:s9+$0x0];
	_ =	sdelay $0x3  }
0x76: {  	v12 =	vshll.u32 v12, $0x2  }
0x77: {  	v14 =	vshll.u32 v13, $0x2;
	_ =	sdelay $0x1  }
0x78: {  	s24 =	simm.s32 $0x13E08  }
0x79: {  	[tilespmem:s24+$0x0] =	vst v13  }
0x7a: {  	v13 =	vld.idx.msk [tilespmem:v12+s3+$0x0], $0xffff  }
0x7b: {  	v15 =	vld.idx.msk [tilespmem:v14+s23+$0x0], $0xffff;
	_ =	sdelay $0x4  }
0x7c: {  	v13 =	vadd.f32 v15, v13;
	v15 =	vadd.f32 v15, v8;
	_ =	sdelay $0x1  }
0x7d: {  	v16 =	vmul.f32 $2.000000030e-01, v13;
	v17 =	vmul.f32 $2.000000030e-01, v15  }
0x7e: {  	vm0 =	vge.f32 v13, $0.0e+00;
	vm1 =	vge.f32 v15, $0.0e+00  }
0x7f: {  	v13 =	vsel vm0, v13, v16;
	v15 =	vsel vm1, v15, v17  }
0x80: {  	v13 =	vsub.f32 v13, v15;
	_ =	sdelay $0x1  }
0x81: {  	v13 =	vmul.f32 $1.442695020e+00, v13;
	_ =	sdelay $0x1  }
0x82: {  	(erf) = vpow2.f32 v13;
	_ =	sdelay $0x2  }
0x83: {  	v13 =	vmov s15  }
0x84: {  	v13 =	vshll.u32 v13, $0x3  }
0x85: {  	v13 =	vor.u32 v7, v13  }
0x86: {  	v15 =	vor.u32 $0x1, v12  }
0x87: {  	v53 =	vor.u32 $0x1, v14;
	_ =	sdelay $0x1  }
0x88: {  	v54 =	vpop (erf)  }
0x89: {  	[tilespmem:v13+s25+$0x0] =	vst.idx.msk $0xffff, v54  }
0x8a: {  	v15 =	vld.idx.msk [tilespmem:v15+s3+$0x0], $0xffff  }
0x8b: {  	v16 =	vld.idx.msk [tilespmem:v53+s23+$0x0], $0xffff;
	_ =	sdelay $0x4  }
0x8c: {  	v15 =	vadd.f32 v16, v15;
	v16 =	vadd.f32 v16, v9;
	_ =	sdelay $0x1  }
0x8d: {  	v55 =	vmul.f32 $2.000000030e-01, v15;
	v18 =	vmul.f32 $2.000000030e-01, v16  }
0x8e: {  	vm10 =	vge.f32 v15, $0.0e+00;
	vm11 =	vge.f32 v16, $0.0e+00  }
0x8f: {  	v15 =	vsel vm10, v15, v55;
	v16 =	vsel vm11, v16, v18  }
0x90: {  	v15 =	vsub.f32 v15, v16;
	_ =	sdelay $0x1  }
0x91: {  	v15 =	vmul.f32 $1.442695020e+00, v15;
	_ =	sdelay $0x1  }
0x92: {  	(erf) = vpow2.f32 v15;
	_ =	sdelay $0x4  }
0x93: {  	v15 =	vor.u32 $0x1, v13  }
0x94: {  	v56 =	vor.u32 $0x2, v12  }
0x95: {  	v57 =	vor.u32 $0x2, v14;
	_ =	sdelay $0x1  }
0x96: {  	v58 =	vpop (erf)  }
0x97: {  	[tilespmem:v15+s25+$0x0] =	vst.idx.msk $0xffff, v58  }
0x98: {  	v15 =	vld.idx.msk [tilespmem:v56+s3+$0x0], $0xffff  }
0x99: {  	v59 =	vld.idx.msk [tilespmem:v57+s23+$0x0], $0xffff;
	_ =	sdelay $0x4  }
0x9a: {  	v15 =	vadd.f32 v59, v15;
	v16 =	vadd.f32 v59, v10;
	_ =	sdelay $0x1  }
0x9b: {  	v60 =	vmul.f32 $2.000000030e-01, v15;
	v61 =	vmul.f32 $2.000000030e-01, v16  }
0x9c: {  	vm12 =	vge.f32 v15, $0.0e+00;
	vm13 =	vge.f32 v16, $0.0e+00  }
0x9d: {  	v15 =	vsel vm12, v15, v60;
	v16 =	vsel vm13, v16, v61  }
0x9e: {  	v15 =	vsub.f32 v15, v16;
	_ =	sdelay $0x1  }
0x9f: {  	v15 =	vmul.f32 $1.442695020e+00, v15;
	_ =	sdelay $0x1  }
0xa0: {  	(erf) = vpow2.f32 v15;
	_ =	sdelay $0x4  }
0xa1: {  	v15 =	vor.u32 $0x2, v13  }
0xa2: {  	v12 =	vor.u32 $0x3, v12  }
0xa3: {  	v14 =	vor.u32 $0x3, v14;
	_ =	sdelay $0x1  }
0xa4: {  	v62 =	vpop (erf)  }
0xa5: {  	[tilespmem:v15+s25+$0x0] =	vst.idx.msk $0xffff, v62  }
0xa6: {  	v12 =	vld.idx.msk [tilespmem:v12+s3+$0x0], $0xffff  }
0xa7: {  	v14 =	vld.idx.msk [tilespmem:v14+s23+$0x0], $0xffff;
	_ =	sdelay $0x4  }
0xa8: {  	v12 =	vadd.f32 v14, v12;
	v14 =	vadd.f32 v14, v11;
	_ =	sdelay $0x1  }
0xa9: {  	v15 =	vmul.f32 $2.000000030e-01, v12;
	v63 =	vmul.f32 $2.000000030e-01, v14  }
0xaa: {  	vm14 =	vge.f32 v12, $0.0e+00;
	vm15 =	vge.f32 v14, $0.0e+00  }
0xab: {  	v12 =	vsel vm14, v12, v15;
	v14 =	vsel vm15, v14, v63  }
0xac: {  	v12 =	vsub.f32 v12, v14;
	_ =	sdelay $0x1  }
0xad: {  	v12 =	vmul.f32 $1.442695020e+00, v12;
	_ =	sdelay $0x1  }
0xae: {  	(erf) = vpow2.f32 v12;
	_ =	sdelay $0x1  }
0xaf: {  	s21 =	sshll.u32 s20, $0x8;
	s13 =	simm.s32 $0x10;
	v12 =	vor.u32 $0x3, v13  }
.LBB2_7:
0xb0: {  	_ =	sdelay $0x3  }
0xb1: {  	s8 =	sadd.s32 $0x10, s8;
	s9 =	sadd.s32 $0x10, s9;
	s24 =	sadd.s32 $0x10, s24  }
0xb2: {  	p0 =	sne.s32 s13, $0x70;
	s14 =	smov.u32 s13;
	s13 =	sadd.s32 $0x10, s13  }
0xb3: {  	v13 =	vpop (erf)  }
0xb4: {  	[tilespmem:v12+s25+$0x0] =	vst.idx.msk $0xffff, v13  }
0xb5: {  	v12 =	vld [tilespmem:s8+$0x0]  }
0xb6: {  	v14 =	vld [tilespmem:s9+$0x0];
	_ =	sdelay $0x3  }
0xb7: {  	v12 =	vshll.u32 v12, $0x2  }
0xb8: {  	v13 =	vshll.u32 v14, $0x2;
	_ =	sdelay $0x2  }
0xb9: {  	[tilespmem:s24+$0x0] =	vst v14  }
0xba: {  	v14 =	vld.idx.msk [tilespmem:v12+s3+$0x0], $0xffff  }
0xbb: {  	v15 =	vld.idx.msk [tilespmem:v13+s23+$0x0], $0xffff;
	_ =	sdelay $0x5  }
0xbc: {  	v14 =	vadd.f32 v15, v14;
	v15 =	vadd.f32 v15, v8;
	_ =	sdelay $0x1  }
0xbd: {  	v16 =	vmul.f32 $2.000000030e-01, v14;
	v17 =	vmul.f32 $2.000000030e-01, v15  }
0xbe: {  	vm0 =	vge.f32 v14, $0.0e+00;
	vm1 =	vge.f32 v15, $0.0e+00  }
0xbf: {  	v14 =	vsel vm0, v14, v16;
	v15 =	vsel vm1, v15, v17  }
0xc0: {  	v14 =	vsub.f32 v14, v15;
	_ =	sdelay $0x1  }
0xc1: {  	v14 =	vmul.f32 $1.442695020e+00, v14;
	_ =	sdelay $0x1  }
0xc2: {  	(erf) = vpow2.f32 v14;
	_ =	sdelay $0x2  }
0xc3: {  	v14 =	vmov s14  }
0xc4: {  	v14 =	vshll.u32 v14, $0x3  }
0xc5: {  	v14 =	vor.u32 v7, v14  }
0xc6: {  	v16 =	vor.u32 $0x1, v13;
	v15 =	vor.u32 $0x1, v12;
	_ =	sdelay $0x2  }
0xc7: {  	v17 =	vpop (erf)  }
0xc8: {  	[tilespmem:v14+s25+$0x0] =	vst.idx.msk $0xffff, v17  }
0xc9: {  	v15 =	vld.idx.msk [tilespmem:v15+s3+$0x0], $0xffff  }
0xca: {  	v16 =	vld.idx.msk [tilespmem:v16+s23+$0x0], $0xffff;
	_ =	sdelay $0x5  }
0xcb: {  	v15 =	vadd.f32 v16, v15;
	v16 =	vadd.f32 v16, v9;
	_ =	sdelay $0x1  }
0xcc: {  	vm0 =	vge.f32 v15, $0.0e+00;
	v17 =	vmul.f32 $2.000000030e-01, v15;
	v18 =	vmul.f32 $2.000000030e-01, v16  }
0xcd: {  	vm1 =	vge.f32 v16, $0.0e+00  }
0xce: {  	v15 =	vsel vm0, v15, v17;
	v16 =	vsel vm1, v16, v18  }
0xcf: {  	v15 =	vsub.f32 v15, v16;
	_ =	sdelay $0x1  }
0xd0: {  	v15 =	vmul.f32 $1.442695020e+00, v15;
	_ =	sdelay $0x1  }
0xd1: {  	(erf) = vpow2.f32 v15;
	_ =	sdelay $0x3  }
0xd2: {  	v15 =	vor.u32 $0x1, v14;
	_ =	sdelay $0x1  }
0xd3: {  	v17 =	vor.u32 $0x2, v13;
	v16 =	vor.u32 $0x2, v12;
	_ =	sdelay $0x2  }
0xd4: {  	v18 =	vpop (erf)  }
0xd5: {  	[tilespmem:v15+s25+$0x0] =	vst.idx.msk $0xffff, v18  }
0xd6: {  	v15 =	vld.idx.msk [tilespmem:v16+s3+$0x0], $0xffff  }
0xd7: {  	v16 =	vld.idx.msk [tilespmem:v17+s23+$0x0], $0xffff;
	_ =	sdelay $0x5  }
0xd8: {  	v15 =	vadd.f32 v16, v15;
	v16 =	vadd.f32 v16, v10;
	_ =	sdelay $0x1  }
0xd9: {  	vm0 =	vge.f32 v15, $0.0e+00;
	v17 =	vmul.f32 $2.000000030e-01, v15;
	v18 =	vmul.f32 $2.000000030e-01, v16  }
0xda: {  	vm1 =	vge.f32 v16, $0.0e+00  }
0xdb: {  	v15 =	vsel vm0, v15, v17;
	v16 =	vsel vm1, v16, v18  }
0xdc: {  	v15 =	vsub.f32 v15, v16;
	_ =	sdelay $0x1  }
0xdd: {  	v15 =	vmul.f32 $1.442695020e+00, v15;
	_ =	sdelay $0x1  }
0xde: {  	(erf) = vpow2.f32 v15;
	_ =	sdelay $0x2  }
0xdf: {  	v15 =	vor.u32 $0x2, v14;
	_ =	sdelay $0x2  }
0xe0: {  	v13 =	vor.u32 $0x3, v13;
	v12 =	vor.u32 $0x3, v12;
	_ =	sdelay $0x2  }
0xe1: {  	v16 =	vpop (erf)  }
0xe2: {  	[tilespmem:v15+s25+$0x0] =	vst.idx.msk $0xffff, v16  }
0xe3: {  	v12 =	vld.idx.msk [tilespmem:v12+s3+$0x0], $0xffff  }
0xe4: {  	v13 =	vld.idx.msk [tilespmem:v13+s23+$0x0], $0xffff;
	_ =	sdelay $0x5  }
0xe5: {  	v12 =	vadd.f32 v13, v12;
	v13 =	vadd.f32 v13, v11;
	_ =	sdelay $0x1  }
0xe6: {  	vm0 =	vge.f32 v12, $0.0e+00;
	v15 =	vmul.f32 $2.000000030e-01, v12;
	v16 =	vmul.f32 $2.000000030e-01, v13  }
0xe7: {  	vm1 =	vge.f32 v13, $0.0e+00  }
0xe8: {  	v12 =	vsel vm0, v12, v15;
	v13 =	vsel vm1, v13, v16  }
0xe9: {  	v12 =	vsub.f32 v12, v13;
	_ =	sdelay $0x1  }
.Ltmp4:
0xea: {  	v12 =	vmul.f32 $1.442695020e+00, v12;
	(pc) =	sbr.rel @p0 .LBB2_7-.Ltmp4, $3  }
0xeb: {  	_ = 	snop  }
0xec: {  	(erf) = vpow2.f32 v12;
	_ =	sdelay $0x1  }
0xed: {  	v12 =	vor.u32 $0x3, v14  }
0xee: {  	_ =	sdelay $0x3  }
0xef: {  	s8 =	sshll.u32 s20, $0xB  }
0xf0: {  	s8 =	sadd.s32 s8, s16  }
0xf1: {  	s8 =	sshrl.u32 s8, $0x3;
	v13 =	vpop (erf)  }
0xf2: {  	p0 =	seq.s32 s20, $0x50;
	s8 =	sadd.s32 s7, s8;
	[tilespmem:v12+s25+$0x0] =	vst.idx.msk $0xffff, v13  }
0xf3: {  	[hbm4b:s8+s3] =	stream.linear.scatter [tilespmem:s25], [sflag:$0x3], $0x400, $0x38;
	[tilespmem:$0x15AC8] =	vst v63  }
0xf4: {  	s8 =	sadd.s32 @!p0 s21, s17  }
0xf5: {  	s13 =	simm.s32 @!p0 $0x0;
	s8 =	sshrl.u32 @!p0 s8, $0x3  }
0xf6: {  	[spmem:s1] =	stream.indirect.scatter.add.f32 [tilespmem:s25], [sflag:$0x5], $0x8, s29, s28, $0xb8;
	[tilespmem:$0x15AC8] =	vst v63  }
0xf7: {  	s14 =	simm.s32 @!p0 $0x13C08;
	p1 =	seq.s32 @!p0 s20, $0x0;
	s9 =	sadd.s32 @!p0 s4, s8  }
0xf8: {  	[tilespmem:s14], [sflag:$0x1] =	stream.linear.gather @!p0 [hbm4b:s9+s13], $0x80, $0x38;
	[tilespmem:$0x15AC8] =	vst v63  }
0xf9: {  	p1 =	por p0, !p1;
	s8 =	sadd.s32 @!p0 s5, s8;
	s9 =	simm.s32 @!p0 $0x13D08  }
0xfa: {  	[tilespmem:s9], [sflag:$0x1] =	stream.linear.gather @!p0 [hbm4b:s8+s13], $0x80, $0x38;
	[tilespmem:$0x15AC8] =	vst v63  }
0xfb: {  	_ =	swait.ge @p1 [sflag:s10], $0x400  }
0xfc: {  	[sflag:s10] =	ssyncset.done @p1 $0x0  }
0xfd: {  	[sflag:s10] =	ssyncadd.s32 @p1 $0xFFFFFC00  }
0xfe: {  	_ =	swait.ge @p1 [sflag:s11], $0x400  }
0xff: {  	[sflag:s11] =	ssyncset.done @p1 $0x0  }
0x100: {  	[sflag:s11] =	ssyncadd.s32 @p1 $0xFFFFFC00  }
0x101: {  	_ =	swait.ge [sflag:s2], $0x80  }
0x102: {  	[sflag:s2] =	ssyncset.done $0x0  }
0x103: {  	[sflag:s2] =	ssyncadd.s32 $0xFFFFFF80  }
0x104: {  	_ =	swait.ge [sflag:s2], $0x80  }
0x105: {  	[sflag:s2] =	ssyncset.done $0x0  }
0x106: {  	s8 =	simm.s32 $0x13C88;
	[sflag:s2] =	ssyncadd.s32 $0xFFFFFF80  }
0x107: {  	s9 =	simm.s32 $0x13D88;
	v12 =	vld [tilespmem:s8+$0x0]  }
0x108: {  	v13 =	vld [tilespmem:s9+$0x0];
	_ =	sdelay $0x3  }
0x109: {  	v12 =	vshll.u32 v12, $0x2  }
0x10a: {  	v14 =	vshll.u32 v13, $0x2;
	_ =	sdelay $0x1  }
0x10b: {  	s24 =	simm.s32 $0x13E88  }
0x10c: {  	[tilespmem:s24+$0x0] =	vst v13  }
0x10d: {  	v13 =	vld.idx.msk [tilespmem:v12+s3+$0x0], $0xffff  }
0x10e: {  	v15 =	vld.idx.msk [tilespmem:v14+s23+$0x0], $0xffff;
	_ =	sdelay $0x4  }
0x10f: {  	v13 =	vadd.f32 v15, v13;
	v15 =	vadd.f32 v15, v8;
	_ =	sdelay $0x1  }
0x110: {  	v16 =	vmul.f32 $2.000000030e-01, v13;
	v17 =	vmul.f32 $2.000000030e-01, v15  }
0x111: {  	vm0 =	vge.f32 v13, $0.0e+00;
	vm1 =	vge.f32 v15, $0.0e+00  }
0x112: {  	v13 =	vsel vm0, v13, v16;
	v15 =	vsel vm1, v15, v17  }
0x113: {  	v13 =	vsub.f32 v13, v15;
	_ =	sdelay $0x1  }
0x114: {  	v13 =	vmul.f32 $1.442695020e+00, v13;
	_ =	sdelay $0x1  }
0x115: {  	(erf) = vpow2.f32 v13;
	_ =	sdelay $0x1  }
0x116: {  	s14 =	simm.s32 $0x0  }
0x117: {  	v13 =	vmov s14  }
0x118: {  	v13 =	vshll.u32 v13, $0x3  }
0x119: {  	v13 =	vor.u32 v7, v13  }
0x11a: {  	v15 =	vor.u32 $0x1, v12  }
0x11b: {  	v53 =	vor.u32 $0x1, v14;
	_ =	sdelay $0x1  }
0x11c: {  	v54 =	vpop (erf)  }
0x11d: {  	[tilespmem:v13+s26+$0x0] =	vst.idx.msk $0xffff, v54  }
0x11e: {  	v15 =	vld.idx.msk [tilespmem:v15+s3+$0x0], $0xffff  }
0x11f: {  	v16 =	vld.idx.msk [tilespmem:v53+s23+$0x0], $0xffff;
	_ =	sdelay $0x4  }
0x120: {  	v15 =	vadd.f32 v16, v15;
	v16 =	vadd.f32 v16, v9;
	_ =	sdelay $0x1  }
0x121: {  	v55 =	vmul.f32 $2.000000030e-01, v15;
	v18 =	vmul.f32 $2.000000030e-01, v16  }
0x122: {  	vm10 =	vge.f32 v15, $0.0e+00;
	vm11 =	vge.f32 v16, $0.0e+00  }
0x123: {  	v15 =	vsel vm10, v15, v55;
	v16 =	vsel vm11, v16, v18  }
0x124: {  	v15 =	vsub.f32 v15, v16;
	_ =	sdelay $0x1  }
0x125: {  	v15 =	vmul.f32 $1.442695020e+00, v15;
	_ =	sdelay $0x1  }
0x126: {  	(erf) = vpow2.f32 v15;
	_ =	sdelay $0x4  }
0x127: {  	v15 =	vor.u32 $0x1, v13  }
0x128: {  	v56 =	vor.u32 $0x2, v12  }
0x129: {  	v57 =	vor.u32 $0x2, v14;
	_ =	sdelay $0x1  }
0x12a: {  	v58 =	vpop (erf)  }
0x12b: {  	[tilespmem:v15+s26+$0x0] =	vst.idx.msk $0xffff, v58  }
0x12c: {  	v15 =	vld.idx.msk [tilespmem:v56+s3+$0x0], $0xffff  }
0x12d: {  	v59 =	vld.idx.msk [tilespmem:v57+s23+$0x0], $0xffff;
	_ =	sdelay $0x4  }
0x12e: {  	v15 =	vadd.f32 v59, v15;
	v16 =	vadd.f32 v59, v10;
	_ =	sdelay $0x1  }
0x12f: {  	v60 =	vmul.f32 $2.000000030e-01, v15;
	v61 =	vmul.f32 $2.000000030e-01, v16  }
0x130: {  	vm12 =	vge.f32 v15, $0.0e+00;
	vm13 =	vge.f32 v16, $0.0e+00  }
0x131: {  	v15 =	vsel vm12, v15, v60;
	v16 =	vsel vm13, v16, v61  }
0x132: {  	v15 =	vsub.f32 v15, v16;
	_ =	sdelay $0x1  }
0x133: {  	v15 =	vmul.f32 $1.442695020e+00, v15;
	_ =	sdelay $0x1  }
0x134: {  	(erf) = vpow2.f32 v15;
	_ =	sdelay $0x4  }
0x135: {  	v15 =	vor.u32 $0x2, v13  }
0x136: {  	v12 =	vor.u32 $0x3, v12  }
0x137: {  	v14 =	vor.u32 $0x3, v14;
	_ =	sdelay $0x1  }
0x138: {  	v62 =	vpop (erf)  }
0x139: {  	[tilespmem:v15+s26+$0x0] =	vst.idx.msk $0xffff, v62  }
0x13a: {  	v12 =	vld.idx.msk [tilespmem:v12+s3+$0x0], $0xffff  }
0x13b: {  	v14 =	vld.idx.msk [tilespmem:v14+s23+$0x0], $0xffff;
	_ =	sdelay $0x4  }
0x13c: {  	v12 =	vadd.f32 v14, v12;
	v14 =	vadd.f32 v14, v11;
	_ =	sdelay $0x1  }
0x13d: {  	v15 =	vmul.f32 $2.000000030e-01, v12;
	v63 =	vmul.f32 $2.000000030e-01, v14  }
0x13e: {  	vm14 =	vge.f32 v12, $0.0e+00;
	vm15 =	vge.f32 v14, $0.0e+00  }
0x13f: {  	v12 =	vsel vm14, v12, v15;
	v14 =	vsel vm15, v14, v63  }
0x140: {  	v12 =	vsub.f32 v12, v14;
	_ =	sdelay $0x1  }
0x141: {  	v12 =	vmul.f32 $1.442695020e+00, v12;
	_ =	sdelay $0x1  }
0x142: {  	(erf) = vpow2.f32 v12;
	_ =	sdelay $0x1  }
0x143: {  	s13 =	simm.s32 $0x10;
	v12 =	vor.u32 $0x3, v13  }
.LBB2_9:
0x144: {  	_ =	sdelay $0x3  }
0x145: {  	s8 =	sadd.s32 $0x10, s8;
	s9 =	sadd.s32 $0x10, s9;
	s24 =	sadd.s32 $0x10, s24  }
0x146: {  	p1 =	sne.s32 s13, $0x70;
	s14 =	smov.u32 s13;
	s13 =	sadd.s32 $0x10, s13  }
0x147: {  	v13 =	vpop (erf)  }
0x148: {  	[tilespmem:v12+s26+$0x0] =	vst.idx.msk $0xffff, v13  }
0x149: {  	v12 =	vld [tilespmem:s8+$0x0]  }
0x14a: {  	v14 =	vld [tilespmem:s9+$0x0];
	_ =	sdelay $0x3  }
0x14b: {  	v12 =	vshll.u32 v12, $0x2  }
0x14c: {  	v13 =	vshll.u32 v14, $0x2;
	_ =	sdelay $0x2  }
0x14d: {  	[tilespmem:s24+$0x0] =	vst v14  }
0x14e: {  	v14 =	vld.idx.msk [tilespmem:v12+s3+$0x0], $0xffff  }
0x14f: {  	v15 =	vld.idx.msk [tilespmem:v13+s23+$0x0], $0xffff;
	_ =	sdelay $0x5  }
0x150: {  	v14 =	vadd.f32 v15, v14;
	v15 =	vadd.f32 v15, v8;
	_ =	sdelay $0x1  }
0x151: {  	v16 =	vmul.f32 $2.000000030e-01, v14;
	v17 =	vmul.f32 $2.000000030e-01, v15  }
0x152: {  	vm0 =	vge.f32 v14, $0.0e+00;
	vm1 =	vge.f32 v15, $0.0e+00  }
0x153: {  	v14 =	vsel vm0, v14, v16;
	v15 =	vsel vm1, v15, v17  }
0x154: {  	v14 =	vsub.f32 v14, v15;
	_ =	sdelay $0x1  }
0x155: {  	v14 =	vmul.f32 $1.442695020e+00, v14;
	_ =	sdelay $0x1  }
0x156: {  	(erf) = vpow2.f32 v14;
	_ =	sdelay $0x2  }
0x157: {  	v14 =	vmov s14  }
0x158: {  	v14 =	vshll.u32 v14, $0x3  }
0x159: {  	v14 =	vor.u32 v7, v14  }
0x15a: {  	v16 =	vor.u32 $0x1, v13;
	v15 =	vor.u32 $0x1, v12;
	_ =	sdelay $0x2  }
0x15b: {  	v17 =	vpop (erf)  }
0x15c: {  	[tilespmem:v14+s26+$0x0] =	vst.idx.msk $0xffff, v17  }
0x15d: {  	v15 =	vld.idx.msk [tilespmem:v15+s3+$0x0], $0xffff  }
0x15e: {  	v16 =	vld.idx.msk [tilespmem:v16+s23+$0x0], $0xffff;
	_ =	sdelay $0x5  }
0x15f: {  	v15 =	vadd.f32 v16, v15;
	v16 =	vadd.f32 v16, v9;
	_ =	sdelay $0x1  }
0x160: {  	vm0 =	vge.f32 v15, $0.0e+00;
	v17 =	vmul.f32 $2.000000030e-01, v15;
	v18 =	vmul.f32 $2.000000030e-01, v16  }
0x161: {  	vm1 =	vge.f32 v16, $0.0e+00  }
0x162: {  	v15 =	vsel vm0, v15, v17;
	v16 =	vsel vm1, v16, v18  }
0x163: {  	v15 =	vsub.f32 v15, v16;
	_ =	sdelay $0x1  }
0x164: {  	v15 =	vmul.f32 $1.442695020e+00, v15;
	_ =	sdelay $0x1  }
0x165: {  	(erf) = vpow2.f32 v15;
	_ =	sdelay $0x3  }
0x166: {  	v15 =	vor.u32 $0x1, v14;
	_ =	sdelay $0x1  }
0x167: {  	v17 =	vor.u32 $0x2, v13;
	v16 =	vor.u32 $0x2, v12;
	_ =	sdelay $0x2  }
0x168: {  	v18 =	vpop (erf)  }
0x169: {  	[tilespmem:v15+s26+$0x0] =	vst.idx.msk $0xffff, v18  }
0x16a: {  	v15 =	vld.idx.msk [tilespmem:v16+s3+$0x0], $0xffff  }
0x16b: {  	v16 =	vld.idx.msk [tilespmem:v17+s23+$0x0], $0xffff;
	_ =	sdelay $0x5  }
0x16c: {  	v15 =	vadd.f32 v16, v15;
	v16 =	vadd.f32 v16, v10;
	_ =	sdelay $0x1  }
0x16d: {  	vm0 =	vge.f32 v15, $0.0e+00;
	v17 =	vmul.f32 $2.000000030e-01, v15;
	v18 =	vmul.f32 $2.000000030e-01, v16  }
0x16e: {  	vm1 =	vge.f32 v16, $0.0e+00  }
0x16f: {  	v15 =	vsel vm0, v15, v17;
	v16 =	vsel vm1, v16, v18  }
0x170: {  	v15 =	vsub.f32 v15, v16;
	_ =	sdelay $0x1  }
0x171: {  	v15 =	vmul.f32 $1.442695020e+00, v15;
	_ =	sdelay $0x1  }
0x172: {  	(erf) = vpow2.f32 v15;
	_ =	sdelay $0x2  }
0x173: {  	v15 =	vor.u32 $0x2, v14;
	_ =	sdelay $0x2  }
0x174: {  	v13 =	vor.u32 $0x3, v13;
	v12 =	vor.u32 $0x3, v12;
	_ =	sdelay $0x2  }
0x175: {  	v16 =	vpop (erf)  }
0x176: {  	[tilespmem:v15+s26+$0x0] =	vst.idx.msk $0xffff, v16  }
0x177: {  	v12 =	vld.idx.msk [tilespmem:v12+s3+$0x0], $0xffff  }
0x178: {  	v13 =	vld.idx.msk [tilespmem:v13+s23+$0x0], $0xffff;
	_ =	sdelay $0x5  }
0x179: {  	v12 =	vadd.f32 v13, v12;
	v13 =	vadd.f32 v13, v11;
	_ =	sdelay $0x1  }
0x17a: {  	vm0 =	vge.f32 v12, $0.0e+00;
	v15 =	vmul.f32 $2.000000030e-01, v12;
	v16 =	vmul.f32 $2.000000030e-01, v13  }
0x17b: {  	vm1 =	vge.f32 v13, $0.0e+00  }
0x17c: {  	v12 =	vsel vm0, v12, v15;
	v13 =	vsel vm1, v13, v16  }
0x17d: {  	v12 =	vsub.f32 v12, v13;
	_ =	sdelay $0x1  }
.Ltmp5:
0x17e: {  	v12 =	vmul.f32 $1.442695020e+00, v12;
	(pc) =	sbr.rel @p1 .LBB2_9-.Ltmp5, $3  }
0x17f: {  	_ = 	snop  }
0x180: {  	(erf) = vpow2.f32 v12;
	_ =	sdelay $0x1  }
0x181: {  	v12 =	vor.u32 $0x3, v14  }
0x182: {  	_ =	sdelay $0x5  }
.Ltmp6:
0x183: {  	v13 =	vpop (erf);
	(pc) =	sbr.rel @p0 .LBB2_12-.Ltmp6, $4  }
0x184: {  	s8 =	sadd.s32 s21, s18;
	[tilespmem:v12+s26+$0x0] =	vst.idx.msk $0xffff, v13  }
0x185: {  	[hbm4b:s8+s3] =	stream.linear.scatter [tilespmem:s26], [sflag:$0x4], $0x400, $0x38;
	[tilespmem:$0x15AC8] =	vst v63  }
0x186: {  	_ = 	snop  }
0x187: {  	[spmem:s1] =	stream.indirect.scatter.add.f32 [tilespmem:s26], [sflag:$0x6], $0x8, s6, s28, $0xb8;
	[tilespmem:$0x15AC8] =	vst v63  }
0x188: {  	s8 =	sadd.s32 s21, s19  }
.Ltmp7:
0x189: {  	s8 =	sshrl.u32 s8, $0x3;
	(pc) =	sbr.rel .LBB2_6-.Ltmp7, $4  }
0x18a: {  	s9 =	sadd.s32 s4, s8  }
0x18b: {  	[tilespmem:s30], [sflag:$0x2] =	stream.linear.gather [hbm4b:s9+s3], $0x80, $0x38;
	[tilespmem:$0x15AC8] =	vst v63  }
0x18c: {  	s20 =	sadd.s32 $0x1, s20;
	s8 =	sadd.s32 s5, s8  }
0x18d: {  	[tilespmem:s31], [sflag:$0x2] =	stream.linear.gather [hbm4b:s8+s3], $0x80, $0x38;
	[tilespmem:$0x15AC8] =	vst v63  }
.LBB2_13:
0x18e: {  	_ =	sfence.sel $0x180000  }
0x18f: {  	[bflag:$0x0] =	sbarrier.arrive $0xFFFF  }
0x190: {  	_ =	strace $0x9000004D  }
0x191: {  	s0 =	stileid.u32;
	[bflag:$0x2] =	sbarrier.arrive $0xFFFF  }
0x192: {  	p0 =	sne.s32 s0, $0x0;
	s0 =	rddreg [dreg:$0x3]  }
0x193: {  	s0 =	sadd.s32 @!p0 $0x100000, s0  }
0x194: {  	[sflag:s0] =	ssyncadd.tile.s32 @!p0 $0x1;
	_ =	shalt  }
.Lfunc_end2:
_tile_overlayer_lowered:
.L_overlay_start_2:
0x195: {  	(tag) =	ssettag $0x2  }
0x196: {  	s0 =	rddreg [dreg:$0x0];
	s2 =	stileid.u32  }
0x197: {  	s1 =	rddreg [dreg:$0x1];
	p0 =	sne.s32 s2, $0x0  }
0x198: {  	s3 =	rddreg [dreg:$0x2];
	[bflag:$0x3] =	sbarrier.arrive $0xFFFF;
	s2 =	simm.s32 @!p0 $0x1C07  }
0x199: {  	[timem:s3], [sflag:s2] =	dma.local @!p0 [hbm:s0], s1  }
0x19a: {  	s0 =	simm.s32 @!p0 $0x7  }
0x19b: {  	_ =	swait.ge @!p0 [sflag:s0], s1  }
0x19c: {  	s1 =	ssub.s32 @!p0 $0x0, s1;
	[sflag:s0] =	ssyncset.done @!p0 $0x0  }
0x19d: {  	[sflag:s0] =	ssyncadd.s32 @!p0 s1  }
0x19e: {  	[bflag:$0x3] =	sbarrier.arrive $0xFFFF  }
0x19f: {  	_ =	shalt  }

// kernel: kernel.27.cloned.1.call-start
scs
__scs_entry_jumppad:
0x0: {  	(pc) =	sbr.rel $0x88, $3  }
0x1: {  	(tag) =	ssettag $0x0;
	lr =	simm.s32 $0x1  }
0x2: {  	[smem:$0x3F93] =	sst lr;
	_ =	strace $0xD0000000  }
0x3: {  	_ = 	snop  }
0x4: {  	_ = 	snop  }
0x5: {  	_ = 	snop  }
0x6: {  	_ = 	snop  }
0x7: {  	_ = 	snop  }
__scs_overlays_trampoline_lowered:
0x8: {  	[smem:$0x3FA2] =	sst s0  }
0x9: {  	[smem:$0x3FA3] =	sst s1  }
0xa: {  	[smem:$0x3FA4] =	sst s2  }
0xb: {  	[smem:$0x3FA5] =	sst s3  }
0xc: {  	[smem:$0x3FA6] =	sst s4  }
0xd: {  	[smem:$0x3FA7] =	sst s5  }
0xe: {  	[smem:$0x3FA8] =	sst s6  }
0xf: {  	[smem:$0x3FA9] =	sst s7  }
0x10: {  	[smem:$0x3FAA] =	sst s8  }
0x11: {  	[smem:$0x3FAB] =	sst s9;
	s0 =	simm.s32 @!p0 $0x0  }
0x12: {  	s1 =	sld [smem:$0x3F91];
	s0 =	simm.s32 @p0 $0x1  }
0x13: {  	[smem:$0x3FAC] =	sst s0;
	s0 =	simm.s32 @!p1 $0x0  }
0x14: {  	s2 =	sld [smem:$0x3F90];
	s0 =	simm.s32 @p1 $0x1  }
0x15: {  	[smem:$0x3FAD] =	sst s0;
	s0 =	simm.s32 @!p2 $0x0  }
0x16: {  	s3 =	sld [smem:$0x3FDB];
	s0 =	simm.s32 @p2 $0x1  }
0x17: {  	s4 =	simm.s32 $0x1BF5;
	[smem:$0x3FAF] =	sst s0  }
0x18: {  	s0 =	sld [smem:$0x3F92];
	_ =	swait.ge [sflag:s4], $0x0  }
0x19: {  	s7 =	sld [smem:$0x3F93]  }
0x1a: {  	s8 =	sadd.s32 $0xFFFFE003, lr  }
0x1b: {  	s9 =	sadd.s32 $0xFFFFFEF7, lr;
	s5 =	simm.s32 $0xFFFFFFFF;
	p2 =	slt.u32 s8, $0xFFFFF086  }
0x1c: {  	p1 =	slt.u32 s9, $0xF7A;
	s5 =	simm.s32 @!p2 $0x0  }
0x1d: {  	s5 =	simm.s32 @p1 $0x1;
	p0 =	seq.s32 s7, s2  }
0x1e: {  	s7 =	smul.u32 @!p0 $0xF7A, s2;
	p2 =	seq.s32 @!p0 s5, $0x0  }
0x1f: {  	s9 =	smul.u32 $0xF7A, s1;
	s8 =	simm.s32 @!p0 $0x1BF5;
	p2 =	por !p2, p0  }
0x20: {  	[sflag:s8] =	ssyncset.s32 @!p0 $0xFFFFF086;
	s6 =	sadd.s32 @!p0 s3, s7;
	s7 =	simm.s32 @!p0 $0x108  }
0x21: {  	s3 =	sadd.s32 s3, s9;
	s6 =	sadd.s32 @!p0 $0x88, s6;
	s7 =	simm.s32 @p2 $0x1082  }
0x22: {  	[simem:s7], [sflag:s8] =	dma.local @!p0 [hbm:s6], $0xF7A  }
0x23: {  	s9 =	sor.u32 $0xD0000000, s2;
	s6 =	simm.s32 $0x108;
	_ =	swait.ge @!p0 [sflag:s8], $0x0  }
0x24: {  	s3 =	sadd.s32 $0x88, s3;
	s6 =	simm.s32 @!p1 $0x1082;
	[sflag:s4] =	ssyncset.s32 $0xFFFFF086  }
0x25: {  	[simem:s6], [sflag:s4] =	dma.local [hbm:s3], $0xF7A  }
0x26: {  	[smem:$0x3F93] =	sst s1;
	(tag) =	ssettag s2;
	_ =	strace s9  }
0x27: {  	s1 =	sld [smem:$0x3FA3]  }
0x28: {  	s2 =	sld [smem:$0x3FA4]  }
0x29: {  	s4 =	sld [smem:$0x3FA6]  }
0x2a: {  	p0 =	seq.s32 s5, $0x0;
	s5 =	sld [smem:$0x3FA7]  }
0x2b: {  	s6 =	sld [smem:$0x3FA8]  }
0x2c: {  	s7 =	sld [smem:$0x3FA9]  }
0x2d: {  	s3 =	simm.s32 $0x108;
	s8 =	sld [smem:$0x3FAA]  }
0x2e: {  	s3 =	simm.s32 @!p0 $0x1082;
	s9 =	sld [smem:$0x3FAB]  }
0x2f: {  	lr =	sadd.s32 s0, s3;
	s0 =	sld [smem:$0x3FA2]  }
0x30: {  	s3 =	sld [smem:$0x3FA5]  }
0x31: {  	[smem:$0x3FAE] =	sst s10  }
0x32: {  	s10 =	sld [smem:$0x3FAC];
	_ =	sdelay $0x3  }
0x33: {  	p0 =	seq.s32 s10, $0x1;
	s10 =	sld [smem:$0x3FAE];
	_ =	sdelay $0x3  }
0x34: {  	[smem:$0x3FAE] =	sst s10  }
0x35: {  	s10 =	sld [smem:$0x3FAD];
	_ =	sdelay $0x3  }
0x36: {  	p1 =	seq.s32 s10, $0x1;
	s10 =	sld [smem:$0x3FAE];
	_ =	sdelay $0x3  }
0x37: {  	[smem:$0x3FAE] =	sst s10  }
0x38: {  	s10 =	sld [smem:$0x3FAF]  }
0x39: {  	_ = 	snop;
	(pc) =	sbr.ind lr, $3  }
0x3a: {  	_ = 	snop  }
0x3b: {  	_ = 	snop  }
0x3c: {  	p2 =	seq.s32 s10, $0x1;
	s10 =	sld [smem:$0x3FAE]  }
0x3d: {  	_ =	shalt  }
0x3e: {  	_ =	shalt  }
0x3f: {  	_ =	shalt  }
0x40: {  	_ =	shalt  }
0x41: {  	_ =	shalt  }
0x42: {  	_ =	shalt  }
0x43: {  	_ =	shalt  }
0x44: {  	_ =	shalt  }
0x45: {  	_ =	shalt  }
0x46: {  	_ =	shalt  }
0x47: {  	_ =	shalt  }
0x48: {  	_ =	shalt  }
0x49: {  	_ =	shalt  }
0x4a: {  	_ =	shalt  }
0x4b: {  	_ =	shalt  }
0x4c: {  	_ =	shalt  }
0x4d: {  	_ =	shalt  }
0x4e: {  	_ =	shalt  }
0x4f: {  	_ =	shalt  }
0x50: {  	_ =	shalt  }
0x51: {  	_ =	shalt  }
0x52: {  	_ =	shalt  }
0x53: {  	_ =	shalt  }
0x54: {  	_ =	shalt  }
0x55: {  	_ =	shalt  }
0x56: {  	_ =	shalt  }
0x57: {  	_ =	shalt  }
0x58: {  	_ =	shalt  }
0x59: {  	_ =	shalt  }
0x5a: {  	_ =	shalt  }
0x5b: {  	_ =	shalt  }
0x5c: {  	_ =	shalt  }
0x5d: {  	_ =	shalt  }
0x5e: {  	_ =	shalt  }
0x5f: {  	_ =	shalt  }
0x60: {  	_ =	shalt  }
0x61: {  	_ =	shalt  }
0x62: {  	_ =	shalt  }
0x63: {  	_ =	shalt  }
0x64: {  	_ =	shalt  }
0x65: {  	_ =	shalt  }
0x66: {  	_ =	shalt  }
0x67: {  	_ =	shalt  }
0x68: {  	_ =	shalt  }
0x69: {  	_ =	shalt  }
0x6a: {  	_ =	shalt  }
0x6b: {  	_ =	shalt  }
0x6c: {  	_ =	shalt  }
0x6d: {  	_ =	shalt  }
0x6e: {  	_ =	shalt  }
0x6f: {  	_ =	shalt  }
0x70: {  	_ =	shalt  }
0x71: {  	_ =	shalt  }
0x72: {  	_ =	shalt  }
0x73: {  	_ =	shalt  }
0x74: {  	_ =	shalt  }
0x75: {  	_ =	shalt  }
0x76: {  	_ =	shalt  }
0x77: {  	_ =	shalt  }
0x78: {  	_ =	shalt  }
0x79: {  	_ =	shalt  }
0x7a: {  	_ =	shalt  }
0x7b: {  	_ =	shalt  }
0x7c: {  	_ =	shalt  }
0x7d: {  	_ =	shalt  }
0x7e: {  	_ =	shalt  }
0x7f: {  	_ =	shalt  }
0x80: {  	_ =	shalt  }
0x81: {  	_ =	shalt  }
0x82: {  	_ =	shalt  }
0x83: {  	_ =	shalt  }
0x84: {  	_ =	shalt  }
0x85: {  	_ =	shalt  }
0x86: {  	_ =	shalt  }
0x87: {  	_ =	shalt  }
.Lfunc_end0:
.L_simem_size_0:
called_computation.3_lowered:
.L_overlay_start_0:
0x88: {  	s2 =	sld [smem:$0x3FD9]  }
0x89: {  	s3 =	sld [smem:$0x3FFE];
	_ =	sdelay $0x1  }
0x8a: {  	s1 =	srdreg.scid  }
0x8b: {  	s0 =	sand.u32 $0x1, s1  }
0x8c: {  	s16 =	sshll.u32 s0, $0xA;
	s2 =	sadd.s32 s3, s2  }
0x8d: {  	s2 =	sadd.s32 s2, s16  }
0x8e: {  	[smem:$0x3FBA] =	sst s2  }
0x8f: {  	_ = 	snop  }
0x90: {  	(tm) =	ssettm $0x1  }
0x91: {  	s17 =	sld [smem:$0x3FFB];
	_ =	sdelay $0x3  }
0x92: {  	_ =	strace s17  }
0x93: {  	s2 =	sld [smem:$0x3FFC];
	_ =	sdelay $0x3  }
0x94: {  	_ =	strace s2  }
0x95: {  	s2 =	sld [smem:$0x3FFD];
	_ =	sdelay $0x3  }
0x96: {  	_ =	strace s2  }
0x97: {  	_ =	strace $0x8FFFFFFF  }
0x98: {  	s18 =	sld [smem:$0x3FDB];
	_ =	sdelay $0x1  }
0x99: {  	s19 =	simm.s32 $_scs_section_size  }
0x9a: {  	s4 =	simm.s32 $_size__tile_overlayer_lowered;
	s5 =	simm.s32 $_tile_overlayer_lowered  }
0x9b: {  	s22 =	simm.s32 $0x1BFF;
	s21 =	sshll.u32 s5, $0x1;
	s2 =	sadd.s32 s19, s18  }
0x9c: {  	s6 =	simm.s32 $0x0;
	s20 =	sshll.u32 s4, $0x1;
	s4 =	sadd.s32 s21, s2  }
0x9d: {  	[timem:s6], [sflag:s22] =	dma.local [hbm:s4], s20  }
0x9e: {  	_ =	swait.ge [sflag:s22], s20  }
0x9f: {  	s3 =	ssub.s32 $0x0, s20;
	[sflag:s22] =	ssyncset.done $0x0  }
0xa0: {  	[sflag:s22] =	ssyncadd.s32 s3;
	_ =	sdelay $0x1  }
0xa1: {  	s23 =	simm.s32 $0x1B8B  }
0xa2: {  	_ =	swait.ge [sflag:s23], $0x1  }
0xa3: {  	[sflag:s23] =	ssyncset.done $0x0  }
0xa4: {  	s25 =	simm.s32 $0x1B8E;
	s24 =	sld [smem:$0x3FFE];
	[sflag:s23] =	ssyncadd.s32 $0xFFFFFFFF  }
0xa5: {  	s26 =	simm.s32 $execute0_lowered;
	[smem:$0x3FD2] =	sst s25  }
0xa6: {  	s4 =	sshll.u32 s26, $0x1;
	_ =	strace $0x8000004F;
	[dreg:$0x1] =	wrdreg $0xFFFFFFFF  }
0xa7: {  	s28 =	simm.s32 $_size_execute0_lowered;
	s2 =	sadd.s32 s2, s4;
	[dreg:$0x0] =	wrdreg $0x0  }
0xa8: {  	s4 =	sshll.u32 s28, $0x1;
	[dreg:$0x2] =	wrdreg s2  }
0xa9: {  	[dreg:$0x3] =	wrdreg s4  }
0xaa: {  	[dreg:$0x4] =	wrdreg $0xC0  }
0xab: {  	_ =	task [dreg:s6], $0x5FFFF  }
0xac: {  	[dreg:$0x1] =	wrdreg $0xFFFFFFFF  }
0xad: {  	[dreg:$0x0] =	wrdreg $0x60  }
0xae: {  	[dreg:$0x2] =	wrdreg s24  }
0xaf: {  	[dreg:$0x3] =	wrdreg $0x95000  }
0xb0: {  	[dreg:$0x4] =	wrdreg $0x9  }
0xb1: {  	_ =	task.clear_ibuf [dreg:s6], $0x5FFFF;
	_ =	strace $0x9000004F  }
0xb2: {  	s29 =	simm.s32 $0x9;
	_ =	strace $0x80000051  }
0xb3: {  	_ =	swait.ge [sflag:s29], $0x1  }
0xb4: {  	[sflag:s29] =	ssyncadd.s32 $0xFFFFFFFF  }
0xb5: {  	_ =	strace $0x90000051  }
0xb6: {  	_ =	sfence  }
0xb7: {  	s30 =	sld [smem:$0x0];
	_ =	sdelay $0x2  }
0xb8: {  	s31 =	sshll.u32 s1, $0xD;
	s1 =	sshrl.u32 s1, $0x2  }
0xb9: {  	s3 =	sand.u32 $0x4000, s31;
	s1 =	sadd.s32 s1, s30  }
0xba: {  	s0 =	sor.u32 s3, s0;
	s1 =	sshll.u32 s1, $0x11  }
0xbb: {  	s0 =	sor.u32 s1, s0  }
0xbc: {  	s0 =	sadd.s32 $0x8F2B, s0  }
0xbd: {  	[sflag:s0] =	ssyncadd.remote.s32 $0x1  }
0xbe: {  	_ =	sfence.sel $0xFFFF  }
0xbf: {  	[dreg:$0x0] =	wrdreg $0xFFFFFFFF;
	(pc) =	sbr.abs _section_cstart, $3  }
0xc0: {  	[dreg:$0x1] =	wrdreg $0xFFFFFFFF  }
0xc1: {  	_ =	task.clear_ibuf [dreg:s6], $0x2FFFF;
	_ =	strace $0x9FFFFFFF  }
0xc2: {  	(tm) =	ssettm $0x7FFFFFFF  }
0xc3: {  	_ =	shalt  }
tec
execute0_lowered:
.L_overlay_start_1:
0x0: {  	(tag) =	ssettag $0x1  }
0x1: {  	s0 =	rddreg [dreg:$0x0]  }
0x2: {  	s1 =	rddreg [dreg:$0x1]  }
0x3: {  	s3 =	simm.s32 $0x0;
	s14 =	stileid.u32;
	s7 =	srdreg.scid  }
0x4: {  	s28 =	simm.s32 $0x500;
	s30 =	simm.s32 $0x1500;
	s31 =	simm.s32 $0x0  }
0x5: {  	[smem:$0x7FF] =	sst s3;
	s4 =	sadd.s32 $0x11C00, s0;
	s2 =	smul.u32 $0x13C00, s14  }
0x6: {  	s5 =	sadd.s32 $0x7A00, s0;
	s6 =	sadd.s32 $0x20E00, s0;
	s9 =	smul.u32 $0x27800, s14  }
0x7: {  	s21 =	sand.u32 $0x1, s7;
	s7 =	sadd.s32 $0x1BE00, s0;
	s13 =	smul.u32 $0x5100, s14  }
0x8: {  	s8 =	sadd.s32 $0xC2E00, s0;
	s25 =	sshll.u32 s14, $0x6;
	s19 =	smul.u32 $0x28800, s14  }
0x9: {  	s14 =	simm.s32 $0x400;
	_ =	strace $0x80000050;
	s10 =	sshll.u32 s21, $0x7  }
0xa: {  	s24 =	ssub.s32 $0x2, s21;
	s25 =	sor.u32 $0x1C07, s25;
	s18 =	smul.u32 $0x288000, s21  }
0xb: {  	s22 =	smul.u32 $0x2780, s21;
	s11 =	sshrl.u32 s2, $0x3;
	s9 =	sor.u32 s10, s9  }
0xc: {  	s12 =	sshrl.u32 s24, $0x1;
	s2 =	sadd.s32 s2, s1;
	s26 =	sshrl.u32 s13, $0x3  }
0xd: {  	s23 =	sadd.s32 s13, s6;
	[dreg:$0x4] =	wrdreg s25;
	s9 =	sshrl.u32 s9, $0x3  }
0xe: {  	s11 =	sadd.s32 s11, s0;
	s15 =	sadd.s32 s4, s26;
	s16 =	sadd.s32 s5, s26  }
0xf: {  	s17 =	sor.u32 $0x10, s26;
	s20 =	sshrl.u32 s18, $0x3;
	s29 =	sshrl.u32 s2, $0x3  }
0x10: {  	s2 =	simm.s32 $0x2;
	v1 =	vmov s22;
	s22 =	simm.s32 $0x7;
	s0 =	sadd.s32 s9, s0  }
0x11: {  	s9 =	ssub.s32 s24, s12;
	s11 =	sadd.s32 $0x111E00, s11;
	[dreg:$0x5] =	wrdreg s15  }
0x12: {  	[dreg:$0x6] =	wrdreg s16;
	s12 =	sadd.s32 s4, s17;
	s10 =	sadd.s32 s5, s17  }
0x13: {  	s15 =	sadd.s32 s19, s18;
	s16 =	sadd.s32 $0x100, s13;
	[dreg:$0xb] =	wrdreg s29  }
0x14: {  	s24 =	sadd.s32 s20, s23;
	s18 =	sadd.s32 $0x180, s13;
	[dreg:$0x3] =	wrdreg s11  }
0x15: {  	s23 =	simm.s32 $0x900;
	s13 =	simm.s32 $0x3;
	[dreg:$0x7] =	wrdreg s12  }
0x16: {  	s19 =	simm.s32 $0x4;
	s20 =	simm.s32 $0x480;
	[dreg:$0x8] =	wrdreg s10  }
0x17: {  	s17 =	sadd.s32 $0x80, s24;
	s0 =	sadd.s32 $0x139600, s0;
	s26 =	smax.u32 s9, $0x1  }
0x18: {  	s24 =	simm.s32 $0x80;
	s9 =	simm.s32 $0x5500;
	s11 =	simm.s32 $0x380  }
0x19: {  	v2 =	vlaneseq.u32;
	s12 =	simm.s32 $0x1100;
	s10 =	simm.s32 $0x6;
	[dreg:$0x9] =	wrdreg s0  }
0x1a: {  	v2 =	vand.u32 $0x3, v2;
	v0 =	vmov s21;
	[dreg:$0xa] =	wrdreg s26;
	s26 =	simm.s32 $0x1;
	s0 =	simm.s32 $0xD00  }
.LBB2_1:
0x1b: {  	[dreg:$0xc] =	wrdreg s31  }
0x1c: {  	s21 =	rddreg [dreg:$0x3]  }
0x1d: {  	[spmem:s29], [sflag:s25] =	dma.local [hbm:s21], $0x2780  }
0x1e: {  	_ =	swait.ge [sflag:s22], $0x2780  }
0x1f: {  	[sflag:s22] =	ssyncset.done $0x0  }
0x20: {  	[sflag:s22] =	ssyncadd.s32 $0xFFFFD880  }
0x21: {  	[bflag:$0x0] =	sbarrier.arrive $0xFFFF  }
0x22: {  	s25 =	rddreg [dreg:$0x5]  }
0x23: {  	[tilespmem:s3], [sflag:$0x1] =	stream.linear.gather [hbm4b:s25+s3], $0x80, $0x38;
	[tilespmem:$0x1D100] =	vst v63  }
0x24: {  	s31 =	simm.s32 $0x100;
	s29 =	rddreg [dreg:$0x6]  }
0x25: {  	[tilespmem:s31], [sflag:$0x1] =	stream.linear.gather [hbm4b:s29+s3], $0x80, $0x38;
	[tilespmem:$0x1D100] =	vst v63  }
0x26: {  	s25 =	rddreg [dreg:$0x7]  }
0x27: {  	[tilespmem:s24], [sflag:$0x2] =	stream.linear.gather [hbm4b:s25+s3], $0x80, $0x38;
	[tilespmem:$0x1D100] =	vst v63  }
0x28: {  	s22 =	simm.s32 $0x0;
	s29 =	rddreg [dreg:$0x8];
	s31 =	simm.s32 $0x180  }
0x29: {  	[tilespmem:s31], [sflag:$0x2] =	stream.linear.gather [hbm4b:s29+s3], $0x80, $0x38;
	[tilespmem:$0x1D100] =	vst v63  }
.LBB2_2:
0x2a: {  	p0 =	seq.s32 s22, $0x0  }
0x2b: {  	s21 =	simm.s32 @!p0 $0x5  }
0x2c: {  	_ =	swait.ge @!p0 [sflag:s21], $0x4000  }
0x2d: {  	[sflag:s21] =	ssyncset.done @!p0 $0x0  }
0x2e: {  	[sflag:s21] =	ssyncadd.s32 @!p0 $0xFFFFC000  }
0x2f: {  	_ =	swait.ge [sflag:s26], $0x80  }
0x30: {  	[sflag:s26] =	ssyncset.done $0x0  }
0x31: {  	[sflag:s26] =	ssyncadd.s32 $0xFFFFFF80  }
0x32: {  	_ =	swait.ge [sflag:s26], $0x80  }
0x33: {  	[sflag:s26] =	ssyncset.done $0x0  }
0x34: {  	[sflag:s26] =	ssyncadd.s32 $0xFFFFFF80  }
0x35: {  	v3 =	vld [tilespmem:$0x0];
	_ =	sdelay $0x1  }
0x36: {  	v4 =	vld [tilespmem:$0x100]  }
0x37: {  	v5 =	vld [tilespmem:$0x10];
	_ =	sdelay $0x1  }
0x38: {  	v6 =	vld [tilespmem:$0x110];
	v3 =	vshll.u32 v3, $0x1  }
0x39: {  	v7 =	vld [tilespmem:$0x20];
	v3 =	vor.u32 v0, v3  }
0x3a: {  	[tilespmem:$0x200] =	vst v3;
	v3 =	vadd.s32 v1, v4  }
0x3b: {  	[tilespmem:$0x300] =	vst v3;
	v3 =	vshll.u32 v5, $0x1;
	v5 =	vld [tilespmem:$0x120]  }
0x3c: {  	[tilespmem:$0x400] =	vst v4;
	v4 =	vld [tilespmem:$0x30];
	v3 =	vor.u32 v0, v3  }
0x3d: {  	[tilespmem:$0x210] =	vst v3;
	v3 =	vadd.s32 v1, v6  }
0x3e: {  	[tilespmem:$0x310] =	vst v3;
	v3 =	vshll.u32 v7, $0x1;
	v7 =	vld [tilespmem:$0x130]  }
0x3f: {  	[tilespmem:$0x410] =	vst v6;
	v6 =	vld [tilespmem:$0x40];
	v3 =	vor.u32 v0, v3  }
0x40: {  	[tilespmem:$0x220] =	vst v3;
	v3 =	vadd.s32 v1, v5  }
0x41: {  	[tilespmem:$0x320] =	vst v3;
	v3 =	vshll.u32 v4, $0x1;
	v4 =	vld [tilespmem:$0x140]  }
0x42: {  	[tilespmem:$0x420] =	vst v5;
	v5 =	vld [tilespmem:$0x50];
	v3 =	vor.u32 v0, v3  }
0x43: {  	[tilespmem:$0x230] =	vst v3;
	v3 =	vadd.s32 v1, v7  }
0x44: {  	[tilespmem:$0x330] =	vst v3;
	v3 =	vshll.u32 v6, $0x1;
	v6 =	vld [tilespmem:$0x150]  }
0x45: {  	[tilespmem:$0x430] =	vst v7;
	v7 =	vld [tilespmem:$0x60];
	v3 =	vor.u32 v0, v3  }
0x46: {  	[tilespmem:$0x240] =	vst v3;
	v3 =	vadd.s32 v1, v4  }
0x47: {  	[tilespmem:$0x340] =	vst v3;
	v3 =	vshll.u32 v5, $0x1;
	v5 =	vld [tilespmem:$0x160]  }
0x48: {  	[tilespmem:$0x440] =	vst v4;
	v4 =	vld [tilespmem:$0x70];
	v3 =	vor.u32 v0, v3  }
0x49: {  	[tilespmem:$0x250] =	vst v3;
	v3 =	vadd.s32 v1, v6  }
0x4a: {  	[tilespmem:$0x350] =	vst v3;
	v3 =	vshll.u32 v7, $0x1  }
0x4b: {  	[tilespmem:$0x450] =	vst v6;
	v7 =	vld [tilespmem:$0x170];
	v3 =	vor.u32 v0, v3  }
0x4c: {  	[tilespmem:$0x260] =	vst v3;
	v3 =	vadd.s32 v1, v5  }
0x4d: {  	[tilespmem:$0x360] =	vst v3;
	v3 =	vshll.u32 v4, $0x1  }
0x4e: {  	s25 =	sshll.u32 s22, $0xB;
	[tilespmem:$0x460] =	vst v5;
	v3 =	vor.u32 v0, v3  }
0x4f: {  	s21 =	sadd.s32 s25, s15;
	[tilespmem:$0x270] =	vst v3  }
0x50: {  	s21 =	sshrl.u32 s21, $0x3;
	v3 =	vadd.s32 v1, v7;
	[tilespmem:$0x470] =	vst v7  }
0x51: {  	s29 =	sshll.u32 s22, $0x8;
	p0 =	seq.s32 s22, $0x50;
	s21 =	sadd.s32 s6, s21;
	[tilespmem:$0x370] =	vst v3  }
0x52: {  	[tilespmem:s28], [sflag:$0x3] =	stream.linear.gather [hbm4b:s21+s3], $0x400, $0x38;
	[tilespmem:$0x1D100] =	vst v63  }
0x53: {  	s31 =	simm.s32 $0x200;
	s21 =	sadd.s32 @!p0 s29, s16  }
0x54: {  	[tilespmem:s30], [sflag:$0x3] =	stream.indirect.gather [hbm4b:s8+s24], $0x80, s31, s24, $0xb8;
	[tilespmem:$0x1D100] =	vst v63  }
0x55: {  	s25 =	simm.s32 $0x300;
	s31 =	sshrl.u32 @!p0 s21, $0x3  }
0x56: {  	[tilespmem:s0], [sflag:$0x3] =	stream.indirect.gather [hbm4b:s7+s24], $0x8, s25, s24, $0xb8;
	[tilespmem:$0x1D100] =	vst v63  }
0x57: {  	p1 =	seq.s32 @!p0 s22, $0x0;
	s21 =	simm.s32 @!p0 $0x0;
	s25 =	sadd.s32 @!p0 s4, s31  }
0x58: {  	[tilespmem:s21], [sflag:$0x1] =	stream.linear.gather @!p0 [hbm4b:s25+s21], $0x80, $0x38;
	[tilespmem:$0x1D100] =	vst v63  }
0x59: {  	p1 =	por p0, !p1;
	s25 =	sadd.s32 @!p0 s5, s31;
	s31 =	simm.s32 @!p0 $0x100  }
0x5a: {  	[tilespmem:s31], [sflag:$0x1] =	stream.linear.gather @!p0 [hbm4b:s25+s21], $0x80, $0x38;
	[tilespmem:$0x1D100] =	vst v63  }
0x5b: {  	_ =	swait.ge @p1 [sflag:s10], $0x4000  }
0x5c: {  	[sflag:s10] =	ssyncset.done @p1 $0x0  }
0x5d: {  	[sflag:s10] =	ssyncadd.s32 @p1 $0xFFFFC000  }
0x5e: {  	_ =	swait.ge [sflag:s2], $0x80  }
0x5f: {  	[sflag:s2] =	ssyncset.done $0x0  }
0x60: {  	[sflag:s2] =	ssyncadd.s32 $0xFFFFFF80  }
0x61: {  	_ =	swait.ge [sflag:s2], $0x80  }
0x62: {  	[sflag:s2] =	ssyncset.done $0x0  }
0x63: {  	[sflag:s2] =	ssyncadd.s32 $0xFFFFFF80  }
0x64: {  	v3 =	vld [tilespmem:$0x80];
	_ =	sdelay $0x1  }
0x65: {  	v4 =	vld [tilespmem:$0x180]  }
0x66: {  	v5 =	vld [tilespmem:$0x90];
	_ =	sdelay $0x1  }
0x67: {  	v6 =	vld [tilespmem:$0x190];
	v3 =	vshll.u32 v3, $0x1  }
0x68: {  	v7 =	vld [tilespmem:$0xA0];
	v3 =	vor.u32 v0, v3  }
0x69: {  	[tilespmem:$0x280] =	vst v3;
	v3 =	vadd.s32 v1, v4  }
0x6a: {  	[tilespmem:$0x380] =	vst v3;
	v3 =	vshll.u32 v5, $0x1;
	v5 =	vld [tilespmem:$0x1A0]  }
0x6b: {  	[tilespmem:$0x480] =	vst v4;
	v4 =	vld [tilespmem:$0xB0];
	v3 =	vor.u32 v0, v3  }
0x6c: {  	[tilespmem:$0x290] =	vst v3;
	v3 =	vadd.s32 v1, v6  }
0x6d: {  	[tilespmem:$0x390] =	vst v3;
	v3 =	vshll.u32 v7, $0x1;
	v7 =	vld [tilespmem:$0x1B0]  }
0x6e: {  	[tilespmem:$0x490] =	vst v6;
	v6 =	vld [tilespmem:$0xC0];
	v3 =	vor.u32 v0, v3  }
0x6f: {  	[tilespmem:$0x2A0] =	vst v3;
	v3 =	vadd.s32 v1, v5  }
0x70: {  	[tilespmem:$0x3A0] =	vst v3;
	v3 =	vshll.u32 v4, $0x1;
	v4 =	vld [tilespmem:$0x1C0]  }
0x71: {  	[tilespmem:$0x4A0] =	vst v5;
	v5 =	vld [tilespmem:$0xD0];
	v3 =	vor.u32 v0, v3  }
0x72: {  	[tilespmem:$0x2B0] =	vst v3;
	v3 =	vadd.s32 v1, v7  }
0x73: {  	[tilespmem:$0x3B0] =	vst v3;
	v3 =	vshll.u32 v6, $0x1;
	v6 =	vld [tilespmem:$0x1D0]  }
0x74: {  	[tilespmem:$0x4B0] =	vst v7;
	v7 =	vld [tilespmem:$0xE0];
	v3 =	vor.u32 v0, v3  }
0x75: {  	[tilespmem:$0x2C0] =	vst v3;
	v3 =	vadd.s32 v1, v4  }
0x76: {  	[tilespmem:$0x3C0] =	vst v3;
	v3 =	vshll.u32 v5, $0x1;
	v5 =	vld [tilespmem:$0x1E0]  }
0x77: {  	[tilespmem:$0x4C0] =	vst v4;
	v4 =	vld [tilespmem:$0xF0];
	v3 =	vor.u32 v0, v3  }
0x78: {  	[tilespmem:$0x2D0] =	vst v3;
	v3 =	vadd.s32 v1, v6  }
0x79: {  	[tilespmem:$0x3D0] =	vst v3;
	v3 =	vshll.u32 v7, $0x1  }
0x7a: {  	[tilespmem:$0x4D0] =	vst v6;
	v7 =	vld [tilespmem:$0x1F0];
	v3 =	vor.u32 v0, v3  }
0x7b: {  	[tilespmem:$0x2E0] =	vst v3;
	v3 =	vadd.s32 v1, v5  }
0x7c: {  	[tilespmem:$0x3E0] =	vst v3;
	v3 =	vshll.u32 v4, $0x1  }
0x7d: {  	[tilespmem:$0x4E0] =	vst v5;
	v3 =	vor.u32 v0, v3  }
0x7e: {  	[tilespmem:$0x2F0] =	vst v3  }
0x7f: {  	v3 =	vadd.s32 v1, v7;
	[tilespmem:$0x4F0] =	vst v7  }
0x80: {  	s31 =	sadd.s32 s29, s17;
	[tilespmem:$0x3F0] =	vst v3  }
0x81: {  	[tilespmem:s23], [sflag:$0x4] =	stream.linear.gather [hbm4b:s31+s3], $0x400, $0x38;
	[tilespmem:$0x1D100] =	vst v63  }
0x82: {  	s25 =	sadd.s32 @!p0 s29, s18;
	s31 =	simm.s32 $0x280  }
0x83: {  	[tilespmem:s9], [sflag:$0x4] =	stream.indirect.gather [hbm4b:s8+s24], $0x80, s31, s24, $0xb8;
	[tilespmem:$0x1D100] =	vst v63  }
0x84: {  	s25 =	sshrl.u32 @!p0 s25, $0x3  }
0x85: {  	[tilespmem:s12], [sflag:$0x4] =	stream.indirect.gather [hbm4b:s7+s24], $0x8, s11, s24, $0xb8;
	[tilespmem:$0x1D100] =	vst v63  }
0x86: {  	s29 =	sadd.s32 @!p0 s4, s25;
	s31 =	simm.s32 @!p0 $0x80  }
0x87: {  	[tilespmem:s31], [sflag:$0x2] =	stream.linear.gather @!p0 [hbm4b:s29+s21], $0x80, $0x38;
	[tilespmem:$0x1D100] =	vst v63  }
0x88: {  	s25 =	sadd.s32 @!p0 s5, s25;
	s29 =	simm.s32 @!p0 $0x180  }
0x89: {  	[tilespmem:s29], [sflag:$0x2] =	stream.linear.gather @!p0 [hbm4b:s25+s21], $0x80, $0x38;
	[tilespmem:$0x1D100] =	vst v63  }
0x8a: {  	_ =	swait.ge [sflag:s13], $0x400  }
0x8b: {  	[sflag:s13] =	ssyncset.done $0x0  }
0x8c: {  	[sflag:s13] =	ssyncadd.s32 $0xFFFFFC00  }
0x8d: {  	s25 =	simm.s32 $0x0;
	_ =	swait.ge [sflag:s13], $0x4000  }
0x8e: {  	v3 =	vor.u32 s25, v2;
	[sflag:s13] =	ssyncset.done $0x0  }
0x8f: {  	[sflag:s13] =	ssyncadd.s32 $0xFFFFC000  }
0x90: {  	_ =	swait.ge [sflag:s13], $0x400  }
0x91: {  	[sflag:s13] =	ssyncset.done $0x0  }
0x92: {  	[sflag:s13] =	ssyncadd.s32 $0xFFFFFC00  }
0x93: {  	v4 =	vld.idx.msk [tilespmem:v3+s0+$0x0], $0xffff  }
0x94: {  	v3 =	vld.idx.msk [tilespmem:v3+s28+$0x0], $0xffff  }
0x95: {  	s21 =	simm.s32 $0x1540  }
0x96: {  	v5 =	vld [tilespmem:s21+$0xFFFFFFF0]  }
0x97: {  	v6 =	vld [tilespmem:s21+$0x30]  }
0x98: {  	v7 =	vld [tilespmem:s21+$0xFFFFFFC0]  }
0x99: {  	v8 =	vld [tilespmem:s21+$0xFFFFFFD0];
	v3 =	vmul.f32 v4, v3  }
0x9a: {  	v4 =	vld [tilespmem:s21+$0xFFFFFFE0]  }
0x9b: {  	v9 =	vld [tilespmem:s21+$0x10];
	v10 =	vbroadcast v3, $0x0  }
0x9c: {  	v11 =	vld [tilespmem:s21+$0x0]  }
0x9d: {  	v13 =	vld [tilespmem:s21+$0x20];
	v12 =	vbroadcast v3, $0x1;
	v7 =	vmul.f32 v10, v7  }
0x9e: {  	v8 =	vmul.f32 v8, v10  }
0x9f: {  	v63 =	vbroadcast v3, $0x2;
	v14 =	vmul.f32 v4, v12;
	[tilespmem:s21+$0xFFFFFFC0] =	vst v7  }
0xa0: {  	v15 =	vbroadcast v3, $0x3;
	v12 =	vmul.f32 v5, v12;
	[tilespmem:s21+$0xFFFFFFD0] =	vst v8  }
0xa1: {  	s31 =	simm.s32 $0x8;
	v3 =	vmul.f32 v9, v63;
	v4 =	vmul.f32 v11, v63;
	[tilespmem:s21+$0xFFFFFFE0] =	vst v14  }
0xa2: {  	s29 =	simm.s32 $0x2;
	v5 =	vmul.f32 v6, v15;
	v6 =	vor.u32 s31, v2;
	v7 =	vmul.f32 v13, v15;
	[tilespmem:s21+$0xFFFFFFF0] =	vst v12  }
.LBB2_3:
0xa3: {  	p0 =	sne.s32 s29, $0x7F;
	[tilespmem:s21+$0x0] =	vst v4  }
0xa4: {  	[tilespmem:s21+$0x10] =	vst v3  }
0xa5: {  	[tilespmem:s21+$0x20] =	vst v7  }
0xa6: {  	[tilespmem:s21+$0x30] =	vst v5  }
0xa7: {  	v3 =	vld.idx.msk [tilespmem:v6+s0+$0x0], $0xffff  }
0xa8: {  	s21 =	sadd.s32 $0x80, s21;
	v4 =	vld.idx.msk [tilespmem:v6+s28+$0x0], $0xffff  }
0xa9: {  	v5 =	vld [tilespmem:s21+$0xFFFFFFF0]  }
0xaa: {  	v6 =	vld [tilespmem:s21+$0x30]  }
0xab: {  	v7 =	vld [tilespmem:s21+$0x10]  }
0xac: {  	v8 =	vld [tilespmem:s21+$0xFFFFFFD0]  }
0xad: {  	v9 =	vld [tilespmem:s21+$0xFFFFFFC0]  }
0xae: {  	v3 =	vmul.f32 v3, v4;
	v4 =	vld [tilespmem:s21+$0xFFFFFFE0]  }
0xaf: {  	v10 =	vld [tilespmem:s21+$0x0]  }
0xb0: {  	v11 =	vbroadcast v3, $0x0;
	v12 =	vbroadcast v3, $0x1;
	v13 =	vld [tilespmem:s21+$0x20]  }
0xb1: {  	v14 =	vbroadcast v3, $0x2;
	v15 =	vbroadcast v3, $0x3  }
0xb2: {  	v8 =	vmul.f32 v8, v11;
	v3 =	vmul.f32 v11, v9  }
.Ltmp0:
0xb3: {  	v11 =	vmul.f32 v5, v12;
	v9 =	vmul.f32 v4, v12;
	(pc) =	sbr.rel @p0 .LBB2_3-.Ltmp0, $4  }
0xb4: {  	[tilespmem:s21+$0xFFFFFFC0] =	vst v3;
	v4 =	vmul.f32 v10, v14;
	v3 =	vmul.f32 v7, v14  }
0xb5: {  	v5 =	vmul.f32 v6, v15;
	[tilespmem:s21+$0xFFFFFFD0] =	vst v8;
	v7 =	vmul.f32 v13, v15  }
0xb6: {  	s25 =	sshll.u32 s29, $0x3;
	[tilespmem:s21+$0xFFFFFFE0] =	vst v9  }
0xb7: {  	s29 =	sadd.s32 $0x1, s29;
	v6 =	vor.u32 s25, v2;
	[tilespmem:s21+$0xFFFFFFF0] =	vst v11  }
0xb8: {  	[tilespmem:s21+$0x0] =	vst v4  }
0xb9: {  	[tilespmem:s21+$0x10] =	vst v3  }
0xba: {  	[tilespmem:s21+$0x20] =	vst v7  }
0xbb: {  	[tilespmem:s21+$0x30] =	vst v5  }
0xbc: {  	v3 =	vld.idx.msk [tilespmem:v6+s0+$0x0], $0xffff  }
0xbd: {  	v4 =	vld.idx.msk [tilespmem:v6+s28+$0x0], $0xffff;
	_ =	sdelay $0x2  }
0xbe: {  	s25 =	sadd.s32 $0x80, s21  }
0xbf: {  	v5 =	vld [tilespmem:s25+$0xFFFFFFC0]  }
0xc0: {  	v6 =	vld [tilespmem:s25+$0xFFFFFFD0];
	v3 =	vmul.f32 v3, v4  }
0xc1: {  	v4 =	vld [tilespmem:s25+$0xFFFFFFE0]  }
0xc2: {  	v7 =	vld [tilespmem:s25+$0xFFFFFFF0];
	v8 =	vbroadcast v3, $0x0  }
0xc3: {  	v9 =	vld [tilespmem:s25+$0x0]  }
0xc4: {  	v10 =	vld [tilespmem:s25+$0x10];
	v11 =	vbroadcast v3, $0x1;
	v5 =	vmul.f32 v8, v5  }
0xc5: {  	v12 =	vld [tilespmem:s25+$0x20];
	v6 =	vmul.f32 v6, v8  }
0xc6: {  	v13 =	vbroadcast v3, $0x2;
	v8 =	vld [tilespmem:s25+$0x30];
	v4 =	vmul.f32 v4, v11;
	[tilespmem:s25+$0xFFFFFFC0] =	vst v5  }
0xc7: {  	v5 =	vmul.f32 v7, v11;
	[tilespmem:s25+$0xFFFFFFD0] =	vst v6  }
0xc8: {  	v3 =	vbroadcast v3, $0x3;
	v6 =	vmul.f32 v9, v13;
	[tilespmem:s25+$0xFFFFFFE0] =	vst v4  }
0xc9: {  	v4 =	vmul.f32 v10, v13;
	[tilespmem:s25+$0xFFFFFFF0] =	vst v5  }
0xca: {  	v5 =	vmul.f32 v12, v3;
	[tilespmem:s25+$0x0] =	vst v6  }
0xcb: {  	v3 =	vmul.f32 v8, v3;
	[tilespmem:s25+$0x10] =	vst v4  }
0xcc: {  	[tilespmem:s25+$0x20] =	vst v5  }
0xcd: {  	[tilespmem:s25+$0x30] =	vst v3  }
0xce: {  	[spmem:s1] =	stream.indirect.scatter.add.f32 [tilespmem:s30], [sflag:$0x5], $0x80, s14, s24, $0xb8;
	[tilespmem:$0x1D100] =	vst v63  }
0xcf: {  	_ =	swait.ge [sflag:s19], $0x400  }
0xd0: {  	[sflag:s19] =	ssyncset.done $0x0  }
0xd1: {  	[sflag:s19] =	ssyncadd.s32 $0xFFFFFC00  }
0xd2: {  	s31 =	simm.s32 $0x0;
	_ =	swait.ge [sflag:s19], $0x4000  }
0xd3: {  	v3 =	vor.u32 s31, v2;
	[sflag:s19] =	ssyncset.done $0x0  }
0xd4: {  	[sflag:s19] =	ssyncadd.s32 $0xFFFFC000  }
0xd5: {  	_ =	swait.ge [sflag:s19], $0x400  }
0xd6: {  	[sflag:s19] =	ssyncset.done $0x0  }
0xd7: {  	[sflag:s19] =	ssyncadd.s32 $0xFFFFFC00  }
0xd8: {  	v4 =	vld.idx.msk [tilespmem:v3+s12+$0x0], $0xffff  }
0xd9: {  	v3 =	vld.idx.msk [tilespmem:v3+s23+$0x0], $0xffff  }
0xda: {  	s21 =	simm.s32 $0x5540  }
0xdb: {  	v5 =	vld [tilespmem:s21+$0xFFFFFFF0]  }
0xdc: {  	v6 =	vld [tilespmem:s21+$0x30]  }
0xdd: {  	v7 =	vld [tilespmem:s21+$0xFFFFFFC0]  }
0xde: {  	v8 =	vld [tilespmem:s21+$0xFFFFFFD0];
	v3 =	vmul.f32 v4, v3  }
0xdf: {  	v58 =	vld [tilespmem:s21+$0x10]  }
0xe0: {  	v4 =	vld [tilespmem:s21+$0xFFFFFFE0];
	v59 =	vbroadcast v3, $0x0  }
0xe1: {  	v60 =	vld [tilespmem:s21+$0x0]  }
0xe2: {  	v62 =	vld [tilespmem:s21+$0x20];
	v61 =	vbroadcast v3, $0x1;
	v7 =	vmul.f32 v59, v7  }
0xe3: {  	v8 =	vmul.f32 v8, v59  }
0xe4: {  	v63 =	vbroadcast v3, $0x2;
	v12 =	vmul.f32 v5, v61;
	[tilespmem:s21+$0xFFFFFFC0] =	vst v7  }
0xe5: {  	v15 =	vbroadcast v3, $0x3;
	v14 =	vmul.f32 v4, v61;
	[tilespmem:s21+$0xFFFFFFD0] =	vst v8  }
0xe6: {  	s25 =	simm.s32 $0x8;
	v3 =	vmul.f32 v58, v63;
	v4 =	vmul.f32 v60, v63;
	[tilespmem:s21+$0xFFFFFFF0] =	vst v12  }
0xe7: {  	s29 =	simm.s32 $0x2;
	v5 =	vmul.f32 v6, v15;
	v6 =	vor.u32 s25, v2;
	v7 =	vmul.f32 v62, v15;
	[tilespmem:s21+$0xFFFFFFE0] =	vst v14  }
.LBB2_5:
0xe8: {  	p0 =	sne.s32 s29, $0x7F;
	[tilespmem:s21+$0x0] =	vst v4  }
0xe9: {  	[tilespmem:s21+$0x10] =	vst v3  }
0xea: {  	[tilespmem:s21+$0x20] =	vst v7  }
0xeb: {  	[tilespmem:s21+$0x30] =	vst v5  }
0xec: {  	v3 =	vld.idx.msk [tilespmem:v6+s12+$0x0], $0xffff  }
0xed: {  	s21 =	sadd.s32 $0x80, s21;
	v4 =	vld.idx.msk [tilespmem:v6+s23+$0x0], $0xffff  }
0xee: {  	v5 =	vld [tilespmem:s21+$0xFFFFFFF0]  }
0xef: {  	v6 =	vld [tilespmem:s21+$0x30]  }
0xf0: {  	v7 =	vld [tilespmem:s21+$0x10]  }
0xf1: {  	v8 =	vld [tilespmem:s21+$0xFFFFFFD0]  }
0xf2: {  	v9 =	vld [tilespmem:s21+$0xFFFFFFC0]  }
0xf3: {  	v3 =	vmul.f32 v3, v4;
	v4 =	vld [tilespmem:s21+$0xFFFFFFE0]  }
0xf4: {  	v10 =	vld [tilespmem:s21+$0x0]  }
0xf5: {  	v11 =	vbroadcast v3, $0x0;
	v12 =	vbroadcast v3, $0x1;
	v13 =	vld [tilespmem:s21+$0x20]  }
0xf6: {  	v14 =	vbroadcast v3, $0x2;
	v15 =	vbroadcast v3, $0x3  }
0xf7: {  	v8 =	vmul.f32 v8, v11;
	v3 =	vmul.f32 v11, v9  }
.Ltmp1:
0xf8: {  	v11 =	vmul.f32 v5, v12;
	v9 =	vmul.f32 v4, v12;
	(pc) =	sbr.rel @p0 .LBB2_5-.Ltmp1, $4  }
0xf9: {  	[tilespmem:s21+$0xFFFFFFC0] =	vst v3;
	v4 =	vmul.f32 v10, v14;
	v3 =	vmul.f32 v7, v14  }
0xfa: {  	v5 =	vmul.f32 v6, v15;
	[tilespmem:s21+$0xFFFFFFD0] =	vst v8;
	v7 =	vmul.f32 v13, v15  }
0xfb: {  	s25 =	sshll.u32 s29, $0x3;
	[tilespmem:s21+$0xFFFFFFE0] =	vst v9  }
0xfc: {  	s29 =	sadd.s32 $0x1, s29;
	v6 =	vor.u32 s25, v2;
	[tilespmem:s21+$0xFFFFFFF0] =	vst v11  }
0xfd: {  	[tilespmem:s21+$0x0] =	vst v4  }
0xfe: {  	[tilespmem:s21+$0x10] =	vst v3  }
0xff: {  	[tilespmem:s21+$0x20] =	vst v7  }
0x100: {  	[tilespmem:s21+$0x30] =	vst v5  }
0x101: {  	v3 =	vld.idx.msk [tilespmem:v6+s12+$0x0], $0xffff  }
0x102: {  	v4 =	vld.idx.msk [tilespmem:v6+s23+$0x0], $0xffff;
	_ =	sdelay $0x2  }
0x103: {  	s31 =	sadd.s32 $0x80, s21  }
0x104: {  	v56 =	vld [tilespmem:s31+$0xFFFFFFC0]  }
0x105: {  	v57 =	vld [tilespmem:s31+$0xFFFFFFD0];
	v3 =	vmul.f32 v3, v4  }
0x106: {  	v58 =	vld [tilespmem:s31+$0xFFFFFFE0]  }
0x107: {  	v7 =	vld [tilespmem:s31+$0xFFFFFFF0];
	v8 =	vbroadcast v3, $0x0  }
0x108: {  	v9 =	vld [tilespmem:s31+$0x0]  }
0x109: {  	v10 =	vld [tilespmem:s31+$0x10];
	v11 =	vbroadcast v3, $0x1;
	v5 =	vmul.f32 v8, v56  }
0x10a: {  	v12 =	vld [tilespmem:s31+$0x20];
	v6 =	vmul.f32 v57, v8  }
0x10b: {  	v59 =	vld [tilespmem:s31+$0x30];
	v13 =	vbroadcast v3, $0x2;
	v4 =	vmul.f32 v58, v11;
	[tilespmem:s31+$0xFFFFFFC0] =	vst v5  }
0x10c: {  	v60 =	vmul.f32 v7, v11;
	[tilespmem:s31+$0xFFFFFFD0] =	vst v6  }
0x10d: {  	s22 =	sadd.s32 $0x1, s22;
	v3 =	vbroadcast v3, $0x3;
	v61 =	vmul.f32 v9, v13;
	[tilespmem:s31+$0xFFFFFFE0] =	vst v4  }
0x10e: {  	p0 =	sne.s32 s22, $0x51;
	v62 =	vmul.f32 v10, v13;
	[tilespmem:s31+$0xFFFFFFF0] =	vst v60  }
.Ltmp2:
0x10f: {  	v63 =	vmul.f32 v12, v3;
	[tilespmem:s31+$0x0] =	vst v61;
	(pc) =	sbr.rel @p0 .LBB2_2-.Ltmp2, $4  }
0x110: {  	v3 =	vmul.f32 v59, v3;
	[tilespmem:s31+$0x10] =	vst v62  }
0x111: {  	[tilespmem:s31+$0x20] =	vst v63  }
0x112: {  	[tilespmem:s31+$0x30] =	vst v3  }
0x113: {  	[spmem:s1] =	stream.indirect.scatter.add.f32 [tilespmem:s9], [sflag:$0x6], $0x80, s20, s24, $0xb8;
	[tilespmem:$0x1D100] =	vst v63  }
0x114: {  	s21 =	simm.s32 $0x5  }
0x115: {  	_ =	swait.ge [sflag:s21], $0x4000  }
0x116: {  	[sflag:s21] =	ssyncset.done $0x0  }
0x117: {  	[sflag:s21] =	ssyncadd.s32 $0xFFFFC000  }
0x118: {  	_ =	swait.ge [sflag:s10], $0x4000  }
0x119: {  	[sflag:s10] =	ssyncset.done $0x0  }
0x11a: {  	[sflag:s10] =	ssyncadd.s32 $0xFFFFC000  }
0x11b: {  	[bflag:$0x0] =	sbarrier.arrive $0xFFFF  }
0x11c: {  	s25 =	rddreg [dreg:$0x4]  }
0x11d: {  	s21 =	rddreg [dreg:$0x9]  }
0x11e: {  	s22 =	simm.s32 $0x20;
	s31 =	simm.s32 $0x10;
	s29 =	rddreg [dreg:$0xb]  }
0x11f: {  	[hbm:s21@s22], [sflag:s25] =	dma.strided [spmem:s29@s31], $0x2780, s26, $0x10   }
0x120: {  	s22 =	simm.s32 $0x7  }
0x121: {  	_ =	swait.ge [sflag:s22], $0x2780  }
0x122: {  	s31 =	rddreg [dreg:$0xc]  }
0x123: {  	s21 =	rddreg [dreg:$0xa];
	s31 =	sadd.s32 $0x1, s31  }
0x124: {  	p0 =	sne.s32 s31, s21  }
.Ltmp3:
0x125: {  	_ = 	snop;
	(pc) =	sbr.rel @p0 .LBB2_1-.Ltmp3, $3  }
0x126: {  	_ =	sdelay $0x1  }
0x127: {  	[sflag:s22] =	ssyncset.done $0x0  }
0x128: {  	[sflag:s22] =	ssyncadd.s32 $0xFFFFD880  }
0x129: {  	_ =	sfence.sel $0x180000  }
0x12a: {  	[bflag:$0x0] =	sbarrier.arrive $0xFFFF  }
0x12b: {  	_ =	strace $0x90000050  }
0x12c: {  	s0 =	stileid.u32;
	[bflag:$0x2] =	sbarrier.arrive $0xFFFF  }
0x12d: {  	p0 =	sne.s32 s0, $0x0;
	s0 =	rddreg [dreg:$0x2]  }
0x12e: {  	s0 =	sadd.s32 @!p0 $0x100000, s0  }
0x12f: {  	[sflag:s0] =	ssyncadd.tile.s32 @!p0 $0x1;
	_ =	shalt  }
.Lfunc_end2:
_tile_overlayer_lowered:
.L_overlay_start_2:
0x130: {  	(tag) =	ssettag $0x2  }
0x131: {  	s0 =	rddreg [dreg:$0x0];
	s2 =	stileid.u32  }
0x132: {  	s1 =	rddreg [dreg:$0x1];
	p0 =	sne.s32 s2, $0x0  }
0x133: {  	s3 =	rddreg [dreg:$0x2];
	[bflag:$0x3] =	sbarrier.arrive $0xFFFF;
	s2 =	simm.s32 @!p0 $0x1C07  }
0x134: {  	[timem:s3], [sflag:s2] =	dma.local @!p0 [hbm:s0], s1  }
0x135: {  	s0 =	simm.s32 @!p0 $0x7  }
0x136: {  	_ =	swait.ge @!p0 [sflag:s0], s1  }
0x137: {  	s1 =	ssub.s32 @!p0 $0x0, s1;
	[sflag:s0] =	ssyncset.done @!p0 $0x0  }
0x138: {  	[sflag:s0] =	ssyncadd.s32 @!p0 s1  }
0x139: {  	[bflag:$0x3] =	sbarrier.arrive $0xFFFF  }
0x13a: {  	_ =	shalt  }

// kernel: kernel.30.cloned.1.call-start
scs
__scs_entry_jumppad:
0x0: {  	(pc) =	sbr.rel $0x88, $3  }
0x1: {  	(tag) =	ssettag $0x0;
	lr =	simm.s32 $0x1  }
0x2: {  	[smem:$0x3F93] =	sst lr;
	_ =	strace $0xD0000000  }
0x3: {  	_ = 	snop  }
0x4: {  	_ = 	snop  }
0x5: {  	_ = 	snop  }
0x6: {  	_ = 	snop  }
0x7: {  	_ = 	snop  }
__scs_overlays_trampoline_lowered:
0x8: {  	[smem:$0x3FA2] =	sst s0  }
0x9: {  	[smem:$0x3FA3] =	sst s1  }
0xa: {  	[smem:$0x3FA4] =	sst s2  }
0xb: {  	[smem:$0x3FA5] =	sst s3  }
0xc: {  	[smem:$0x3FA6] =	sst s4  }
0xd: {  	[smem:$0x3FA7] =	sst s5  }
0xe: {  	[smem:$0x3FA8] =	sst s6  }
0xf: {  	[smem:$0x3FA9] =	sst s7  }
0x10: {  	[smem:$0x3FAA] =	sst s8  }
0x11: {  	[smem:$0x3FAB] =	sst s9;
	s0 =	simm.s32 @!p0 $0x0  }
0x12: {  	s1 =	sld [smem:$0x3F91];
	s0 =	simm.s32 @p0 $0x1  }
0x13: {  	[smem:$0x3FAC] =	sst s0;
	s0 =	simm.s32 @!p1 $0x0  }
0x14: {  	s2 =	sld [smem:$0x3F90];
	s0 =	simm.s32 @p1 $0x1  }
0x15: {  	[smem:$0x3FAD] =	sst s0;
	s0 =	simm.s32 @!p2 $0x0  }
0x16: {  	s3 =	sld [smem:$0x3FDB];
	s0 =	simm.s32 @p2 $0x1  }
0x17: {  	s4 =	simm.s32 $0x1BF5;
	[smem:$0x3FAF] =	sst s0  }
0x18: {  	s0 =	sld [smem:$0x3F92];
	_ =	swait.ge [sflag:s4], $0x0  }
0x19: {  	s7 =	sld [smem:$0x3F93]  }
0x1a: {  	s8 =	sadd.s32 $0xFFFFE003, lr  }
0x1b: {  	s9 =	sadd.s32 $0xFFFFFEF7, lr;
	s5 =	simm.s32 $0xFFFFFFFF;
	p2 =	slt.u32 s8, $0xFFFFF086  }
0x1c: {  	p1 =	slt.u32 s9, $0xF7A;
	s5 =	simm.s32 @!p2 $0x0  }
0x1d: {  	s5 =	simm.s32 @p1 $0x1;
	p0 =	seq.s32 s7, s2  }
0x1e: {  	s7 =	smul.u32 @!p0 $0xF7A, s2;
	p2 =	seq.s32 @!p0 s5, $0x0  }
0x1f: {  	s9 =	smul.u32 $0xF7A, s1;
	s8 =	simm.s32 @!p0 $0x1BF5;
	p2 =	por !p2, p0  }
0x20: {  	[sflag:s8] =	ssyncset.s32 @!p0 $0xFFFFF086;
	s6 =	sadd.s32 @!p0 s3, s7;
	s7 =	simm.s32 @!p0 $0x108  }
0x21: {  	s3 =	sadd.s32 s3, s9;
	s6 =	sadd.s32 @!p0 $0x88, s6;
	s7 =	simm.s32 @p2 $0x1082  }
0x22: {  	[simem:s7], [sflag:s8] =	dma.local @!p0 [hbm:s6], $0xF7A  }
0x23: {  	s9 =	sor.u32 $0xD0000000, s2;
	s6 =	simm.s32 $0x108;
	_ =	swait.ge @!p0 [sflag:s8], $0x0  }
0x24: {  	s3 =	sadd.s32 $0x88, s3;
	s6 =	simm.s32 @!p1 $0x1082;
	[sflag:s4] =	ssyncset.s32 $0xFFFFF086  }
0x25: {  	[simem:s6], [sflag:s4] =	dma.local [hbm:s3], $0xF7A  }
0x26: {  	[smem:$0x3F93] =	sst s1;
	(tag) =	ssettag s2;
	_ =	strace s9  }
0x27: {  	s1 =	sld [smem:$0x3FA3]  }
0x28: {  	s2 =	sld [smem:$0x3FA4]  }
0x29: {  	s4 =	sld [smem:$0x3FA6]  }
0x2a: {  	p0 =	seq.s32 s5, $0x0;
	s5 =	sld [smem:$0x3FA7]  }
0x2b: {  	s6 =	sld [smem:$0x3FA8]  }
0x2c: {  	s7 =	sld [smem:$0x3FA9]  }
0x2d: {  	s3 =	simm.s32 $0x108;
	s8 =	sld [smem:$0x3FAA]  }
0x2e: {  	s3 =	simm.s32 @!p0 $0x1082;
	s9 =	sld [smem:$0x3FAB]  }
0x2f: {  	lr =	sadd.s32 s0, s3;
	s0 =	sld [smem:$0x3FA2]  }
0x30: {  	s3 =	sld [smem:$0x3FA5]  }
0x31: {  	[smem:$0x3FAE] =	sst s10  }
0x32: {  	s10 =	sld [smem:$0x3FAC];
	_ =	sdelay $0x3  }
0x33: {  	p0 =	seq.s32 s10, $0x1;
	s10 =	sld [smem:$0x3FAE];
	_ =	sdelay $0x3  }
0x34: {  	[smem:$0x3FAE] =	sst s10  }
0x35: {  	s10 =	sld [smem:$0x3FAD];
	_ =	sdelay $0x3  }
0x36: {  	p1 =	seq.s32 s10, $0x1;
	s10 =	sld [smem:$0x3FAE];
	_ =	sdelay $0x3  }
0x37: {  	[smem:$0x3FAE] =	sst s10  }
0x38: {  	s10 =	sld [smem:$0x3FAF]  }
0x39: {  	_ = 	snop;
	(pc) =	sbr.ind lr, $3  }
0x3a: {  	_ = 	snop  }
0x3b: {  	_ = 	snop  }
0x3c: {  	p2 =	seq.s32 s10, $0x1;
	s10 =	sld [smem:$0x3FAE]  }
0x3d: {  	_ =	shalt  }
0x3e: {  	_ =	shalt  }
0x3f: {  	_ =	shalt  }
0x40: {  	_ =	shalt  }
0x41: {  	_ =	shalt  }
0x42: {  	_ =	shalt  }
0x43: {  	_ =	shalt  }
0x44: {  	_ =	shalt  }
0x45: {  	_ =	shalt  }
0x46: {  	_ =	shalt  }
0x47: {  	_ =	shalt  }
0x48: {  	_ =	shalt  }
0x49: {  	_ =	shalt  }
0x4a: {  	_ =	shalt  }
0x4b: {  	_ =	shalt  }
0x4c: {  	_ =	shalt  }
0x4d: {  	_ =	shalt  }
0x4e: {  	_ =	shalt  }
0x4f: {  	_ =	shalt  }
0x50: {  	_ =	shalt  }
0x51: {  	_ =	shalt  }
0x52: {  	_ =	shalt  }
0x53: {  	_ =	shalt  }
0x54: {  	_ =	shalt  }
0x55: {  	_ =	shalt  }
0x56: {  	_ =	shalt  }
0x57: {  	_ =	shalt  }
0x58: {  	_ =	shalt  }
0x59: {  	_ =	shalt  }
0x5a: {  	_ =	shalt  }
0x5b: {  	_ =	shalt  }
0x5c: {  	_ =	shalt  }
0x5d: {  	_ =	shalt  }
0x5e: {  	_ =	shalt  }
0x5f: {  	_ =	shalt  }
0x60: {  	_ =	shalt  }
0x61: {  	_ =	shalt  }
0x62: {  	_ =	shalt  }
0x63: {  	_ =	shalt  }
0x64: {  	_ =	shalt  }
0x65: {  	_ =	shalt  }
0x66: {  	_ =	shalt  }
0x67: {  	_ =	shalt  }
0x68: {  	_ =	shalt  }
0x69: {  	_ =	shalt  }
0x6a: {  	_ =	shalt  }
0x6b: {  	_ =	shalt  }
0x6c: {  	_ =	shalt  }
0x6d: {  	_ =	shalt  }
0x6e: {  	_ =	shalt  }
0x6f: {  	_ =	shalt  }
0x70: {  	_ =	shalt  }
0x71: {  	_ =	shalt  }
0x72: {  	_ =	shalt  }
0x73: {  	_ =	shalt  }
0x74: {  	_ =	shalt  }
0x75: {  	_ =	shalt  }
0x76: {  	_ =	shalt  }
0x77: {  	_ =	shalt  }
0x78: {  	_ =	shalt  }
0x79: {  	_ =	shalt  }
0x7a: {  	_ =	shalt  }
0x7b: {  	_ =	shalt  }
0x7c: {  	_ =	shalt  }
0x7d: {  	_ =	shalt  }
0x7e: {  	_ =	shalt  }
0x7f: {  	_ =	shalt  }
0x80: {  	_ =	shalt  }
0x81: {  	_ =	shalt  }
0x82: {  	_ =	shalt  }
0x83: {  	_ =	shalt  }
0x84: {  	_ =	shalt  }
0x85: {  	_ =	shalt  }
0x86: {  	_ =	shalt  }
0x87: {  	_ =	shalt  }
.Lfunc_end0:
.L_simem_size_0:
called_computation.4_lowered:
.L_overlay_start_0:
0x88: {  	s2 =	sld [smem:$0x3FD9]  }
0x89: {  	s3 =	sld [smem:$0x3FFE];
	_ =	sdelay $0x1  }
0x8a: {  	s1 =	srdreg.scid  }
0x8b: {  	s0 =	sand.u32 $0x1, s1  }
0x8c: {  	s16 =	sshll.u32 s0, $0xA;
	s2 =	sadd.s32 s3, s2  }
0x8d: {  	s2 =	sadd.s32 s2, s16  }
0x8e: {  	[smem:$0x3FBA] =	sst s2  }
0x8f: {  	_ = 	snop  }
0x90: {  	(tm) =	ssettm $0x1  }
0x91: {  	s17 =	sld [smem:$0x3FFB];
	_ =	sdelay $0x3  }
0x92: {  	_ =	strace s17  }
0x93: {  	s2 =	sld [smem:$0x3FFC];
	_ =	sdelay $0x3  }
0x94: {  	_ =	strace s2  }
0x95: {  	s2 =	sld [smem:$0x3FFD];
	_ =	sdelay $0x3  }
0x96: {  	_ =	strace s2  }
0x97: {  	_ =	strace $0x8FFFFFFF  }
0x98: {  	s18 =	sld [smem:$0x3FDB];
	_ =	sdelay $0x1  }
0x99: {  	s19 =	simm.s32 $_scs_section_size  }
0x9a: {  	s4 =	simm.s32 $_size__tile_overlayer_lowered;
	s5 =	simm.s32 $_tile_overlayer_lowered  }
0x9b: {  	s22 =	simm.s32 $0x1BFF;
	s21 =	sshll.u32 s5, $0x1;
	s2 =	sadd.s32 s19, s18  }
0x9c: {  	s6 =	simm.s32 $0x0;
	s20 =	sshll.u32 s4, $0x1;
	s4 =	sadd.s32 s21, s2  }
0x9d: {  	[timem:s6], [sflag:s22] =	dma.local [hbm:s4], s20  }
0x9e: {  	_ =	swait.ge [sflag:s22], s20  }
0x9f: {  	s3 =	ssub.s32 $0x0, s20;
	[sflag:s22] =	ssyncset.done $0x0  }
0xa0: {  	[sflag:s22] =	ssyncadd.s32 s3;
	_ =	sdelay $0x1  }
0xa1: {  	s23 =	simm.s32 $0x1B8B  }
0xa2: {  	_ =	swait.ge [sflag:s23], $0x1  }
0xa3: {  	[sflag:s23] =	ssyncset.done $0x0  }
0xa4: {  	s25 =	simm.s32 $0x1B8E;
	s24 =	sld [smem:$0x3FFE];
	[sflag:s23] =	ssyncadd.s32 $0xFFFFFFFF  }
0xa5: {  	s26 =	simm.s32 $execute0_lowered;
	[smem:$0x3FD2] =	sst s25  }
0xa6: {  	s4 =	sshll.u32 s26, $0x1;
	_ =	strace $0x80000052;
	[dreg:$0x1] =	wrdreg $0xFFFFFFFF  }
0xa7: {  	s28 =	simm.s32 $_size_execute0_lowered;
	s2 =	sadd.s32 s2, s4;
	[dreg:$0x0] =	wrdreg $0x0  }
0xa8: {  	s4 =	sshll.u32 s28, $0x1;
	[dreg:$0x2] =	wrdreg s2  }
0xa9: {  	[dreg:$0x3] =	wrdreg s4  }
0xaa: {  	[dreg:$0x4] =	wrdreg $0xC0  }
0xab: {  	_ =	task [dreg:s6], $0x5FFFF  }
0xac: {  	[dreg:$0x1] =	wrdreg $0xFFFFFFFF  }
0xad: {  	[dreg:$0x0] =	wrdreg $0x60  }
0xae: {  	[dreg:$0x2] =	wrdreg s24  }
0xaf: {  	[dreg:$0x3] =	wrdreg $0x78000  }
0xb0: {  	[dreg:$0x4] =	wrdreg $0x9  }
0xb1: {  	_ =	task.clear_ibuf [dreg:s6], $0x5FFFF;
	_ =	strace $0x90000052  }
0xb2: {  	s29 =	simm.s32 $0x9;
	_ =	strace $0x80000054  }
0xb3: {  	_ =	swait.ge [sflag:s29], $0x1  }
0xb4: {  	[sflag:s29] =	ssyncadd.s32 $0xFFFFFFFF  }
0xb5: {  	_ =	strace $0x90000054  }
0xb6: {  	_ =	sfence  }
0xb7: {  	s30 =	sld [smem:$0x0];
	_ =	sdelay $0x2  }
0xb8: {  	s31 =	sshll.u32 s1, $0xD;
	s1 =	sshrl.u32 s1, $0x2  }
0xb9: {  	s3 =	sand.u32 $0x4000, s31;
	s1 =	sadd.s32 s1, s30  }
0xba: {  	s0 =	sor.u32 s3, s0;
	s1 =	sshll.u32 s1, $0x11  }
0xbb: {  	s0 =	sor.u32 s1, s0  }
0xbc: {  	s0 =	sadd.s32 $0x8F2B, s0  }
0xbd: {  	[sflag:s0] =	ssyncadd.remote.s32 $0x1  }
0xbe: {  	_ =	sfence.sel $0xFFFF  }
0xbf: {  	[dreg:$0x0] =	wrdreg $0xFFFFFFFF;
	(pc) =	sbr.abs _section_cstart, $3  }
0xc0: {  	[dreg:$0x1] =	wrdreg $0xFFFFFFFF  }
0xc1: {  	_ =	task.clear_ibuf [dreg:s6], $0x2FFFF;
	_ =	strace $0x9FFFFFFF  }
0xc2: {  	(tm) =	ssettm $0x7FFFFFFF  }
0xc3: {  	_ =	shalt  }
tec
execute0_lowered:
.L_overlay_start_1:
0x0: {  	(tag) =	ssettag $0x1  }
0x1: {  	s7 =	rddreg [dreg:$0x0];
	s0 =	srdreg.scid  }
0x2: {  	s2 =	rddreg [dreg:$0x1];
	s1 =	stileid.u32  }
0x3: {  	s3 =	simm.s32 $0x0;
	s14 =	simm.s32 $0x2780;
	s15 =	simm.s32 $0x4F00  }
0x4: {  	s18 =	simm.s32 $0x7680;
	s19 =	simm.s32 $0x7700;
	s20 =	simm.s32 $0x7780  }
0x5: {  	s21 =	simm.s32 $0x80;
	s22 =	simm.s32 $0x1;
	s5 =	smul.u32 $0x2880, s1  }
0x6: {  	s6 =	sand.u32 $0x1, s0;
	s0 =	rddreg [dreg:$0x2];
	s8 =	smul.u32 $0x278, s1  }
0x7: {  	s23 =	simm.s32 $0x0;
	[smem:$0x7FF] =	sst s3;
	s4 =	smul.u32 $0x28800, s6  }
0x8: {  	s16 =	sshll.u32 s1, $0x6;
	_ =	strace $0x80000053;
	s9 =	smul.u32 $0x2780, s6  }
0x9: {  	s11 =	ssub.s32 $0x2, s6;
	s6 =	sadd.s32 $0x3400, s7;
	s16 =	sor.u32 $0x1C02, s16  }
0xa: {  	s31 =	sshrl.u32 s8, $0x3;
	s13 =	sshrl.u32 s11, $0x1;
	s17 =	sadd.s32 s8, s2  }
0xb: {  	s4 =	sadd.s32 s5, s4;
	s10 =	sadd.s32 s31, s7;
	s5 =	sadd.s32 $0x2800, s7  }
0xc: {  	s9 =	sadd.s32 s8, s9;
	s11 =	ssub.s32 s11, s13;
	s13 =	simm.s32 $0x2  }
0xd: {  	s17 =	sshrl.u32 s17, $0x3;
	s4 =	sshrl.u32 s4, $0x3;
	s9 =	sshrl.u32 s9, $0x3  }
0xe: {  	s12 =	sadd.s32 s4, s7;
	s4 =	sadd.s32 $0x2E00, s7;
	s9 =	sadd.s32 s9, s7  }
0xf: {  	s7 =	sadd.s32 $0x3A00, s10;
	s8 =	sadd.s32 $0x4000, s9;
	s9 =	smax.u32 s11, $0x1  }
0x10: {  	s10 =	sadd.s32 $0x1BE00, s12;
	s11 =	sadd.s32 $0x7A00, s12;
	s12 =	sadd.s32 $0x11C00, s12  }
.LBB2_1:
0x11: {  	[tilespmem:s3], [sflag:$0x2] =	stream.linear.gather [hbm4b:s4+s3], $0x2780, $0x38;
	[tilespmem:$0x7A78] =	vst v63  }
0x12: {  	_ =	swait.ge [sflag:s13], $0x2780  }
0x13: {  	[sflag:s13] =	ssyncset.done $0x0  }
0x14: {  	[sflag:s13] =	ssyncadd.s32 $0xFFFFD880  }
0x15: {  	[tilespmem:s14], [sflag:$0x2] =	stream.linear.gather [hbm4b:s5+s3], $0x2780, $0x38;
	[tilespmem:$0x7A78] =	vst v63  }
0x16: {  	_ =	swait.ge [sflag:s13], $0x2780  }
0x17: {  	[sflag:s13] =	ssyncset.done $0x0  }
0x18: {  	[sflag:s13] =	ssyncadd.s32 $0xFFFFD880  }
0x19: {  	[tilespmem:s15], [sflag:$0x2] =	stream.linear.gather [hbm4b:s6+s3], $0x2780, $0x38;
	[tilespmem:$0x7A78] =	vst v63  }
0x1a: {  	_ =	swait.ge [sflag:s13], $0x2780  }
0x1b: {  	[sflag:s13] =	ssyncset.done $0x0  }
0x1c: {  	[sflag:s13] =	ssyncadd.s32 $0xFFFFD880  }
0x1d: {  	[spmem:s17], [sflag:s16] =	dma.local [hbm:s7], $0x4F  }
0x1e: {  	_ =	swait.ge [sflag:s13], $0x4F  }
0x1f: {  	[sflag:s13] =	ssyncset.done $0x0  }
0x20: {  	[sflag:s13] =	ssyncadd.s32 $0xFFFFFFB1  }
0x21: {  	s24 =	sadd.s32 $0x0, s12;
	[bflag:$0x0] =	sbarrier.arrive $0xFFFF  }
0x22: {  	[tilespmem:s18], [sflag:$0x2] =	stream.linear.gather [hbm4b:s24+s3], $0x80, $0x38;
	[tilespmem:$0x7A78] =	vst v63  }
0x23: {  	_ =	swait.ge [sflag:s13], $0x80  }
0x24: {  	[sflag:s13] =	ssyncset.done $0x0  }
0x25: {  	s31 =	sadd.s32 $0x0, s11;
	[sflag:s13] =	ssyncadd.s32 $0xFFFFFF80  }
0x26: {  	[tilespmem:s19], [sflag:$0x2] =	stream.linear.gather [hbm4b:s31+s3], $0x80, $0x38;
	[tilespmem:$0x7A78] =	vst v63  }
0x27: {  	_ =	swait.ge [sflag:s13], $0x80  }
0x28: {  	[sflag:s13] =	ssyncset.done $0x0  }
0x29: {  	[sflag:s13] =	ssyncadd.s32 $0xFFFFFF80  }
0x2a: {  	v0 =	vld [tilespmem:$0x7680]  }
0x2b: {  	v1 =	vld [tilespmem:$0x7700];
	_ =	sdelay $0x6  }
0x2c: {  	v0 =	vld.idx.msk [tilespmem:v0+s3+$0x0], $0xffff  }
0x2d: {  	v2 =	vld.idx.msk [tilespmem:v1+s14+$0x0], $0xffff;
	_ =	sdelay $0x4  }
0x2e: {  	v1 =	vld.idx.msk [tilespmem:v1+s15+$0x0], $0xffff;
	v0 =	vadd.f32 v2, v0;
	_ =	sdelay $0x1  }
0x2f: {  	v2 =	vmul.f32 $2.000000030e-01, v0  }
0x30: {  	vm0 =	vge.f32 v0, $0.0e+00  }
0x31: {  	v0 =	vsel vm0, v0, v2  }
0x32: {  	v0 =	vsub.f32 v0, v1;
	_ =	sdelay $0x1  }
0x33: {  	v0 =	vmul.f32 $1.442695020e+00, v0;
	_ =	sdelay $0x1  }
0x34: {  	(erf) = vpow2.f32 v0;
	_ =	sdelay $0x2  }
0x35: {  	v43 =	vld [tilespmem:$0x7690]  }
0x36: {  	v44 =	vld [tilespmem:$0x7710];
	_ =	sdelay $0x4  }
0x37: {  	v45 =	vpop (erf)  }
0x38: {  	[tilespmem:$0x7780] =	vst v45  }
0x39: {  	v0 =	vld.idx.msk [tilespmem:v43+s3+$0x0], $0xffff  }
0x3a: {  	v2 =	vld.idx.msk [tilespmem:v44+s14+$0x0], $0xffff;
	_ =	sdelay $0x4  }
0x3b: {  	v1 =	vld.idx.msk [tilespmem:v44+s15+$0x0], $0xffff;
	v0 =	vadd.f32 v2, v0;
	_ =	sdelay $0x1  }
0x3c: {  	v2 =	vmul.f32 $2.000000030e-01, v0  }
0x3d: {  	vm9 =	vge.f32 v0, $0.0e+00  }
0x3e: {  	v0 =	vsel vm9, v0, v2  }
0x3f: {  	v0 =	vsub.f32 v0, v1;
	_ =	sdelay $0x1  }
0x40: {  	v0 =	vmul.f32 $1.442695020e+00, v0;
	_ =	sdelay $0x1  }
0x41: {  	(erf) = vpow2.f32 v0;
	_ =	sdelay $0x2  }
0x42: {  	v46 =	vld [tilespmem:$0x76A0]  }
0x43: {  	v47 =	vld [tilespmem:$0x7720];
	_ =	sdelay $0x4  }
0x44: {  	v48 =	vpop (erf)  }
0x45: {  	[tilespmem:$0x7790] =	vst v48  }
0x46: {  	v0 =	vld.idx.msk [tilespmem:v46+s3+$0x0], $0xffff  }
0x47: {  	v2 =	vld.idx.msk [tilespmem:v47+s14+$0x0], $0xffff;
	_ =	sdelay $0x4  }
0x48: {  	v1 =	vld.idx.msk [tilespmem:v47+s15+$0x0], $0xffff;
	v0 =	vadd.f32 v2, v0;
	_ =	sdelay $0x1  }
0x49: {  	v2 =	vmul.f32 $2.000000030e-01, v0  }
0x4a: {  	vm10 =	vge.f32 v0, $0.0e+00  }
0x4b: {  	v0 =	vsel vm10, v0, v2  }
0x4c: {  	v0 =	vsub.f32 v0, v1;
	_ =	sdelay $0x1  }
0x4d: {  	v0 =	vmul.f32 $1.442695020e+00, v0;
	_ =	sdelay $0x1  }
0x4e: {  	(erf) = vpow2.f32 v0;
	_ =	sdelay $0x2  }
0x4f: {  	v49 =	vld [tilespmem:$0x76B0]  }
0x50: {  	v50 =	vld [tilespmem:$0x7730];
	_ =	sdelay $0x4  }
0x51: {  	v51 =	vpop (erf)  }
0x52: {  	[tilespmem:$0x77A0] =	vst v51  }
0x53: {  	v0 =	vld.idx.msk [tilespmem:v49+s3+$0x0], $0xffff  }
0x54: {  	v2 =	vld.idx.msk [tilespmem:v50+s14+$0x0], $0xffff;
	_ =	sdelay $0x4  }
0x55: {  	v1 =	vld.idx.msk [tilespmem:v50+s15+$0x0], $0xffff;
	v0 =	vadd.f32 v2, v0;
	_ =	sdelay $0x1  }
0x56: {  	v2 =	vmul.f32 $2.000000030e-01, v0  }
0x57: {  	vm11 =	vge.f32 v0, $0.0e+00  }
0x58: {  	v0 =	vsel vm11, v0, v2  }
0x59: {  	v0 =	vsub.f32 v0, v1;
	_ =	sdelay $0x1  }
0x5a: {  	v0 =	vmul.f32 $1.442695020e+00, v0;
	_ =	sdelay $0x1  }
0x5b: {  	(erf) = vpow2.f32 v0;
	_ =	sdelay $0x2  }
0x5c: {  	v52 =	vld [tilespmem:$0x76C0]  }
0x5d: {  	v53 =	vld [tilespmem:$0x7740];
	_ =	sdelay $0x4  }
0x5e: {  	v54 =	vpop (erf)  }
0x5f: {  	[tilespmem:$0x77B0] =	vst v54  }
0x60: {  	v0 =	vld.idx.msk [tilespmem:v52+s3+$0x0], $0xffff  }
0x61: {  	v2 =	vld.idx.msk [tilespmem:v53+s14+$0x0], $0xffff;
	_ =	sdelay $0x4  }
0x62: {  	v1 =	vld.idx.msk [tilespmem:v53+s15+$0x0], $0xffff;
	v0 =	vadd.f32 v2, v0;
	_ =	sdelay $0x1  }
0x63: {  	v2 =	vmul.f32 $2.000000030e-01, v0  }
0x64: {  	vm12 =	vge.f32 v0, $0.0e+00  }
0x65: {  	v0 =	vsel vm12, v0, v2  }
0x66: {  	v0 =	vsub.f32 v0, v1;
	_ =	sdelay $0x1  }
0x67: {  	v0 =	vmul.f32 $1.442695020e+00, v0;
	_ =	sdelay $0x1  }
0x68: {  	(erf) = vpow2.f32 v0;
	_ =	sdelay $0x2  }
0x69: {  	v55 =	vld [tilespmem:$0x76D0]  }
0x6a: {  	v56 =	vld [tilespmem:$0x7750];
	_ =	sdelay $0x4  }
0x6b: {  	v57 =	vpop (erf)  }
0x6c: {  	[tilespmem:$0x77C0] =	vst v57  }
0x6d: {  	v0 =	vld.idx.msk [tilespmem:v55+s3+$0x0], $0xffff  }
0x6e: {  	v2 =	vld.idx.msk [tilespmem:v56+s14+$0x0], $0xffff;
	_ =	sdelay $0x4  }
0x6f: {  	v1 =	vld.idx.msk [tilespmem:v56+s15+$0x0], $0xffff;
	v0 =	vadd.f32 v2, v0;
	_ =	sdelay $0x1  }
0x70: {  	v2 =	vmul.f32 $2.000000030e-01, v0  }
0x71: {  	vm13 =	vge.f32 v0, $0.0e+00  }
0x72: {  	v0 =	vsel vm13, v0, v2  }
0x73: {  	v0 =	vsub.f32 v0, v1;
	_ =	sdelay $0x1  }
0x74: {  	v0 =	vmul.f32 $1.442695020e+00, v0;
	_ =	sdelay $0x1  }
0x75: {  	(erf) = vpow2.f32 v0;
	_ =	sdelay $0x2  }
0x76: {  	v58 =	vld [tilespmem:$0x76E0]  }
0x77: {  	v59 =	vld [tilespmem:$0x7760];
	_ =	sdelay $0x4  }
0x78: {  	v60 =	vpop (erf)  }
0x79: {  	[tilespmem:$0x77D0] =	vst v60  }
0x7a: {  	v0 =	vld.idx.msk [tilespmem:v58+s3+$0x0], $0xffff  }
0x7b: {  	v2 =	vld.idx.msk [tilespmem:v59+s14+$0x0], $0xffff;
	_ =	sdelay $0x4  }
0x7c: {  	v1 =	vld.idx.msk [tilespmem:v59+s15+$0x0], $0xffff;
	v0 =	vadd.f32 v2, v0;
	_ =	sdelay $0x1  }
0x7d: {  	v2 =	vmul.f32 $2.000000030e-01, v0  }
0x7e: {  	vm14 =	vge.f32 v0, $0.0e+00  }
0x7f: {  	v0 =	vsel vm14, v0, v2  }
0x80: {  	v0 =	vsub.f32 v0, v1;
	_ =	sdelay $0x1  }
0x81: {  	v0 =	vmul.f32 $1.442695020e+00, v0;
	_ =	sdelay $0x1  }
0x82: {  	(erf) = vpow2.f32 v0;
	_ =	sdelay $0x2  }
0x83: {  	v61 =	vld [tilespmem:$0x76F0]  }
0x84: {  	v62 =	vld [tilespmem:$0x7770];
	_ =	sdelay $0x4  }
0x85: {  	v63 =	vpop (erf)  }
0x86: {  	[tilespmem:$0x77E0] =	vst v63  }
0x87: {  	v0 =	vld.idx.msk [tilespmem:v61+s3+$0x0], $0xffff  }
0x88: {  	v2 =	vld.idx.msk [tilespmem:v62+s14+$0x0], $0xffff;
	_ =	sdelay $0x4  }
0x89: {  	v1 =	vld.idx.msk [tilespmem:v62+s15+$0x0], $0xffff;
	v0 =	vadd.f32 v2, v0;
	_ =	sdelay $0x1  }
0x8a: {  	v2 =	vmul.f32 $2.000000030e-01, v0  }
0x8b: {  	vm15 =	vge.f32 v0, $0.0e+00  }
0x8c: {  	v0 =	vsel vm15, v0, v2  }
0x8d: {  	v0 =	vsub.f32 v0, v1;
	_ =	sdelay $0x1  }
0x8e: {  	v0 =	vmul.f32 $1.442695020e+00, v0;
	_ =	sdelay $0x1  }
0x8f: {  	s25 =	simm.s32 $0x10;
	s24 =	sadd.s32 $0x0, s10;
	(erf) = vpow2.f32 v0  }
.LBB2_2:
0x90: {  	_ =	sdelay $0x6  }
0x91: {  	s26 =	sadd.s32 s25, s10  }
0x92: {  	p0 =	sne.s32 s25, $0x500;
	s28 =	smov.u32 s25;
	s25 =	sadd.s32 $0x10, s25;
	v0 =	vpop (erf)  }
0x93: {  	[tilespmem:$0x77F0] =	vst v0  }
0x94: {  	[hbm4b:s24+s3] =	stream.linear.scatter [tilespmem:s20], [sflag:$0x2], $0x80, $0x38;
	[tilespmem:$0x7A78] =	vst v63  }
0x95: {  	s24 =	smov.u32 s26;
	_ =	swait.ge [sflag:s13], $0x80  }
0x96: {  	[sflag:s13] =	ssyncset.done $0x0  }
0x97: {  	[sflag:s13] =	ssyncadd.s32 $0xFFFFFF80  }
0x98: {  	[spmem:s2] =	stream.indirect.scatter.add.f32 [tilespmem:s20], [sflag:$0x1], $0x1, s19, s21, $0xb8;
	[tilespmem:$0x7A78] =	vst v63  }
0x99: {  	_ =	swait.ge [sflag:s22], $0x80  }
0x9a: {  	s26 =	sadd.s32 s28, s12;
	[sflag:s22] =	ssyncset.done $0x0  }
0x9b: {  	[sflag:s22] =	ssyncadd.s32 $0xFFFFFF80  }
0x9c: {  	[tilespmem:s18], [sflag:$0x2] =	stream.linear.gather [hbm4b:s26+s3], $0x80, $0x38;
	[tilespmem:$0x7A78] =	vst v63  }
0x9d: {  	_ =	swait.ge [sflag:s13], $0x80  }
0x9e: {  	[sflag:s13] =	ssyncset.done $0x0  }
0x9f: {  	s26 =	sadd.s32 s28, s11;
	[sflag:s13] =	ssyncadd.s32 $0xFFFFFF80  }
0xa0: {  	[tilespmem:s19], [sflag:$0x2] =	stream.linear.gather [hbm4b:s26+s3], $0x80, $0x38;
	[tilespmem:$0x7A78] =	vst v63  }
0xa1: {  	_ =	swait.ge [sflag:s13], $0x80  }
0xa2: {  	[sflag:s13] =	ssyncset.done $0x0  }
0xa3: {  	[sflag:s13] =	ssyncadd.s32 $0xFFFFFF80  }
0xa4: {  	v0 =	vld [tilespmem:$0x7680]  }
0xa5: {  	v1 =	vld [tilespmem:$0x7700];
	_ =	sdelay $0x6  }
0xa6: {  	v0 =	vld.idx.msk [tilespmem:v0+s3+$0x0], $0xffff  }
0xa7: {  	v2 =	vld.idx.msk [tilespmem:v1+s14+$0x0], $0xffff;
	_ =	sdelay $0x4  }
0xa8: {  	v1 =	vld.idx.msk [tilespmem:v1+s15+$0x0], $0xffff  }
0xa9: {  	v0 =	vadd.f32 v2, v0;
	_ =	sdelay $0x1  }
0xaa: {  	v2 =	vmul.f32 $2.000000030e-01, v0  }
0xab: {  	vm0 =	vge.f32 v0, $0.0e+00  }
0xac: {  	v0 =	vsel vm0, v0, v2  }
0xad: {  	v0 =	vsub.f32 v0, v1;
	_ =	sdelay $0x1  }
0xae: {  	v0 =	vmul.f32 $1.442695020e+00, v0;
	_ =	sdelay $0x1  }
0xaf: {  	(erf) = vpow2.f32 v0;
	_ =	sdelay $0x2  }
0xb0: {  	v0 =	vld [tilespmem:$0x7690]  }
0xb1: {  	v1 =	vld [tilespmem:$0x7710];
	_ =	sdelay $0x4  }
0xb2: {  	v2 =	vpop (erf)  }
0xb3: {  	[tilespmem:$0x7780] =	vst v2  }
0xb4: {  	v0 =	vld.idx.msk [tilespmem:v0+s3+$0x0], $0xffff  }
0xb5: {  	v2 =	vld.idx.msk [tilespmem:v1+s14+$0x0], $0xffff;
	_ =	sdelay $0x4  }
0xb6: {  	v1 =	vld.idx.msk [tilespmem:v1+s15+$0x0], $0xffff  }
0xb7: {  	v0 =	vadd.f32 v2, v0;
	_ =	sdelay $0x1  }
0xb8: {  	v2 =	vmul.f32 $2.000000030e-01, v0  }
0xb9: {  	vm0 =	vge.f32 v0, $0.0e+00  }
0xba: {  	v0 =	vsel vm0, v0, v2  }
0xbb: {  	v0 =	vsub.f32 v0, v1;
	_ =	sdelay $0x1  }
0xbc: {  	v0 =	vmul.f32 $1.442695020e+00, v0;
	_ =	sdelay $0x1  }
0xbd: {  	(erf) = vpow2.f32 v0;
	_ =	sdelay $0x2  }
0xbe: {  	v0 =	vld [tilespmem:$0x76A0]  }
0xbf: {  	v1 =	vld [tilespmem:$0x7720];
	_ =	sdelay $0x4  }
0xc0: {  	v2 =	vpop (erf)  }
0xc1: {  	[tilespmem:$0x7790] =	vst v2  }
0xc2: {  	v0 =	vld.idx.msk [tilespmem:v0+s3+$0x0], $0xffff  }
0xc3: {  	v2 =	vld.idx.msk [tilespmem:v1+s14+$0x0], $0xffff;
	_ =	sdelay $0x4  }
0xc4: {  	v1 =	vld.idx.msk [tilespmem:v1+s15+$0x0], $0xffff  }
0xc5: {  	v0 =	vadd.f32 v2, v0;
	_ =	sdelay $0x1  }
0xc6: {  	v2 =	vmul.f32 $2.000000030e-01, v0  }
0xc7: {  	vm0 =	vge.f32 v0, $0.0e+00  }
0xc8: {  	v0 =	vsel vm0, v0, v2  }
0xc9: {  	v0 =	vsub.f32 v0, v1;
	_ =	sdelay $0x1  }
0xca: {  	v0 =	vmul.f32 $1.442695020e+00, v0;
	_ =	sdelay $0x1  }
0xcb: {  	(erf) = vpow2.f32 v0;
	_ =	sdelay $0x2  }
0xcc: {  	v0 =	vld [tilespmem:$0x76B0]  }
0xcd: {  	v1 =	vld [tilespmem:$0x7730];
	_ =	sdelay $0x4  }
0xce: {  	v2 =	vpop (erf)  }
0xcf: {  	[tilespmem:$0x77A0] =	vst v2  }
0xd0: {  	v0 =	vld.idx.msk [tilespmem:v0+s3+$0x0], $0xffff  }
0xd1: {  	v2 =	vld.idx.msk [tilespmem:v1+s14+$0x0], $0xffff;
	_ =	sdelay $0x4  }
0xd2: {  	v1 =	vld.idx.msk [tilespmem:v1+s15+$0x0], $0xffff  }
0xd3: {  	v0 =	vadd.f32 v2, v0;
	_ =	sdelay $0x1  }
0xd4: {  	v2 =	vmul.f32 $2.000000030e-01, v0  }
0xd5: {  	vm0 =	vge.f32 v0, $0.0e+00  }
0xd6: {  	v0 =	vsel vm0, v0, v2  }
0xd7: {  	v0 =	vsub.f32 v0, v1;
	_ =	sdelay $0x1  }
0xd8: {  	v0 =	vmul.f32 $1.442695020e+00, v0;
	_ =	sdelay $0x1  }
0xd9: {  	(erf) = vpow2.f32 v0;
	_ =	sdelay $0x2  }
0xda: {  	v0 =	vld [tilespmem:$0x76C0]  }
0xdb: {  	v1 =	vld [tilespmem:$0x7740];
	_ =	sdelay $0x4  }
0xdc: {  	v2 =	vpop (erf)  }
0xdd: {  	[tilespmem:$0x77B0] =	vst v2  }
0xde: {  	v0 =	vld.idx.msk [tilespmem:v0+s3+$0x0], $0xffff  }
0xdf: {  	v2 =	vld.idx.msk [tilespmem:v1+s14+$0x0], $0xffff;
	_ =	sdelay $0x4  }
0xe0: {  	v1 =	vld.idx.msk [tilespmem:v1+s15+$0x0], $0xffff  }
0xe1: {  	v0 =	vadd.f32 v2, v0;
	_ =	sdelay $0x1  }
0xe2: {  	v2 =	vmul.f32 $2.000000030e-01, v0  }
0xe3: {  	vm0 =	vge.f32 v0, $0.0e+00  }
0xe4: {  	v0 =	vsel vm0, v0, v2  }
0xe5: {  	v0 =	vsub.f32 v0, v1;
	_ =	sdelay $0x1  }
0xe6: {  	v0 =	vmul.f32 $1.442695020e+00, v0;
	_ =	sdelay $0x1  }
0xe7: {  	(erf) = vpow2.f32 v0;
	_ =	sdelay $0x2  }
0xe8: {  	v0 =	vld [tilespmem:$0x76D0]  }
0xe9: {  	v1 =	vld [tilespmem:$0x7750];
	_ =	sdelay $0x4  }
0xea: {  	v2 =	vpop (erf)  }
0xeb: {  	[tilespmem:$0x77C0] =	vst v2  }
0xec: {  	v0 =	vld.idx.msk [tilespmem:v0+s3+$0x0], $0xffff  }
0xed: {  	v2 =	vld.idx.msk [tilespmem:v1+s14+$0x0], $0xffff  }
0xee: {  	v1 =	vld.idx.msk [tilespmem:v1+s15+$0x0], $0xffff;
	_ =	sdelay $0x4  }
0xef: {  	v0 =	vadd.f32 v2, v0;
	_ =	sdelay $0x1  }
0xf0: {  	v2 =	vmul.f32 $2.000000030e-01, v0  }
0xf1: {  	vm0 =	vge.f32 v0, $0.0e+00  }
0xf2: {  	v0 =	vsel vm0, v0, v2  }
0xf3: {  	v0 =	vsub.f32 v0, v1;
	_ =	sdelay $0x1  }
0xf4: {  	v0 =	vmul.f32 $1.442695020e+00, v0;
	_ =	sdelay $0x1  }
0xf5: {  	(erf) = vpow2.f32 v0;
	_ =	sdelay $0x2  }
0xf6: {  	v0 =	vld [tilespmem:$0x76E0]  }
0xf7: {  	v1 =	vld [tilespmem:$0x7760];
	_ =	sdelay $0x4  }
0xf8: {  	v2 =	vpop (erf)  }
0xf9: {  	[tilespmem:$0x77D0] =	vst v2  }
0xfa: {  	v0 =	vld.idx.msk [tilespmem:v0+s3+$0x0], $0xffff  }
0xfb: {  	v2 =	vld.idx.msk [tilespmem:v1+s14+$0x0], $0xffff  }
0xfc: {  	v1 =	vld.idx.msk [tilespmem:v1+s15+$0x0], $0xffff;
	_ =	sdelay $0x4  }
0xfd: {  	v0 =	vadd.f32 v2, v0;
	_ =	sdelay $0x1  }
0xfe: {  	v2 =	vmul.f32 $2.000000030e-01, v0  }
0xff: {  	vm0 =	vge.f32 v0, $0.0e+00  }
0x100: {  	v0 =	vsel vm0, v0, v2  }
0x101: {  	v0 =	vsub.f32 v0, v1;
	_ =	sdelay $0x1  }
0x102: {  	v0 =	vmul.f32 $1.442695020e+00, v0;
	_ =	sdelay $0x1  }
0x103: {  	(erf) = vpow2.f32 v0;
	_ =	sdelay $0x2  }
0x104: {  	v0 =	vld [tilespmem:$0x76F0]  }
0x105: {  	v1 =	vld [tilespmem:$0x7770];
	_ =	sdelay $0x4  }
0x106: {  	v2 =	vpop (erf)  }
0x107: {  	[tilespmem:$0x77E0] =	vst v2  }
0x108: {  	v0 =	vld.idx.msk [tilespmem:v0+s3+$0x0], $0xffff  }
0x109: {  	v2 =	vld.idx.msk [tilespmem:v1+s14+$0x0], $0xffff  }
0x10a: {  	v1 =	vld.idx.msk [tilespmem:v1+s15+$0x0], $0xffff;
	_ =	sdelay $0x4  }
0x10b: {  	v0 =	vadd.f32 v2, v0;
	_ =	sdelay $0x1  }
0x10c: {  	vm0 =	vge.f32 v0, $0.0e+00;
	v2 =	vmul.f32 $2.000000030e-01, v0;
	_ =	sdelay $0x1  }
0x10d: {  	v0 =	vsel vm0, v0, v2  }
.Ltmp0:
0x10e: {  	v0 =	vsub.f32 v0, v1;
	(pc) =	sbr.rel @p0 .LBB2_2-.Ltmp0, $3  }
0x10f: {  	_ = 	snop  }
0x110: {  	v0 =	vmul.f32 $1.442695020e+00, v0;
	_ =	sdelay $0x1  }
0x111: {  	(erf) = vpow2.f32 v0  }
0x112: {  	_ =	sdelay $0x7  }
0x113: {  	v0 =	vpop (erf)  }
0x114: {  	[tilespmem:$0x77F0] =	vst v0  }
0x115: {  	[hbm4b:s24+s3] =	stream.linear.scatter [tilespmem:s20], [sflag:$0x2], $0x80, $0x38;
	[tilespmem:$0x7A78] =	vst v63  }
0x116: {  	_ =	swait.ge [sflag:s13], $0x80  }
0x117: {  	[sflag:s13] =	ssyncset.done $0x0  }
0x118: {  	[sflag:s13] =	ssyncadd.s32 $0xFFFFFF80  }
0x119: {  	[spmem:s2] =	stream.indirect.scatter.add.f32 [tilespmem:s20], [sflag:$0x1], $0x1, s19, s21, $0xb8;
	[tilespmem:$0x7A78] =	vst v63  }
0x11a: {  	_ =	swait.ge [sflag:s22], $0x80  }
0x11b: {  	s23 =	sadd.s32 $0x1, s23;
	[sflag:s22] =	ssyncset.done $0x0  }
0x11c: {  	p0 =	sne.s32 s23, s9;
	[sflag:s22] =	ssyncadd.s32 $0xFFFFFF80  }
.Ltmp1:
0x11d: {  	[bflag:$0x0] =	sbarrier.arrive $0xFFFF;
	(pc) =	sbr.rel @p0 .LBB2_1-.Ltmp1, $4  }
0x11e: {  	[hbm:s8], [sflag:s16] =	dma.local [spmem:s17], $0x4F  }
0x11f: {  	_ =	swait.ge [sflag:s13], $0x4F  }
0x120: {  	[sflag:s13] =	ssyncset.done $0x0  }
0x121: {  	[sflag:s13] =	ssyncadd.s32 $0xFFFFFFB1  }
0x122: {  	_ =	sfence.sel $0x180000  }
0x123: {  	[bflag:$0x0] =	sbarrier.arrive $0xFFFF  }
0x124: {  	p0 =	sne.s32 s1, $0x0;
	_ =	strace $0x90000053  }
0x125: {  	s0 =	sadd.s32 @!p0 $0x100000, s0;
	[bflag:$0x2] =	sbarrier.arrive $0xFFFF  }
0x126: {  	[sflag:s0] =	ssyncadd.tile.s32 @!p0 $0x1;
	_ =	shalt  }
.Lfunc_end2:
_tile_overlayer_lowered:
.L_overlay_start_2:
0x127: {  	(tag) =	ssettag $0x2  }
0x128: {  	s0 =	rddreg [dreg:$0x0];
	s2 =	stileid.u32  }
0x129: {  	s1 =	rddreg [dreg:$0x1];
	p0 =	sne.s32 s2, $0x0  }
0x12a: {  	s3 =	rddreg [dreg:$0x2];
	[bflag:$0x3] =	sbarrier.arrive $0xFFFF;
	s2 =	simm.s32 @!p0 $0x1C02  }
0x12b: {  	[timem:s3], [sflag:s2] =	dma.local @!p0 [hbm:s0], s1  }
0x12c: {  	s0 =	simm.s32 @!p0 $0x2  }
0x12d: {  	_ =	swait.ge @!p0 [sflag:s0], s1  }
0x12e: {  	s1 =	ssub.s32 @!p0 $0x0, s1;
	[sflag:s0] =	ssyncset.done @!p0 $0x0  }
0x12f: {  	[sflag:s0] =	ssyncadd.s32 @!p0 s1  }
0x130: {  	[bflag:$0x3] =	sbarrier.arrive $0xFFFF  }
0x131: {  	_ =	shalt  }

// kernel: kernel.33.cloned.1.call-start
scs
__scs_entry_jumppad:
0x0: {  	(pc) =	sbr.rel $0x88, $3  }
0x1: {  	(tag) =	ssettag $0x0;
	lr =	simm.s32 $0x1  }
0x2: {  	[smem:$0x3F93] =	sst lr;
	_ =	strace $0xD0000000  }
0x3: {  	_ = 	snop  }
0x4: {  	_ = 	snop  }
0x5: {  	_ = 	snop  }
0x6: {  	_ = 	snop  }
0x7: {  	_ = 	snop  }
__scs_overlays_trampoline_lowered:
0x8: {  	[smem:$0x3FA2] =	sst s0  }
0x9: {  	[smem:$0x3FA3] =	sst s1  }
0xa: {  	[smem:$0x3FA4] =	sst s2  }
0xb: {  	[smem:$0x3FA5] =	sst s3  }
0xc: {  	[smem:$0x3FA6] =	sst s4  }
0xd: {  	[smem:$0x3FA7] =	sst s5  }
0xe: {  	[smem:$0x3FA8] =	sst s6  }
0xf: {  	[smem:$0x3FA9] =	sst s7  }
0x10: {  	[smem:$0x3FAA] =	sst s8  }
0x11: {  	[smem:$0x3FAB] =	sst s9;
	s0 =	simm.s32 @!p0 $0x0  }
0x12: {  	s1 =	sld [smem:$0x3F91];
	s0 =	simm.s32 @p0 $0x1  }
0x13: {  	[smem:$0x3FAC] =	sst s0;
	s0 =	simm.s32 @!p1 $0x0  }
0x14: {  	s2 =	sld [smem:$0x3F90];
	s0 =	simm.s32 @p1 $0x1  }
0x15: {  	[smem:$0x3FAD] =	sst s0;
	s0 =	simm.s32 @!p2 $0x0  }
0x16: {  	s3 =	sld [smem:$0x3FDB];
	s0 =	simm.s32 @p2 $0x1  }
0x17: {  	s4 =	simm.s32 $0x1BF5;
	[smem:$0x3FAF] =	sst s0  }
0x18: {  	s0 =	sld [smem:$0x3F92];
	_ =	swait.ge [sflag:s4], $0x0  }
0x19: {  	s7 =	sld [smem:$0x3F93]  }
0x1a: {  	s8 =	sadd.s32 $0xFFFFE003, lr  }
0x1b: {  	s9 =	sadd.s32 $0xFFFFFEF7, lr;
	s5 =	simm.s32 $0xFFFFFFFF;
	p2 =	slt.u32 s8, $0xFFFFF086  }
0x1c: {  	p1 =	slt.u32 s9, $0xF7A;
	s5 =	simm.s32 @!p2 $0x0  }
0x1d: {  	s5 =	simm.s32 @p1 $0x1;
	p0 =	seq.s32 s7, s2  }
0x1e: {  	s7 =	smul.u32 @!p0 $0xF7A, s2;
	p2 =	seq.s32 @!p0 s5, $0x0  }
0x1f: {  	s9 =	smul.u32 $0xF7A, s1;
	s8 =	simm.s32 @!p0 $0x1BF5;
	p2 =	por !p2, p0  }
0x20: {  	[sflag:s8] =	ssyncset.s32 @!p0 $0xFFFFF086;
	s6 =	sadd.s32 @!p0 s3, s7;
	s7 =	simm.s32 @!p0 $0x108  }
0x21: {  	s3 =	sadd.s32 s3, s9;
	s6 =	sadd.s32 @!p0 $0x88, s6;
	s7 =	simm.s32 @p2 $0x1082  }
0x22: {  	[simem:s7], [sflag:s8] =	dma.local @!p0 [hbm:s6], $0xF7A  }
0x23: {  	s9 =	sor.u32 $0xD0000000, s2;
	s6 =	simm.s32 $0x108;
	_ =	swait.ge @!p0 [sflag:s8], $0x0  }
0x24: {  	s3 =	sadd.s32 $0x88, s3;
	s6 =	simm.s32 @!p1 $0x1082;
	[sflag:s4] =	ssyncset.s32 $0xFFFFF086  }
0x25: {  	[simem:s6], [sflag:s4] =	dma.local [hbm:s3], $0xF7A  }
0x26: {  	[smem:$0x3F93] =	sst s1;
	(tag) =	ssettag s2;
	_ =	strace s9  }
0x27: {  	s1 =	sld [smem:$0x3FA3]  }
0x28: {  	s2 =	sld [smem:$0x3FA4]  }
0x29: {  	s4 =	sld [smem:$0x3FA6]  }
0x2a: {  	p0 =	seq.s32 s5, $0x0;
	s5 =	sld [smem:$0x3FA7]  }
0x2b: {  	s6 =	sld [smem:$0x3FA8]  }
0x2c: {  	s7 =	sld [smem:$0x3FA9]  }
0x2d: {  	s3 =	simm.s32 $0x108;
	s8 =	sld [smem:$0x3FAA]  }
0x2e: {  	s3 =	simm.s32 @!p0 $0x1082;
	s9 =	sld [smem:$0x3FAB]  }
0x2f: {  	lr =	sadd.s32 s0, s3;
	s0 =	sld [smem:$0x3FA2]  }
0x30: {  	s3 =	sld [smem:$0x3FA5]  }
0x31: {  	[smem:$0x3FAE] =	sst s10  }
0x32: {  	s10 =	sld [smem:$0x3FAC];
	_ =	sdelay $0x3  }
0x33: {  	p0 =	seq.s32 s10, $0x1;
	s10 =	sld [smem:$0x3FAE];
	_ =	sdelay $0x3  }
0x34: {  	[smem:$0x3FAE] =	sst s10  }
0x35: {  	s10 =	sld [smem:$0x3FAD];
	_ =	sdelay $0x3  }
0x36: {  	p1 =	seq.s32 s10, $0x1;
	s10 =	sld [smem:$0x3FAE];
	_ =	sdelay $0x3  }
0x37: {  	[smem:$0x3FAE] =	sst s10  }
0x38: {  	s10 =	sld [smem:$0x3FAF]  }
0x39: {  	_ = 	snop;
	(pc) =	sbr.ind lr, $3  }
0x3a: {  	_ = 	snop  }
0x3b: {  	_ = 	snop  }
0x3c: {  	p2 =	seq.s32 s10, $0x1;
	s10 =	sld [smem:$0x3FAE]  }
0x3d: {  	_ =	shalt  }
0x3e: {  	_ =	shalt  }
0x3f: {  	_ =	shalt  }
0x40: {  	_ =	shalt  }
0x41: {  	_ =	shalt  }
0x42: {  	_ =	shalt  }
0x43: {  	_ =	shalt  }
0x44: {  	_ =	shalt  }
0x45: {  	_ =	shalt  }
0x46: {  	_ =	shalt  }
0x47: {  	_ =	shalt  }
0x48: {  	_ =	shalt  }
0x49: {  	_ =	shalt  }
0x4a: {  	_ =	shalt  }
0x4b: {  	_ =	shalt  }
0x4c: {  	_ =	shalt  }
0x4d: {  	_ =	shalt  }
0x4e: {  	_ =	shalt  }
0x4f: {  	_ =	shalt  }
0x50: {  	_ =	shalt  }
0x51: {  	_ =	shalt  }
0x52: {  	_ =	shalt  }
0x53: {  	_ =	shalt  }
0x54: {  	_ =	shalt  }
0x55: {  	_ =	shalt  }
0x56: {  	_ =	shalt  }
0x57: {  	_ =	shalt  }
0x58: {  	_ =	shalt  }
0x59: {  	_ =	shalt  }
0x5a: {  	_ =	shalt  }
0x5b: {  	_ =	shalt  }
0x5c: {  	_ =	shalt  }
0x5d: {  	_ =	shalt  }
0x5e: {  	_ =	shalt  }
0x5f: {  	_ =	shalt  }
0x60: {  	_ =	shalt  }
0x61: {  	_ =	shalt  }
0x62: {  	_ =	shalt  }
0x63: {  	_ =	shalt  }
0x64: {  	_ =	shalt  }
0x65: {  	_ =	shalt  }
0x66: {  	_ =	shalt  }
0x67: {  	_ =	shalt  }
0x68: {  	_ =	shalt  }
0x69: {  	_ =	shalt  }
0x6a: {  	_ =	shalt  }
0x6b: {  	_ =	shalt  }
0x6c: {  	_ =	shalt  }
0x6d: {  	_ =	shalt  }
0x6e: {  	_ =	shalt  }
0x6f: {  	_ =	shalt  }
0x70: {  	_ =	shalt  }
0x71: {  	_ =	shalt  }
0x72: {  	_ =	shalt  }
0x73: {  	_ =	shalt  }
0x74: {  	_ =	shalt  }
0x75: {  	_ =	shalt  }
0x76: {  	_ =	shalt  }
0x77: {  	_ =	shalt  }
0x78: {  	_ =	shalt  }
0x79: {  	_ =	shalt  }
0x7a: {  	_ =	shalt  }
0x7b: {  	_ =	shalt  }
0x7c: {  	_ =	shalt  }
0x7d: {  	_ =	shalt  }
0x7e: {  	_ =	shalt  }
0x7f: {  	_ =	shalt  }
0x80: {  	_ =	shalt  }
0x81: {  	_ =	shalt  }
0x82: {  	_ =	shalt  }
0x83: {  	_ =	shalt  }
0x84: {  	_ =	shalt  }
0x85: {  	_ =	shalt  }
0x86: {  	_ =	shalt  }
0x87: {  	_ =	shalt  }
.Lfunc_end0:
.L_simem_size_0:
called_computation.5_lowered:
.L_overlay_start_0:
0x88: {  	s2 =	sld [smem:$0x3FD9]  }
0x89: {  	s3 =	sld [smem:$0x3FFE];
	_ =	sdelay $0x1  }
0x8a: {  	s1 =	srdreg.scid  }
0x8b: {  	s0 =	sand.u32 $0x1, s1  }
0x8c: {  	s17 =	sshll.u32 s0, $0xA;
	s2 =	sadd.s32 s3, s2  }
0x8d: {  	s2 =	sadd.s32 s2, s17  }
0x8e: {  	[smem:$0x3FBA] =	sst s2  }
0x8f: {  	_ = 	snop  }
0x90: {  	s2 =	sld [smem:$0x3FD0];
	(tm) =	ssettm $0x1  }
0x91: {  	s18 =	sld [smem:$0x3FFB];
	_ =	sdelay $0x3  }
0x92: {  	_ =	strace s18  }
0x93: {  	s3 =	sld [smem:$0x3FFC];
	_ =	sdelay $0x3  }
0x94: {  	_ =	strace s3  }
0x95: {  	s3 =	sld [smem:$0x3FFD];
	_ =	sdelay $0x3  }
0x96: {  	_ =	strace s3  }
0x97: {  	_ =	strace $0x8FFFFFFF  }
0x98: {  	s19 =	sld [smem:$0x3FDB];
	_ =	sdelay $0x1  }
0x99: {  	s4 =	simm.s32 $_scs_section_size  }
0x9a: {  	s5 =	simm.s32 $_size__tile_overlayer_lowered;
	s6 =	simm.s32 $_tile_overlayer_lowered  }
0x9b: {  	s22 =	simm.s32 $0x1BFF;
	s21 =	sshll.u32 s6, $0x1;
	s3 =	sadd.s32 s4, s19  }
0x9c: {  	s7 =	simm.s32 $0x0;
	s20 =	sshll.u32 s5, $0x1;
	s5 =	sadd.s32 s21, s3  }
0x9d: {  	[timem:s7], [sflag:s22] =	dma.local [hbm:s5], s20  }
0x9e: {  	_ =	swait.ge [sflag:s22], s20  }
0x9f: {  	s4 =	ssub.s32 $0x0, s20;
	[sflag:s22] =	ssyncset.done $0x0  }
0xa0: {  	[sflag:s22] =	ssyncadd.s32 s4;
	_ =	sdelay $0x1  }
0xa1: {  	s23 =	simm.s32 $0x1B8B  }
0xa2: {  	_ =	swait.ge [sflag:s23], $0x1  }
0xa3: {  	[sflag:s23] =	ssyncset.done $0x0  }
0xa4: {  	s25 =	simm.s32 $0x1B8E;
	s24 =	sld [smem:$0x3FFE];
	[sflag:s23] =	ssyncadd.s32 $0xFFFFFFFF  }
0xa5: {  	s26 =	simm.s32 $execute0_lowered;
	[smem:$0x3FD2] =	sst s25  }
0xa6: {  	s5 =	sshll.u32 s26, $0x1;
	_ =	strace $0x80000055;
	[dreg:$0x1] =	wrdreg $0xFFFFFFFF  }
0xa7: {  	s28 =	simm.s32 $_size_execute0_lowered;
	s3 =	sadd.s32 s3, s5;
	[dreg:$0x0] =	wrdreg $0x0  }
0xa8: {  	s5 =	sshll.u32 s28, $0x1;
	[dreg:$0x2] =	wrdreg s3  }
0xa9: {  	[dreg:$0x3] =	wrdreg s5  }
0xaa: {  	[dreg:$0x4] =	wrdreg $0xC0  }
0xab: {  	_ =	task [dreg:s7], $0x5FFFF  }
0xac: {  	[dreg:$0x1] =	wrdreg $0xFFFFFFFF  }
0xad: {  	[dreg:$0x0] =	wrdreg $0x60  }
0xae: {  	[dreg:$0x2] =	wrdreg s24  }
0xaf: {  	[dreg:$0x3] =	wrdreg s2  }
0xb0: {  	[dreg:$0x4] =	wrdreg $0x142800  }
0xb1: {  	[dreg:$0x5] =	wrdreg $0x9  }
0xb2: {  	_ =	task.clear_ibuf [dreg:s7], $0x6FFFF;
	_ =	strace $0x90000055  }
0xb3: {  	s29 =	simm.s32 $0x9;
	_ =	strace $0x80000057  }
0xb4: {  	_ =	swait.ge [sflag:s29], $0x1  }
0xb5: {  	[sflag:s29] =	ssyncadd.s32 $0xFFFFFFFF  }
0xb6: {  	_ =	strace $0x90000057  }
0xb7: {  	_ =	sfence  }
0xb8: {  	s30 =	sld [smem:$0x0];
	_ =	sdelay $0x2  }
0xb9: {  	s31 =	sshll.u32 s1, $0xD;
	s1 =	sshrl.u32 s1, $0x2  }
0xba: {  	s3 =	sand.u32 $0x4000, s31;
	s1 =	sadd.s32 s1, s30  }
0xbb: {  	s0 =	sor.u32 s3, s0;
	s1 =	sshll.u32 s1, $0x11  }
0xbc: {  	s0 =	sor.u32 s1, s0  }
0xbd: {  	s0 =	sadd.s32 $0x8F2B, s0  }
0xbe: {  	[sflag:s0] =	ssyncadd.remote.s32 $0x1  }
0xbf: {  	_ =	sfence.sel $0xFFFF  }
0xc0: {  	[dreg:$0x0] =	wrdreg $0xFFFFFFFF;
	(pc) =	sbr.abs _section_cstart, $3  }
0xc1: {  	[dreg:$0x1] =	wrdreg $0xFFFFFFFF  }
0xc2: {  	_ =	task.clear_ibuf [dreg:s7], $0x2FFFF;
	_ =	strace $0x9FFFFFFF  }
0xc3: {  	(tm) =	ssettm $0x7FFFFFFF  }
tec
execute0_lowered:
.L_overlay_start_1:
0x0: {  	(tag) =	ssettag $0x1  }
0x1: {  	s9 =	rddreg [dreg:$0x0]  }
0x2: {  	s10 =	rddreg [dreg:$0x1]  }
0x3: {  	s1 =	rddreg [dreg:$0x2]  }
0x4: {  	s0 =	rddreg [dreg:$0x3];
	s3 =	simm.s32 $0x0;
	s4 =	srdreg.scid  }
0x5: {  	s2 =	stileid.u32;
	s17 =	simm.s32 $0x13C80;
	s18 =	simm.s32 $0x13D00  }
0x6: {  	s19 =	simm.s32 $0x80;
	s20 =	simm.s32 $0x13D80;
	s21 =	simm.s32 $0x1  }
0x7: {  	s22 =	simm.s32 $0x13E00;
	s23 =	simm.s32 $0x13E80;
	s24 =	simm.s32 $0x0  }
0x8: {  	s29 =	simm.s32 $0x0;
	[smem:$0x7FF] =	sst s3;
	s11 =	sand.u32 $0x1, s4  }
0x9: {  	s12 =	smul.u32 $0x13C0, s2;
	s4 =	sadd.s32 $0x11C00, s9;
	s5 =	sadd.s32 $0x7A00, s9  }
0xa: {  	s6 =	sadd.s32 $0x1BE00, s9;
	s7 =	sadd.s32 $0x7200, s9;
	s16 =	smul.u32 $0x2880, s2  }
0xb: {  	s8 =	sadd.s32 $0x4A00, s9;
	s31 =	sshll.u32 s2, $0x6;
	s13 =	smul.u32 $0x13C00, s11  }
0xc: {  	_ =	strace $0x80000056;
	s14 =	ssub.s32 $0x2, s11;
	s11 =	smul.u32 $0x28800, s11  }
0xd: {  	s15 =	sshrl.u32 s14, $0x1;
	s28 =	sshrl.u32 s12, $0x3;
	s30 =	sadd.s32 s12, s1  }
0xe: {  	s13 =	sadd.s32 s12, s13;
	s14 =	ssub.s32 s14, s15;
	s15 =	sshrl.u32 s30, $0x3  }
0xf: {  	s13 =	sshrl.u32 s13, $0x3;
	s12 =	smax.u32 s14, $0x1;
	s14 =	sor.u32 $0x1C02, s31  }
0x10: {  	v1 =	vlaneseq.u32;
	s13 =	sadd.s32 s13, s9;
	s9 =	sadd.s32 s10, s28;
	s10 =	sadd.s32 s16, s11  }
0x11: {  	v0 =	vshrl.u32 v1, $0x3;
	v1 =	vand.u32 $0x7, v1;
	s16 =	simm.s32 $0x13C00;
	s11 =	sadd.s32 $0x26000, s13;
	s13 =	simm.s32 $0x2  }
.LBB2_1:
0x12: {  	[tilespmem:s3], [sflag:$0x2] =	stream.linear.gather [hbm4b:s8+s3], $0x13C00, $0x38;
	[tilespmem:$0x15640] =	vst v63  }
0x13: {  	_ =	swait.ge [sflag:s13], $0x13C00  }
0x14: {  	[sflag:s13] =	ssyncset.done $0x0  }
0x15: {  	[sflag:s13] =	ssyncadd.s32 $0xFFFEC400  }
0x16: {  	[spmem:s15], [sflag:s14] =	dma.local [hbm:s9], $0x278  }
0x17: {  	_ =	swait.ge [sflag:s13], $0x278  }
0x18: {  	[sflag:s13] =	ssyncset.done $0x0  }
0x19: {  	[sflag:s13] =	ssyncadd.s32 $0xFFFFFD88  }
0x1a: {  	s25 =	simm.s32 $0x0;
	[bflag:$0x0] =	sbarrier.arrive $0xFFFF  }
.LBB2_2:
0x1b: {  	s26 =	sshll.u32 s25, $0x7  }
0x1c: {  	s26 =	sadd.s32 s26, s10  }
0x1d: {  	s26 =	sshrl.u32 s26, $0x3  }
0x1e: {  	s28 =	sadd.s32 s4, s26  }
0x1f: {  	[tilespmem:s16], [sflag:$0x2] =	stream.linear.gather [hbm4b:s28+s29], $0x80, $0x38;
	[tilespmem:$0x15640] =	vst v63  }
0x20: {  	_ =	swait.ge [sflag:s13], $0x80  }
0x21: {  	[sflag:s13] =	ssyncset.done $0x0  }
0x22: {  	s30 =	sadd.s32 s5, s26;
	[sflag:s13] =	ssyncadd.s32 $0xFFFFFF80  }
0x23: {  	[tilespmem:s17], [sflag:$0x2] =	stream.linear.gather [hbm4b:s30+s29], $0x80, $0x38;
	[tilespmem:$0x15640] =	vst v63  }
0x24: {  	_ =	swait.ge [sflag:s13], $0x80  }
0x25: {  	[sflag:s13] =	ssyncset.done $0x0  }
0x26: {  	s26 =	sadd.s32 s6, s26;
	[sflag:s13] =	ssyncadd.s32 $0xFFFFFF80  }
0x27: {  	[tilespmem:s18], [sflag:$0x2] =	stream.linear.gather [hbm4b:s26+s29], $0x80, $0x38;
	[tilespmem:$0x15640] =	vst v63  }
0x28: {  	_ =	swait.ge [sflag:s13], $0x80  }
0x29: {  	[sflag:s13] =	ssyncset.done $0x0  }
0x2a: {  	[sflag:s13] =	ssyncadd.s32 $0xFFFFFF80  }
0x2b: {  	[tilespmem:s20], [sflag:$0x1] =	stream.indirect.gather [hbm4b:s7+s19], $0x1, s17, s19, $0xb8;
	[tilespmem:$0x15640] =	vst v63  }
0x2c: {  	_ =	swait.ge [sflag:s21], $0x80  }
0x2d: {  	[sflag:s21] =	ssyncset.done $0x0  }
0x2e: {  	[sflag:s21] =	ssyncadd.s32 $0xFFFFFF80  }
0x2f: {  	v2 =	vld [tilespmem:$0x13D00]  }
0x30: {  	v3 =	vld [tilespmem:$0x13D80]  }
0x31: {  	v4 =	vld [tilespmem:$0x13D10]  }
0x32: {  	v5 =	vld [tilespmem:$0x13D90]  }
0x33: {  	v6 =	vld [tilespmem:$0x13D20]  }
0x34: {  	v7 =	vld [tilespmem:$0x13DA0]  }
0x35: {  	v8 =	vld [tilespmem:$0x13D30]  }
0x36: {  	v9 =	vld [tilespmem:$0x13DB0]  }
0x37: {  	v10 =	vld [tilespmem:$0x13D40]  }
0x38: {  	v11 =	vld [tilespmem:$0x13DC0]  }
0x39: {  	v12 =	vld [tilespmem:$0x13D50]  }
0x3a: {  	v13 =	vld [tilespmem:$0x13DD0]  }
0x3b: {  	v14 =	vld [tilespmem:$0x13D60]  }
0x3c: {  	v2 =	vmul.f32 v3, v2;
	v3 =	vld [tilespmem:$0x13DE0]  }
0x3d: {  	v4 =	vmul.f32 v5, v4;
	v5 =	vld [tilespmem:$0x13D70]  }
0x3e: {  	[tilespmem:$0x13E00] =	vst v2;
	v2 =	vmul.f32 v7, v6;
	v6 =	vld [tilespmem:$0x13DF0]  }
0x3f: {  	[tilespmem:$0x13E10] =	vst v4;
	v4 =	vmul.f32 v9, v8  }
0x40: {  	[tilespmem:$0x13E20] =	vst v2;
	v2 =	vmul.f32 v11, v10  }
0x41: {  	v7 =	vor.u32 s29, v0;
	[tilespmem:$0x13E30] =	vst v4;
	v4 =	vmul.f32 v13, v12  }
0x42: {  	[tilespmem:$0x13E40] =	vst v2;
	v2 =	vmul.f32 v3, v14  }
0x43: {  	[tilespmem:$0x13E50] =	vst v4;
	v3 =	vmul.f32 v6, v5  }
0x44: {  	[tilespmem:$0x13E60] =	vst v2  }
0x45: {  	[tilespmem:$0x13E70] =	vst v3  }
0x46: {  	v2 =	vld.idx.msk [tilespmem:v7+s16+$0x0], $0xffff;
	_ =	sdelay $0x4  }
0x47: {  	v2 =	vshll.u32 v2, $0x3  }
0x48: {  	v2 =	vor.u32 v1, v2;
	_ =	sdelay $0x3  }
0x49: {  	v3 =	vld.idx.msk [tilespmem:v7+s22+$0x0], $0xffff  }
0x4a: {  	v4 =	vld.idx.msk [tilespmem:v2+s3+$0x0], $0xffff  }
0x4b: {  	v5 =	vshll.u32 v7, $0x3  }
0x4c: {  	s31 =	simm.s32 $0x2;
	v5 =	vor.u32 v1, v5  }
0x4d: {  	s26 =	simm.s32 $0x4;
	v2 =	vor.u32 s31, v0  }
.LBB2_3:
0x4e: {  	p0 =	sne.s32 s26, $0x7E  }
0x4f: {  	v3 =	vmul.f32 v3, v4;
	_ =	sdelay $0x1  }
0x50: {  	[tilespmem:v5+s23+$0x0] =	vst.idx.msk $0xffff, v3  }
0x51: {  	v3 =	vld.idx.msk [tilespmem:v2+s16+$0x0], $0xffff;
	_ =	sdelay $0x5  }
0x52: {  	v3 =	vshll.u32 v3, $0x3  }
0x53: {  	v4 =	vor.u32 v1, v3;
	_ =	sdelay $0x3  }
0x54: {  	v3 =	vld.idx.msk [tilespmem:v2+s22+$0x0], $0xffff  }
.Ltmp0:
0x55: {  	v4 =	vld.idx.msk [tilespmem:v4+s3+$0x0], $0xffff;
	(pc) =	sbr.rel @p0 .LBB2_3-.Ltmp0, $4  }
0x56: {  	_ = 	snop  }
0x57: {  	v2 =	vshll.u32 v2, $0x3  }
0x58: {  	v5 =	vor.u32 v1, v2  }
0x59: {  	v2 =	vor.u32 s26, v0;
	s26 =	sadd.s32 $0x2, s26  }
0x5a: {  	_ =	sdelay $0x1  }
0x5b: {  	v3 =	vmul.f32 v3, v4;
	_ =	sdelay $0x1  }
0x5c: {  	[tilespmem:v5+s23+$0x0] =	vst.idx.msk $0xffff, v3  }
0x5d: {  	v3 =	vld.idx.msk [tilespmem:v2+s16+$0x0], $0xffff;
	_ =	sdelay $0x4  }
0x5e: {  	v3 =	vshll.u32 v3, $0x3  }
0x5f: {  	v3 =	vor.u32 v1, v3;
	_ =	sdelay $0x3  }
0x60: {  	v63 =	vld.idx.msk [tilespmem:v2+s22+$0x0], $0xffff  }
0x61: {  	v3 =	vld.idx.msk [tilespmem:v3+s3+$0x0], $0xffff  }
0x62: {  	v2 =	vshll.u32 v2, $0x3  }
0x63: {  	v2 =	vor.u32 v1, v2;
	_ =	sdelay $0x2  }
0x64: {  	s25 =	sadd.s32 $0x1, s25;
	v3 =	vmul.f32 v63, v3  }
0x65: {  	p0 =	sne.s32 s25, $0x51  }
.Ltmp1:
0x66: {  	[tilespmem:v2+s23+$0x0] =	vst.idx.msk $0xffff, v3;
	(pc) =	sbr.rel @p0 .LBB2_2-.Ltmp1, $4  }
0x67: {  	[spmem:s1] =	stream.indirect.scatter.add.f32 [tilespmem:s23], [sflag:$0x1], $0x8, s17, s19, $0xb8;
	[tilespmem:$0x15640] =	vst v63  }
0x68: {  	_ =	swait.ge [sflag:s21], $0x400  }
0x69: {  	[sflag:s21] =	ssyncset.done $0x0  }
0x6a: {  	[sflag:s21] =	ssyncadd.s32 $0xFFFFFC00  }
0x6b: {  	s24 =	sadd.s32 $0x1, s24  }
0x6c: {  	p0 =	sne.s32 s24, s12  }
.Ltmp2:
0x6d: {  	[bflag:$0x0] =	sbarrier.arrive $0xFFFF;
	(pc) =	sbr.rel @p0 .LBB2_1-.Ltmp2, $4  }
0x6e: {  	[hbm:s11], [sflag:s14] =	dma.local [spmem:s15], $0x278  }
0x6f: {  	_ =	swait.ge [sflag:s13], $0x278  }
0x70: {  	[sflag:s13] =	ssyncset.done $0x0  }
0x71: {  	[sflag:s13] =	ssyncadd.s32 $0xFFFFFD88  }
0x72: {  	_ =	sfence.sel $0x180000  }
0x73: {  	[bflag:$0x0] =	sbarrier.arrive $0xFFFF  }
0x74: {  	p0 =	sne.s32 s2, $0x0;
	_ =	strace $0x90000056  }
0x75: {  	s0 =	sadd.s32 @!p0 $0x100000, s0;
	[bflag:$0x2] =	sbarrier.arrive $0xFFFF  }
0x76: {  	[sflag:s0] =	ssyncadd.tile.s32 @!p0 $0x1;
	_ =	shalt  }
.Lfunc_end2:
_tile_overlayer_lowered:
.L_overlay_start_2:
0x77: {  	(tag) =	ssettag $0x2  }
0x78: {  	s0 =	rddreg [dreg:$0x0];
	s2 =	stileid.u32  }
0x79: {  	s1 =	rddreg [dreg:$0x1];
	p0 =	sne.s32 s2, $0x0  }
0x7a: {  	s3 =	rddreg [dreg:$0x2];
	[bflag:$0x3] =	sbarrier.arrive $0xFFFF;
	s2 =	simm.s32 @!p0 $0x1C02  }
0x7b: {  	[timem:s3], [sflag:s2] =	dma.local @!p0 [hbm:s0], s1  }
0x7c: {  	s0 =	simm.s32 @!p0 $0x2  }
0x7d: {  	_ =	swait.ge @!p0 [sflag:s0], s1  }
0x7e: {  	s1 =	ssub.s32 @!p0 $0x0, s1;
	[sflag:s0] =	ssyncset.done @!p0 $0x0  }
0x7f: {  	[sflag:s0] =	ssyncadd.s32 @!p0 s1  }
0x80: {  	[bflag:$0x3] =	sbarrier.arrive $0xFFFF  }
0x81: {  	_ =	shalt  }

</sc_bundles>
